<compile_context>
chip_gen: v7x
topology: tpu7x:2x2x1
jax: 0.10.2.dev20260603
libtpu: 0.0.44.dev20260713+nightly
codegen_flags: <defaults>
</compile_context>

<pallas_src>
import functools

import jax
import jax.numpy as jnp
from jax import lax
from jax.experimental import pallas as pl
from jax.experimental.pallas import tpu as pltpu
from jax.experimental.pallas import tpu_sc as plsc

NUM_SEGMENTS = 4096
D = 128
L = 16
NC = 2
NS = 16
NW = NC * NS
CHUNK = 128
RW_BASE = 9984
SEG_T = NUM_SEGMENTS // NS
SEG_W = NUM_SEGMENTS // NW
HALO = CHUNK + 16


def _partial_sums(atom_fea, idx2, ids_pad):
    n = atom_fea.shape[0]
    extra = (n - NW * RW_BASE) // CHUNK
    mesh = plsc.VectorSubcoreMesh(core_axis_name="c", subcore_axis_name="s")

    @functools.partial(
        pl.kernel,
        mesh=mesh,
        compiler_params=pltpu.CompilerParams(needs_layout_passes=False),
        out_type=[
            jax.ShapeDtypeStruct((NC, NUM_SEGMENTS, D), jnp.float32),
            jax.ShapeDtypeStruct((NC, NS, SEG_T), jnp.float32),
        ],
        scratch_types=[
            pltpu.VMEM((4, CHUNK, D), jnp.float32),
            pltpu.VMEM((4, CHUNK), jnp.int32),
            pltpu.VMEM((HALO,), jnp.int32),
            pltpu.VMEM((HALO,), jnp.int32),
            pltpu.VMEM((HALO,), jnp.int32),
            pltpu.VMEM((HALO,), jnp.int32),
            pltpu.VMEM((NUM_SEGMENTS,), jnp.float32),
            pltpu.VMEM((NUM_SEGMENTS,), jnp.float32),
            pltpu.VMEM((NS, SEG_T), jnp.float32),
            [pltpu.SemaphoreType.DMA] * 4,
            [pltpu.SemaphoreType.DMA] * 4,
            [pltpu.SemaphoreType.DMA] * 4,
            [pltpu.SemaphoreType.DMA] * 4,
            pltpu.VMEM_SHARED((NUM_SEGMENTS, D), jnp.float32),
            pltpu.VMEM_SHARED((NS, SEG_T * NS), jnp.float32),
        ],
    )
    def k1(fea_hbm, idx_hbm, ids_hbm, psums_hbm, pcnts_hbm,
           rows_v, idx_v, halo0_v, halo1_v, halo2_v, halo3_v,
           lo_v, hi_v, comb_v,
           sem_r, sem_i, sem_h, sem_s,
           spm_sums, spm_cstage):
        cid = lax.axis_index("c")
        sid = lax.axis_index("s")
        wid = cid * NS + sid

        zeros16 = jnp.zeros((L,), jnp.float32)
        half = SEG_T // 2

        def zrow(r, carry):
            for j in range(D // L):
                rows_v[0, r, pl.ds(j * L, L)] = zeros16
            return carry
        lax.fori_loop(0, half, zrow, 0)

        def zseg(r, carry):
            lo_v[pl.ds(r * L, L)] = zeros16
            hi_v[pl.ds(r * L, L)] = zeros16
            return carry
        lax.fori_loop(0, NUM_SEGMENTS // L, zseg, 0)

        for h in range(2):
            pltpu.sync_copy(
                rows_v.at[0, pl.ds(0, half)],
                spm_sums.at[pl.ds(sid * SEG_T + h * half, half)])
        plsc.subcore_barrier()

        halo_bufs = (halo0_v, halo1_v, halo2_v, halo3_v)
        base_row = wid * RW_BASE + jnp.minimum(wid, extra) * CHUNK
        base_chunk = base_row // CHUNK
        n_chunks = RW_BASE // CHUNK + jnp.where(wid < extra, 1, 0)

        def load(c, b):
            pltpu.async_copy(fea_hbm.at[pl.ds(base_row + c * CHUNK, CHUNK)],
                             rows_v.at[b], sem_r[b])
            pltpu.async_copy(idx_hbm.at[base_chunk + c], idx_v.at[b], sem_i[b])
            pltpu.async_copy(ids_hbm.at[pl.ds(base_row + c * CHUNK, HALO)],
                             halo_bufs[b], sem_h[b])

        def wait_load(b):
            pltpu.make_async_copy(fea_hbm.at[pl.ds(0, CHUNK)],
                                  rows_v.at[b], sem_r[b]).wait()
            pltpu.make_async_copy(idx_hbm.at[0], idx_v.at[b], sem_i[b]).wait()
            pltpu.make_async_copy(ids_hbm.at[pl.ds(0, HALO)],
                                  halo_bufs[b], sem_h[b]).wait()

        for b in range(2):
            load(b, b)

        iota16 = lax.iota(jnp.int32, L)

        def scat_wait(b):
            pltpu.make_async_copy(rows_v.at[b],
                                  spm_sums.at[idx_v.at[b]],
                                  sem_s[b]).wait()

        def process(c, b):
            b2 = (b + 2) % 4

            @pl.when(c >= 2)
            def _():
                scat_wait(b2)

            @pl.when(c + 2 < n_chunks)
            def _():
                load(c + 2, b2)

            wait_load(b)
            scat = pltpu.make_async_copy(rows_v.at[b],
                                         spm_sums.at[idx_v.at[b]],
                                         sem_s[b])
            scat.start(add=True)
            chunk_base = base_row + c * CHUNK
            for k in range(CHUNK // L):
                q = k * L
                cur = halo_bufs[b][pl.ds(8 + q, L)]
                prv = halo_bufs[b][pl.ds(7 + q, L)]
                nxt = halo_bufs[b][pl.ds(9 + q, L)]
                posf = (iota16 + (chunk_base + q)).astype(jnp.float32)
                plsc.store_scatter(lo_v, [cur], posf, mask=cur != prv)
                plsc.store_scatter(hi_v, [cur], posf + 1.0,
                                   mask=cur != nxt)

        def body(c, carry):
            for b in range(4):
                @pl.when(c % 4 == b)
                def _(b=b):
                    process(c, b)
            return carry
        lax.fori_loop(0, n_chunks, body, 0)

        last1 = (n_chunks - 1) % 4
        last2 = (n_chunks - 2) % 4
        for b in range(4):
            @pl.when((last1 == b) | (last2 == b))
            def _(b=b):
                scat_wait(b)

        def diff(r, carry):
            sl = pl.ds(r * L, L)
            hi_v[sl] = hi_v[sl] - lo_v[sl]
            return carry
        lax.fori_loop(0, NUM_SEGMENTS // L, diff, 0)
        pltpu.sync_copy(hi_v, spm_cstage.at[sid])

        plsc.subcore_barrier()

        pltpu.sync_copy(spm_sums.at[pl.ds(sid * SEG_T, SEG_T)],
                        psums_hbm.at[cid, pl.ds(sid * SEG_T, SEG_T)])

        pltpu.sync_copy(spm_cstage.at[:, pl.ds(sid * SEG_T, SEG_T)], comb_v)

        def csum(r, carry):
            sl = pl.ds(r * L, L)
            acc = comb_v[0, sl]
            for t in range(1, NS):
                acc = acc + comb_v[t, sl]
            comb_v[0, sl] = acc
            return carry
        lax.fori_loop(0, SEG_T // L, csum, 0)
        pltpu.sync_copy(comb_v.at[0], pcnts_hbm.at[cid, sid])

    return k1(atom_fea, idx2, ids_pad)


def _combine(psums, pcnts):
    mesh = plsc.VectorSubcoreMesh(core_axis_name="c", subcore_axis_name="s")

    @functools.partial(
        pl.kernel,
        mesh=mesh,
        compiler_params=pltpu.CompilerParams(needs_layout_passes=False),
        out_type=jax.ShapeDtypeStruct((NUM_SEGMENTS, D), jnp.float32),
        scratch_types=[
            pltpu.VMEM((SEG_W, D), jnp.float32),
            pltpu.VMEM((SEG_W, D), jnp.float32),
            pltpu.VMEM((SEG_W,), jnp.float32),
            pltpu.VMEM((SEG_W,), jnp.float32),
            pltpu.VMEM((SEG_W * L,), jnp.float32),
        ],
    )
    def k2(psums_hbm, pcnts_hbm, out_hbm, a_v, b_v, ca_v, cb_v, rep_v):
        cid = lax.axis_index("c")
        sid = lax.axis_index("s")
        base = (cid * NS + sid) * SEG_W
        pltpu.sync_copy(psums_hbm.at[0, pl.ds(base, SEG_W)], a_v)
        pltpu.sync_copy(psums_hbm.at[1, pl.ds(base, SEG_W)], b_v)
        pltpu.sync_copy(pcnts_hbm.at[0, pl.ds(base, SEG_W)], ca_v)
        pltpu.sync_copy(pcnts_hbm.at[1, pl.ds(base, SEG_W)], cb_v)

        iota16 = lax.iota(jnp.int32, L)
        for g in range(SEG_W // L):
            sl = pl.ds(g * L, L)
            inv = 1.0 / jnp.maximum(ca_v[sl] + cb_v[sl], 1.0)
            for r in range(L):
                plsc.store_scatter(
                    rep_v, [iota16 * L + (g * L * L + r)], inv)

        def body(s, carry):
            inv = rep_v[pl.ds(s * L, L)]
            for j in range(D // L):
                sl = pl.ds(j * L, L)
                a_v[s, sl] = (a_v[s, sl] + b_v[s, sl]) * inv
            return carry
        lax.fori_loop(0, SEG_W, body, 0)

        pltpu.sync_copy(a_v, out_hbm.at[pl.ds(base, SEG_W)])

    return k2(psums, pcnts)


def kernel(atom_fea, crystal_atom_idx):
    idx = crystal_atom_idx.astype(jnp.int32)
    idx2 = idx.reshape(-1, CHUNK)
    pad_front = jnp.full((8,), -1, jnp.int32)
    pad_back = jnp.full((HALO - CHUNK - 8,) if HALO - CHUNK - 8 > 8
                        else (8,), -1, jnp.int32)
    ids_pad = jnp.concatenate([pad_front, idx, pad_back])
    psums, pcnts = _partial_sums(atom_fea, idx2, ids_pad)
    return _combine(psums, pcnts.reshape(NC, NUM_SEGMENTS))

# --- scband reference (transcript-rebuilt; emitter-appended) ---
"""Pipeline reference for scband-base-cgcnn-module-19009525252275 (READ-ONLY COPY).

The authoritative reference and input builder live on the scoring server;
editing this copy changes nothing except your own understanding.
"""

import jax, jax.numpy as jnp
import numpy as np

NUM_CRYSTALS = 4096

def setup_inputs(seed: int = 0) -> dict:
    key = jax.random.key(seed)
    k1, k2 = jax.random.split(key)
    atom_fea = jax.random.normal(k1, (320000, 128), dtype=jnp.float32)
    crystal_atom_idx = jnp.sort(jax.random.randint(k2, (320000,), 0, NUM_CRYSTALS, dtype=jnp.int64))
    return {"atom_fea": atom_fea, "crystal_atom_idx": crystal_atom_idx}

def reference(atom_fea, crystal_atom_idx):
    # Faithful translation of Base_CGCNN_Module.pooling:
    #   summed_fea = [mean(atom_fea[idx_map], dim=0) for each crystal]; cat -> [N0, d]
    # Expressed as a segment-mean: segment_sum / per-segment counts.
    sums = jax.ops.segment_sum(atom_fea, crystal_atom_idx, num_segments=NUM_CRYSTALS)
    counts = jax.ops.segment_sum(
        jnp.ones((atom_fea.shape[0],), dtype=atom_fea.dtype),
        crystal_atom_idx,
        num_segments=NUM_CRYSTALS,
    )
    crystal_fea = sums / jnp.maximum(counts, 1.0)[:, None]
    return crystal_fea

if __name__ == "__main__":
    import jax
    _d = setup_inputs()
    print(jax.jit(kernel)(*tuple(_d.values())))

</pallas_src>

<mosaic_0001>
#map = affine_map<(d0, d1) -> (0, 0)>
#map1 = affine_map<(d0, d1) -> (0)>
#map2 = affine_map<(d0, d1) -> (0, 0, 0)>
module attributes {stable_mosaic.version = 14 : i64} {
  func.func @k1(%arg0: i32, %arg1: i32, %arg2: memref<320000x128xf32, #tpu.memory_space<hbm>>, %arg3: memref<2500x128xi32, #tpu.memory_space<hbm>>, %arg4: memref<320016xi32, #tpu.memory_space<hbm>>, %arg5: memref<2x4096x128xf32, #tpu.memory_space<hbm>>, %arg6: memref<2x16x256xf32, #tpu.memory_space<hbm>>, %arg7: memref<4x128x128xf32, #tpu.memory_space<vmem>>, %arg8: memref<4x128xi32, #tpu.memory_space<vmem>>, %arg9: memref<144xi32, #tpu.memory_space<vmem>>, %arg10: memref<144xi32, #tpu.memory_space<vmem>>, %arg11: memref<144xi32, #tpu.memory_space<vmem>>, %arg12: memref<144xi32, #tpu.memory_space<vmem>>, %arg13: memref<4096xf32, #tpu.memory_space<vmem>>, %arg14: memref<4096xf32, #tpu.memory_space<vmem>>, %arg15: memref<16x256xf32, #tpu.memory_space<vmem>>, %arg16: memref<!tpu.dma_semaphore, #tpu.memory_space<semaphore_mem>>, %arg17: memref<!tpu.dma_semaphore, #tpu.memory_space<semaphore_mem>>, %arg18: memref<!tpu.dma_semaphore, #tpu.memory_space<semaphore_mem>>, %arg19: memref<!tpu.dma_semaphore, #tpu.memory_space<semaphore_mem>>, %arg20: memref<!tpu.dma_semaphore, #tpu.memory_space<semaphore_mem>>, %arg21: memref<!tpu.dma_semaphore, #tpu.memory_space<semaphore_mem>>, %arg22: memref<!tpu.dma_semaphore, #tpu.memory_space<semaphore_mem>>, %arg23: memref<!tpu.dma_semaphore, #tpu.memory_space<semaphore_mem>>, %arg24: memref<!tpu.dma_semaphore, #tpu.memory_space<semaphore_mem>>, %arg25: memref<!tpu.dma_semaphore, #tpu.memory_space<semaphore_mem>>, %arg26: memref<!tpu.dma_semaphore, #tpu.memory_space<semaphore_mem>>, %arg27: memref<!tpu.dma_semaphore, #tpu.memory_space<semaphore_mem>>, %arg28: memref<!tpu.dma_semaphore, #tpu.memory_space<semaphore_mem>>, %arg29: memref<!tpu.dma_semaphore, #tpu.memory_space<semaphore_mem>>, %arg30: memref<!tpu.dma_semaphore, #tpu.memory_space<semaphore_mem>>, %arg31: memref<!tpu.dma_semaphore, #tpu.memory_space<semaphore_mem>>, %arg32: memref<4096x128xf32, #tpu.memory_space<vmem_shared>>, %arg33: memref<16x4096xf32, #tpu.memory_space<vmem_shared>>) attributes {dimension_semantics = [#tpu.dimension_semantics<core_parallel>, #tpu.dimension_semantics<subcore_parallel>], iteration_bounds = array<i64: 2, 16>, scalar_prefetch = 0 : i64, scratch_operands = 27 : i64, tpu.core_type = #tpu.core_type<sc_vector_subcore>, window_params = [{transform_indices = #map}, {transform_indices = #map}, {transform_indices = #map1}, {transform_indices = #map2}, {transform_indices = #map2}]} {
    %mul3A = arith.constant 16 : i32
    %mul3A_0 = arith.muli %arg0, %mul3A : i32
    %add3A = arith.addi %mul3A_0, %arg1 : i32
    %broadcast_in_dim3A = arith.constant 0.000000e+00 : f32
    %broadcast_in_dim3A_1 = vector.broadcast %broadcast_in_dim3A : f32 to vector<16xf32>
    %scan3A = arith.constant 0 : i32
    %scan3A_2 = arith.constant 0 : i32
    %scan3A_3 = arith.constant 128 : i32
    %scan3A_4 = arith.addi %scan3A_2, %scan3A_3 : i32
    %scan3A_5 = arith.constant 1 : i32
    scf.for %scan3A_210 = %scan3A_2 to %scan3A_4 step %scan3A_5  : i32 {
      %swap3A = arith.constant 0 : i32
      %swap3A_211 = arith.index_cast %swap3A : i32 to index
      %swap3A_212 = arith.index_cast %scan3A_210 : i32 to index
      %swap3A_213 = arith.constant 0 : index
      %swap3A_214 = tpu.vector_load %arg7[%swap3A_211, %swap3A_212, %swap3A_213] {strides = array<i32>} : memref<4x128x128xf32, #tpu.memory_space<vmem>>, vector<16xf32>,
      tpu.vector_store %arg7[%swap3A_211, %swap3A_212, %swap3A_213], %broadcast_in_dim3A_1 {strides = array<i32>} : memref<4x128x128xf32, #tpu.memory_space<vmem>>, vector<16xf32>,
      %swap3A_215 = arith.constant 0 : i32
      %swap3A_216 = arith.index_cast %swap3A_215 : i32 to index
      %swap3A_217 = arith.index_cast %scan3A_210 : i32 to index
      %swap3A_218 = arith.constant 16 : index
      %swap3A_219 = tpu.vector_load %arg7[%swap3A_216, %swap3A_217, %swap3A_218] {strides = array<i32>} : memref<4x128x128xf32, #tpu.memory_space<vmem>>, vector<16xf32>,
      tpu.vector_store %arg7[%swap3A_216, %swap3A_217, %swap3A_218], %broadcast_in_dim3A_1 {strides = array<i32>} : memref<4x128x128xf32, #tpu.memory_space<vmem>>, vector<16xf32>,
      %swap3A_220 = arith.constant 0 : i32
      %swap3A_221 = arith.index_cast %swap3A_220 : i32 to index
      %swap3A_222 = arith.index_cast %scan3A_210 : i32 to index
      %swap3A_223 = arith.constant 32 : index
      %swap3A_224 = tpu.vector_load %arg7[%swap3A_221, %swap3A_222, %swap3A_223] {strides = array<i32>} : memref<4x128x128xf32, #tpu.memory_space<vmem>>, vector<16xf32>,
      tpu.vector_store %arg7[%swap3A_221, %swap3A_222, %swap3A_223], %broadcast_in_dim3A_1 {strides = array<i32>} : memref<4x128x128xf32, #tpu.memory_space<vmem>>, vector<16xf32>,
      %swap3A_225 = arith.constant 0 : i32
      %swap3A_226 = arith.index_cast %swap3A_225 : i32 to index
      %swap3A_227 = arith.index_cast %scan3A_210 : i32 to index
      %swap3A_228 = arith.constant 48 : index
      %swap3A_229 = tpu.vector_load %arg7[%swap3A_226, %swap3A_227, %swap3A_228] {strides = array<i32>} : memref<4x128x128xf32, #tpu.memory_space<vmem>>, vector<16xf32>,
      tpu.vector_store %arg7[%swap3A_226, %swap3A_227, %swap3A_228], %broadcast_in_dim3A_1 {strides = array<i32>} : memref<4x128x128xf32, #tpu.memory_space<vmem>>, vector<16xf32>,
      %swap3A_230 = arith.constant 0 : i32
      %swap3A_231 = arith.index_cast %swap3A_230 : i32 to index
      %swap3A_232 = arith.index_cast %scan3A_210 : i32 to index
      %swap3A_233 = arith.constant 64 : index
      %swap3A_234 = tpu.vector_load %arg7[%swap3A_231, %swap3A_232, %swap3A_233] {strides = array<i32>} : memref<4x128x128xf32, #tpu.memory_space<vmem>>, vector<16xf32>,
      tpu.vector_store %arg7[%swap3A_231, %swap3A_232, %swap3A_233], %broadcast_in_dim3A_1 {strides = array<i32>} : memref<4x128x128xf32, #tpu.memory_space<vmem>>, vector<16xf32>,
      %swap3A_235 = arith.constant 0 : i32
      %swap3A_236 = arith.index_cast %swap3A_235 : i32 to index
      %swap3A_237 = arith.index_cast %scan3A_210 : i32 to index
      %swap3A_238 = arith.constant 80 : index
      %swap3A_239 = tpu.vector_load %arg7[%swap3A_236, %swap3A_237, %swap3A_238] {strides = array<i32>} : memref<4x128x128xf32, #tpu.memory_space<vmem>>, vector<16xf32>,
      tpu.vector_store %arg7[%swap3A_236, %swap3A_237, %swap3A_238], %broadcast_in_dim3A_1 {strides = array<i32>} : memref<4x128x128xf32, #tpu.memory_space<vmem>>, vector<16xf32>,
      %swap3A_240 = arith.constant 0 : i32
      %swap3A_241 = arith.index_cast %swap3A_240 : i32 to index
      %swap3A_242 = arith.index_cast %scan3A_210 : i32 to index
      %swap3A_243 = arith.constant 96 : index
      %swap3A_244 = tpu.vector_load %arg7[%swap3A_241, %swap3A_242, %swap3A_243] {strides = array<i32>} : memref<4x128x128xf32, #tpu.memory_space<vmem>>, vector<16xf32>,
      tpu.vector_store %arg7[%swap3A_241, %swap3A_242, %swap3A_243], %broadcast_in_dim3A_1 {strides = array<i32>} : memref<4x128x128xf32, #tpu.memory_space<vmem>>, vector<16xf32>,
      %swap3A_245 = arith.constant 0 : i32
      %swap3A_246 = arith.index_cast %swap3A_245 : i32 to index
      %swap3A_247 = arith.index_cast %scan3A_210 : i32 to index
      %swap3A_248 = arith.constant 112 : index
      %swap3A_249 = tpu.vector_load %arg7[%swap3A_246, %swap3A_247, %swap3A_248] {strides = array<i32>} : memref<4x128x128xf32, #tpu.memory_space<vmem>>, vector<16xf32>,
      tpu.vector_store %arg7[%swap3A_246, %swap3A_247, %swap3A_248], %broadcast_in_dim3A_1 {strides = array<i32>} : memref<4x128x128xf32, #tpu.memory_space<vmem>>, vector<16xf32>,
    }
    %scan3A_6 = arith.constant 128 : i32
    %scan3A_7 = arith.constant 0 : i32
    %scan3A_8 = arith.constant 0 : i32
    %scan3A_9 = arith.constant 256 : i32
    %scan3A_10 = arith.addi %scan3A_8, %scan3A_9 : i32
    %scan3A_11 = arith.constant 1 : i32
    scf.for %scan3A_210 = %scan3A_8 to %scan3A_10 step %scan3A_11  : i32 {
      %mul3A_211 = arith.constant 16 : i32
      %mul3A_212 = arith.muli %scan3A_210, %mul3A_211 : i32
      %swap3A = arith.index_cast %mul3A_212 : i32 to index
      %swap3A_213 = tpu.vector_load %arg13[%swap3A] {strides = array<i32>} : memref<4096xf32, #tpu.memory_space<vmem>>, vector<16xf32>,
      tpu.vector_store %arg13[%swap3A], %broadcast_in_dim3A_1 {strides = array<i32>} : memref<4096xf32, #tpu.memory_space<vmem>>, vector<16xf32>,
      %mul3A_214 = arith.constant 16 : i32
      %mul3A_215 = arith.muli %scan3A_210, %mul3A_214 : i32
      %swap3A_216 = arith.index_cast %mul3A_215 : i32 to index
      %swap3A_217 = tpu.vector_load %arg14[%swap3A_216] {strides = array<i32>} : memref<4096xf32, #tpu.memory_space<vmem>>, vector<16xf32>,
      tpu.vector_store %arg14[%swap3A_216], %broadcast_in_dim3A_1 {strides = array<i32>} : memref<4096xf32, #tpu.memory_space<vmem>>, vector<16xf32>,
    }
    %scan3A_12 = arith.constant 256 : i32
    %mul3A_13 = arith.constant 256 : i32
    %mul3A_14 = arith.muli %arg1, %mul3A_13 : i32
    %add3A_15 = arith.constant 0 : i32
    %add3A_16 = arith.addi %mul3A_14, %add3A_15 : i32
    %run_scoped3A = arith.constant 0 : i32
    "tpu.region"() ({
      %run_scoped3A_210 = tpu.sem_alloc : memref<!tpu.dma_semaphore, #tpu.memory_space<semaphore_mem>>
      %dma_start3A_211 = arith.constant 0 : i32
      %dma_start3A_212 = arith.constant 0 : i32
      %dma_start3A_213 = tpu.memref_slice %arg7[%run_scoped3A, %dma_start3A_211, %dma_start3A_212] : memref<4x128x128xf32, #tpu.memory_space<vmem>> -> memref<1x128x128xf32, #tpu.memory_space<vmem>>
      %dma_start3A_214 = tpu.memref_squeeze %dma_start3A_213 : memref<1x128x128xf32, #tpu.memory_space<vmem>> -> memref<128x128xf32, #tpu.memory_space<vmem>>
      %dma_start3A_215 = arith.constant 0 : i32
      %dma_start3A_216 = tpu.memref_slice %arg32[%add3A_16, %dma_start3A_215] : memref<4096x128xf32, #tpu.memory_space<vmem_shared>> -> memref<128x128xf32, #tpu.memory_space<vmem_shared>>
      %dma_start3A_217 = arith.constant 0 : i32
      %dma_start3A_218 = tpu.memref_slice %arg32[%add3A_16, %dma_start3A_217] : memref<4096x128xf32, #tpu.memory_space<vmem_shared>> -> memref<128x128xf32, #tpu.memory_space<vmem_shared>>
      %dma_start3A_219 = arith.constant 0 : i32
      %dma_start3A_220 = arith.constant 0 : i32
      %dma_start3A_221 = tpu.memref_slice %arg7[%run_scoped3A, %dma_start3A_219, %dma_start3A_220] : memref<4x128x128xf32, #tpu.memory_space<vmem>> -> memref<1x128x128xf32, #tpu.memory_space<vmem>>
      %dma_start3A_222 = tpu.memref_squeeze %dma_start3A_221 : memref<1x128x128xf32, #tpu.memory_space<vmem>> -> memref<128x128xf32, #tpu.memory_space<vmem>>
      tpu.enqueue_dma source(%dma_start3A_222 : memref<128x128xf32, #tpu.memory_space<vmem>>) target(%dma_start3A_218 : memref<128x128xf32, #tpu.memory_space<vmem_shared>>) target_semaphore(%run_scoped3A_210 : memref<!tpu.dma_semaphore, #tpu.memory_space<semaphore_mem>>)
      %dma_wait3A = arith.constant 0 : i32
      %dma_wait3A_223 = arith.constant 0 : i32
      %dma_wait3A_224 = tpu.memref_slice %arg7[%run_scoped3A, %dma_wait3A, %dma_wait3A_223] : memref<4x128x128xf32, #tpu.memory_space<vmem>> -> memref<1x128x128xf32, #tpu.memory_space<vmem>>
      %dma_wait3A_225 = tpu.memref_squeeze %dma_wait3A_224 : memref<1x128x128xf32, #tpu.memory_space<vmem>> -> memref<128x128xf32, #tpu.memory_space<vmem>>
      %dma_wait3A_226 = arith.constant 0 : i32
      %dma_wait3A_227 = tpu.memref_slice %arg32[%add3A_16, %dma_wait3A_226] : memref<4096x128xf32, #tpu.memory_space<vmem_shared>> -> memref<128x128xf32, #tpu.memory_space<vmem_shared>>
      %dma_wait3A_228 = arith.constant 0 : i32
      %dma_wait3A_229 = tpu.memref_slice %arg32[%add3A_16, %dma_wait3A_228] : memref<4096x128xf32, #tpu.memory_space<vmem_shared>> -> memref<128x128xf32, #tpu.memory_space<vmem_shared>>
      %dma_wait3A_230 = arith.constant 0 : i32
      %dma_wait3A_231 = arith.constant 0 : i32
      %dma_wait3A_232 = tpu.memref_slice %arg7[%run_scoped3A, %dma_wait3A_230, %dma_wait3A_231] : memref<4x128x128xf32, #tpu.memory_space<vmem>> -> memref<1x128x128xf32, #tpu.memory_space<vmem>>
      %dma_wait3A_233 = tpu.memref_squeeze %dma_wait3A_232 : memref<1x128x128xf32, #tpu.memory_space<vmem>> -> memref<128x128xf32, #tpu.memory_space<vmem>>
      tpu.wait_dma2 semaphore(%run_scoped3A_210 : memref<!tpu.dma_semaphore, #tpu.memory_space<semaphore_mem>>) src(%dma_wait3A_233 : memref<128x128xf32, #tpu.memory_space<vmem>>) dst(%dma_wait3A_229 : memref<128x128xf32, #tpu.memory_space<vmem_shared>>)
      tpu.yield
    }) : () -> ()
    %mul3A_17 = arith.constant 256 : i32
    %mul3A_18 = arith.muli %arg1, %mul3A_17 : i32
    %add3A_19 = arith.constant 128 : i32
    %add3A_20 = arith.addi %mul3A_18, %add3A_19 : i32
    %run_scoped3A_21 = arith.constant 0 : i32
    "tpu.region"() ({
      %run_scoped3A_210 = tpu.sem_alloc : memref<!tpu.dma_semaphore, #tpu.memory_space<semaphore_mem>>
      %dma_start3A_211 = arith.constant 0 : i32
      %dma_start3A_212 = arith.constant 0 : i32
      %dma_start3A_213 = tpu.memref_slice %arg7[%run_scoped3A_21, %dma_start3A_211, %dma_start3A_212] : memref<4x128x128xf32, #tpu.memory_space<vmem>> -> memref<1x128x128xf32, #tpu.memory_space<vmem>>
      %dma_start3A_214 = tpu.memref_squeeze %dma_start3A_213 : memref<1x128x128xf32, #tpu.memory_space<vmem>> -> memref<128x128xf32, #tpu.memory_space<vmem>>
      %dma_start3A_215 = arith.constant 0 : i32
      %dma_start3A_216 = tpu.memref_slice %arg32[%add3A_20, %dma_start3A_215] : memref<4096x128xf32, #tpu.memory_space<vmem_shared>> -> memref<128x128xf32, #tpu.memory_space<vmem_shared>>
      %dma_start3A_217 = arith.constant 0 : i32
      %dma_start3A_218 = tpu.memref_slice %arg32[%add3A_20, %dma_start3A_217] : memref<4096x128xf32, #tpu.memory_space<vmem_shared>> -> memref<128x128xf32, #tpu.memory_space<vmem_shared>>
      %dma_start3A_219 = arith.constant 0 : i32
      %dma_start3A_220 = arith.constant 0 : i32
      %dma_start3A_221 = tpu.memref_slice %arg7[%run_scoped3A_21, %dma_start3A_219, %dma_start3A_220] : memref<4x128x128xf32, #tpu.memory_space<vmem>> -> memref<1x128x128xf32, #tpu.memory_space<vmem>>
      %dma_start3A_222 = tpu.memref_squeeze %dma_start3A_221 : memref<1x128x128xf32, #tpu.memory_space<vmem>> -> memref<128x128xf32, #tpu.memory_space<vmem>>
      tpu.enqueue_dma source(%dma_start3A_222 : memref<128x128xf32, #tpu.memory_space<vmem>>) target(%dma_start3A_218 : memref<128x128xf32, #tpu.memory_space<vmem_shared>>) target_semaphore(%run_scoped3A_210 : memref<!tpu.dma_semaphore, #tpu.memory_space<semaphore_mem>>)
      %dma_wait3A = arith.constant 0 : i32
      %dma_wait3A_223 = arith.constant 0 : i32
      %dma_wait3A_224 = tpu.memref_slice %arg7[%run_scoped3A_21, %dma_wait3A, %dma_wait3A_223] : memref<4x128x128xf32, #tpu.memory_space<vmem>> -> memref<1x128x128xf32, #tpu.memory_space<vmem>>
      %dma_wait3A_225 = tpu.memref_squeeze %dma_wait3A_224 : memref<1x128x128xf32, #tpu.memory_space<vmem>> -> memref<128x128xf32, #tpu.memory_space<vmem>>
      %dma_wait3A_226 = arith.constant 0 : i32
      %dma_wait3A_227 = tpu.memref_slice %arg32[%add3A_20, %dma_wait3A_226] : memref<4096x128xf32, #tpu.memory_space<vmem_shared>> -> memref<128x128xf32, #tpu.memory_space<vmem_shared>>
      %dma_wait3A_228 = arith.constant 0 : i32
      %dma_wait3A_229 = tpu.memref_slice %arg32[%add3A_20, %dma_wait3A_228] : memref<4096x128xf32, #tpu.memory_space<vmem_shared>> -> memref<128x128xf32, #tpu.memory_space<vmem_shared>>
      %dma_wait3A_230 = arith.constant 0 : i32
      %dma_wait3A_231 = arith.constant 0 : i32
      %dma_wait3A_232 = tpu.memref_slice %arg7[%run_scoped3A_21, %dma_wait3A_230, %dma_wait3A_231] : memref<4x128x128xf32, #tpu.memory_space<vmem>> -> memref<1x128x128xf32, #tpu.memory_space<vmem>>
      %dma_wait3A_233 = tpu.memref_squeeze %dma_wait3A_232 : memref<1x128x128xf32, #tpu.memory_space<vmem>> -> memref<128x128xf32, #tpu.memory_space<vmem>>
      tpu.wait_dma2 semaphore(%run_scoped3A_210 : memref<!tpu.dma_semaphore, #tpu.memory_space<semaphore_mem>>) src(%dma_wait3A_233 : memref<128x128xf32, #tpu.memory_space<vmem>>) dst(%dma_wait3A_229 : memref<128x128xf32, #tpu.memory_space<vmem_shared>>)
      tpu.yield
    }) : () -> ()
    %barrier3A = arith.constant 0 : index
    tpu.barrier barrier_id(%barrier3A)
    %mul3A_22 = arith.constant 9984 : i32
    %mul3A_23 = arith.muli %add3A, %mul3A_22 : i32
    %min3A = arith.constant 4 : i32
    %min3A_24 = arith.minsi %add3A, %min3A : i32
    %mul3A_25 = arith.constant 128 : i32
    %mul3A_26 = arith.muli %min3A_24, %mul3A_25 : i32
    %add3A_27 = arith.addi %mul3A_23, %mul3A_26 : i32
    %jit3A = arith.constant 128 : i32
    %div3A = arith.divsi %add3A_27, %jit3A : i32
    %sign3A = arith.constant 0 : i32
    %sign3A_28 = arith.cmpi sgt, %add3A_27, %sign3A : i32
    %sign3A_29 = arith.extui %sign3A_28 : i1 to i32
    %sign3A_30 = arith.constant 0 : i32
    %sign3A_31 = arith.cmpi slt, %add3A_27, %sign3A_30 : i32
    %sign3A_32 = arith.extui %sign3A_31 : i1 to i32
    %sign3A_33 = arith.subi %sign3A_29, %sign3A_32 : i32
    %sign3A_34 = arith.constant 0 : i32
    %sign3A_35 = arith.cmpi sgt, %jit3A, %sign3A_34 : i32
    %sign3A_36 = arith.extui %sign3A_35 : i1 to i32
    %sign3A_37 = arith.constant 0 : i32
    %sign3A_38 = arith.cmpi slt, %jit3A, %sign3A_37 : i32
    %sign3A_39 = arith.extui %sign3A_38 : i1 to i32
    %sign3A_40 = arith.subi %sign3A_36, %sign3A_39 : i32
    %ne3A = arith.cmpi ne, %sign3A_33, %sign3A_40 : i32
    %rem3A = arith.remsi %add3A_27, %jit3A : i32
    %ne3A_41 = arith.constant 0 : i32
    %ne3A_42 = arith.cmpi ne, %rem3A, %ne3A_41 : i32
    %and3A = arith.andi %ne3A, %ne3A_42 : i1
    %sub3A = arith.constant 1 : i32
    %sub3A_43 = arith.subi %div3A, %sub3A : i32
    %select_n3A = arith.select %and3A, %sub3A_43, %div3A : i32
    %lt3A = arith.constant 4 : i32
    %lt3A_44 = arith.cmpi slt, %add3A, %lt3A : i32
    %jit3A_45 = arith.constant 1 : i32
    %jit3A_46 = arith.constant 0 : i32
    %select_n3A_47 = arith.select %lt3A_44, %jit3A_45, %jit3A_46 : i32
    %add3A_48 = arith.constant 78 : i32
    %add3A_49 = arith.addi %add3A_48, %select_n3A_47 : i32
    %add3A_50 = arith.constant 0 : i32
    %add3A_51 = arith.addi %add3A_27, %add3A_50 : i32
    %dma_start3A = arith.constant 0 : i32
    %dma_start3A_52 = arith.constant 0 : i32
    %dma_start3A_53 = arith.constant 0 : i32
    %dma_start3A_54 = tpu.memref_slice %arg7[%dma_start3A, %dma_start3A_52, %dma_start3A_53] : memref<4x128x128xf32, #tpu.memory_space<vmem>> -> memref<1x128x128xf32, #tpu.memory_space<vmem>>
    %dma_start3A_55 = tpu.memref_squeeze %dma_start3A_54 : memref<1x128x128xf32, #tpu.memory_space<vmem>> -> memref<128x128xf32, #tpu.memory_space<vmem>>
    %dma_start3A_56 = arith.constant 0 : i32
    %dma_start3A_57 = tpu.memref_slice %arg2[%add3A_51, %dma_start3A_56] : memref<320000x128xf32, #tpu.memory_space<hbm>> -> memref<128x128xf32, #tpu.memory_space<hbm>>
    %dma_start3A_58 = arith.constant 0 : i32
    %dma_start3A_59 = arith.constant 0 : i32
    %dma_start3A_60 = tpu.memref_slice %arg7[%dma_start3A, %dma_start3A_58, %dma_start3A_59] : memref<4x128x128xf32, #tpu.memory_space<vmem>> -> memref<1x128x128xf32, #tpu.memory_space<vmem>>
    %dma_start3A_61 = tpu.memref_squeeze %dma_start3A_60 : memref<1x128x128xf32, #tpu.memory_space<vmem>> -> memref<128x128xf32, #tpu.memory_space<vmem>>
    %dma_start3A_62 = arith.constant 0 : i32
    %dma_start3A_63 = tpu.memref_slice %arg2[%add3A_51, %dma_start3A_62] : memref<320000x128xf32, #tpu.memory_space<hbm>> -> memref<128x128xf32, #tpu.memory_space<hbm>>
    tpu.enqueue_dma source(%dma_start3A_63 : memref<128x128xf32, #tpu.memory_space<hbm>>) target(%dma_start3A_61 : memref<128x128xf32, #tpu.memory_space<vmem>>) target_semaphore(%arg16 : memref<!tpu.dma_semaphore, #tpu.memory_space<semaphore_mem>>)
    %add3A_64 = arith.constant 0 : i32
    %add3A_65 = arith.addi %select_n3A, %add3A_64 : i32
    %dma_start3A_66 = arith.constant 0 : i32
    %dma_start3A_67 = arith.constant 0 : i32
    %dma_start3A_68 = tpu.memref_slice %arg8[%dma_start3A_66, %dma_start3A_67] : memref<4x128xi32, #tpu.memory_space<vmem>> -> memref<1x128xi32, #tpu.memory_space<vmem>>
    %dma_start3A_69 = tpu.memref_squeeze %dma_start3A_68 : memref<1x128xi32, #tpu.memory_space<vmem>> -> memref<128xi32, #tpu.memory_space<vmem>>
    %dma_start3A_70 = arith.constant 0 : i32
    %dma_start3A_71 = tpu.memref_slice %arg3[%add3A_65, %dma_start3A_70] : memref<2500x128xi32, #tpu.memory_space<hbm>> -> memref<1x128xi32, #tpu.memory_space<hbm>>
    %dma_start3A_72 = tpu.memref_squeeze %dma_start3A_71 : memref<1x128xi32, #tpu.memory_space<hbm>> -> memref<128xi32, #tpu.memory_space<hbm>>
    %dma_start3A_73 = arith.constant 0 : i32
    %dma_start3A_74 = tpu.memref_slice %arg8[%dma_start3A_66, %dma_start3A_73] : memref<4x128xi32, #tpu.memory_space<vmem>> -> memref<1x128xi32, #tpu.memory_space<vmem>>
    %dma_start3A_75 = tpu.memref_squeeze %dma_start3A_74 : memref<1x128xi32, #tpu.memory_space<vmem>> -> memref<128xi32, #tpu.memory_space<vmem>>
    %dma_start3A_76 = arith.constant 0 : i32
    %dma_start3A_77 = tpu.memref_slice %arg3[%add3A_65, %dma_start3A_76] : memref<2500x128xi32, #tpu.memory_space<hbm>> -> memref<1x128xi32, #tpu.memory_space<hbm>>
    %dma_start3A_78 = tpu.memref_squeeze %dma_start3A_77 : memref<1x128xi32, #tpu.memory_space<hbm>> -> memref<128xi32, #tpu.memory_space<hbm>>
    tpu.enqueue_dma source(%dma_start3A_78 : memref<128xi32, #tpu.memory_space<hbm>>) target(%dma_start3A_75 : memref<128xi32, #tpu.memory_space<vmem>>) target_semaphore(%arg20 : memref<!tpu.dma_semaphore, #tpu.memory_space<semaphore_mem>>)
    %add3A_79 = arith.constant 0 : i32
    %add3A_80 = arith.addi %add3A_27, %add3A_79 : i32
    %dma_start3A_81 = tpu.memref_slice %arg4[%add3A_80] : memref<320016xi32, #tpu.memory_space<hbm>> -> memref<144xi32, #tpu.memory_space<hbm>>
    %dma_start3A_82 = tpu.memref_slice %arg4[%add3A_80] : memref<320016xi32, #tpu.memory_space<hbm>> -> memref<144xi32, #tpu.memory_space<hbm>>
    tpu.enqueue_dma source(%dma_start3A_82 : memref<144xi32, #tpu.memory_space<hbm>>) target(%arg9 : memref<144xi32, #tpu.memory_space<vmem>>) target_semaphore(%arg24 : memref<!tpu.dma_semaphore, #tpu.memory_space<semaphore_mem>>)
    %add3A_83 = arith.constant 128 : i32
    %add3A_84 = arith.addi %add3A_27, %add3A_83 : i32
    %dma_start3A_85 = arith.constant 1 : i32
    %dma_start3A_86 = arith.constant 0 : i32
    %dma_start3A_87 = arith.constant 0 : i32
    %dma_start3A_88 = tpu.memref_slice %arg7[%dma_start3A_85, %dma_start3A_86, %dma_start3A_87] : memref<4x128x128xf32, #tpu.memory_space<vmem>> -> memref<1x128x128xf32, #tpu.memory_space<vmem>>
    %dma_start3A_89 = tpu.memref_squeeze %dma_start3A_88 : memref<1x128x128xf32, #tpu.memory_space<vmem>> -> memref<128x128xf32, #tpu.memory_space<vmem>>
    %dma_start3A_90 = arith.constant 0 : i32
    %dma_start3A_91 = tpu.memref_slice %arg2[%add3A_84, %dma_start3A_90] : memref<320000x128xf32, #tpu.memory_space<hbm>> -> memref<128x128xf32, #tpu.memory_space<hbm>>
    %dma_start3A_92 = arith.constant 0 : i32
    %dma_start3A_93 = arith.constant 0 : i32
    %dma_start3A_94 = tpu.memref_slice %arg7[%dma_start3A_85, %dma_start3A_92, %dma_start3A_93] : memref<4x128x128xf32, #tpu.memory_space<vmem>> -> memref<1x128x128xf32, #tpu.memory_space<vmem>>
    %dma_start3A_95 = tpu.memref_squeeze %dma_start3A_94 : memref<1x128x128xf32, #tpu.memory_space<vmem>> -> memref<128x128xf32, #tpu.memory_space<vmem>>
    %dma_start3A_96 = arith.constant 0 : i32
    %dma_start3A_97 = tpu.memref_slice %arg2[%add3A_84, %dma_start3A_96] : memref<320000x128xf32, #tpu.memory_space<hbm>> -> memref<128x128xf32, #tpu.memory_space<hbm>>
    tpu.enqueue_dma source(%dma_start3A_97 : memref<128x128xf32, #tpu.memory_space<hbm>>) target(%dma_start3A_95 : memref<128x128xf32, #tpu.memory_space<vmem>>) target_semaphore(%arg17 : memref<!tpu.dma_semaphore, #tpu.memory_space<semaphore_mem>>)
    %add3A_98 = arith.constant 1 : i32
    %add3A_99 = arith.addi %select_n3A, %add3A_98 : i32
    %dma_start3A_100 = arith.constant 1 : i32
    %dma_start3A_101 = arith.constant 0 : i32
    %dma_start3A_102 = tpu.memref_slice %arg8[%dma_start3A_100, %dma_start3A_101] : memref<4x128xi32, #tpu.memory_space<vmem>> -> memref<1x128xi32, #tpu.memory_space<vmem>>
    %dma_start3A_103 = tpu.memref_squeeze %dma_start3A_102 : memref<1x128xi32, #tpu.memory_space<vmem>> -> memref<128xi32, #tpu.memory_space<vmem>>
    %dma_start3A_104 = arith.constant 0 : i32
    %dma_start3A_105 = tpu.memref_slice %arg3[%add3A_99, %dma_start3A_104] : memref<2500x128xi32, #tpu.memory_space<hbm>> -> memref<1x128xi32, #tpu.memory_space<hbm>>
    %dma_start3A_106 = tpu.memref_squeeze %dma_start3A_105 : memref<1x128xi32, #tpu.memory_space<hbm>> -> memref<128xi32, #tpu.memory_space<hbm>>
    %dma_start3A_107 = arith.constant 0 : i32
    %dma_start3A_108 = tpu.memref_slice %arg8[%dma_start3A_100, %dma_start3A_107] : memref<4x128xi32, #tpu.memory_space<vmem>> -> memref<1x128xi32, #tpu.memory_space<vmem>>
    %dma_start3A_109 = tpu.memref_squeeze %dma_start3A_108 : memref<1x128xi32, #tpu.memory_space<vmem>> -> memref<128xi32, #tpu.memory_space<vmem>>
    %dma_start3A_110 = arith.constant 0 : i32
    %dma_start3A_111 = tpu.memref_slice %arg3[%add3A_99, %dma_start3A_110] : memref<2500x128xi32, #tpu.memory_space<hbm>> -> memref<1x128xi32, #tpu.memory_space<hbm>>
    %dma_start3A_112 = tpu.memref_squeeze %dma_start3A_111 : memref<1x128xi32, #tpu.memory_space<hbm>> -> memref<128xi32, #tpu.memory_space<hbm>>
    tpu.enqueue_dma source(%dma_start3A_112 : memref<128xi32, #tpu.memory_space<hbm>>) target(%dma_start3A_109 : memref<128xi32, #tpu.memory_space<vmem>>) target_semaphore(%arg21 : memref<!tpu.dma_semaphore, #tpu.memory_space<semaphore_mem>>)
    %add3A_113 = arith.constant 128 : i32
    %add3A_114 = arith.addi %add3A_27, %add3A_113 : i32
    %dma_start3A_115 = tpu.memref_slice %arg4[%add3A_114] : memref<320016xi32, #tpu.memory_space<hbm>> -> memref<144xi32, #tpu.memory_space<hbm>>
    %dma_start3A_116 = tpu.memref_slice %arg4[%add3A_114] : memref<320016xi32, #tpu.memory_space<hbm>> -> memref<144xi32, #tpu.memory_space<hbm>>
    tpu.enqueue_dma source(%dma_start3A_116 : memref<144xi32, #tpu.memory_space<hbm>>) target(%arg10 : memref<144xi32, #tpu.memory_space<vmem>>) target_semaphore(%arg25 : memref<!tpu.dma_semaphore, #tpu.memory_space<semaphore_mem>>)
    %iota3A = tpu.iota {dimensions = array<i32: 0>} : vector<16xi32>
    %while3A = arith.constant 0 : i32
    %while3A_117 = arith.constant 0 : i32
    %while3A_118 = arith.subi %add3A_49, %while3A_117 : i32
    %while3A_119 = arith.addi %while3A_117, %while3A_118 : i32
    %while3A_120 = arith.constant 1 : i32
    %while3A_121 = arith.divsi %while3A_118, %while3A_120 : i32
    %while3A_122 = arith.muli %while3A_121, %while3A_120 : i32
    %while3A_123 = arith.addi %while3A_117, %while3A_122 : i32
    %while3A_124 = arith.constant 1 : i32
    scf.for %while3A_210 = %while3A_117 to %while3A_123 step %while3A_124  : i32 {
      %jit3A_211 = arith.constant 4 : i32
      %eq3A_212 = arith.constant 0 : i32
      %eq3A_213 = arith.cmpi eq, %jit3A_211, %eq3A_212 : i32
      %jit3A_214 = arith.constant 1 : i32
      %select_n3A_215 = arith.select %eq3A_213, %jit3A_214, %jit3A_211 : i32
      %rem3A_216 = arith.remsi %while3A_210, %select_n3A_215 : i32
      %ne3A_217 = arith.constant 0 : i32
      %ne3A_218 = arith.cmpi ne, %rem3A_216, %ne3A_217 : i32
      %lt3A_219 = arith.constant 0 : i32
      %lt3A_220 = arith.cmpi slt, %rem3A_216, %lt3A_219 : i32
      %lt3A_221 = arith.constant 0 : i32
      %lt3A_222 = arith.cmpi slt, %select_n3A_215, %lt3A_221 : i32
      %ne3A_223 = arith.xori %lt3A_220, %lt3A_222 : i1
      %and3A_224 = arith.andi %ne3A_223, %ne3A_218 : i1
      %add3A_225 = arith.addi %rem3A_216, %select_n3A_215 : i32
      %select_n3A_226 = arith.select %and3A_224, %add3A_225, %rem3A_216 : i32
      %eq3A_227 = arith.constant 0 : i32
      %eq3A_228 = arith.cmpi eq, %select_n3A_226, %eq3A_227 : i32
      %convert_element_type3A_229 = arith.extui %eq3A_228 : i1 to i32
      %cond3A_230 = arith.constant 0 : i32
      %cond3A_231 = arith.cmpi ne, %convert_element_type3A_229, %cond3A_230 : i32
      scf.if %cond3A_231 {
        %ge3A = arith.constant 2 : i32
        %ge3A_295 = arith.cmpi sge, %while3A_210, %ge3A : i32
        %convert_element_type3A_296 = arith.extui %ge3A_295 : i1 to i32
        %cond3A_297 = arith.constant 0 : i32
        %cond3A_298 = arith.cmpi ne, %convert_element_type3A_296, %cond3A_297 : i32
        scf.if %cond3A_298 {
          %dma_wait3A_479 = arith.constant 2 : i32
          %dma_wait3A_480 = arith.constant 2 : i32
          %dma_wait3A_481 = arith.constant 0 : i32
          %dma_wait3A_482 = arith.constant 0 : i32
          %dma_wait3A_483 = tpu.memref_slice %arg7[%dma_wait3A_479, %dma_wait3A_481, %dma_wait3A_482] : memref<4x128x128xf32, #tpu.memory_space<vmem>> -> memref<1x128x128xf32, #tpu.memory_space<vmem>>
          %dma_wait3A_484 = tpu.memref_squeeze %dma_wait3A_483 : memref<1x128x128xf32, #tpu.memory_space<vmem>> -> memref<128x128xf32, #tpu.memory_space<vmem>>
          %dma_wait3A_485 = arith.constant 0 : i32
          %dma_wait3A_486 = tpu.memref_slice %arg8[%dma_wait3A_480, %dma_wait3A_485] : memref<4x128xi32, #tpu.memory_space<vmem>> -> memref<1x128xi32, #tpu.memory_space<vmem>>
          %dma_wait3A_487 = tpu.memref_squeeze %dma_wait3A_486 : memref<1x128xi32, #tpu.memory_space<vmem>> -> memref<128xi32, #tpu.memory_space<vmem>>
          %dma_wait3A_488 = arith.constant 0 : i32
          %dma_wait3A_489 = arith.constant 0 : i32
          %dma_wait3A_490 = tpu.memref_slice %arg32[%dma_wait3A_488, %dma_wait3A_489] : memref<4096x128xf32, #tpu.memory_space<vmem_shared>> -> memref<4096x128xf32, #tpu.memory_space<vmem_shared>>
          tpu.wait_indirect_dma semaphore(%arg30 : memref<!tpu.dma_semaphore, #tpu.memory_space<semaphore_mem>>) src(%dma_wait3A_484 : memref<128x128xf32, #tpu.memory_space<vmem>>) dst(%dma_wait3A_490 : memref<4096x128xf32, #tpu.memory_space<vmem_shared>>)
        } else {
        }
        %add3A_299 = arith.constant 2 : i32
        %add3A_300 = arith.addi %while3A_210, %add3A_299 : i32
        %lt3A_301 = arith.cmpi slt, %add3A_300, %add3A_49 : i32
        %convert_element_type3A_302 = arith.extui %lt3A_301 : i1 to i32
        %cond3A_303 = arith.constant 0 : i32
        %cond3A_304 = arith.cmpi ne, %convert_element_type3A_302, %cond3A_303 : i32
        scf.if %cond3A_304 {
          %add3A_479 = arith.constant 2 : i32
          %add3A_480 = arith.addi %while3A_210, %add3A_479 : i32
          %mul3A_481 = arith.constant 128 : i32
          %mul3A_482 = arith.muli %add3A_480, %mul3A_481 : i32
          %add3A_483 = arith.addi %add3A_27, %mul3A_482 : i32
          %dma_start3A_484 = arith.constant 2 : i32
          %dma_start3A_485 = arith.constant 0 : i32
          %dma_start3A_486 = arith.constant 0 : i32
          %dma_start3A_487 = tpu.memref_slice %arg7[%dma_start3A_484, %dma_start3A_485, %dma_start3A_486] : memref<4x128x128xf32, #tpu.memory_space<vmem>> -> memref<1x128x128xf32, #tpu.memory_space<vmem>>
          %dma_start3A_488 = tpu.memref_squeeze %dma_start3A_487 : memref<1x128x128xf32, #tpu.memory_space<vmem>> -> memref<128x128xf32, #tpu.memory_space<vmem>>
          %dma_start3A_489 = arith.constant 0 : i32
          %dma_start3A_490 = tpu.memref_slice %arg2[%add3A_483, %dma_start3A_489] : memref<320000x128xf32, #tpu.memory_space<hbm>> -> memref<128x128xf32, #tpu.memory_space<hbm>>
          %dma_start3A_491 = arith.constant 0 : i32
          %dma_start3A_492 = arith.constant 0 : i32
          %dma_start3A_493 = tpu.memref_slice %arg7[%dma_start3A_484, %dma_start3A_491, %dma_start3A_492] : memref<4x128x128xf32, #tpu.memory_space<vmem>> -> memref<1x128x128xf32, #tpu.memory_space<vmem>>
          %dma_start3A_494 = tpu.memref_squeeze %dma_start3A_493 : memref<1x128x128xf32, #tpu.memory_space<vmem>> -> memref<128x128xf32, #tpu.memory_space<vmem>>
          %dma_start3A_495 = arith.constant 0 : i32
          %dma_start3A_496 = tpu.memref_slice %arg2[%add3A_483, %dma_start3A_495] : memref<320000x128xf32, #tpu.memory_space<hbm>> -> memref<128x128xf32, #tpu.memory_space<hbm>>
          tpu.enqueue_dma source(%dma_start3A_496 : memref<128x128xf32, #tpu.memory_space<hbm>>) target(%dma_start3A_494 : memref<128x128xf32, #tpu.memory_space<vmem>>) target_semaphore(%arg18 : memref<!tpu.dma_semaphore, #tpu.memory_space<semaphore_mem>>)
          %add3A_497 = arith.addi %select_n3A, %add3A_480 : i32
          %dma_start3A_498 = arith.constant 2 : i32
          %dma_start3A_499 = arith.constant 0 : i32
          %dma_start3A_500 = tpu.memref_slice %arg8[%dma_start3A_498, %dma_start3A_499] : memref<4x128xi32, #tpu.memory_space<vmem>> -> memref<1x128xi32, #tpu.memory_space<vmem>>
          %dma_start3A_501 = tpu.memref_squeeze %dma_start3A_500 : memref<1x128xi32, #tpu.memory_space<vmem>> -> memref<128xi32, #tpu.memory_space<vmem>>
          %dma_start3A_502 = arith.constant 0 : i32
          %dma_start3A_503 = tpu.memref_slice %arg3[%add3A_497, %dma_start3A_502] : memref<2500x128xi32, #tpu.memory_space<hbm>> -> memref<1x128xi32, #tpu.memory_space<hbm>>
          %dma_start3A_504 = tpu.memref_squeeze %dma_start3A_503 : memref<1x128xi32, #tpu.memory_space<hbm>> -> memref<128xi32, #tpu.memory_space<hbm>>
          %dma_start3A_505 = arith.constant 0 : i32
          %dma_start3A_506 = tpu.memref_slice %arg8[%dma_start3A_498, %dma_start3A_505] : memref<4x128xi32, #tpu.memory_space<vmem>> -> memref<1x128xi32, #tpu.memory_space<vmem>>
          %dma_start3A_507 = tpu.memref_squeeze %dma_start3A_506 : memref<1x128xi32, #tpu.memory_space<vmem>> -> memref<128xi32, #tpu.memory_space<vmem>>
          %dma_start3A_508 = arith.constant 0 : i32
          %dma_start3A_509 = tpu.memref_slice %arg3[%add3A_497, %dma_start3A_508] : memref<2500x128xi32, #tpu.memory_space<hbm>> -> memref<1x128xi32, #tpu.memory_space<hbm>>
          %dma_start3A_510 = tpu.memref_squeeze %dma_start3A_509 : memref<1x128xi32, #tpu.memory_space<hbm>> -> memref<128xi32, #tpu.memory_space<hbm>>
          tpu.enqueue_dma source(%dma_start3A_510 : memref<128xi32, #tpu.memory_space<hbm>>) target(%dma_start3A_507 : memref<128xi32, #tpu.memory_space<vmem>>) target_semaphore(%arg22 : memref<!tpu.dma_semaphore, #tpu.memory_space<semaphore_mem>>)
          %mul3A_511 = arith.constant 128 : i32
          %mul3A_512 = arith.muli %add3A_480, %mul3A_511 : i32
          %add3A_513 = arith.addi %add3A_27, %mul3A_512 : i32
          %dma_start3A_514 = tpu.memref_slice %arg4[%add3A_513] : memref<320016xi32, #tpu.memory_space<hbm>> -> memref<144xi32, #tpu.memory_space<hbm>>
          %dma_start3A_515 = tpu.memref_slice %arg4[%add3A_513] : memref<320016xi32, #tpu.memory_space<hbm>> -> memref<144xi32, #tpu.memory_space<hbm>>
          tpu.enqueue_dma source(%dma_start3A_515 : memref<144xi32, #tpu.memory_space<hbm>>) target(%arg11 : memref<144xi32, #tpu.memory_space<vmem>>) target_semaphore(%arg26 : memref<!tpu.dma_semaphore, #tpu.memory_space<semaphore_mem>>)
        } else {
        }
        %dma_wait3A = arith.constant 0 : i32
        %dma_wait3A_305 = arith.constant 0 : i32
        %dma_wait3A_306 = arith.constant 0 : i32
        %dma_wait3A_307 = tpu.memref_slice %arg7[%dma_wait3A, %dma_wait3A_305, %dma_wait3A_306] : memref<4x128x128xf32, #tpu.memory_space<vmem>> -> memref<1x128x128xf32, #tpu.memory_space<vmem>>
        %dma_wait3A_308 = tpu.memref_squeeze %dma_wait3A_307 : memref<1x128x128xf32, #tpu.memory_space<vmem>> -> memref<128x128xf32, #tpu.memory_space<vmem>>
        %dma_wait3A_309 = arith.constant 0 : i32
        %dma_wait3A_310 = arith.constant 0 : i32
        %dma_wait3A_311 = tpu.memref_slice %arg2[%dma_wait3A_309, %dma_wait3A_310] : memref<320000x128xf32, #tpu.memory_space<hbm>> -> memref<128x128xf32, #tpu.memory_space<hbm>>
        %dma_wait3A_312 = arith.constant 0 : i32
        %dma_wait3A_313 = arith.constant 0 : i32
        %dma_wait3A_314 = tpu.memref_slice %arg7[%dma_wait3A, %dma_wait3A_312, %dma_wait3A_313] : memref<4x128x128xf32, #tpu.memory_space<vmem>> -> memref<1x128x128xf32, #tpu.memory_space<vmem>>
        %dma_wait3A_315 = tpu.memref_squeeze %dma_wait3A_314 : memref<1x128x128xf32, #tpu.memory_space<vmem>> -> memref<128x128xf32, #tpu.memory_space<vmem>>
        %dma_wait3A_316 = arith.constant 0 : i32
        %dma_wait3A_317 = arith.constant 0 : i32
        %dma_wait3A_318 = tpu.memref_slice %arg2[%dma_wait3A_316, %dma_wait3A_317] : memref<320000x128xf32, #tpu.memory_space<hbm>> -> memref<128x128xf32, #tpu.memory_space<hbm>>
        tpu.wait_dma2 semaphore(%arg16 : memref<!tpu.dma_semaphore, #tpu.memory_space<semaphore_mem>>) src(%dma_wait3A_318 : memref<128x128xf32, #tpu.memory_space<hbm>>) dst(%dma_wait3A_315 : memref<128x128xf32, #tpu.memory_space<vmem>>)
        %dma_wait3A_319 = arith.constant 0 : i32
        %dma_wait3A_320 = arith.constant 0 : i32
        %dma_wait3A_321 = arith.constant 0 : i32
        %dma_wait3A_322 = tpu.memref_slice %arg8[%dma_wait3A_320, %dma_wait3A_321] : memref<4x128xi32, #tpu.memory_space<vmem>> -> memref<1x128xi32, #tpu.memory_space<vmem>>
        %dma_wait3A_323 = tpu.memref_squeeze %dma_wait3A_322 : memref<1x128xi32, #tpu.memory_space<vmem>> -> memref<128xi32, #tpu.memory_space<vmem>>
        %dma_wait3A_324 = arith.constant 0 : i32
        %dma_wait3A_325 = tpu.memref_slice %arg3[%dma_wait3A_319, %dma_wait3A_324] : memref<2500x128xi32, #tpu.memory_space<hbm>> -> memref<1x128xi32, #tpu.memory_space<hbm>>
        %dma_wait3A_326 = tpu.memref_squeeze %dma_wait3A_325 : memref<1x128xi32, #tpu.memory_space<hbm>> -> memref<128xi32, #tpu.memory_space<hbm>>
        %dma_wait3A_327 = arith.constant 0 : i32
        %dma_wait3A_328 = tpu.memref_slice %arg8[%dma_wait3A_320, %dma_wait3A_327] : memref<4x128xi32, #tpu.memory_space<vmem>> -> memref<1x128xi32, #tpu.memory_space<vmem>>
        %dma_wait3A_329 = tpu.memref_squeeze %dma_wait3A_328 : memref<1x128xi32, #tpu.memory_space<vmem>> -> memref<128xi32, #tpu.memory_space<vmem>>
        %dma_wait3A_330 = arith.constant 0 : i32
        %dma_wait3A_331 = tpu.memref_slice %arg3[%dma_wait3A_319, %dma_wait3A_330] : memref<2500x128xi32, #tpu.memory_space<hbm>> -> memref<1x128xi32, #tpu.memory_space<hbm>>
        %dma_wait3A_332 = tpu.memref_squeeze %dma_wait3A_331 : memref<1x128xi32, #tpu.memory_space<hbm>> -> memref<128xi32, #tpu.memory_space<hbm>>
        tpu.wait_dma2 semaphore(%arg20 : memref<!tpu.dma_semaphore, #tpu.memory_space<semaphore_mem>>) src(%dma_wait3A_332 : memref<128xi32, #tpu.memory_space<hbm>>) dst(%dma_wait3A_329 : memref<128xi32, #tpu.memory_space<vmem>>)
        %dma_wait3A_333 = arith.constant 0 : i32
        %dma_wait3A_334 = tpu.memref_slice %arg4[%dma_wait3A_333] : memref<320016xi32, #tpu.memory_space<hbm>> -> memref<144xi32, #tpu.memory_space<hbm>>
        %dma_wait3A_335 = arith.constant 0 : i32
        %dma_wait3A_336 = tpu.memref_slice %arg4[%dma_wait3A_335] : memref<320016xi32, #tpu.memory_space<hbm>> -> memref<144xi32, #tpu.memory_space<hbm>>
        tpu.wait_dma2 semaphore(%arg24 : memref<!tpu.dma_semaphore, #tpu.memory_space<semaphore_mem>>) src(%dma_wait3A_336 : memref<144xi32, #tpu.memory_space<hbm>>) dst(%arg9 : memref<144xi32, #tpu.memory_space<vmem>>)
        %dma_start3A_337 = arith.constant 0 : i32
        %dma_start3A_338 = arith.constant 0 : i32
        %dma_start3A_339 = arith.constant 0 : i32
        %dma_start3A_340 = arith.constant 0 : i32
        %dma_start3A_341 = tpu.memref_slice %arg7[%dma_start3A_337, %dma_start3A_339, %dma_start3A_340] : memref<4x128x128xf32, #tpu.memory_space<vmem>> -> memref<1x128x128xf32, #tpu.memory_space<vmem>>
        %dma_start3A_342 = tpu.memref_squeeze %dma_start3A_341 : memref<1x128x128xf32, #tpu.memory_space<vmem>> -> memref<128x128xf32, #tpu.memory_space<vmem>>
        %dma_start3A_343 = arith.constant 0 : i32
        %dma_start3A_344 = tpu.memref_slice %arg8[%dma_start3A_338, %dma_start3A_343] : memref<4x128xi32, #tpu.memory_space<vmem>> -> memref<1x128xi32, #tpu.memory_space<vmem>>
        %dma_start3A_345 = tpu.memref_squeeze %dma_start3A_344 : memref<1x128xi32, #tpu.memory_space<vmem>> -> memref<128xi32, #tpu.memory_space<vmem>>
        %dma_start3A_346 = arith.constant 0 : i32
        %dma_start3A_347 = arith.constant 0 : i32
        %dma_start3A_348 = tpu.memref_slice %arg32[%dma_start3A_346, %dma_start3A_347] : memref<4096x128xf32, #tpu.memory_space<vmem_shared>> -> memref<4096x128xf32, #tpu.memory_space<vmem_shared>>
        tpu.enqueue_indirect_dma source(%dma_start3A_342 : memref<128x128xf32, #tpu.memory_space<vmem>>) target(%dma_start3A_348 : memref<4096x128xf32, #tpu.memory_space<vmem_shared>>) offsets(%dma_start3A_345 : memref<128xi32, #tpu.memory_space<vmem>>) semaphore(%arg28 : memref<!tpu.dma_semaphore, #tpu.memory_space<semaphore_mem>>) {add = true}
        %mul3A_349 = arith.constant 128 : i32
        %mul3A_350 = arith.muli %while3A_210, %mul3A_349 : i32
        %add3A_351 = arith.addi %add3A_27, %mul3A_350 : i32
        %get3A = arith.constant 8 : index
        %get3A_352 = tpu.vector_load %arg9[%get3A] {strides = array<i32>} : memref<144xi32, #tpu.memory_space<vmem>>, vector<16xi32>,
        %get3A_353 = arith.constant 7 : index
        %get3A_354 = tpu.vector_load %arg9[%get3A_353] {strides = array<i32>} : memref<144xi32, #tpu.memory_space<vmem>>, vector<16xi32>,
        %get3A_355 = arith.constant 9 : index
        %get3A_356 = tpu.vector_load %arg9[%get3A_355] {strides = array<i32>} : memref<144xi32, #tpu.memory_space<vmem>>, vector<16xi32>,
        %add3A_357 = arith.constant 0 : i32
        %add3A_358 = arith.addi %add3A_351, %add3A_357 : i32
        %add3A_359 = vector.broadcast %add3A_358 : i32 to vector<16xi32>
        %add3A_360 = arith.addi %iota3A, %add3A_359 : vector<16xi32>
        %convert_element_type3A_361 = arith.sitofp %add3A_360 : vector<16xi32> to vector<16xf32>
        %ne3A_362 = arith.cmpi ne, %get3A_352, %get3A_354 : vector<16xi32>
        tpu.vector_store_idx %arg13[%get3A_352], %convert_element_type3A_361 masked %ne3A_362 : memref<4096xf32, #tpu.memory_space<vmem>>[vector<16xi32>], vector<16xf32>, vector<16xi1>
        %add3A_363 = arith.constant 1.000000e+00 : f32
        %add3A_364 = vector.broadcast %add3A_363 : f32 to vector<16xf32>
        %add3A_365 = arith.addf %convert_element_type3A_361, %add3A_364 : vector<16xf32>
        %ne3A_366 = arith.cmpi ne, %get3A_352, %get3A_356 : vector<16xi32>
        tpu.vector_store_idx %arg14[%get3A_352], %add3A_365 masked %ne3A_366 : memref<4096xf32, #tpu.memory_space<vmem>>[vector<16xi32>], vector<16xf32>, vector<16xi1>
        %get3A_367 = arith.constant 24 : index
        %get3A_368 = tpu.vector_load %arg9[%get3A_367] {strides = array<i32>} : memref<144xi32, #tpu.memory_space<vmem>>, vector<16xi32>,
        %get3A_369 = arith.constant 23 : index
        %get3A_370 = tpu.vector_load %arg9[%get3A_369] {strides = array<i32>} : memref<144xi32, #tpu.memory_space<vmem>>, vector<16xi32>,
        %get3A_371 = arith.constant 25 : index
        %get3A_372 = tpu.vector_load %arg9[%get3A_371] {strides = array<i32>} : memref<144xi32, #tpu.memory_space<vmem>>, vector<16xi32>,
        %add3A_373 = arith.constant 16 : i32
        %add3A_374 = arith.addi %add3A_351, %add3A_373 : i32
        %add3A_375 = vector.broadcast %add3A_374 : i32 to vector<16xi32>
        %add3A_376 = arith.addi %iota3A, %add3A_375 : vector<16xi32>
        %convert_element_type3A_377 = arith.sitofp %add3A_376 : vector<16xi32> to vector<16xf32>
        %ne3A_378 = arith.cmpi ne, %get3A_368, %get3A_370 : vector<16xi32>
        tpu.vector_store_idx %arg13[%get3A_368], %convert_element_type3A_377 masked %ne3A_378 : memref<4096xf32, #tpu.memory_space<vmem>>[vector<16xi32>], vector<16xf32>, vector<16xi1>
        %add3A_379 = arith.constant 1.000000e+00 : f32
        %add3A_380 = vector.broadcast %add3A_379 : f32 to vector<16xf32>
        %add3A_381 = arith.addf %convert_element_type3A_377, %add3A_380 : vector<16xf32>
        %ne3A_382 = arith.cmpi ne, %get3A_368, %get3A_372 : vector<16xi32>
        tpu.vector_store_idx %arg14[%get3A_368], %add3A_381 masked %ne3A_382 : memref<4096xf32, #tpu.memory_space<vmem>>[vector<16xi32>], vector<16xf32>, vector<16xi1>
        %get3A_383 = arith.constant 40 : index
        %get3A_384 = tpu.vector_load %arg9[%get3A_383] {strides = array<i32>} : memref<144xi32, #tpu.memory_space<vmem>>, vector<16xi32>,
        %get3A_385 = arith.constant 39 : index
        %get3A_386 = tpu.vector_load %arg9[%get3A_385] {strides = array<i32>} : memref<144xi32, #tpu.memory_space<vmem>>, vector<16xi32>,
        %get3A_387 = arith.constant 41 : index
        %get3A_388 = tpu.vector_load %arg9[%get3A_387] {strides = array<i32>} : memref<144xi32, #tpu.memory_space<vmem>>, vector<16xi32>,
        %add3A_389 = arith.constant 32 : i32
        %add3A_390 = arith.addi %add3A_351, %add3A_389 : i32
        %add3A_391 = vector.broadcast %add3A_390 : i32 to vector<16xi32>
        %add3A_392 = arith.addi %iota3A, %add3A_391 : vector<16xi32>
        %convert_element_type3A_393 = arith.sitofp %add3A_392 : vector<16xi32> to vector<16xf32>
        %ne3A_394 = arith.cmpi ne, %get3A_384, %get3A_386 : vector<16xi32>
        tpu.vector_store_idx %arg13[%get3A_384], %convert_element_type3A_393 masked %ne3A_394 : memref<4096xf32, #tpu.memory_space<vmem>>[vector<16xi32>], vector<16xf32>, vector<16xi1>
        %add3A_395 = arith.constant 1.000000e+00 : f32
        %add3A_396 = vector.broadcast %add3A_395 : f32 to vector<16xf32>
        %add3A_397 = arith.addf %convert_element_type3A_393, %add3A_396 : vector<16xf32>
        %ne3A_398 = arith.cmpi ne, %get3A_384, %get3A_388 : vector<16xi32>
        tpu.vector_store_idx %arg14[%get3A_384], %add3A_397 masked %ne3A_398 : memref<4096xf32, #tpu.memory_space<vmem>>[vector<16xi32>], vector<16xf32>, vector<16xi1>
        %get3A_399 = arith.constant 56 : index
        %get3A_400 = tpu.vector_load %arg9[%get3A_399] {strides = array<i32>} : memref<144xi32, #tpu.memory_space<vmem>>, vector<16xi32>,
        %get3A_401 = arith.constant 55 : index
        %get3A_402 = tpu.vector_load %arg9[%get3A_401] {strides = array<i32>} : memref<144xi32, #tpu.memory_space<vmem>>, vector<16xi32>,
        %get3A_403 = arith.constant 57 : index
        %get3A_404 = tpu.vector_load %arg9[%get3A_403] {strides = array<i32>} : memref<144xi32, #tpu.memory_space<vmem>>, vector<16xi32>,
        %add3A_405 = arith.constant 48 : i32
        %add3A_406 = arith.addi %add3A_351, %add3A_405 : i32
        %add3A_407 = vector.broadcast %add3A_406 : i32 to vector<16xi32>
        %add3A_408 = arith.addi %iota3A, %add3A_407 : vector<16xi32>
        %convert_element_type3A_409 = arith.sitofp %add3A_408 : vector<16xi32> to vector<16xf32>
        %ne3A_410 = arith.cmpi ne, %get3A_400, %get3A_402 : vector<16xi32>
        tpu.vector_store_idx %arg13[%get3A_400], %convert_element_type3A_409 masked %ne3A_410 : memref<4096xf32, #tpu.memory_space<vmem>>[vector<16xi32>], vector<16xf32>, vector<16xi1>
        %add3A_411 = arith.constant 1.000000e+00 : f32
        %add3A_412 = vector.broadcast %add3A_411 : f32 to vector<16xf32>
        %add3A_413 = arith.addf %convert_element_type3A_409, %add3A_412 : vector<16xf32>
        %ne3A_414 = arith.cmpi ne, %get3A_400, %get3A_404 : vector<16xi32>
        tpu.vector_store_idx %arg14[%get3A_400], %add3A_413 masked %ne3A_414 : memref<4096xf32, #tpu.memory_space<vmem>>[vector<16xi32>], vector<16xf32>, vector<16xi1>
        %get3A_415 = arith.constant 72 : index
        %get3A_416 = tpu.vector_load %arg9[%get3A_415] {strides = array<i32>} : memref<144xi32, #tpu.memory_space<vmem>>, vector<16xi32>,
        %get3A_417 = arith.constant 71 : index
        %get3A_418 = tpu.vector_load %arg9[%get3A_417] {strides = array<i32>} : memref<144xi32, #tpu.memory_space<vmem>>, vector<16xi32>,
        %get3A_419 = arith.constant 73 : index
        %get3A_420 = tpu.vector_load %arg9[%get3A_419] {strides = array<i32>} : memref<144xi32, #tpu.memory_space<vmem>>, vector<16xi32>,
        %add3A_421 = arith.constant 64 : i32
        %add3A_422 = arith.addi %add3A_351, %add3A_421 : i32
        %add3A_423 = vector.broadcast %add3A_422 : i32 to vector<16xi32>
        %add3A_424 = arith.addi %iota3A, %add3A_423 : vector<16xi32>
        %convert_element_type3A_425 = arith.sitofp %add3A_424 : vector<16xi32> to vector<16xf32>
        %ne3A_426 = arith.cmpi ne, %get3A_416, %get3A_418 : vector<16xi32>
        tpu.vector_store_idx %arg13[%get3A_416], %convert_element_type3A_425 masked %ne3A_426 : memref<4096xf32, #tpu.memory_space<vmem>>[vector<16xi32>], vector<16xf32>, vector<16xi1>
        %add3A_427 = arith.constant 1.000000e+00 : f32
        %add3A_428 = vector.broadcast %add3A_427 : f32 to vector<16xf32>
        %add3A_429 = arith.addf %convert_element_type3A_425, %add3A_428 : vector<16xf32>
        %ne3A_430 = arith.cmpi ne, %get3A_416, %get3A_420 : vector<16xi32>
        tpu.vector_store_idx %arg14[%get3A_416], %add3A_429 masked %ne3A_430 : memref<4096xf32, #tpu.memory_space<vmem>>[vector<16xi32>], vector<16xf32>, vector<16xi1>
        %get3A_431 = arith.constant 88 : index
        %get3A_432 = tpu.vector_load %arg9[%get3A_431] {strides = array<i32>} : memref<144xi32, #tpu.memory_space<vmem>>, vector<16xi32>,
        %get3A_433 = arith.constant 87 : index
        %get3A_434 = tpu.vector_load %arg9[%get3A_433] {strides = array<i32>} : memref<144xi32, #tpu.memory_space<vmem>>, vector<16xi32>,
        %get3A_435 = arith.constant 89 : index
        %get3A_436 = tpu.vector_load %arg9[%get3A_435] {strides = array<i32>} : memref<144xi32, #tpu.memory_space<vmem>>, vector<16xi32>,
        %add3A_437 = arith.constant 80 : i32
        %add3A_438 = arith.addi %add3A_351, %add3A_437 : i32
        %add3A_439 = vector.broadcast %add3A_438 : i32 to vector<16xi32>
        %add3A_440 = arith.addi %iota3A, %add3A_439 : vector<16xi32>
        %convert_element_type3A_441 = arith.sitofp %add3A_440 : vector<16xi32> to vector<16xf32>
        %ne3A_442 = arith.cmpi ne, %get3A_432, %get3A_434 : vector<16xi32>
        tpu.vector_store_idx %arg13[%get3A_432], %convert_element_type3A_441 masked %ne3A_442 : memref<4096xf32, #tpu.memory_space<vmem>>[vector<16xi32>], vector<16xf32>, vector<16xi1>
        %add3A_443 = arith.constant 1.000000e+00 : f32
        %add3A_444 = vector.broadcast %add3A_443 : f32 to vector<16xf32>
        %add3A_445 = arith.addf %convert_element_type3A_441, %add3A_444 : vector<16xf32>
        %ne3A_446 = arith.cmpi ne, %get3A_432, %get3A_436 : vector<16xi32>
        tpu.vector_store_idx %arg14[%get3A_432], %add3A_445 masked %ne3A_446 : memref<4096xf32, #tpu.memory_space<vmem>>[vector<16xi32>], vector<16xf32>, vector<16xi1>
        %get3A_447 = arith.constant 104 : index
        %get3A_448 = tpu.vector_load %arg9[%get3A_447] {strides = array<i32>} : memref<144xi32, #tpu.memory_space<vmem>>, vector<16xi32>,
        %get3A_449 = arith.constant 103 : index
        %get3A_450 = tpu.vector_load %arg9[%get3A_449] {strides = array<i32>} : memref<144xi32, #tpu.memory_space<vmem>>, vector<16xi32>,
        %get3A_451 = arith.constant 105 : index
        %get3A_452 = tpu.vector_load %arg9[%get3A_451] {strides = array<i32>} : memref<144xi32, #tpu.memory_space<vmem>>, vector<16xi32>,
        %add3A_453 = arith.constant 96 : i32
        %add3A_454 = arith.addi %add3A_351, %add3A_453 : i32
        %add3A_455 = vector.broadcast %add3A_454 : i32 to vector<16xi32>
        %add3A_456 = arith.addi %iota3A, %add3A_455 : vector<16xi32>
        %convert_element_type3A_457 = arith.sitofp %add3A_456 : vector<16xi32> to vector<16xf32>
        %ne3A_458 = arith.cmpi ne, %get3A_448, %get3A_450 : vector<16xi32>
        tpu.vector_store_idx %arg13[%get3A_448], %convert_element_type3A_457 masked %ne3A_458 : memref<4096xf32, #tpu.memory_space<vmem>>[vector<16xi32>], vector<16xf32>, vector<16xi1>
        %add3A_459 = arith.constant 1.000000e+00 : f32
        %add3A_460 = vector.broadcast %add3A_459 : f32 to vector<16xf32>
        %add3A_461 = arith.addf %convert_element_type3A_457, %add3A_460 : vector<16xf32>
        %ne3A_462 = arith.cmpi ne, %get3A_448, %get3A_452 : vector<16xi32>
        tpu.vector_store_idx %arg14[%get3A_448], %add3A_461 masked %ne3A_462 : memref<4096xf32, #tpu.memory_space<vmem>>[vector<16xi32>], vector<16xf32>, vector<16xi1>
        %get3A_463 = arith.constant 120 : index
        %get3A_464 = tpu.vector_load %arg9[%get3A_463] {strides = array<i32>} : memref<144xi32, #tpu.memory_space<vmem>>, vector<16xi32>,
        %get3A_465 = arith.constant 119 : index
        %get3A_466 = tpu.vector_load %arg9[%get3A_465] {strides = array<i32>} : memref<144xi32, #tpu.memory_space<vmem>>, vector<16xi32>,
        %get3A_467 = arith.constant 121 : index
        %get3A_468 = tpu.vector_load %arg9[%get3A_467] {strides = array<i32>} : memref<144xi32, #tpu.memory_space<vmem>>, vector<16xi32>,
        %add3A_469 = arith.constant 112 : i32
        %add3A_470 = arith.addi %add3A_351, %add3A_469 : i32
        %add3A_471 = vector.broadcast %add3A_470 : i32 to vector<16xi32>
        %add3A_472 = arith.addi %iota3A, %add3A_471 : vector<16xi32>
        %convert_element_type3A_473 = arith.sitofp %add3A_472 : vector<16xi32> to vector<16xf32>
        %ne3A_474 = arith.cmpi ne, %get3A_464, %get3A_466 : vector<16xi32>
        tpu.vector_store_idx %arg13[%get3A_464], %convert_element_type3A_473 masked %ne3A_474 : memref<4096xf32, #tpu.memory_space<vmem>>[vector<16xi32>], vector<16xf32>, vector<16xi1>
        %add3A_475 = arith.constant 1.000000e+00 : f32
        %add3A_476 = vector.broadcast %add3A_475 : f32 to vector<16xf32>
        %add3A_477 = arith.addf %convert_element_type3A_473, %add3A_476 : vector<16xf32>
        %ne3A_478 = arith.cmpi ne, %get3A_464, %get3A_468 : vector<16xi32>
        tpu.vector_store_idx %arg14[%get3A_464], %add3A_477 masked %ne3A_478 : memref<4096xf32, #tpu.memory_space<vmem>>[vector<16xi32>], vector<16xf32>, vector<16xi1>
      } else {
      }
      %jit3A_232 = arith.constant 4 : i32
      %eq3A_233 = arith.constant 0 : i32
      %eq3A_234 = arith.cmpi eq, %jit3A_232, %eq3A_233 : i32
      %jit3A_235 = arith.constant 1 : i32
      %select_n3A_236 = arith.select %eq3A_234, %jit3A_235, %jit3A_232 : i32
      %rem3A_237 = arith.remsi %while3A_210, %select_n3A_236 : i32
      %ne3A_238 = arith.constant 0 : i32
      %ne3A_239 = arith.cmpi ne, %rem3A_237, %ne3A_238 : i32
      %lt3A_240 = arith.constant 0 : i32
      %lt3A_241 = arith.cmpi slt, %rem3A_237, %lt3A_240 : i32
      %lt3A_242 = arith.constant 0 : i32
      %lt3A_243 = arith.cmpi slt, %select_n3A_236, %lt3A_242 : i32
      %ne3A_244 = arith.xori %lt3A_241, %lt3A_243 : i1
      %and3A_245 = arith.andi %ne3A_244, %ne3A_239 : i1
      %add3A_246 = arith.addi %rem3A_237, %select_n3A_236 : i32
      %select_n3A_247 = arith.select %and3A_245, %add3A_246, %rem3A_237 : i32
      %eq3A_248 = arith.constant 1 : i32
      %eq3A_249 = arith.cmpi eq, %select_n3A_247, %eq3A_248 : i32
      %convert_element_type3A_250 = arith.extui %eq3A_249 : i1 to i32
      %cond3A_251 = arith.constant 0 : i32
      %cond3A_252 = arith.cmpi ne, %convert_element_type3A_250, %cond3A_251 : i32
      scf.if %cond3A_252 {
        %ge3A = arith.constant 2 : i32
        %ge3A_295 = arith.cmpi sge, %while3A_210, %ge3A : i32
        %convert_element_type3A_296 = arith.extui %ge3A_295 : i1 to i32
        %cond3A_297 = arith.constant 0 : i32
        %cond3A_298 = arith.cmpi ne, %convert_element_type3A_296, %cond3A_297 : i32
        scf.if %cond3A_298 {
          %dma_wait3A_479 = arith.constant 3 : i32
          %dma_wait3A_480 = arith.constant 3 : i32
          %dma_wait3A_481 = arith.constant 0 : i32
          %dma_wait3A_482 = arith.constant 0 : i32
          %dma_wait3A_483 = tpu.memref_slice %arg7[%dma_wait3A_479, %dma_wait3A_481, %dma_wait3A_482] : memref<4x128x128xf32, #tpu.memory_space<vmem>> -> memref<1x128x128xf32, #tpu.memory_space<vmem>>
          %dma_wait3A_484 = tpu.memref_squeeze %dma_wait3A_483 : memref<1x128x128xf32, #tpu.memory_space<vmem>> -> memref<128x128xf32, #tpu.memory_space<vmem>>
          %dma_wait3A_485 = arith.constant 0 : i32
          %dma_wait3A_486 = tpu.memref_slice %arg8[%dma_wait3A_480, %dma_wait3A_485] : memref<4x128xi32, #tpu.memory_space<vmem>> -> memref<1x128xi32, #tpu.memory_space<vmem>>
          %dma_wait3A_487 = tpu.memref_squeeze %dma_wait3A_486 : memref<1x128xi32, #tpu.memory_space<vmem>> -> memref<128xi32, #tpu.memory_space<vmem>>
          %dma_wait3A_488 = arith.constant 0 : i32
          %dma_wait3A_489 = arith.constant 0 : i32
          %dma_wait3A_490 = tpu.memref_slice %arg32[%dma_wait3A_488, %dma_wait3A_489] : memref<4096x128xf32, #tpu.memory_space<vmem_shared>> -> memref<4096x128xf32, #tpu.memory_space<vmem_shared>>
          tpu.wait_indirect_dma semaphore(%arg31 : memref<!tpu.dma_semaphore, #tpu.memory_space<semaphore_mem>>) src(%dma_wait3A_484 : memref<128x128xf32, #tpu.memory_space<vmem>>) dst(%dma_wait3A_490 : memref<4096x128xf32, #tpu.memory_space<vmem_shared>>)
        } else {
        }
        %add3A_299 = arith.constant 2 : i32
        %add3A_300 = arith.addi %while3A_210, %add3A_299 : i32
        %lt3A_301 = arith.cmpi slt, %add3A_300, %add3A_49 : i32
        %convert_element_type3A_302 = arith.extui %lt3A_301 : i1 to i32
        %cond3A_303 = arith.constant 0 : i32
        %cond3A_304 = arith.cmpi ne, %convert_element_type3A_302, %cond3A_303 : i32
        scf.if %cond3A_304 {
          %add3A_479 = arith.constant 2 : i32
          %add3A_480 = arith.addi %while3A_210, %add3A_479 : i32
          %mul3A_481 = arith.constant 128 : i32
          %mul3A_482 = arith.muli %add3A_480, %mul3A_481 : i32
          %add3A_483 = arith.addi %add3A_27, %mul3A_482 : i32
          %dma_start3A_484 = arith.constant 3 : i32
          %dma_start3A_485 = arith.constant 0 : i32
          %dma_start3A_486 = arith.constant 0 : i32
          %dma_start3A_487 = tpu.memref_slice %arg7[%dma_start3A_484, %dma_start3A_485, %dma_start3A_486] : memref<4x128x128xf32, #tpu.memory_space<vmem>> -> memref<1x128x128xf32, #tpu.memory_space<vmem>>
          %dma_start3A_488 = tpu.memref_squeeze %dma_start3A_487 : memref<1x128x128xf32, #tpu.memory_space<vmem>> -> memref<128x128xf32, #tpu.memory_space<vmem>>
          %dma_start3A_489 = arith.constant 0 : i32
          %dma_start3A_490 = tpu.memref_slice %arg2[%add3A_483, %dma_start3A_489] : memref<320000x128xf32, #tpu.memory_space<hbm>> -> memref<128x128xf32, #tpu.memory_space<hbm>>
          %dma_start3A_491 = arith.constant 0 : i32
          %dma_start3A_492 = arith.constant 0 : i32
          %dma_start3A_493 = tpu.memref_slice %arg7[%dma_start3A_484, %dma_start3A_491, %dma_start3A_492] : memref<4x128x128xf32, #tpu.memory_space<vmem>> -> memref<1x128x128xf32, #tpu.memory_space<vmem>>
          %dma_start3A_494 = tpu.memref_squeeze %dma_start3A_493 : memref<1x128x128xf32, #tpu.memory_space<vmem>> -> memref<128x128xf32, #tpu.memory_space<vmem>>
          %dma_start3A_495 = arith.constant 0 : i32
          %dma_start3A_496 = tpu.memref_slice %arg2[%add3A_483, %dma_start3A_495] : memref<320000x128xf32, #tpu.memory_space<hbm>> -> memref<128x128xf32, #tpu.memory_space<hbm>>
          tpu.enqueue_dma source(%dma_start3A_496 : memref<128x128xf32, #tpu.memory_space<hbm>>) target(%dma_start3A_494 : memref<128x128xf32, #tpu.memory_space<vmem>>) target_semaphore(%arg19 : memref<!tpu.dma_semaphore, #tpu.memory_space<semaphore_mem>>)
          %add3A_497 = arith.addi %select_n3A, %add3A_480 : i32
          %dma_start3A_498 = arith.constant 3 : i32
          %dma_start3A_499 = arith.constant 0 : i32
          %dma_start3A_500 = tpu.memref_slice %arg8[%dma_start3A_498, %dma_start3A_499] : memref<4x128xi32, #tpu.memory_space<vmem>> -> memref<1x128xi32, #tpu.memory_space<vmem>>
          %dma_start3A_501 = tpu.memref_squeeze %dma_start3A_500 : memref<1x128xi32, #tpu.memory_space<vmem>> -> memref<128xi32, #tpu.memory_space<vmem>>
          %dma_start3A_502 = arith.constant 0 : i32
          %dma_start3A_503 = tpu.memref_slice %arg3[%add3A_497, %dma_start3A_502] : memref<2500x128xi32, #tpu.memory_space<hbm>> -> memref<1x128xi32, #tpu.memory_space<hbm>>
          %dma_start3A_504 = tpu.memref_squeeze %dma_start3A_503 : memref<1x128xi32, #tpu.memory_space<hbm>> -> memref<128xi32, #tpu.memory_space<hbm>>
          %dma_start3A_505 = arith.constant 0 : i32
          %dma_start3A_506 = tpu.memref_slice %arg8[%dma_start3A_498, %dma_start3A_505] : memref<4x128xi32, #tpu.memory_space<vmem>> -> memref<1x128xi32, #tpu.memory_space<vmem>>
          %dma_start3A_507 = tpu.memref_squeeze %dma_start3A_506 : memref<1x128xi32, #tpu.memory_space<vmem>> -> memref<128xi32, #tpu.memory_space<vmem>>
          %dma_start3A_508 = arith.constant 0 : i32
          %dma_start3A_509 = tpu.memref_slice %arg3[%add3A_497, %dma_start3A_508] : memref<2500x128xi32, #tpu.memory_space<hbm>> -> memref<1x128xi32, #tpu.memory_space<hbm>>
          %dma_start3A_510 = tpu.memref_squeeze %dma_start3A_509 : memref<1x128xi32, #tpu.memory_space<hbm>> -> memref<128xi32, #tpu.memory_space<hbm>>
          tpu.enqueue_dma source(%dma_start3A_510 : memref<128xi32, #tpu.memory_space<hbm>>) target(%dma_start3A_507 : memref<128xi32, #tpu.memory_space<vmem>>) target_semaphore(%arg23 : memref<!tpu.dma_semaphore, #tpu.memory_space<semaphore_mem>>)
          %mul3A_511 = arith.constant 128 : i32
          %mul3A_512 = arith.muli %add3A_480, %mul3A_511 : i32
          %add3A_513 = arith.addi %add3A_27, %mul3A_512 : i32
          %dma_start3A_514 = tpu.memref_slice %arg4[%add3A_513] : memref<320016xi32, #tpu.memory_space<hbm>> -> memref<144xi32, #tpu.memory_space<hbm>>
          %dma_start3A_515 = tpu.memref_slice %arg4[%add3A_513] : memref<320016xi32, #tpu.memory_space<hbm>> -> memref<144xi32, #tpu.memory_space<hbm>>
          tpu.enqueue_dma source(%dma_start3A_515 : memref<144xi32, #tpu.memory_space<hbm>>) target(%arg12 : memref<144xi32, #tpu.memory_space<vmem>>) target_semaphore(%arg27 : memref<!tpu.dma_semaphore, #tpu.memory_space<semaphore_mem>>)
        } else {
        }
        %dma_wait3A = arith.constant 1 : i32
        %dma_wait3A_305 = arith.constant 0 : i32
        %dma_wait3A_306 = arith.constant 0 : i32
        %dma_wait3A_307 = tpu.memref_slice %arg7[%dma_wait3A, %dma_wait3A_305, %dma_wait3A_306] : memref<4x128x128xf32, #tpu.memory_space<vmem>> -> memref<1x128x128xf32, #tpu.memory_space<vmem>>
        %dma_wait3A_308 = tpu.memref_squeeze %dma_wait3A_307 : memref<1x128x128xf32, #tpu.memory_space<vmem>> -> memref<128x128xf32, #tpu.memory_space<vmem>>
        %dma_wait3A_309 = arith.constant 0 : i32
        %dma_wait3A_310 = arith.constant 0 : i32
        %dma_wait3A_311 = tpu.memref_slice %arg2[%dma_wait3A_309, %dma_wait3A_310] : memref<320000x128xf32, #tpu.memory_space<hbm>> -> memref<128x128xf32, #tpu.memory_space<hbm>>
        %dma_wait3A_312 = arith.constant 0 : i32
        %dma_wait3A_313 = arith.constant 0 : i32
        %dma_wait3A_314 = tpu.memref_slice %arg7[%dma_wait3A, %dma_wait3A_312, %dma_wait3A_313] : memref<4x128x128xf32, #tpu.memory_space<vmem>> -> memref<1x128x128xf32, #tpu.memory_space<vmem>>
        %dma_wait3A_315 = tpu.memref_squeeze %dma_wait3A_314 : memref<1x128x128xf32, #tpu.memory_space<vmem>> -> memref<128x128xf32, #tpu.memory_space<vmem>>
        %dma_wait3A_316 = arith.constant 0 : i32
        %dma_wait3A_317 = arith.constant 0 : i32
        %dma_wait3A_318 = tpu.memref_slice %arg2[%dma_wait3A_316, %dma_wait3A_317] : memref<320000x128xf32, #tpu.memory_space<hbm>> -> memref<128x128xf32, #tpu.memory_space<hbm>>
        tpu.wait_dma2 semaphore(%arg17 : memref<!tpu.dma_semaphore, #tpu.memory_space<semaphore_mem>>) src(%dma_wait3A_318 : memref<128x128xf32, #tpu.memory_space<hbm>>) dst(%dma_wait3A_315 : memref<128x128xf32, #tpu.memory_space<vmem>>)
        %dma_wait3A_319 = arith.constant 0 : i32
        %dma_wait3A_320 = arith.constant 1 : i32
        %dma_wait3A_321 = arith.constant 0 : i32
        %dma_wait3A_322 = tpu.memref_slice %arg8[%dma_wait3A_320, %dma_wait3A_321] : memref<4x128xi32, #tpu.memory_space<vmem>> -> memref<1x128xi32, #tpu.memory_space<vmem>>
        %dma_wait3A_323 = tpu.memref_squeeze %dma_wait3A_322 : memref<1x128xi32, #tpu.memory_space<vmem>> -> memref<128xi32, #tpu.memory_space<vmem>>
        %dma_wait3A_324 = arith.constant 0 : i32
        %dma_wait3A_325 = tpu.memref_slice %arg3[%dma_wait3A_319, %dma_wait3A_324] : memref<2500x128xi32, #tpu.memory_space<hbm>> -> memref<1x128xi32, #tpu.memory_space<hbm>>
        %dma_wait3A_326 = tpu.memref_squeeze %dma_wait3A_325 : memref<1x128xi32, #tpu.memory_space<hbm>> -> memref<128xi32, #tpu.memory_space<hbm>>
        %dma_wait3A_327 = arith.constant 0 : i32
        %dma_wait3A_328 = tpu.memref_slice %arg8[%dma_wait3A_320, %dma_wait3A_327] : memref<4x128xi32, #tpu.memory_space<vmem>> -> memref<1x128xi32, #tpu.memory_space<vmem>>
        %dma_wait3A_329 = tpu.memref_squeeze %dma_wait3A_328 : memref<1x128xi32, #tpu.memory_space<vmem>> -> memref<128xi32, #tpu.memory_space<vmem>>
        %dma_wait3A_330 = arith.constant 0 : i32
        %dma_wait3A_331 = tpu.memref_slice %arg3[%dma_wait3A_319, %dma_wait3A_330] : memref<2500x128xi32, #tpu.memory_space<hbm>> -> memref<1x128xi32, #tpu.memory_space<hbm>>
        %dma_wait3A_332 = tpu.memref_squeeze %dma_wait3A_331 : memref<1x128xi32, #tpu.memory_space<hbm>> -> memref<128xi32, #tpu.memory_space<hbm>>
        tpu.wait_dma2 semaphore(%arg21 : memref<!tpu.dma_semaphore, #tpu.memory_space<semaphore_mem>>) src(%dma_wait3A_332 : memref<128xi32, #tpu.memory_space<hbm>>) dst(%dma_wait3A_329 : memref<128xi32, #tpu.memory_space<vmem>>)
        %dma_wait3A_333 = arith.constant 0 : i32
        %dma_wait3A_334 = tpu.memref_slice %arg4[%dma_wait3A_333] : memref<320016xi32, #tpu.memory_space<hbm>> -> memref<144xi32, #tpu.memory_space<hbm>>
        %dma_wait3A_335 = arith.constant 0 : i32
        %dma_wait3A_336 = tpu.memref_slice %arg4[%dma_wait3A_335] : memref<320016xi32, #tpu.memory_space<hbm>> -> memref<144xi32, #tpu.memory_space<hbm>>
        tpu.wait_dma2 semaphore(%arg25 : memref<!tpu.dma_semaphore, #tpu.memory_space<semaphore_mem>>) src(%dma_wait3A_336 : memref<144xi32, #tpu.memory_space<hbm>>) dst(%arg10 : memref<144xi32, #tpu.memory_space<vmem>>)
        %dma_start3A_337 = arith.constant 1 : i32
        %dma_start3A_338 = arith.constant 1 : i32
        %dma_start3A_339 = arith.constant 0 : i32
        %dma_start3A_340 = arith.constant 0 : i32
        %dma_start3A_341 = tpu.memref_slice %arg7[%dma_start3A_337, %dma_start3A_339, %dma_start3A_340] : memref<4x128x128xf32, #tpu.memory_space<vmem>> -> memref<1x128x128xf32, #tpu.memory_space<vmem>>
        %dma_start3A_342 = tpu.memref_squeeze %dma_start3A_341 : memref<1x128x128xf32, #tpu.memory_space<vmem>> -> memref<128x128xf32, #tpu.memory_space<vmem>>
        %dma_start3A_343 = arith.constant 0 : i32
        %dma_start3A_344 = tpu.memref_slice %arg8[%dma_start3A_338, %dma_start3A_343] : memref<4x128xi32, #tpu.memory_space<vmem>> -> memref<1x128xi32, #tpu.memory_space<vmem>>
        %dma_start3A_345 = tpu.memref_squeeze %dma_start3A_344 : memref<1x128xi32, #tpu.memory_space<vmem>> -> memref<128xi32, #tpu.memory_space<vmem>>
        %dma_start3A_346 = arith.constant 0 : i32
        %dma_start3A_347 = arith.constant 0 : i32
        %dma_start3A_348 = tpu.memref_slice %arg32[%dma_start3A_346, %dma_start3A_347] : memref<4096x128xf32, #tpu.memory_space<vmem_shared>> -> memref<4096x128xf32, #tpu.memory_space<vmem_shared>>
        tpu.enqueue_indirect_dma source(%dma_start3A_342 : memref<128x128xf32, #tpu.memory_space<vmem>>) target(%dma_start3A_348 : memref<4096x128xf32, #tpu.memory_space<vmem_shared>>) offsets(%dma_start3A_345 : memref<128xi32, #tpu.memory_space<vmem>>) semaphore(%arg29 : memref<!tpu.dma_semaphore, #tpu.memory_space<semaphore_mem>>) {add = true}
        %mul3A_349 = arith.constant 128 : i32
        %mul3A_350 = arith.muli %while3A_210, %mul3A_349 : i32
        %add3A_351 = arith.addi %add3A_27, %mul3A_350 : i32
        %get3A = arith.constant 8 : index
        %get3A_352 = tpu.vector_load %arg10[%get3A] {strides = array<i32>} : memref<144xi32, #tpu.memory_space<vmem>>, vector<16xi32>,
        %get3A_353 = arith.constant 7 : index
        %get3A_354 = tpu.vector_load %arg10[%get3A_353] {strides = array<i32>} : memref<144xi32, #tpu.memory_space<vmem>>, vector<16xi32>,
        %get3A_355 = arith.constant 9 : index
        %get3A_356 = tpu.vector_load %arg10[%get3A_355] {strides = array<i32>} : memref<144xi32, #tpu.memory_space<vmem>>, vector<16xi32>,
        %add3A_357 = arith.constant 0 : i32
        %add3A_358 = arith.addi %add3A_351, %add3A_357 : i32
        %add3A_359 = vector.broadcast %add3A_358 : i32 to vector<16xi32>
        %add3A_360 = arith.addi %iota3A, %add3A_359 : vector<16xi32>
        %convert_element_type3A_361 = arith.sitofp %add3A_360 : vector<16xi32> to vector<16xf32>
        %ne3A_362 = arith.cmpi ne, %get3A_352, %get3A_354 : vector<16xi32>
        tpu.vector_store_idx %arg13[%get3A_352], %convert_element_type3A_361 masked %ne3A_362 : memref<4096xf32, #tpu.memory_space<vmem>>[vector<16xi32>], vector<16xf32>, vector<16xi1>
        %add3A_363 = arith.constant 1.000000e+00 : f32
        %add3A_364 = vector.broadcast %add3A_363 : f32 to vector<16xf32>
        %add3A_365 = arith.addf %convert_element_type3A_361, %add3A_364 : vector<16xf32>
        %ne3A_366 = arith.cmpi ne, %get3A_352, %get3A_356 : vector<16xi32>
        tpu.vector_store_idx %arg14[%get3A_352], %add3A_365 masked %ne3A_366 : memref<4096xf32, #tpu.memory_space<vmem>>[vector<16xi32>], vector<16xf32>, vector<16xi1>
        %get3A_367 = arith.constant 24 : index
        %get3A_368 = tpu.vector_load %arg10[%get3A_367] {strides = array<i32>} : memref<144xi32, #tpu.memory_space<vmem>>, vector<16xi32>,
        %get3A_369 = arith.constant 23 : index
        %get3A_370 = tpu.vector_load %arg10[%get3A_369] {strides = array<i32>} : memref<144xi32, #tpu.memory_space<vmem>>, vector<16xi32>,
        %get3A_371 = arith.constant 25 : index
        %get3A_372 = tpu.vector_load %arg10[%get3A_371] {strides = array<i32>} : memref<144xi32, #tpu.memory_space<vmem>>, vector<16xi32>,
        %add3A_373 = arith.constant 16 : i32
        %add3A_374 = arith.addi %add3A_351, %add3A_373 : i32
        %add3A_375 = vector.broadcast %add3A_374 : i32 to vector<16xi32>
        %add3A_376 = arith.addi %iota3A, %add3A_375 : vector<16xi32>
        %convert_element_type3A_377 = arith.sitofp %add3A_376 : vector<16xi32> to vector<16xf32>
        %ne3A_378 = arith.cmpi ne, %get3A_368, %get3A_370 : vector<16xi32>
        tpu.vector_store_idx %arg13[%get3A_368], %convert_element_type3A_377 masked %ne3A_378 : memref<4096xf32, #tpu.memory_space<vmem>>[vector<16xi32>], vector<16xf32>, vector<16xi1>
        %add3A_379 = arith.constant 1.000000e+00 : f32
        %add3A_380 = vector.broadcast %add3A_379 : f32 to vector<16xf32>
        %add3A_381 = arith.addf %convert_element_type3A_377, %add3A_380 : vector<16xf32>
        %ne3A_382 = arith.cmpi ne, %get3A_368, %get3A_372 : vector<16xi32>
        tpu.vector_store_idx %arg14[%get3A_368], %add3A_381 masked %ne3A_382 : memref<4096xf32, #tpu.memory_space<vmem>>[vector<16xi32>], vector<16xf32>, vector<16xi1>
        %get3A_383 = arith.constant 40 : index
        %get3A_384 = tpu.vector_load %arg10[%get3A_383] {strides = array<i32>} : memref<144xi32, #tpu.memory_space<vmem>>, vector<16xi32>,
        %get3A_385 = arith.constant 39 : index
        %get3A_386 = tpu.vector_load %arg10[%get3A_385] {strides = array<i32>} : memref<144xi32, #tpu.memory_space<vmem>>, vector<16xi32>,
        %get3A_387 = arith.constant 41 : index
        %get3A_388 = tpu.vector_load %arg10[%get3A_387] {strides = array<i32>} : memref<144xi32, #tpu.memory_space<vmem>>, vector<16xi32>,
        %add3A_389 = arith.constant 32 : i32
        %add3A_390 = arith.addi %add3A_351, %add3A_389 : i32
        %add3A_391 = vector.broadcast %add3A_390 : i32 to vector<16xi32>
        %add3A_392 = arith.addi %iota3A, %add3A_391 : vector<16xi32>
        %convert_element_type3A_393 = arith.sitofp %add3A_392 : vector<16xi32> to vector<16xf32>
        %ne3A_394 = arith.cmpi ne, %get3A_384, %get3A_386 : vector<16xi32>
        tpu.vector_store_idx %arg13[%get3A_384], %convert_element_type3A_393 masked %ne3A_394 : memref<4096xf32, #tpu.memory_space<vmem>>[vector<16xi32>], vector<16xf32>, vector<16xi1>
        %add3A_395 = arith.constant 1.000000e+00 : f32
        %add3A_396 = vector.broadcast %add3A_395 : f32 to vector<16xf32>
        %add3A_397 = arith.addf %convert_element_type3A_393, %add3A_396 : vector<16xf32>
        %ne3A_398 = arith.cmpi ne, %get3A_384, %get3A_388 : vector<16xi32>
        tpu.vector_store_idx %arg14[%get3A_384], %add3A_397 masked %ne3A_398 : memref<4096xf32, #tpu.memory_space<vmem>>[vector<16xi32>], vector<16xf32>, vector<16xi1>
        %get3A_399 = arith.constant 56 : index
        %get3A_400 = tpu.vector_load %arg10[%get3A_399] {strides = array<i32>} : memref<144xi32, #tpu.memory_space<vmem>>, vector<16xi32>,
        %get3A_401 = arith.constant 55 : index
        %get3A_402 = tpu.vector_load %arg10[%get3A_401] {strides = array<i32>} : memref<144xi32, #tpu.memory_space<vmem>>, vector<16xi32>,
        %get3A_403 = arith.constant 57 : index
        %get3A_404 = tpu.vector_load %arg10[%get3A_403] {strides = array<i32>} : memref<144xi32, #tpu.memory_space<vmem>>, vector<16xi32>,
        %add3A_405 = arith.constant 48 : i32
        %add3A_406 = arith.addi %add3A_351, %add3A_405 : i32
        %add3A_407 = vector.broadcast %add3A_406 : i32 to vector<16xi32>
        %add3A_408 = arith.addi %iota3A, %add3A_407 : vector<16xi32>
        %convert_element_type3A_409 = arith.sitofp %add3A_408 : vector<16xi32> to vector<16xf32>
        %ne3A_410 = arith.cmpi ne, %get3A_400, %get3A_402 : vector<16xi32>
        tpu.vector_store_idx %arg13[%get3A_400], %convert_element_type3A_409 masked %ne3A_410 : memref<4096xf32, #tpu.memory_space<vmem>>[vector<16xi32>], vector<16xf32>, vector<16xi1>
        %add3A_411 = arith.constant 1.000000e+00 : f32
        %add3A_412 = vector.broadcast %add3A_411 : f32 to vector<16xf32>
        %add3A_413 = arith.addf %convert_element_type3A_409, %add3A_412 : vector<16xf32>
        %ne3A_414 = arith.cmpi ne, %get3A_400, %get3A_404 : vector<16xi32>
        tpu.vector_store_idx %arg14[%get3A_400], %add3A_413 masked %ne3A_414 : memref<4096xf32, #tpu.memory_space<vmem>>[vector<16xi32>], vector<16xf32>, vector<16xi1>
        %get3A_415 = arith.constant 72 : index
        %get3A_416 = tpu.vector_load %arg10[%get3A_415] {strides = array<i32>} : memref<144xi32, #tpu.memory_space<vmem>>, vector<16xi32>,
        %get3A_417 = arith.constant 71 : index
        %get3A_418 = tpu.vector_load %arg10[%get3A_417] {strides = array<i32>} : memref<144xi32, #tpu.memory_space<vmem>>, vector<16xi32>,
        %get3A_419 = arith.constant 73 : index
        %get3A_420 = tpu.vector_load %arg10[%get3A_419] {strides = array<i32>} : memref<144xi32, #tpu.memory_space<vmem>>, vector<16xi32>,
        %add3A_421 = arith.constant 64 : i32
        %add3A_422 = arith.addi %add3A_351, %add3A_421 : i32
        %add3A_423 = vector.broadcast %add3A_422 : i32 to vector<16xi32>
        %add3A_424 = arith.addi %iota3A, %add3A_423 : vector<16xi32>
        %convert_element_type3A_425 = arith.sitofp %add3A_424 : vector<16xi32> to vector<16xf32>
        %ne3A_426 = arith.cmpi ne, %get3A_416, %get3A_418 : vector<16xi32>
        tpu.vector_store_idx %arg13[%get3A_416], %convert_element_type3A_425 masked %ne3A_426 : memref<4096xf32, #tpu.memory_space<vmem>>[vector<16xi32>], vector<16xf32>, vector<16xi1>
        %add3A_427 = arith.constant 1.000000e+00 : f32
        %add3A_428 = vector.broadcast %add3A_427 : f32 to vector<16xf32>
        %add3A_429 = arith.addf %convert_element_type3A_425, %add3A_428 : vector<16xf32>
        %ne3A_430 = arith.cmpi ne, %get3A_416, %get3A_420 : vector<16xi32>
        tpu.vector_store_idx %arg14[%get3A_416], %add3A_429 masked %ne3A_430 : memref<4096xf32, #tpu.memory_space<vmem>>[vector<16xi32>], vector<16xf32>, vector<16xi1>
        %get3A_431 = arith.constant 88 : index
        %get3A_432 = tpu.vector_load %arg10[%get3A_431] {strides = array<i32>} : memref<144xi32, #tpu.memory_space<vmem>>, vector<16xi32>,
        %get3A_433 = arith.constant 87 : index
        %get3A_434 = tpu.vector_load %arg10[%get3A_433] {strides = array<i32>} : memref<144xi32, #tpu.memory_space<vmem>>, vector<16xi32>,
        %get3A_435 = arith.constant 89 : index
        %get3A_436 = tpu.vector_load %arg10[%get3A_435] {strides = array<i32>} : memref<144xi32, #tpu.memory_space<vmem>>, vector<16xi32>,
        %add3A_437 = arith.constant 80 : i32
        %add3A_438 = arith.addi %add3A_351, %add3A_437 : i32
        %add3A_439 = vector.broadcast %add3A_438 : i32 to vector<16xi32>
        %add3A_440 = arith.addi %iota3A, %add3A_439 : vector<16xi32>
        %convert_element_type3A_441 = arith.sitofp %add3A_440 : vector<16xi32> to vector<16xf32>
        %ne3A_442 = arith.cmpi ne, %get3A_432, %get3A_434 : vector<16xi32>
        tpu.vector_store_idx %arg13[%get3A_432], %convert_element_type3A_441 masked %ne3A_442 : memref<4096xf32, #tpu.memory_space<vmem>>[vector<16xi32>], vector<16xf32>, vector<16xi1>
        %add3A_443 = arith.constant 1.000000e+00 : f32
        %add3A_444 = vector.broadcast %add3A_443 : f32 to vector<16xf32>
        %add3A_445 = arith.addf %convert_element_type3A_441, %add3A_444 : vector<16xf32>
        %ne3A_446 = arith.cmpi ne, %get3A_432, %get3A_436 : vector<16xi32>
        tpu.vector_store_idx %arg14[%get3A_432], %add3A_445 masked %ne3A_446 : memref<4096xf32, #tpu.memory_space<vmem>>[vector<16xi32>], vector<16xf32>, vector<16xi1>
        %get3A_447 = arith.constant 104 : index
        %get3A_448 = tpu.vector_load %arg10[%get3A_447] {strides = array<i32>} : memref<144xi32, #tpu.memory_space<vmem>>, vector<16xi32>,
        %get3A_449 = arith.constant 103 : index
        %get3A_450 = tpu.vector_load %arg10[%get3A_449] {strides = array<i32>} : memref<144xi32, #tpu.memory_space<vmem>>, vector<16xi32>,
        %get3A_451 = arith.constant 105 : index
        %get3A_452 = tpu.vector_load %arg10[%get3A_451] {strides = array<i32>} : memref<144xi32, #tpu.memory_space<vmem>>, vector<16xi32>,
        %add3A_453 = arith.constant 96 : i32
        %add3A_454 = arith.addi %add3A_351, %add3A_453 : i32
        %add3A_455 = vector.broadcast %add3A_454 : i32 to vector<16xi32>
        %add3A_456 = arith.addi %iota3A, %add3A_455 : vector<16xi32>
        %convert_element_type3A_457 = arith.sitofp %add3A_456 : vector<16xi32> to vector<16xf32>
        %ne3A_458 = arith.cmpi ne, %get3A_448, %get3A_450 : vector<16xi32>
        tpu.vector_store_idx %arg13[%get3A_448], %convert_element_type3A_457 masked %ne3A_458 : memref<4096xf32, #tpu.memory_space<vmem>>[vector<16xi32>], vector<16xf32>, vector<16xi1>
        %add3A_459 = arith.constant 1.000000e+00 : f32
        %add3A_460 = vector.broadcast %add3A_459 : f32 to vector<16xf32>
        %add3A_461 = arith.addf %convert_element_type3A_457, %add3A_460 : vector<16xf32>
        %ne3A_462 = arith.cmpi ne, %get3A_448, %get3A_452 : vector<16xi32>
        tpu.vector_store_idx %arg14[%get3A_448], %add3A_461 masked %ne3A_462 : memref<4096xf32, #tpu.memory_space<vmem>>[vector<16xi32>], vector<16xf32>, vector<16xi1>
        %get3A_463 = arith.constant 120 : index
        %get3A_464 = tpu.vector_load %arg10[%get3A_463] {strides = array<i32>} : memref<144xi32, #tpu.memory_space<vmem>>, vector<16xi32>,
        %get3A_465 = arith.constant 119 : index
        %get3A_466 = tpu.vector_load %arg10[%get3A_465] {strides = array<i32>} : memref<144xi32, #tpu.memory_space<vmem>>, vector<16xi32>,
        %get3A_467 = arith.constant 121 : index
        %get3A_468 = tpu.vector_load %arg10[%get3A_467] {strides = array<i32>} : memref<144xi32, #tpu.memory_space<vmem>>, vector<16xi32>,
        %add3A_469 = arith.constant 112 : i32
        %add3A_470 = arith.addi %add3A_351, %add3A_469 : i32
        %add3A_471 = vector.broadcast %add3A_470 : i32 to vector<16xi32>
        %add3A_472 = arith.addi %iota3A, %add3A_471 : vector<16xi32>
        %convert_element_type3A_473 = arith.sitofp %add3A_472 : vector<16xi32> to vector<16xf32>
        %ne3A_474 = arith.cmpi ne, %get3A_464, %get3A_466 : vector<16xi32>
        tpu.vector_store_idx %arg13[%get3A_464], %convert_element_type3A_473 masked %ne3A_474 : memref<4096xf32, #tpu.memory_space<vmem>>[vector<16xi32>], vector<16xf32>, vector<16xi1>
        %add3A_475 = arith.constant 1.000000e+00 : f32
        %add3A_476 = vector.broadcast %add3A_475 : f32 to vector<16xf32>
        %add3A_477 = arith.addf %convert_element_type3A_473, %add3A_476 : vector<16xf32>
        %ne3A_478 = arith.cmpi ne, %get3A_464, %get3A_468 : vector<16xi32>
        tpu.vector_store_idx %arg14[%get3A_464], %add3A_477 masked %ne3A_478 : memref<4096xf32, #tpu.memory_space<vmem>>[vector<16xi32>], vector<16xf32>, vector<16xi1>
      } else {
      }
      %jit3A_253 = arith.constant 4 : i32
      %eq3A_254 = arith.constant 0 : i32
      %eq3A_255 = arith.cmpi eq, %jit3A_253, %eq3A_254 : i32
      %jit3A_256 = arith.constant 1 : i32
      %select_n3A_257 = arith.select %eq3A_255, %jit3A_256, %jit3A_253 : i32
      %rem3A_258 = arith.remsi %while3A_210, %select_n3A_257 : i32
      %ne3A_259 = arith.constant 0 : i32
      %ne3A_260 = arith.cmpi ne, %rem3A_258, %ne3A_259 : i32
      %lt3A_261 = arith.constant 0 : i32
      %lt3A_262 = arith.cmpi slt, %rem3A_258, %lt3A_261 : i32
      %lt3A_263 = arith.constant 0 : i32
      %lt3A_264 = arith.cmpi slt, %select_n3A_257, %lt3A_263 : i32
      %ne3A_265 = arith.xori %lt3A_262, %lt3A_264 : i1
      %and3A_266 = arith.andi %ne3A_265, %ne3A_260 : i1
      %add3A_267 = arith.addi %rem3A_258, %select_n3A_257 : i32
      %select_n3A_268 = arith.select %and3A_266, %add3A_267, %rem3A_258 : i32
      %eq3A_269 = arith.constant 2 : i32
      %eq3A_270 = arith.cmpi eq, %select_n3A_268, %eq3A_269 : i32
      %convert_element_type3A_271 = arith.extui %eq3A_270 : i1 to i32
      %cond3A_272 = arith.constant 0 : i32
      %cond3A_273 = arith.cmpi ne, %convert_element_type3A_271, %cond3A_272 : i32
      scf.if %cond3A_273 {
        %ge3A = arith.constant 2 : i32
        %ge3A_295 = arith.cmpi sge, %while3A_210, %ge3A : i32
        %convert_element_type3A_296 = arith.extui %ge3A_295 : i1 to i32
        %cond3A_297 = arith.constant 0 : i32
        %cond3A_298 = arith.cmpi ne, %convert_element_type3A_296, %cond3A_297 : i32
        scf.if %cond3A_298 {
          %dma_wait3A_479 = arith.constant 0 : i32
          %dma_wait3A_480 = arith.constant 0 : i32
          %dma_wait3A_481 = arith.constant 0 : i32
          %dma_wait3A_482 = arith.constant 0 : i32
          %dma_wait3A_483 = tpu.memref_slice %arg7[%dma_wait3A_479, %dma_wait3A_481, %dma_wait3A_482] : memref<4x128x128xf32, #tpu.memory_space<vmem>> -> memref<1x128x128xf32, #tpu.memory_space<vmem>>
          %dma_wait3A_484 = tpu.memref_squeeze %dma_wait3A_483 : memref<1x128x128xf32, #tpu.memory_space<vmem>> -> memref<128x128xf32, #tpu.memory_space<vmem>>
          %dma_wait3A_485 = arith.constant 0 : i32
          %dma_wait3A_486 = tpu.memref_slice %arg8[%dma_wait3A_480, %dma_wait3A_485] : memref<4x128xi32, #tpu.memory_space<vmem>> -> memref<1x128xi32, #tpu.memory_space<vmem>>
          %dma_wait3A_487 = tpu.memref_squeeze %dma_wait3A_486 : memref<1x128xi32, #tpu.memory_space<vmem>> -> memref<128xi32, #tpu.memory_space<vmem>>
          %dma_wait3A_488 = arith.constant 0 : i32
          %dma_wait3A_489 = arith.constant 0 : i32
          %dma_wait3A_490 = tpu.memref_slice %arg32[%dma_wait3A_488, %dma_wait3A_489] : memref<4096x128xf32, #tpu.memory_space<vmem_shared>> -> memref<4096x128xf32, #tpu.memory_space<vmem_shared>>
          tpu.wait_indirect_dma semaphore(%arg28 : memref<!tpu.dma_semaphore, #tpu.memory_space<semaphore_mem>>) src(%dma_wait3A_484 : memref<128x128xf32, #tpu.memory_space<vmem>>) dst(%dma_wait3A_490 : memref<4096x128xf32, #tpu.memory_space<vmem_shared>>)
        } else {
        }
        %add3A_299 = arith.constant 2 : i32
        %add3A_300 = arith.addi %while3A_210, %add3A_299 : i32
        %lt3A_301 = arith.cmpi slt, %add3A_300, %add3A_49 : i32
        %convert_element_type3A_302 = arith.extui %lt3A_301 : i1 to i32
        %cond3A_303 = arith.constant 0 : i32
        %cond3A_304 = arith.cmpi ne, %convert_element_type3A_302, %cond3A_303 : i32
        scf.if %cond3A_304 {
          %add3A_479 = arith.constant 2 : i32
          %add3A_480 = arith.addi %while3A_210, %add3A_479 : i32
          %mul3A_481 = arith.constant 128 : i32
          %mul3A_482 = arith.muli %add3A_480, %mul3A_481 : i32
          %add3A_483 = arith.addi %add3A_27, %mul3A_482 : i32
          %dma_start3A_484 = arith.constant 0 : i32
          %dma_start3A_485 = arith.constant 0 : i32
          %dma_start3A_486 = arith.constant 0 : i32
          %dma_start3A_487 = tpu.memref_slice %arg7[%dma_start3A_484, %dma_start3A_485, %dma_start3A_486] : memref<4x128x128xf32, #tpu.memory_space<vmem>> -> memref<1x128x128xf32, #tpu.memory_space<vmem>>
          %dma_start3A_488 = tpu.memref_squeeze %dma_start3A_487 : memref<1x128x128xf32, #tpu.memory_space<vmem>> -> memref<128x128xf32, #tpu.memory_space<vmem>>
          %dma_start3A_489 = arith.constant 0 : i32
          %dma_start3A_490 = tpu.memref_slice %arg2[%add3A_483, %dma_start3A_489] : memref<320000x128xf32, #tpu.memory_space<hbm>> -> memref<128x128xf32, #tpu.memory_space<hbm>>
          %dma_start3A_491 = arith.constant 0 : i32
          %dma_start3A_492 = arith.constant 0 : i32
          %dma_start3A_493 = tpu.memref_slice %arg7[%dma_start3A_484, %dma_start3A_491, %dma_start3A_492] : memref<4x128x128xf32, #tpu.memory_space<vmem>> -> memref<1x128x128xf32, #tpu.memory_space<vmem>>
          %dma_start3A_494 = tpu.memref_squeeze %dma_start3A_493 : memref<1x128x128xf32, #tpu.memory_space<vmem>> -> memref<128x128xf32, #tpu.memory_space<vmem>>
          %dma_start3A_495 = arith.constant 0 : i32
          %dma_start3A_496 = tpu.memref_slice %arg2[%add3A_483, %dma_start3A_495] : memref<320000x128xf32, #tpu.memory_space<hbm>> -> memref<128x128xf32, #tpu.memory_space<hbm>>
          tpu.enqueue_dma source(%dma_start3A_496 : memref<128x128xf32, #tpu.memory_space<hbm>>) target(%dma_start3A_494 : memref<128x128xf32, #tpu.memory_space<vmem>>) target_semaphore(%arg16 : memref<!tpu.dma_semaphore, #tpu.memory_space<semaphore_mem>>)
          %add3A_497 = arith.addi %select_n3A, %add3A_480 : i32
          %dma_start3A_498 = arith.constant 0 : i32
          %dma_start3A_499 = arith.constant 0 : i32
          %dma_start3A_500 = tpu.memref_slice %arg8[%dma_start3A_498, %dma_start3A_499] : memref<4x128xi32, #tpu.memory_space<vmem>> -> memref<1x128xi32, #tpu.memory_space<vmem>>
          %dma_start3A_501 = tpu.memref_squeeze %dma_start3A_500 : memref<1x128xi32, #tpu.memory_space<vmem>> -> memref<128xi32, #tpu.memory_space<vmem>>
          %dma_start3A_502 = arith.constant 0 : i32
          %dma_start3A_503 = tpu.memref_slice %arg3[%add3A_497, %dma_start3A_502] : memref<2500x128xi32, #tpu.memory_space<hbm>> -> memref<1x128xi32, #tpu.memory_space<hbm>>
          %dma_start3A_504 = tpu.memref_squeeze %dma_start3A_503 : memref<1x128xi32, #tpu.memory_space<hbm>> -> memref<128xi32, #tpu.memory_space<hbm>>
          %dma_start3A_505 = arith.constant 0 : i32
          %dma_start3A_506 = tpu.memref_slice %arg8[%dma_start3A_498, %dma_start3A_505] : memref<4x128xi32, #tpu.memory_space<vmem>> -> memref<1x128xi32, #tpu.memory_space<vmem>>
          %dma_start3A_507 = tpu.memref_squeeze %dma_start3A_506 : memref<1x128xi32, #tpu.memory_space<vmem>> -> memref<128xi32, #tpu.memory_space<vmem>>
          %dma_start3A_508 = arith.constant 0 : i32
          %dma_start3A_509 = tpu.memref_slice %arg3[%add3A_497, %dma_start3A_508] : memref<2500x128xi32, #tpu.memory_space<hbm>> -> memref<1x128xi32, #tpu.memory_space<hbm>>
          %dma_start3A_510 = tpu.memref_squeeze %dma_start3A_509 : memref<1x128xi32, #tpu.memory_space<hbm>> -> memref<128xi32, #tpu.memory_space<hbm>>
          tpu.enqueue_dma source(%dma_start3A_510 : memref<128xi32, #tpu.memory_space<hbm>>) target(%dma_start3A_507 : memref<128xi32, #tpu.memory_space<vmem>>) target_semaphore(%arg20 : memref<!tpu.dma_semaphore, #tpu.memory_space<semaphore_mem>>)
          %mul3A_511 = arith.constant 128 : i32
          %mul3A_512 = arith.muli %add3A_480, %mul3A_511 : i32
          %add3A_513 = arith.addi %add3A_27, %mul3A_512 : i32
          %dma_start3A_514 = tpu.memref_slice %arg4[%add3A_513] : memref<320016xi32, #tpu.memory_space<hbm>> -> memref<144xi32, #tpu.memory_space<hbm>>
          %dma_start3A_515 = tpu.memref_slice %arg4[%add3A_513] : memref<320016xi32, #tpu.memory_space<hbm>> -> memref<144xi32, #tpu.memory_space<hbm>>
          tpu.enqueue_dma source(%dma_start3A_515 : memref<144xi32, #tpu.memory_space<hbm>>) target(%arg9 : memref<144xi32, #tpu.memory_space<vmem>>) target_semaphore(%arg24 : memref<!tpu.dma_semaphore, #tpu.memory_space<semaphore_mem>>)
        } else {
        }
        %dma_wait3A = arith.constant 2 : i32
        %dma_wait3A_305 = arith.constant 0 : i32
        %dma_wait3A_306 = arith.constant 0 : i32
        %dma_wait3A_307 = tpu.memref_slice %arg7[%dma_wait3A, %dma_wait3A_305, %dma_wait3A_306] : memref<4x128x128xf32, #tpu.memory_space<vmem>> -> memref<1x128x128xf32, #tpu.memory_space<vmem>>
        %dma_wait3A_308 = tpu.memref_squeeze %dma_wait3A_307 : memref<1x128x128xf32, #tpu.memory_space<vmem>> -> memref<128x128xf32, #tpu.memory_space<vmem>>
        %dma_wait3A_309 = arith.constant 0 : i32
        %dma_wait3A_310 = arith.constant 0 : i32
        %dma_wait3A_311 = tpu.memref_slice %arg2[%dma_wait3A_309, %dma_wait3A_310] : memref<320000x128xf32, #tpu.memory_space<hbm>> -> memref<128x128xf32, #tpu.memory_space<hbm>>
        %dma_wait3A_312 = arith.constant 0 : i32
        %dma_wait3A_313 = arith.constant 0 : i32
        %dma_wait3A_314 = tpu.memref_slice %arg7[%dma_wait3A, %dma_wait3A_312, %dma_wait3A_313] : memref<4x128x128xf32, #tpu.memory_space<vmem>> -> memref<1x128x128xf32, #tpu.memory_space<vmem>>
        %dma_wait3A_315 = tpu.memref_squeeze %dma_wait3A_314 : memref<1x128x128xf32, #tpu.memory_space<vmem>> -> memref<128x128xf32, #tpu.memory_space<vmem>>
        %dma_wait3A_316 = arith.constant 0 : i32
        %dma_wait3A_317 = arith.constant 0 : i32
        %dma_wait3A_318 = tpu.memref_slice %arg2[%dma_wait3A_316, %dma_wait3A_317] : memref<320000x128xf32, #tpu.memory_space<hbm>> -> memref<128x128xf32, #tpu.memory_space<hbm>>
        tpu.wait_dma2 semaphore(%arg18 : memref<!tpu.dma_semaphore, #tpu.memory_space<semaphore_mem>>) src(%dma_wait3A_318 : memref<128x128xf32, #tpu.memory_space<hbm>>) dst(%dma_wait3A_315 : memref<128x128xf32, #tpu.memory_space<vmem>>)
        %dma_wait3A_319 = arith.constant 0 : i32
        %dma_wait3A_320 = arith.constant 2 : i32
        %dma_wait3A_321 = arith.constant 0 : i32
        %dma_wait3A_322 = tpu.memref_slice %arg8[%dma_wait3A_320, %dma_wait3A_321] : memref<4x128xi32, #tpu.memory_space<vmem>> -> memref<1x128xi32, #tpu.memory_space<vmem>>
        %dma_wait3A_323 = tpu.memref_squeeze %dma_wait3A_322 : memref<1x128xi32, #tpu.memory_space<vmem>> -> memref<128xi32, #tpu.memory_space<vmem>>
        %dma_wait3A_324 = arith.constant 0 : i32
        %dma_wait3A_325 = tpu.memref_slice %arg3[%dma_wait3A_319, %dma_wait3A_324] : memref<2500x128xi32, #tpu.memory_space<hbm>> -> memref<1x128xi32, #tpu.memory_space<hbm>>
        %dma_wait3A_326 = tpu.memref_squeeze %dma_wait3A_325 : memref<1x128xi32, #tpu.memory_space<hbm>> -> memref<128xi32, #tpu.memory_space<hbm>>
        %dma_wait3A_327 = arith.constant 0 : i32
        %dma_wait3A_328 = tpu.memref_slice %arg8[%dma_wait3A_320, %dma_wait3A_327] : memref<4x128xi32, #tpu.memory_space<vmem>> -> memref<1x128xi32, #tpu.memory_space<vmem>>
        %dma_wait3A_329 = tpu.memref_squeeze %dma_wait3A_328 : memref<1x128xi32, #tpu.memory_space<vmem>> -> memref<128xi32, #tpu.memory_space<vmem>>
        %dma_wait3A_330 = arith.constant 0 : i32
        %dma_wait3A_331 = tpu.memref_slice %arg3[%dma_wait3A_319, %dma_wait3A_330] : memref<2500x128xi32, #tpu.memory_space<hbm>> -> memref<1x128xi32, #tpu.memory_space<hbm>>
        %dma_wait3A_332 = tpu.memref_squeeze %dma_wait3A_331 : memref<1x128xi32, #tpu.memory_space<hbm>> -> memref<128xi32, #tpu.memory_space<hbm>>
        tpu.wait_dma2 semaphore(%arg22 : memref<!tpu.dma_semaphore, #tpu.memory_space<semaphore_mem>>) src(%dma_wait3A_332 : memref<128xi32, #tpu.memory_space<hbm>>) dst(%dma_wait3A_329 : memref<128xi32, #tpu.memory_space<vmem>>)
        %dma_wait3A_333 = arith.constant 0 : i32
        %dma_wait3A_334 = tpu.memref_slice %arg4[%dma_wait3A_333] : memref<320016xi32, #tpu.memory_space<hbm>> -> memref<144xi32, #tpu.memory_space<hbm>>
        %dma_wait3A_335 = arith.constant 0 : i32
        %dma_wait3A_336 = tpu.memref_slice %arg4[%dma_wait3A_335] : memref<320016xi32, #tpu.memory_space<hbm>> -> memref<144xi32, #tpu.memory_space<hbm>>
        tpu.wait_dma2 semaphore(%arg26 : memref<!tpu.dma_semaphore, #tpu.memory_space<semaphore_mem>>) src(%dma_wait3A_336 : memref<144xi32, #tpu.memory_space<hbm>>) dst(%arg11 : memref<144xi32, #tpu.memory_space<vmem>>)
        %dma_start3A_337 = arith.constant 2 : i32
        %dma_start3A_338 = arith.constant 2 : i32
        %dma_start3A_339 = arith.constant 0 : i32
        %dma_start3A_340 = arith.constant 0 : i32
        %dma_start3A_341 = tpu.memref_slice %arg7[%dma_start3A_337, %dma_start3A_339, %dma_start3A_340] : memref<4x128x128xf32, #tpu.memory_space<vmem>> -> memref<1x128x128xf32, #tpu.memory_space<vmem>>
        %dma_start3A_342 = tpu.memref_squeeze %dma_start3A_341 : memref<1x128x128xf32, #tpu.memory_space<vmem>> -> memref<128x128xf32, #tpu.memory_space<vmem>>
        %dma_start3A_343 = arith.constant 0 : i32
        %dma_start3A_344 = tpu.memref_slice %arg8[%dma_start3A_338, %dma_start3A_343] : memref<4x128xi32, #tpu.memory_space<vmem>> -> memref<1x128xi32, #tpu.memory_space<vmem>>
        %dma_start3A_345 = tpu.memref_squeeze %dma_start3A_344 : memref<1x128xi32, #tpu.memory_space<vmem>> -> memref<128xi32, #tpu.memory_space<vmem>>
        %dma_start3A_346 = arith.constant 0 : i32
        %dma_start3A_347 = arith.constant 0 : i32
        %dma_start3A_348 = tpu.memref_slice %arg32[%dma_start3A_346, %dma_start3A_347] : memref<4096x128xf32, #tpu.memory_space<vmem_shared>> -> memref<4096x128xf32, #tpu.memory_space<vmem_shared>>
        tpu.enqueue_indirect_dma source(%dma_start3A_342 : memref<128x128xf32, #tpu.memory_space<vmem>>) target(%dma_start3A_348 : memref<4096x128xf32, #tpu.memory_space<vmem_shared>>) offsets(%dma_start3A_345 : memref<128xi32, #tpu.memory_space<vmem>>) semaphore(%arg30 : memref<!tpu.dma_semaphore, #tpu.memory_space<semaphore_mem>>) {add = true}
        %mul3A_349 = arith.constant 128 : i32
        %mul3A_350 = arith.muli %while3A_210, %mul3A_349 : i32
        %add3A_351 = arith.addi %add3A_27, %mul3A_350 : i32
        %get3A = arith.constant 8 : index
        %get3A_352 = tpu.vector_load %arg11[%get3A] {strides = array<i32>} : memref<144xi32, #tpu.memory_space<vmem>>, vector<16xi32>,
        %get3A_353 = arith.constant 7 : index
        %get3A_354 = tpu.vector_load %arg11[%get3A_353] {strides = array<i32>} : memref<144xi32, #tpu.memory_space<vmem>>, vector<16xi32>,
        %get3A_355 = arith.constant 9 : index
        %get3A_356 = tpu.vector_load %arg11[%get3A_355] {strides = array<i32>} : memref<144xi32, #tpu.memory_space<vmem>>, vector<16xi32>,
        %add3A_357 = arith.constant 0 : i32
        %add3A_358 = arith.addi %add3A_351, %add3A_357 : i32
        %add3A_359 = vector.broadcast %add3A_358 : i32 to vector<16xi32>
        %add3A_360 = arith.addi %iota3A, %add3A_359 : vector<16xi32>
        %convert_element_type3A_361 = arith.sitofp %add3A_360 : vector<16xi32> to vector<16xf32>
        %ne3A_362 = arith.cmpi ne, %get3A_352, %get3A_354 : vector<16xi32>
        tpu.vector_store_idx %arg13[%get3A_352], %convert_element_type3A_361 masked %ne3A_362 : memref<4096xf32, #tpu.memory_space<vmem>>[vector<16xi32>], vector<16xf32>, vector<16xi1>
        %add3A_363 = arith.constant 1.000000e+00 : f32
        %add3A_364 = vector.broadcast %add3A_363 : f32 to vector<16xf32>
        %add3A_365 = arith.addf %convert_element_type3A_361, %add3A_364 : vector<16xf32>
        %ne3A_366 = arith.cmpi ne, %get3A_352, %get3A_356 : vector<16xi32>
        tpu.vector_store_idx %arg14[%get3A_352], %add3A_365 masked %ne3A_366 : memref<4096xf32, #tpu.memory_space<vmem>>[vector<16xi32>], vector<16xf32>, vector<16xi1>
        %get3A_367 = arith.constant 24 : index
        %get3A_368 = tpu.vector_load %arg11[%get3A_367] {strides = array<i32>} : memref<144xi32, #tpu.memory_space<vmem>>, vector<16xi32>,
        %get3A_369 = arith.constant 23 : index
        %get3A_370 = tpu.vector_load %arg11[%get3A_369] {strides = array<i32>} : memref<144xi32, #tpu.memory_space<vmem>>, vector<16xi32>,
        %get3A_371 = arith.constant 25 : index
        %get3A_372 = tpu.vector_load %arg11[%get3A_371] {strides = array<i32>} : memref<144xi32, #tpu.memory_space<vmem>>, vector<16xi32>,
        %add3A_373 = arith.constant 16 : i32
        %add3A_374 = arith.addi %add3A_351, %add3A_373 : i32
        %add3A_375 = vector.broadcast %add3A_374 : i32 to vector<16xi32>
        %add3A_376 = arith.addi %iota3A, %add3A_375 : vector<16xi32>
        %convert_element_type3A_377 = arith.sitofp %add3A_376 : vector<16xi32> to vector<16xf32>
        %ne3A_378 = arith.cmpi ne, %get3A_368, %get3A_370 : vector<16xi32>
        tpu.vector_store_idx %arg13[%get3A_368], %convert_element_type3A_377 masked %ne3A_378 : memref<4096xf32, #tpu.memory_space<vmem>>[vector<16xi32>], vector<16xf32>, vector<16xi1>
        %add3A_379 = arith.constant 1.000000e+00 : f32
        %add3A_380 = vector.broadcast %add3A_379 : f32 to vector<16xf32>
        %add3A_381 = arith.addf %convert_element_type3A_377, %add3A_380 : vector<16xf32>
        %ne3A_382 = arith.cmpi ne, %get3A_368, %get3A_372 : vector<16xi32>
        tpu.vector_store_idx %arg14[%get3A_368], %add3A_381 masked %ne3A_382 : memref<4096xf32, #tpu.memory_space<vmem>>[vector<16xi32>], vector<16xf32>, vector<16xi1>
        %get3A_383 = arith.constant 40 : index
        %get3A_384 = tpu.vector_load %arg11[%get3A_383] {strides = array<i32>} : memref<144xi32, #tpu.memory_space<vmem>>, vector<16xi32>,
        %get3A_385 = arith.constant 39 : index
        %get3A_386 = tpu.vector_load %arg11[%get3A_385] {strides = array<i32>} : memref<144xi32, #tpu.memory_space<vmem>>, vector<16xi32>,
        %get3A_387 = arith.constant 41 : index
        %get3A_388 = tpu.vector_load %arg11[%get3A_387] {strides = array<i32>} : memref<144xi32, #tpu.memory_space<vmem>>, vector<16xi32>,
        %add3A_389 = arith.constant 32 : i32
        %add3A_390 = arith.addi %add3A_351, %add3A_389 : i32
        %add3A_391 = vector.broadcast %add3A_390 : i32 to vector<16xi32>
        %add3A_392 = arith.addi %iota3A, %add3A_391 : vector<16xi32>
        %convert_element_type3A_393 = arith.sitofp %add3A_392 : vector<16xi32> to vector<16xf32>
        %ne3A_394 = arith.cmpi ne, %get3A_384, %get3A_386 : vector<16xi32>
        tpu.vector_store_idx %arg13[%get3A_384], %convert_element_type3A_393 masked %ne3A_394 : memref<4096xf32, #tpu.memory_space<vmem>>[vector<16xi32>], vector<16xf32>, vector<16xi1>
        %add3A_395 = arith.constant 1.000000e+00 : f32
        %add3A_396 = vector.broadcast %add3A_395 : f32 to vector<16xf32>
        %add3A_397 = arith.addf %convert_element_type3A_393, %add3A_396 : vector<16xf32>
        %ne3A_398 = arith.cmpi ne, %get3A_384, %get3A_388 : vector<16xi32>
        tpu.vector_store_idx %arg14[%get3A_384], %add3A_397 masked %ne3A_398 : memref<4096xf32, #tpu.memory_space<vmem>>[vector<16xi32>], vector<16xf32>, vector<16xi1>
        %get3A_399 = arith.constant 56 : index
        %get3A_400 = tpu.vector_load %arg11[%get3A_399] {strides = array<i32>} : memref<144xi32, #tpu.memory_space<vmem>>, vector<16xi32>,
        %get3A_401 = arith.constant 55 : index
        %get3A_402 = tpu.vector_load %arg11[%get3A_401] {strides = array<i32>} : memref<144xi32, #tpu.memory_space<vmem>>, vector<16xi32>,
        %get3A_403 = arith.constant 57 : index
        %get3A_404 = tpu.vector_load %arg11[%get3A_403] {strides = array<i32>} : memref<144xi32, #tpu.memory_space<vmem>>, vector<16xi32>,
        %add3A_405 = arith.constant 48 : i32
        %add3A_406 = arith.addi %add3A_351, %add3A_405 : i32
        %add3A_407 = vector.broadcast %add3A_406 : i32 to vector<16xi32>
        %add3A_408 = arith.addi %iota3A, %add3A_407 : vector<16xi32>
        %convert_element_type3A_409 = arith.sitofp %add3A_408 : vector<16xi32> to vector<16xf32>
        %ne3A_410 = arith.cmpi ne, %get3A_400, %get3A_402 : vector<16xi32>
        tpu.vector_store_idx %arg13[%get3A_400], %convert_element_type3A_409 masked %ne3A_410 : memref<4096xf32, #tpu.memory_space<vmem>>[vector<16xi32>], vector<16xf32>, vector<16xi1>
        %add3A_411 = arith.constant 1.000000e+00 : f32
        %add3A_412 = vector.broadcast %add3A_411 : f32 to vector<16xf32>
        %add3A_413 = arith.addf %convert_element_type3A_409, %add3A_412 : vector<16xf32>
        %ne3A_414 = arith.cmpi ne, %get3A_400, %get3A_404 : vector<16xi32>
        tpu.vector_store_idx %arg14[%get3A_400], %add3A_413 masked %ne3A_414 : memref<4096xf32, #tpu.memory_space<vmem>>[vector<16xi32>], vector<16xf32>, vector<16xi1>
        %get3A_415 = arith.constant 72 : index
        %get3A_416 = tpu.vector_load %arg11[%get3A_415] {strides = array<i32>} : memref<144xi32, #tpu.memory_space<vmem>>, vector<16xi32>,
        %get3A_417 = arith.constant 71 : index
        %get3A_418 = tpu.vector_load %arg11[%get3A_417] {strides = array<i32>} : memref<144xi32, #tpu.memory_space<vmem>>, vector<16xi32>,
        %get3A_419 = arith.constant 73 : index
        %get3A_420 = tpu.vector_load %arg11[%get3A_419] {strides = array<i32>} : memref<144xi32, #tpu.memory_space<vmem>>, vector<16xi32>,
        %add3A_421 = arith.constant 64 : i32
        %add3A_422 = arith.addi %add3A_351, %add3A_421 : i32
        %add3A_423 = vector.broadcast %add3A_422 : i32 to vector<16xi32>
        %add3A_424 = arith.addi %iota3A, %add3A_423 : vector<16xi32>
        %convert_element_type3A_425 = arith.sitofp %add3A_424 : vector<16xi32> to vector<16xf32>
        %ne3A_426 = arith.cmpi ne, %get3A_416, %get3A_418 : vector<16xi32>
        tpu.vector_store_idx %arg13[%get3A_416], %convert_element_type3A_425 masked %ne3A_426 : memref<4096xf32, #tpu.memory_space<vmem>>[vector<16xi32>], vector<16xf32>, vector<16xi1>
        %add3A_427 = arith.constant 1.000000e+00 : f32
        %add3A_428 = vector.broadcast %add3A_427 : f32 to vector<16xf32>
        %add3A_429 = arith.addf %convert_element_type3A_425, %add3A_428 : vector<16xf32>
        %ne3A_430 = arith.cmpi ne, %get3A_416, %get3A_420 : vector<16xi32>
        tpu.vector_store_idx %arg14[%get3A_416], %add3A_429 masked %ne3A_430 : memref<4096xf32, #tpu.memory_space<vmem>>[vector<16xi32>], vector<16xf32>, vector<16xi1>
        %get3A_431 = arith.constant 88 : index
        %get3A_432 = tpu.vector_load %arg11[%get3A_431] {strides = array<i32>} : memref<144xi32, #tpu.memory_space<vmem>>, vector<16xi32>,
        %get3A_433 = arith.constant 87 : index
        %get3A_434 = tpu.vector_load %arg11[%get3A_433] {strides = array<i32>} : memref<144xi32, #tpu.memory_space<vmem>>, vector<16xi32>,
        %get3A_435 = arith.constant 89 : index
        %get3A_436 = tpu.vector_load %arg11[%get3A_435] {strides = array<i32>} : memref<144xi32, #tpu.memory_space<vmem>>, vector<16xi32>,
        %add3A_437 = arith.constant 80 : i32
        %add3A_438 = arith.addi %add3A_351, %add3A_437 : i32
        %add3A_439 = vector.broadcast %add3A_438 : i32 to vector<16xi32>
        %add3A_440 = arith.addi %iota3A, %add3A_439 : vector<16xi32>
        %convert_element_type3A_441 = arith.sitofp %add3A_440 : vector<16xi32> to vector<16xf32>
        %ne3A_442 = arith.cmpi ne, %get3A_432, %get3A_434 : vector<16xi32>
        tpu.vector_store_idx %arg13[%get3A_432], %convert_element_type3A_441 masked %ne3A_442 : memref<4096xf32, #tpu.memory_space<vmem>>[vector<16xi32>], vector<16xf32>, vector<16xi1>
        %add3A_443 = arith.constant 1.000000e+00 : f32
        %add3A_444 = vector.broadcast %add3A_443 : f32 to vector<16xf32>
        %add3A_445 = arith.addf %convert_element_type3A_441, %add3A_444 : vector<16xf32>
        %ne3A_446 = arith.cmpi ne, %get3A_432, %get3A_436 : vector<16xi32>
        tpu.vector_store_idx %arg14[%get3A_432], %add3A_445 masked %ne3A_446 : memref<4096xf32, #tpu.memory_space<vmem>>[vector<16xi32>], vector<16xf32>, vector<16xi1>
        %get3A_447 = arith.constant 104 : index
        %get3A_448 = tpu.vector_load %arg11[%get3A_447] {strides = array<i32>} : memref<144xi32, #tpu.memory_space<vmem>>, vector<16xi32>,
        %get3A_449 = arith.constant 103 : index
        %get3A_450 = tpu.vector_load %arg11[%get3A_449] {strides = array<i32>} : memref<144xi32, #tpu.memory_space<vmem>>, vector<16xi32>,
        %get3A_451 = arith.constant 105 : index
        %get3A_452 = tpu.vector_load %arg11[%get3A_451] {strides = array<i32>} : memref<144xi32, #tpu.memory_space<vmem>>, vector<16xi32>,
        %add3A_453 = arith.constant 96 : i32
        %add3A_454 = arith.addi %add3A_351, %add3A_453 : i32
        %add3A_455 = vector.broadcast %add3A_454 : i32 to vector<16xi32>
        %add3A_456 = arith.addi %iota3A, %add3A_455 : vector<16xi32>
        %convert_element_type3A_457 = arith.sitofp %add3A_456 : vector<16xi32> to vector<16xf32>
        %ne3A_458 = arith.cmpi ne, %get3A_448, %get3A_450 : vector<16xi32>
        tpu.vector_store_idx %arg13[%get3A_448], %convert_element_type3A_457 masked %ne3A_458 : memref<4096xf32, #tpu.memory_space<vmem>>[vector<16xi32>], vector<16xf32>, vector<16xi1>
        %add3A_459 = arith.constant 1.000000e+00 : f32
        %add3A_460 = vector.broadcast %add3A_459 : f32 to vector<16xf32>
        %add3A_461 = arith.addf %convert_element_type3A_457, %add3A_460 : vector<16xf32>
        %ne3A_462 = arith.cmpi ne, %get3A_448, %get3A_452 : vector<16xi32>
        tpu.vector_store_idx %arg14[%get3A_448], %add3A_461 masked %ne3A_462 : memref<4096xf32, #tpu.memory_space<vmem>>[vector<16xi32>], vector<16xf32>, vector<16xi1>
        %get3A_463 = arith.constant 120 : index
        %get3A_464 = tpu.vector_load %arg11[%get3A_463] {strides = array<i32>} : memref<144xi32, #tpu.memory_space<vmem>>, vector<16xi32>,
        %get3A_465 = arith.constant 119 : index
        %get3A_466 = tpu.vector_load %arg11[%get3A_465] {strides = array<i32>} : memref<144xi32, #tpu.memory_space<vmem>>, vector<16xi32>,
        %get3A_467 = arith.constant 121 : index
        %get3A_468 = tpu.vector_load %arg11[%get3A_467] {strides = array<i32>} : memref<144xi32, #tpu.memory_space<vmem>>, vector<16xi32>,
        %add3A_469 = arith.constant 112 : i32
        %add3A_470 = arith.addi %add3A_351, %add3A_469 : i32
        %add3A_471 = vector.broadcast %add3A_470 : i32 to vector<16xi32>
        %add3A_472 = arith.addi %iota3A, %add3A_471 : vector<16xi32>
        %convert_element_type3A_473 = arith.sitofp %add3A_472 : vector<16xi32> to vector<16xf32>
        %ne3A_474 = arith.cmpi ne, %get3A_464, %get3A_466 : vector<16xi32>
        tpu.vector_store_idx %arg13[%get3A_464], %convert_element_type3A_473 masked %ne3A_474 : memref<4096xf32, #tpu.memory_space<vmem>>[vector<16xi32>], vector<16xf32>, vector<16xi1>
        %add3A_475 = arith.constant 1.000000e+00 : f32
        %add3A_476 = vector.broadcast %add3A_475 : f32 to vector<16xf32>
        %add3A_477 = arith.addf %convert_element_type3A_473, %add3A_476 : vector<16xf32>
        %ne3A_478 = arith.cmpi ne, %get3A_464, %get3A_468 : vector<16xi32>
        tpu.vector_store_idx %arg14[%get3A_464], %add3A_477 masked %ne3A_478 : memref<4096xf32, #tpu.memory_space<vmem>>[vector<16xi32>], vector<16xf32>, vector<16xi1>
      } else {
      }
      %jit3A_274 = arith.constant 4 : i32
      %eq3A_275 = arith.constant 0 : i32
      %eq3A_276 = arith.cmpi eq, %jit3A_274, %eq3A_275 : i32
      %jit3A_277 = arith.constant 1 : i32
      %select_n3A_278 = arith.select %eq3A_276, %jit3A_277, %jit3A_274 : i32
      %rem3A_279 = arith.remsi %while3A_210, %select_n3A_278 : i32
      %ne3A_280 = arith.constant 0 : i32
      %ne3A_281 = arith.cmpi ne, %rem3A_279, %ne3A_280 : i32
      %lt3A_282 = arith.constant 0 : i32
      %lt3A_283 = arith.cmpi slt, %rem3A_279, %lt3A_282 : i32
      %lt3A_284 = arith.constant 0 : i32
      %lt3A_285 = arith.cmpi slt, %select_n3A_278, %lt3A_284 : i32
      %ne3A_286 = arith.xori %lt3A_283, %lt3A_285 : i1
      %and3A_287 = arith.andi %ne3A_286, %ne3A_281 : i1
      %add3A_288 = arith.addi %rem3A_279, %select_n3A_278 : i32
      %select_n3A_289 = arith.select %and3A_287, %add3A_288, %rem3A_279 : i32
      %eq3A_290 = arith.constant 3 : i32
      %eq3A_291 = arith.cmpi eq, %select_n3A_289, %eq3A_290 : i32
      %convert_element_type3A_292 = arith.extui %eq3A_291 : i1 to i32
      %cond3A_293 = arith.constant 0 : i32
      %cond3A_294 = arith.cmpi ne, %convert_element_type3A_292, %cond3A_293 : i32
      scf.if %cond3A_294 {
        %ge3A = arith.constant 2 : i32
        %ge3A_295 = arith.cmpi sge, %while3A_210, %ge3A : i32
        %convert_element_type3A_296 = arith.extui %ge3A_295 : i1 to i32
        %cond3A_297 = arith.constant 0 : i32
        %cond3A_298 = arith.cmpi ne, %convert_element_type3A_296, %cond3A_297 : i32
        scf.if %cond3A_298 {
          %dma_wait3A_479 = arith.constant 1 : i32
          %dma_wait3A_480 = arith.constant 1 : i32
          %dma_wait3A_481 = arith.constant 0 : i32
          %dma_wait3A_482 = arith.constant 0 : i32
          %dma_wait3A_483 = tpu.memref_slice %arg7[%dma_wait3A_479, %dma_wait3A_481, %dma_wait3A_482] : memref<4x128x128xf32, #tpu.memory_space<vmem>> -> memref<1x128x128xf32, #tpu.memory_space<vmem>>
          %dma_wait3A_484 = tpu.memref_squeeze %dma_wait3A_483 : memref<1x128x128xf32, #tpu.memory_space<vmem>> -> memref<128x128xf32, #tpu.memory_space<vmem>>
          %dma_wait3A_485 = arith.constant 0 : i32
          %dma_wait3A_486 = tpu.memref_slice %arg8[%dma_wait3A_480, %dma_wait3A_485] : memref<4x128xi32, #tpu.memory_space<vmem>> -> memref<1x128xi32, #tpu.memory_space<vmem>>
          %dma_wait3A_487 = tpu.memref_squeeze %dma_wait3A_486 : memref<1x128xi32, #tpu.memory_space<vmem>> -> memref<128xi32, #tpu.memory_space<vmem>>
          %dma_wait3A_488 = arith.constant 0 : i32
          %dma_wait3A_489 = arith.constant 0 : i32
          %dma_wait3A_490 = tpu.memref_slice %arg32[%dma_wait3A_488, %dma_wait3A_489] : memref<4096x128xf32, #tpu.memory_space<vmem_shared>> -> memref<4096x128xf32, #tpu.memory_space<vmem_shared>>
          tpu.wait_indirect_dma semaphore(%arg29 : memref<!tpu.dma_semaphore, #tpu.memory_space<semaphore_mem>>) src(%dma_wait3A_484 : memref<128x128xf32, #tpu.memory_space<vmem>>) dst(%dma_wait3A_490 : memref<4096x128xf32, #tpu.memory_space<vmem_shared>>)
        } else {
        }
        %add3A_299 = arith.constant 2 : i32
        %add3A_300 = arith.addi %while3A_210, %add3A_299 : i32
        %lt3A_301 = arith.cmpi slt, %add3A_300, %add3A_49 : i32
        %convert_element_type3A_302 = arith.extui %lt3A_301 : i1 to i32
        %cond3A_303 = arith.constant 0 : i32
        %cond3A_304 = arith.cmpi ne, %convert_element_type3A_302, %cond3A_303 : i32
        scf.if %cond3A_304 {
          %add3A_479 = arith.constant 2 : i32
          %add3A_480 = arith.addi %while3A_210, %add3A_479 : i32
          %mul3A_481 = arith.constant 128 : i32
          %mul3A_482 = arith.muli %add3A_480, %mul3A_481 : i32
          %add3A_483 = arith.addi %add3A_27, %mul3A_482 : i32
          %dma_start3A_484 = arith.constant 1 : i32
          %dma_start3A_485 = arith.constant 0 : i32
          %dma_start3A_486 = arith.constant 0 : i32
          %dma_start3A_487 = tpu.memref_slice %arg7[%dma_start3A_484, %dma_start3A_485, %dma_start3A_486] : memref<4x128x128xf32, #tpu.memory_space<vmem>> -> memref<1x128x128xf32, #tpu.memory_space<vmem>>
          %dma_start3A_488 = tpu.memref_squeeze %dma_start3A_487 : memref<1x128x128xf32, #tpu.memory_space<vmem>> -> memref<128x128xf32, #tpu.memory_space<vmem>>
          %dma_start3A_489 = arith.constant 0 : i32
          %dma_start3A_490 = tpu.memref_slice %arg2[%add3A_483, %dma_start3A_489] : memref<320000x128xf32, #tpu.memory_space<hbm>> -> memref<128x128xf32, #tpu.memory_space<hbm>>
          %dma_start3A_491 = arith.constant 0 : i32
          %dma_start3A_492 = arith.constant 0 : i32
          %dma_start3A_493 = tpu.memref_slice %arg7[%dma_start3A_484, %dma_start3A_491, %dma_start3A_492] : memref<4x128x128xf32, #tpu.memory_space<vmem>> -> memref<1x128x128xf32, #tpu.memory_space<vmem>>
          %dma_start3A_494 = tpu.memref_squeeze %dma_start3A_493 : memref<1x128x128xf32, #tpu.memory_space<vmem>> -> memref<128x128xf32, #tpu.memory_space<vmem>>
          %dma_start3A_495 = arith.constant 0 : i32
          %dma_start3A_496 = tpu.memref_slice %arg2[%add3A_483, %dma_start3A_495] : memref<320000x128xf32, #tpu.memory_space<hbm>> -> memref<128x128xf32, #tpu.memory_space<hbm>>
          tpu.enqueue_dma source(%dma_start3A_496 : memref<128x128xf32, #tpu.memory_space<hbm>>) target(%dma_start3A_494 : memref<128x128xf32, #tpu.memory_space<vmem>>) target_semaphore(%arg17 : memref<!tpu.dma_semaphore, #tpu.memory_space<semaphore_mem>>)
          %add3A_497 = arith.addi %select_n3A, %add3A_480 : i32
          %dma_start3A_498 = arith.constant 1 : i32
          %dma_start3A_499 = arith.constant 0 : i32
          %dma_start3A_500 = tpu.memref_slice %arg8[%dma_start3A_498, %dma_start3A_499] : memref<4x128xi32, #tpu.memory_space<vmem>> -> memref<1x128xi32, #tpu.memory_space<vmem>>
          %dma_start3A_501 = tpu.memref_squeeze %dma_start3A_500 : memref<1x128xi32, #tpu.memory_space<vmem>> -> memref<128xi32, #tpu.memory_space<vmem>>
          %dma_start3A_502 = arith.constant 0 : i32
          %dma_start3A_503 = tpu.memref_slice %arg3[%add3A_497, %dma_start3A_502] : memref<2500x128xi32, #tpu.memory_space<hbm>> -> memref<1x128xi32, #tpu.memory_space<hbm>>
          %dma_start3A_504 = tpu.memref_squeeze %dma_start3A_503 : memref<1x128xi32, #tpu.memory_space<hbm>> -> memref<128xi32, #tpu.memory_space<hbm>>
          %dma_start3A_505 = arith.constant 0 : i32
          %dma_start3A_506 = tpu.memref_slice %arg8[%dma_start3A_498, %dma_start3A_505] : memref<4x128xi32, #tpu.memory_space<vmem>> -> memref<1x128xi32, #tpu.memory_space<vmem>>
          %dma_start3A_507 = tpu.memref_squeeze %dma_start3A_506 : memref<1x128xi32, #tpu.memory_space<vmem>> -> memref<128xi32, #tpu.memory_space<vmem>>
          %dma_start3A_508 = arith.constant 0 : i32
          %dma_start3A_509 = tpu.memref_slice %arg3[%add3A_497, %dma_start3A_508] : memref<2500x128xi32, #tpu.memory_space<hbm>> -> memref<1x128xi32, #tpu.memory_space<hbm>>
          %dma_start3A_510 = tpu.memref_squeeze %dma_start3A_509 : memref<1x128xi32, #tpu.memory_space<hbm>> -> memref<128xi32, #tpu.memory_space<hbm>>
          tpu.enqueue_dma source(%dma_start3A_510 : memref<128xi32, #tpu.memory_space<hbm>>) target(%dma_start3A_507 : memref<128xi32, #tpu.memory_space<vmem>>) target_semaphore(%arg21 : memref<!tpu.dma_semaphore, #tpu.memory_space<semaphore_mem>>)
          %mul3A_511 = arith.constant 128 : i32
          %mul3A_512 = arith.muli %add3A_480, %mul3A_511 : i32
          %add3A_513 = arith.addi %add3A_27, %mul3A_512 : i32
          %dma_start3A_514 = tpu.memref_slice %arg4[%add3A_513] : memref<320016xi32, #tpu.memory_space<hbm>> -> memref<144xi32, #tpu.memory_space<hbm>>
          %dma_start3A_515 = tpu.memref_slice %arg4[%add3A_513] : memref<320016xi32, #tpu.memory_space<hbm>> -> memref<144xi32, #tpu.memory_space<hbm>>
          tpu.enqueue_dma source(%dma_start3A_515 : memref<144xi32, #tpu.memory_space<hbm>>) target(%arg10 : memref<144xi32, #tpu.memory_space<vmem>>) target_semaphore(%arg25 : memref<!tpu.dma_semaphore, #tpu.memory_space<semaphore_mem>>)
        } else {
        }
        %dma_wait3A = arith.constant 3 : i32
        %dma_wait3A_305 = arith.constant 0 : i32
        %dma_wait3A_306 = arith.constant 0 : i32
        %dma_wait3A_307 = tpu.memref_slice %arg7[%dma_wait3A, %dma_wait3A_305, %dma_wait3A_306] : memref<4x128x128xf32, #tpu.memory_space<vmem>> -> memref<1x128x128xf32, #tpu.memory_space<vmem>>
        %dma_wait3A_308 = tpu.memref_squeeze %dma_wait3A_307 : memref<1x128x128xf32, #tpu.memory_space<vmem>> -> memref<128x128xf32, #tpu.memory_space<vmem>>
        %dma_wait3A_309 = arith.constant 0 : i32
        %dma_wait3A_310 = arith.constant 0 : i32
        %dma_wait3A_311 = tpu.memref_slice %arg2[%dma_wait3A_309, %dma_wait3A_310] : memref<320000x128xf32, #tpu.memory_space<hbm>> -> memref<128x128xf32, #tpu.memory_space<hbm>>
        %dma_wait3A_312 = arith.constant 0 : i32
        %dma_wait3A_313 = arith.constant 0 : i32
        %dma_wait3A_314 = tpu.memref_slice %arg7[%dma_wait3A, %dma_wait3A_312, %dma_wait3A_313] : memref<4x128x128xf32, #tpu.memory_space<vmem>> -> memref<1x128x128xf32, #tpu.memory_space<vmem>>
        %dma_wait3A_315 = tpu.memref_squeeze %dma_wait3A_314 : memref<1x128x128xf32, #tpu.memory_space<vmem>> -> memref<128x128xf32, #tpu.memory_space<vmem>>
        %dma_wait3A_316 = arith.constant 0 : i32
        %dma_wait3A_317 = arith.constant 0 : i32
        %dma_wait3A_318 = tpu.memref_slice %arg2[%dma_wait3A_316, %dma_wait3A_317] : memref<320000x128xf32, #tpu.memory_space<hbm>> -> memref<128x128xf32, #tpu.memory_space<hbm>>
        tpu.wait_dma2 semaphore(%arg19 : memref<!tpu.dma_semaphore, #tpu.memory_space<semaphore_mem>>) src(%dma_wait3A_318 : memref<128x128xf32, #tpu.memory_space<hbm>>) dst(%dma_wait3A_315 : memref<128x128xf32, #tpu.memory_space<vmem>>)
        %dma_wait3A_319 = arith.constant 0 : i32
        %dma_wait3A_320 = arith.constant 3 : i32
        %dma_wait3A_321 = arith.constant 0 : i32
        %dma_wait3A_322 = tpu.memref_slice %arg8[%dma_wait3A_320, %dma_wait3A_321] : memref<4x128xi32, #tpu.memory_space<vmem>> -> memref<1x128xi32, #tpu.memory_space<vmem>>
        %dma_wait3A_323 = tpu.memref_squeeze %dma_wait3A_322 : memref<1x128xi32, #tpu.memory_space<vmem>> -> memref<128xi32, #tpu.memory_space<vmem>>
        %dma_wait3A_324 = arith.constant 0 : i32
        %dma_wait3A_325 = tpu.memref_slice %arg3[%dma_wait3A_319, %dma_wait3A_324] : memref<2500x128xi32, #tpu.memory_space<hbm>> -> memref<1x128xi32, #tpu.memory_space<hbm>>
        %dma_wait3A_326 = tpu.memref_squeeze %dma_wait3A_325 : memref<1x128xi32, #tpu.memory_space<hbm>> -> memref<128xi32, #tpu.memory_space<hbm>>
        %dma_wait3A_327 = arith.constant 0 : i32
        %dma_wait3A_328 = tpu.memref_slice %arg8[%dma_wait3A_320, %dma_wait3A_327] : memref<4x128xi32, #tpu.memory_space<vmem>> -> memref<1x128xi32, #tpu.memory_space<vmem>>
        %dma_wait3A_329 = tpu.memref_squeeze %dma_wait3A_328 : memref<1x128xi32, #tpu.memory_space<vmem>> -> memref<128xi32, #tpu.memory_space<vmem>>
        %dma_wait3A_330 = arith.constant 0 : i32
        %dma_wait3A_331 = tpu.memref_slice %arg3[%dma_wait3A_319, %dma_wait3A_330] : memref<2500x128xi32, #tpu.memory_space<hbm>> -> memref<1x128xi32, #tpu.memory_space<hbm>>
        %dma_wait3A_332 = tpu.memref_squeeze %dma_wait3A_331 : memref<1x128xi32, #tpu.memory_space<hbm>> -> memref<128xi32, #tpu.memory_space<hbm>>
        tpu.wait_dma2 semaphore(%arg23 : memref<!tpu.dma_semaphore, #tpu.memory_space<semaphore_mem>>) src(%dma_wait3A_332 : memref<128xi32, #tpu.memory_space<hbm>>) dst(%dma_wait3A_329 : memref<128xi32, #tpu.memory_space<vmem>>)
        %dma_wait3A_333 = arith.constant 0 : i32
        %dma_wait3A_334 = tpu.memref_slice %arg4[%dma_wait3A_333] : memref<320016xi32, #tpu.memory_space<hbm>> -> memref<144xi32, #tpu.memory_space<hbm>>
        %dma_wait3A_335 = arith.constant 0 : i32
        %dma_wait3A_336 = tpu.memref_slice %arg4[%dma_wait3A_335] : memref<320016xi32, #tpu.memory_space<hbm>> -> memref<144xi32, #tpu.memory_space<hbm>>
        tpu.wait_dma2 semaphore(%arg27 : memref<!tpu.dma_semaphore, #tpu.memory_space<semaphore_mem>>) src(%dma_wait3A_336 : memref<144xi32, #tpu.memory_space<hbm>>) dst(%arg12 : memref<144xi32, #tpu.memory_space<vmem>>)
        %dma_start3A_337 = arith.constant 3 : i32
        %dma_start3A_338 = arith.constant 3 : i32
        %dma_start3A_339 = arith.constant 0 : i32
        %dma_start3A_340 = arith.constant 0 : i32
        %dma_start3A_341 = tpu.memref_slice %arg7[%dma_start3A_337, %dma_start3A_339, %dma_start3A_340] : memref<4x128x128xf32, #tpu.memory_space<vmem>> -> memref<1x128x128xf32, #tpu.memory_space<vmem>>
        %dma_start3A_342 = tpu.memref_squeeze %dma_start3A_341 : memref<1x128x128xf32, #tpu.memory_space<vmem>> -> memref<128x128xf32, #tpu.memory_space<vmem>>
        %dma_start3A_343 = arith.constant 0 : i32
        %dma_start3A_344 = tpu.memref_slice %arg8[%dma_start3A_338, %dma_start3A_343] : memref<4x128xi32, #tpu.memory_space<vmem>> -> memref<1x128xi32, #tpu.memory_space<vmem>>
        %dma_start3A_345 = tpu.memref_squeeze %dma_start3A_344 : memref<1x128xi32, #tpu.memory_space<vmem>> -> memref<128xi32, #tpu.memory_space<vmem>>
        %dma_start3A_346 = arith.constant 0 : i32
        %dma_start3A_347 = arith.constant 0 : i32
        %dma_start3A_348 = tpu.memref_slice %arg32[%dma_start3A_346, %dma_start3A_347] : memref<4096x128xf32, #tpu.memory_space<vmem_shared>> -> memref<4096x128xf32, #tpu.memory_space<vmem_shared>>
        tpu.enqueue_indirect_dma source(%dma_start3A_342 : memref<128x128xf32, #tpu.memory_space<vmem>>) target(%dma_start3A_348 : memref<4096x128xf32, #tpu.memory_space<vmem_shared>>) offsets(%dma_start3A_345 : memref<128xi32, #tpu.memory_space<vmem>>) semaphore(%arg31 : memref<!tpu.dma_semaphore, #tpu.memory_space<semaphore_mem>>) {add = true}
        %mul3A_349 = arith.constant 128 : i32
        %mul3A_350 = arith.muli %while3A_210, %mul3A_349 : i32
        %add3A_351 = arith.addi %add3A_27, %mul3A_350 : i32
        %get3A = arith.constant 8 : index
        %get3A_352 = tpu.vector_load %arg12[%get3A] {strides = array<i32>} : memref<144xi32, #tpu.memory_space<vmem>>, vector<16xi32>,
        %get3A_353 = arith.constant 7 : index
        %get3A_354 = tpu.vector_load %arg12[%get3A_353] {strides = array<i32>} : memref<144xi32, #tpu.memory_space<vmem>>, vector<16xi32>,
        %get3A_355 = arith.constant 9 : index
        %get3A_356 = tpu.vector_load %arg12[%get3A_355] {strides = array<i32>} : memref<144xi32, #tpu.memory_space<vmem>>, vector<16xi32>,
        %add3A_357 = arith.constant 0 : i32
        %add3A_358 = arith.addi %add3A_351, %add3A_357 : i32
        %add3A_359 = vector.broadcast %add3A_358 : i32 to vector<16xi32>
        %add3A_360 = arith.addi %iota3A, %add3A_359 : vector<16xi32>
        %convert_element_type3A_361 = arith.sitofp %add3A_360 : vector<16xi32> to vector<16xf32>
        %ne3A_362 = arith.cmpi ne, %get3A_352, %get3A_354 : vector<16xi32>
        tpu.vector_store_idx %arg13[%get3A_352], %convert_element_type3A_361 masked %ne3A_362 : memref<4096xf32, #tpu.memory_space<vmem>>[vector<16xi32>], vector<16xf32>, vector<16xi1>
        %add3A_363 = arith.constant 1.000000e+00 : f32
        %add3A_364 = vector.broadcast %add3A_363 : f32 to vector<16xf32>
        %add3A_365 = arith.addf %convert_element_type3A_361, %add3A_364 : vector<16xf32>
        %ne3A_366 = arith.cmpi ne, %get3A_352, %get3A_356 : vector<16xi32>
        tpu.vector_store_idx %arg14[%get3A_352], %add3A_365 masked %ne3A_366 : memref<4096xf32, #tpu.memory_space<vmem>>[vector<16xi32>], vector<16xf32>, vector<16xi1>
        %get3A_367 = arith.constant 24 : index
        %get3A_368 = tpu.vector_load %arg12[%get3A_367] {strides = array<i32>} : memref<144xi32, #tpu.memory_space<vmem>>, vector<16xi32>,
        %get3A_369 = arith.constant 23 : index
        %get3A_370 = tpu.vector_load %arg12[%get3A_369] {strides = array<i32>} : memref<144xi32, #tpu.memory_space<vmem>>, vector<16xi32>,
        %get3A_371 = arith.constant 25 : index
        %get3A_372 = tpu.vector_load %arg12[%get3A_371] {strides = array<i32>} : memref<144xi32, #tpu.memory_space<vmem>>, vector<16xi32>,
        %add3A_373 = arith.constant 16 : i32
        %add3A_374 = arith.addi %add3A_351, %add3A_373 : i32
        %add3A_375 = vector.broadcast %add3A_374 : i32 to vector<16xi32>
        %add3A_376 = arith.addi %iota3A, %add3A_375 : vector<16xi32>
        %convert_element_type3A_377 = arith.sitofp %add3A_376 : vector<16xi32> to vector<16xf32>
        %ne3A_378 = arith.cmpi ne, %get3A_368, %get3A_370 : vector<16xi32>
        tpu.vector_store_idx %arg13[%get3A_368], %convert_element_type3A_377 masked %ne3A_378 : memref<4096xf32, #tpu.memory_space<vmem>>[vector<16xi32>], vector<16xf32>, vector<16xi1>
        %add3A_379 = arith.constant 1.000000e+00 : f32
        %add3A_380 = vector.broadcast %add3A_379 : f32 to vector<16xf32>
        %add3A_381 = arith.addf %convert_element_type3A_377, %add3A_380 : vector<16xf32>
        %ne3A_382 = arith.cmpi ne, %get3A_368, %get3A_372 : vector<16xi32>
        tpu.vector_store_idx %arg14[%get3A_368], %add3A_381 masked %ne3A_382 : memref<4096xf32, #tpu.memory_space<vmem>>[vector<16xi32>], vector<16xf32>, vector<16xi1>
        %get3A_383 = arith.constant 40 : index
        %get3A_384 = tpu.vector_load %arg12[%get3A_383] {strides = array<i32>} : memref<144xi32, #tpu.memory_space<vmem>>, vector<16xi32>,
        %get3A_385 = arith.constant 39 : index
        %get3A_386 = tpu.vector_load %arg12[%get3A_385] {strides = array<i32>} : memref<144xi32, #tpu.memory_space<vmem>>, vector<16xi32>,
        %get3A_387 = arith.constant 41 : index
        %get3A_388 = tpu.vector_load %arg12[%get3A_387] {strides = array<i32>} : memref<144xi32, #tpu.memory_space<vmem>>, vector<16xi32>,
        %add3A_389 = arith.constant 32 : i32
        %add3A_390 = arith.addi %add3A_351, %add3A_389 : i32
        %add3A_391 = vector.broadcast %add3A_390 : i32 to vector<16xi32>
        %add3A_392 = arith.addi %iota3A, %add3A_391 : vector<16xi32>
        %convert_element_type3A_393 = arith.sitofp %add3A_392 : vector<16xi32> to vector<16xf32>
        %ne3A_394 = arith.cmpi ne, %get3A_384, %get3A_386 : vector<16xi32>
        tpu.vector_store_idx %arg13[%get3A_384], %convert_element_type3A_393 masked %ne3A_394 : memref<4096xf32, #tpu.memory_space<vmem>>[vector<16xi32>], vector<16xf32>, vector<16xi1>
        %add3A_395 = arith.constant 1.000000e+00 : f32
        %add3A_396 = vector.broadcast %add3A_395 : f32 to vector<16xf32>
        %add3A_397 = arith.addf %convert_element_type3A_393, %add3A_396 : vector<16xf32>
        %ne3A_398 = arith.cmpi ne, %get3A_384, %get3A_388 : vector<16xi32>
        tpu.vector_store_idx %arg14[%get3A_384], %add3A_397 masked %ne3A_398 : memref<4096xf32, #tpu.memory_space<vmem>>[vector<16xi32>], vector<16xf32>, vector<16xi1>
        %get3A_399 = arith.constant 56 : index
        %get3A_400 = tpu.vector_load %arg12[%get3A_399] {strides = array<i32>} : memref<144xi32, #tpu.memory_space<vmem>>, vector<16xi32>,
        %get3A_401 = arith.constant 55 : index
        %get3A_402 = tpu.vector_load %arg12[%get3A_401] {strides = array<i32>} : memref<144xi32, #tpu.memory_space<vmem>>, vector<16xi32>,
        %get3A_403 = arith.constant 57 : index
        %get3A_404 = tpu.vector_load %arg12[%get3A_403] {strides = array<i32>} : memref<144xi32, #tpu.memory_space<vmem>>, vector<16xi32>,
        %add3A_405 = arith.constant 48 : i32
        %add3A_406 = arith.addi %add3A_351, %add3A_405 : i32
        %add3A_407 = vector.broadcast %add3A_406 : i32 to vector<16xi32>
        %add3A_408 = arith.addi %iota3A, %add3A_407 : vector<16xi32>
        %convert_element_type3A_409 = arith.sitofp %add3A_408 : vector<16xi32> to vector<16xf32>
        %ne3A_410 = arith.cmpi ne, %get3A_400, %get3A_402 : vector<16xi32>
        tpu.vector_store_idx %arg13[%get3A_400], %convert_element_type3A_409 masked %ne3A_410 : memref<4096xf32, #tpu.memory_space<vmem>>[vector<16xi32>], vector<16xf32>, vector<16xi1>
        %add3A_411 = arith.constant 1.000000e+00 : f32
        %add3A_412 = vector.broadcast %add3A_411 : f32 to vector<16xf32>
        %add3A_413 = arith.addf %convert_element_type3A_409, %add3A_412 : vector<16xf32>
        %ne3A_414 = arith.cmpi ne, %get3A_400, %get3A_404 : vector<16xi32>
        tpu.vector_store_idx %arg14[%get3A_400], %add3A_413 masked %ne3A_414 : memref<4096xf32, #tpu.memory_space<vmem>>[vector<16xi32>], vector<16xf32>, vector<16xi1>
        %get3A_415 = arith.constant 72 : index
        %get3A_416 = tpu.vector_load %arg12[%get3A_415] {strides = array<i32>} : memref<144xi32, #tpu.memory_space<vmem>>, vector<16xi32>,
        %get3A_417 = arith.constant 71 : index
        %get3A_418 = tpu.vector_load %arg12[%get3A_417] {strides = array<i32>} : memref<144xi32, #tpu.memory_space<vmem>>, vector<16xi32>,
        %get3A_419 = arith.constant 73 : index
        %get3A_420 = tpu.vector_load %arg12[%get3A_419] {strides = array<i32>} : memref<144xi32, #tpu.memory_space<vmem>>, vector<16xi32>,
        %add3A_421 = arith.constant 64 : i32
        %add3A_422 = arith.addi %add3A_351, %add3A_421 : i32
        %add3A_423 = vector.broadcast %add3A_422 : i32 to vector<16xi32>
        %add3A_424 = arith.addi %iota3A, %add3A_423 : vector<16xi32>
        %convert_element_type3A_425 = arith.sitofp %add3A_424 : vector<16xi32> to vector<16xf32>
        %ne3A_426 = arith.cmpi ne, %get3A_416, %get3A_418 : vector<16xi32>
        tpu.vector_store_idx %arg13[%get3A_416], %convert_element_type3A_425 masked %ne3A_426 : memref<4096xf32, #tpu.memory_space<vmem>>[vector<16xi32>], vector<16xf32>, vector<16xi1>
        %add3A_427 = arith.constant 1.000000e+00 : f32
        %add3A_428 = vector.broadcast %add3A_427 : f32 to vector<16xf32>
        %add3A_429 = arith.addf %convert_element_type3A_425, %add3A_428 : vector<16xf32>
        %ne3A_430 = arith.cmpi ne, %get3A_416, %get3A_420 : vector<16xi32>
        tpu.vector_store_idx %arg14[%get3A_416], %add3A_429 masked %ne3A_430 : memref<4096xf32, #tpu.memory_space<vmem>>[vector<16xi32>], vector<16xf32>, vector<16xi1>
        %get3A_431 = arith.constant 88 : index
        %get3A_432 = tpu.vector_load %arg12[%get3A_431] {strides = array<i32>} : memref<144xi32, #tpu.memory_space<vmem>>, vector<16xi32>,
        %get3A_433 = arith.constant 87 : index
        %get3A_434 = tpu.vector_load %arg12[%get3A_433] {strides = array<i32>} : memref<144xi32, #tpu.memory_space<vmem>>, vector<16xi32>,
        %get3A_435 = arith.constant 89 : index
        %get3A_436 = tpu.vector_load %arg12[%get3A_435] {strides = array<i32>} : memref<144xi32, #tpu.memory_space<vmem>>, vector<16xi32>,
        %add3A_437 = arith.constant 80 : i32
        %add3A_438 = arith.addi %add3A_351, %add3A_437 : i32
        %add3A_439 = vector.broadcast %add3A_438 : i32 to vector<16xi32>
        %add3A_440 = arith.addi %iota3A, %add3A_439 : vector<16xi32>
        %convert_element_type3A_441 = arith.sitofp %add3A_440 : vector<16xi32> to vector<16xf32>
        %ne3A_442 = arith.cmpi ne, %get3A_432, %get3A_434 : vector<16xi32>
        tpu.vector_store_idx %arg13[%get3A_432], %convert_element_type3A_441 masked %ne3A_442 : memref<4096xf32, #tpu.memory_space<vmem>>[vector<16xi32>], vector<16xf32>, vector<16xi1>
        %add3A_443 = arith.constant 1.000000e+00 : f32
        %add3A_444 = vector.broadcast %add3A_443 : f32 to vector<16xf32>
        %add3A_445 = arith.addf %convert_element_type3A_441, %add3A_444 : vector<16xf32>
        %ne3A_446 = arith.cmpi ne, %get3A_432, %get3A_436 : vector<16xi32>
        tpu.vector_store_idx %arg14[%get3A_432], %add3A_445 masked %ne3A_446 : memref<4096xf32, #tpu.memory_space<vmem>>[vector<16xi32>], vector<16xf32>, vector<16xi1>
        %get3A_447 = arith.constant 104 : index
        %get3A_448 = tpu.vector_load %arg12[%get3A_447] {strides = array<i32>} : memref<144xi32, #tpu.memory_space<vmem>>, vector<16xi32>,
        %get3A_449 = arith.constant 103 : index
        %get3A_450 = tpu.vector_load %arg12[%get3A_449] {strides = array<i32>} : memref<144xi32, #tpu.memory_space<vmem>>, vector<16xi32>,
        %get3A_451 = arith.constant 105 : index
        %get3A_452 = tpu.vector_load %arg12[%get3A_451] {strides = array<i32>} : memref<144xi32, #tpu.memory_space<vmem>>, vector<16xi32>,
        %add3A_453 = arith.constant 96 : i32
        %add3A_454 = arith.addi %add3A_351, %add3A_453 : i32
        %add3A_455 = vector.broadcast %add3A_454 : i32 to vector<16xi32>
        %add3A_456 = arith.addi %iota3A, %add3A_455 : vector<16xi32>
        %convert_element_type3A_457 = arith.sitofp %add3A_456 : vector<16xi32> to vector<16xf32>
        %ne3A_458 = arith.cmpi ne, %get3A_448, %get3A_450 : vector<16xi32>
        tpu.vector_store_idx %arg13[%get3A_448], %convert_element_type3A_457 masked %ne3A_458 : memref<4096xf32, #tpu.memory_space<vmem>>[vector<16xi32>], vector<16xf32>, vector<16xi1>
        %add3A_459 = arith.constant 1.000000e+00 : f32
        %add3A_460 = vector.broadcast %add3A_459 : f32 to vector<16xf32>
        %add3A_461 = arith.addf %convert_element_type3A_457, %add3A_460 : vector<16xf32>
        %ne3A_462 = arith.cmpi ne, %get3A_448, %get3A_452 : vector<16xi32>
        tpu.vector_store_idx %arg14[%get3A_448], %add3A_461 masked %ne3A_462 : memref<4096xf32, #tpu.memory_space<vmem>>[vector<16xi32>], vector<16xf32>, vector<16xi1>
        %get3A_463 = arith.constant 120 : index
        %get3A_464 = tpu.vector_load %arg12[%get3A_463] {strides = array<i32>} : memref<144xi32, #tpu.memory_space<vmem>>, vector<16xi32>,
        %get3A_465 = arith.constant 119 : index
        %get3A_466 = tpu.vector_load %arg12[%get3A_465] {strides = array<i32>} : memref<144xi32, #tpu.memory_space<vmem>>, vector<16xi32>,
        %get3A_467 = arith.constant 121 : index
        %get3A_468 = tpu.vector_load %arg12[%get3A_467] {strides = array<i32>} : memref<144xi32, #tpu.memory_space<vmem>>, vector<16xi32>,
        %add3A_469 = arith.constant 112 : i32
        %add3A_470 = arith.addi %add3A_351, %add3A_469 : i32
        %add3A_471 = vector.broadcast %add3A_470 : i32 to vector<16xi32>
        %add3A_472 = arith.addi %iota3A, %add3A_471 : vector<16xi32>
        %convert_element_type3A_473 = arith.sitofp %add3A_472 : vector<16xi32> to vector<16xf32>
        %ne3A_474 = arith.cmpi ne, %get3A_464, %get3A_466 : vector<16xi32>
        tpu.vector_store_idx %arg13[%get3A_464], %convert_element_type3A_473 masked %ne3A_474 : memref<4096xf32, #tpu.memory_space<vmem>>[vector<16xi32>], vector<16xf32>, vector<16xi1>
        %add3A_475 = arith.constant 1.000000e+00 : f32
        %add3A_476 = vector.broadcast %add3A_475 : f32 to vector<16xf32>
        %add3A_477 = arith.addf %convert_element_type3A_473, %add3A_476 : vector<16xf32>
        %ne3A_478 = arith.cmpi ne, %get3A_464, %get3A_468 : vector<16xi32>
        tpu.vector_store_idx %arg14[%get3A_464], %add3A_477 masked %ne3A_478 : memref<4096xf32, #tpu.memory_space<vmem>>[vector<16xi32>], vector<16xf32>, vector<16xi1>
      } else {
      }
    }
    %while3A_125 = arith.constant 1 : i32
    scf.for %while3A_210 = %while3A_123 to %while3A_119 step %while3A_125  : i32 {
      %jit3A_211 = arith.constant 4 : i32
      %eq3A_212 = arith.constant 0 : i32
      %eq3A_213 = arith.cmpi eq, %jit3A_211, %eq3A_212 : i32
      %jit3A_214 = arith.constant 1 : i32
      %select_n3A_215 = arith.select %eq3A_213, %jit3A_214, %jit3A_211 : i32
      %rem3A_216 = arith.remsi %while3A_210, %select_n3A_215 : i32
      %ne3A_217 = arith.constant 0 : i32
      %ne3A_218 = arith.cmpi ne, %rem3A_216, %ne3A_217 : i32
      %lt3A_219 = arith.constant 0 : i32
      %lt3A_220 = arith.cmpi slt, %rem3A_216, %lt3A_219 : i32
      %lt3A_221 = arith.constant 0 : i32
      %lt3A_222 = arith.cmpi slt, %select_n3A_215, %lt3A_221 : i32
      %ne3A_223 = arith.xori %lt3A_220, %lt3A_222 : i1
      %and3A_224 = arith.andi %ne3A_223, %ne3A_218 : i1
      %add3A_225 = arith.addi %rem3A_216, %select_n3A_215 : i32
      %select_n3A_226 = arith.select %and3A_224, %add3A_225, %rem3A_216 : i32
      %eq3A_227 = arith.constant 0 : i32
      %eq3A_228 = arith.cmpi eq, %select_n3A_226, %eq3A_227 : i32
      %convert_element_type3A_229 = arith.extui %eq3A_228 : i1 to i32
      %cond3A_230 = arith.constant 0 : i32
      %cond3A_231 = arith.cmpi ne, %convert_element_type3A_229, %cond3A_230 : i32
      scf.if %cond3A_231 {
        %ge3A = arith.constant 2 : i32
        %ge3A_295 = arith.cmpi sge, %while3A_210, %ge3A : i32
        %convert_element_type3A_296 = arith.extui %ge3A_295 : i1 to i32
        %cond3A_297 = arith.constant 0 : i32
        %cond3A_298 = arith.cmpi ne, %convert_element_type3A_296, %cond3A_297 : i32
        scf.if %cond3A_298 {
          %dma_wait3A_479 = arith.constant 2 : i32
          %dma_wait3A_480 = arith.constant 2 : i32
          %dma_wait3A_481 = arith.constant 0 : i32
          %dma_wait3A_482 = arith.constant 0 : i32
          %dma_wait3A_483 = tpu.memref_slice %arg7[%dma_wait3A_479, %dma_wait3A_481, %dma_wait3A_482] : memref<4x128x128xf32, #tpu.memory_space<vmem>> -> memref<1x128x128xf32, #tpu.memory_space<vmem>>
          %dma_wait3A_484 = tpu.memref_squeeze %dma_wait3A_483 : memref<1x128x128xf32, #tpu.memory_space<vmem>> -> memref<128x128xf32, #tpu.memory_space<vmem>>
          %dma_wait3A_485 = arith.constant 0 : i32
          %dma_wait3A_486 = tpu.memref_slice %arg8[%dma_wait3A_480, %dma_wait3A_485] : memref<4x128xi32, #tpu.memory_space<vmem>> -> memref<1x128xi32, #tpu.memory_space<vmem>>
          %dma_wait3A_487 = tpu.memref_squeeze %dma_wait3A_486 : memref<1x128xi32, #tpu.memory_space<vmem>> -> memref<128xi32, #tpu.memory_space<vmem>>
          %dma_wait3A_488 = arith.constant 0 : i32
          %dma_wait3A_489 = arith.constant 0 : i32
          %dma_wait3A_490 = tpu.memref_slice %arg32[%dma_wait3A_488, %dma_wait3A_489] : memref<4096x128xf32, #tpu.memory_space<vmem_shared>> -> memref<4096x128xf32, #tpu.memory_space<vmem_shared>>
          tpu.wait_indirect_dma semaphore(%arg30 : memref<!tpu.dma_semaphore, #tpu.memory_space<semaphore_mem>>) src(%dma_wait3A_484 : memref<128x128xf32, #tpu.memory_space<vmem>>) dst(%dma_wait3A_490 : memref<4096x128xf32, #tpu.memory_space<vmem_shared>>)
        } else {
        }
        %add3A_299 = arith.constant 2 : i32
        %add3A_300 = arith.addi %while3A_210, %add3A_299 : i32
        %lt3A_301 = arith.cmpi slt, %add3A_300, %add3A_49 : i32
        %convert_element_type3A_302 = arith.extui %lt3A_301 : i1 to i32
        %cond3A_303 = arith.constant 0 : i32
        %cond3A_304 = arith.cmpi ne, %convert_element_type3A_302, %cond3A_303 : i32
        scf.if %cond3A_304 {
          %add3A_479 = arith.constant 2 : i32
          %add3A_480 = arith.addi %while3A_210, %add3A_479 : i32
          %mul3A_481 = arith.constant 128 : i32
          %mul3A_482 = arith.muli %add3A_480, %mul3A_481 : i32
          %add3A_483 = arith.addi %add3A_27, %mul3A_482 : i32
          %dma_start3A_484 = arith.constant 2 : i32
          %dma_start3A_485 = arith.constant 0 : i32
          %dma_start3A_486 = arith.constant 0 : i32
          %dma_start3A_487 = tpu.memref_slice %arg7[%dma_start3A_484, %dma_start3A_485, %dma_start3A_486] : memref<4x128x128xf32, #tpu.memory_space<vmem>> -> memref<1x128x128xf32, #tpu.memory_space<vmem>>
          %dma_start3A_488 = tpu.memref_squeeze %dma_start3A_487 : memref<1x128x128xf32, #tpu.memory_space<vmem>> -> memref<128x128xf32, #tpu.memory_space<vmem>>
          %dma_start3A_489 = arith.constant 0 : i32
          %dma_start3A_490 = tpu.memref_slice %arg2[%add3A_483, %dma_start3A_489] : memref<320000x128xf32, #tpu.memory_space<hbm>> -> memref<128x128xf32, #tpu.memory_space<hbm>>
          %dma_start3A_491 = arith.constant 0 : i32
          %dma_start3A_492 = arith.constant 0 : i32
          %dma_start3A_493 = tpu.memref_slice %arg7[%dma_start3A_484, %dma_start3A_491, %dma_start3A_492] : memref<4x128x128xf32, #tpu.memory_space<vmem>> -> memref<1x128x128xf32, #tpu.memory_space<vmem>>
          %dma_start3A_494 = tpu.memref_squeeze %dma_start3A_493 : memref<1x128x128xf32, #tpu.memory_space<vmem>> -> memref<128x128xf32, #tpu.memory_space<vmem>>
          %dma_start3A_495 = arith.constant 0 : i32
          %dma_start3A_496 = tpu.memref_slice %arg2[%add3A_483, %dma_start3A_495] : memref<320000x128xf32, #tpu.memory_space<hbm>> -> memref<128x128xf32, #tpu.memory_space<hbm>>
          tpu.enqueue_dma source(%dma_start3A_496 : memref<128x128xf32, #tpu.memory_space<hbm>>) target(%dma_start3A_494 : memref<128x128xf32, #tpu.memory_space<vmem>>) target_semaphore(%arg18 : memref<!tpu.dma_semaphore, #tpu.memory_space<semaphore_mem>>)
          %add3A_497 = arith.addi %select_n3A, %add3A_480 : i32
          %dma_start3A_498 = arith.constant 2 : i32
          %dma_start3A_499 = arith.constant 0 : i32
          %dma_start3A_500 = tpu.memref_slice %arg8[%dma_start3A_498, %dma_start3A_499] : memref<4x128xi32, #tpu.memory_space<vmem>> -> memref<1x128xi32, #tpu.memory_space<vmem>>
          %dma_start3A_501 = tpu.memref_squeeze %dma_start3A_500 : memref<1x128xi32, #tpu.memory_space<vmem>> -> memref<128xi32, #tpu.memory_space<vmem>>
          %dma_start3A_502 = arith.constant 0 : i32
          %dma_start3A_503 = tpu.memref_slice %arg3[%add3A_497, %dma_start3A_502] : memref<2500x128xi32, #tpu.memory_space<hbm>> -> memref<1x128xi32, #tpu.memory_space<hbm>>
          %dma_start3A_504 = tpu.memref_squeeze %dma_start3A_503 : memref<1x128xi32, #tpu.memory_space<hbm>> -> memref<128xi32, #tpu.memory_space<hbm>>
          %dma_start3A_505 = arith.constant 0 : i32
          %dma_start3A_506 = tpu.memref_slice %arg8[%dma_start3A_498, %dma_start3A_505] : memref<4x128xi32, #tpu.memory_space<vmem>> -> memref<1x128xi32, #tpu.memory_space<vmem>>
          %dma_start3A_507 = tpu.memref_squeeze %dma_start3A_506 : memref<1x128xi32, #tpu.memory_space<vmem>> -> memref<128xi32, #tpu.memory_space<vmem>>
          %dma_start3A_508 = arith.constant 0 : i32
          %dma_start3A_509 = tpu.memref_slice %arg3[%add3A_497, %dma_start3A_508] : memref<2500x128xi32, #tpu.memory_space<hbm>> -> memref<1x128xi32, #tpu.memory_space<hbm>>
          %dma_start3A_510 = tpu.memref_squeeze %dma_start3A_509 : memref<1x128xi32, #tpu.memory_space<hbm>> -> memref<128xi32, #tpu.memory_space<hbm>>
          tpu.enqueue_dma source(%dma_start3A_510 : memref<128xi32, #tpu.memory_space<hbm>>) target(%dma_start3A_507 : memref<128xi32, #tpu.memory_space<vmem>>) target_semaphore(%arg22 : memref<!tpu.dma_semaphore, #tpu.memory_space<semaphore_mem>>)
          %mul3A_511 = arith.constant 128 : i32
          %mul3A_512 = arith.muli %add3A_480, %mul3A_511 : i32
          %add3A_513 = arith.addi %add3A_27, %mul3A_512 : i32
          %dma_start3A_514 = tpu.memref_slice %arg4[%add3A_513] : memref<320016xi32, #tpu.memory_space<hbm>> -> memref<144xi32, #tpu.memory_space<hbm>>
          %dma_start3A_515 = tpu.memref_slice %arg4[%add3A_513] : memref<320016xi32, #tpu.memory_space<hbm>> -> memref<144xi32, #tpu.memory_space<hbm>>
          tpu.enqueue_dma source(%dma_start3A_515 : memref<144xi32, #tpu.memory_space<hbm>>) target(%arg11 : memref<144xi32, #tpu.memory_space<vmem>>) target_semaphore(%arg26 : memref<!tpu.dma_semaphore, #tpu.memory_space<semaphore_mem>>)
        } else {
        }
        %dma_wait3A = arith.constant 0 : i32
        %dma_wait3A_305 = arith.constant 0 : i32
        %dma_wait3A_306 = arith.constant 0 : i32
        %dma_wait3A_307 = tpu.memref_slice %arg7[%dma_wait3A, %dma_wait3A_305, %dma_wait3A_306] : memref<4x128x128xf32, #tpu.memory_space<vmem>> -> memref<1x128x128xf32, #tpu.memory_space<vmem>>
        %dma_wait3A_308 = tpu.memref_squeeze %dma_wait3A_307 : memref<1x128x128xf32, #tpu.memory_space<vmem>> -> memref<128x128xf32, #tpu.memory_space<vmem>>
        %dma_wait3A_309 = arith.constant 0 : i32
        %dma_wait3A_310 = arith.constant 0 : i32
        %dma_wait3A_311 = tpu.memref_slice %arg2[%dma_wait3A_309, %dma_wait3A_310] : memref<320000x128xf32, #tpu.memory_space<hbm>> -> memref<128x128xf32, #tpu.memory_space<hbm>>
        %dma_wait3A_312 = arith.constant 0 : i32
        %dma_wait3A_313 = arith.constant 0 : i32
        %dma_wait3A_314 = tpu.memref_slice %arg7[%dma_wait3A, %dma_wait3A_312, %dma_wait3A_313] : memref<4x128x128xf32, #tpu.memory_space<vmem>> -> memref<1x128x128xf32, #tpu.memory_space<vmem>>
        %dma_wait3A_315 = tpu.memref_squeeze %dma_wait3A_314 : memref<1x128x128xf32, #tpu.memory_space<vmem>> -> memref<128x128xf32, #tpu.memory_space<vmem>>
        %dma_wait3A_316 = arith.constant 0 : i32
        %dma_wait3A_317 = arith.constant 0 : i32
        %dma_wait3A_318 = tpu.memref_slice %arg2[%dma_wait3A_316, %dma_wait3A_317] : memref<320000x128xf32, #tpu.memory_space<hbm>> -> memref<128x128xf32, #tpu.memory_space<hbm>>
        tpu.wait_dma2 semaphore(%arg16 : memref<!tpu.dma_semaphore, #tpu.memory_space<semaphore_mem>>) src(%dma_wait3A_318 : memref<128x128xf32, #tpu.memory_space<hbm>>) dst(%dma_wait3A_315 : memref<128x128xf32, #tpu.memory_space<vmem>>)
        %dma_wait3A_319 = arith.constant 0 : i32
        %dma_wait3A_320 = arith.constant 0 : i32
        %dma_wait3A_321 = arith.constant 0 : i32
        %dma_wait3A_322 = tpu.memref_slice %arg8[%dma_wait3A_320, %dma_wait3A_321] : memref<4x128xi32, #tpu.memory_space<vmem>> -> memref<1x128xi32, #tpu.memory_space<vmem>>
        %dma_wait3A_323 = tpu.memref_squeeze %dma_wait3A_322 : memref<1x128xi32, #tpu.memory_space<vmem>> -> memref<128xi32, #tpu.memory_space<vmem>>
        %dma_wait3A_324 = arith.constant 0 : i32
        %dma_wait3A_325 = tpu.memref_slice %arg3[%dma_wait3A_319, %dma_wait3A_324] : memref<2500x128xi32, #tpu.memory_space<hbm>> -> memref<1x128xi32, #tpu.memory_space<hbm>>
        %dma_wait3A_326 = tpu.memref_squeeze %dma_wait3A_325 : memref<1x128xi32, #tpu.memory_space<hbm>> -> memref<128xi32, #tpu.memory_space<hbm>>
        %dma_wait3A_327 = arith.constant 0 : i32
        %dma_wait3A_328 = tpu.memref_slice %arg8[%dma_wait3A_320, %dma_wait3A_327] : memref<4x128xi32, #tpu.memory_space<vmem>> -> memref<1x128xi32, #tpu.memory_space<vmem>>
        %dma_wait3A_329 = tpu.memref_squeeze %dma_wait3A_328 : memref<1x128xi32, #tpu.memory_space<vmem>> -> memref<128xi32, #tpu.memory_space<vmem>>
        %dma_wait3A_330 = arith.constant 0 : i32
        %dma_wait3A_331 = tpu.memref_slice %arg3[%dma_wait3A_319, %dma_wait3A_330] : memref<2500x128xi32, #tpu.memory_space<hbm>> -> memref<1x128xi32, #tpu.memory_space<hbm>>
        %dma_wait3A_332 = tpu.memref_squeeze %dma_wait3A_331 : memref<1x128xi32, #tpu.memory_space<hbm>> -> memref<128xi32, #tpu.memory_space<hbm>>
        tpu.wait_dma2 semaphore(%arg20 : memref<!tpu.dma_semaphore, #tpu.memory_space<semaphore_mem>>) src(%dma_wait3A_332 : memref<128xi32, #tpu.memory_space<hbm>>) dst(%dma_wait3A_329 : memref<128xi32, #tpu.memory_space<vmem>>)
        %dma_wait3A_333 = arith.constant 0 : i32
        %dma_wait3A_334 = tpu.memref_slice %arg4[%dma_wait3A_333] : memref<320016xi32, #tpu.memory_space<hbm>> -> memref<144xi32, #tpu.memory_space<hbm>>
        %dma_wait3A_335 = arith.constant 0 : i32
        %dma_wait3A_336 = tpu.memref_slice %arg4[%dma_wait3A_335] : memref<320016xi32, #tpu.memory_space<hbm>> -> memref<144xi32, #tpu.memory_space<hbm>>
        tpu.wait_dma2 semaphore(%arg24 : memref<!tpu.dma_semaphore, #tpu.memory_space<semaphore_mem>>) src(%dma_wait3A_336 : memref<144xi32, #tpu.memory_space<hbm>>) dst(%arg9 : memref<144xi32, #tpu.memory_space<vmem>>)
        %dma_start3A_337 = arith.constant 0 : i32
        %dma_start3A_338 = arith.constant 0 : i32
        %dma_start3A_339 = arith.constant 0 : i32
        %dma_start3A_340 = arith.constant 0 : i32
        %dma_start3A_341 = tpu.memref_slice %arg7[%dma_start3A_337, %dma_start3A_339, %dma_start3A_340] : memref<4x128x128xf32, #tpu.memory_space<vmem>> -> memref<1x128x128xf32, #tpu.memory_space<vmem>>
        %dma_start3A_342 = tpu.memref_squeeze %dma_start3A_341 : memref<1x128x128xf32, #tpu.memory_space<vmem>> -> memref<128x128xf32, #tpu.memory_space<vmem>>
        %dma_start3A_343 = arith.constant 0 : i32
        %dma_start3A_344 = tpu.memref_slice %arg8[%dma_start3A_338, %dma_start3A_343] : memref<4x128xi32, #tpu.memory_space<vmem>> -> memref<1x128xi32, #tpu.memory_space<vmem>>
        %dma_start3A_345 = tpu.memref_squeeze %dma_start3A_344 : memref<1x128xi32, #tpu.memory_space<vmem>> -> memref<128xi32, #tpu.memory_space<vmem>>
        %dma_start3A_346 = arith.constant 0 : i32
        %dma_start3A_347 = arith.constant 0 : i32
        %dma_start3A_348 = tpu.memref_slice %arg32[%dma_start3A_346, %dma_start3A_347] : memref<4096x128xf32, #tpu.memory_space<vmem_shared>> -> memref<4096x128xf32, #tpu.memory_space<vmem_shared>>
        tpu.enqueue_indirect_dma source(%dma_start3A_342 : memref<128x128xf32, #tpu.memory_space<vmem>>) target(%dma_start3A_348 : memref<4096x128xf32, #tpu.memory_space<vmem_shared>>) offsets(%dma_start3A_345 : memref<128xi32, #tpu.memory_space<vmem>>) semaphore(%arg28 : memref<!tpu.dma_semaphore, #tpu.memory_space<semaphore_mem>>) {add = true}
        %mul3A_349 = arith.constant 128 : i32
        %mul3A_350 = arith.muli %while3A_210, %mul3A_349 : i32
        %add3A_351 = arith.addi %add3A_27, %mul3A_350 : i32
        %get3A = arith.constant 8 : index
        %get3A_352 = tpu.vector_load %arg9[%get3A] {strides = array<i32>} : memref<144xi32, #tpu.memory_space<vmem>>, vector<16xi32>,
        %get3A_353 = arith.constant 7 : index
        %get3A_354 = tpu.vector_load %arg9[%get3A_353] {strides = array<i32>} : memref<144xi32, #tpu.memory_space<vmem>>, vector<16xi32>,
        %get3A_355 = arith.constant 9 : index
        %get3A_356 = tpu.vector_load %arg9[%get3A_355] {strides = array<i32>} : memref<144xi32, #tpu.memory_space<vmem>>, vector<16xi32>,
        %add3A_357 = arith.constant 0 : i32
        %add3A_358 = arith.addi %add3A_351, %add3A_357 : i32
        %add3A_359 = vector.broadcast %add3A_358 : i32 to vector<16xi32>
        %add3A_360 = arith.addi %iota3A, %add3A_359 : vector<16xi32>
        %convert_element_type3A_361 = arith.sitofp %add3A_360 : vector<16xi32> to vector<16xf32>
        %ne3A_362 = arith.cmpi ne, %get3A_352, %get3A_354 : vector<16xi32>
        tpu.vector_store_idx %arg13[%get3A_352], %convert_element_type3A_361 masked %ne3A_362 : memref<4096xf32, #tpu.memory_space<vmem>>[vector<16xi32>], vector<16xf32>, vector<16xi1>
        %add3A_363 = arith.constant 1.000000e+00 : f32
        %add3A_364 = vector.broadcast %add3A_363 : f32 to vector<16xf32>
        %add3A_365 = arith.addf %convert_element_type3A_361, %add3A_364 : vector<16xf32>
        %ne3A_366 = arith.cmpi ne, %get3A_352, %get3A_356 : vector<16xi32>
        tpu.vector_store_idx %arg14[%get3A_352], %add3A_365 masked %ne3A_366 : memref<4096xf32, #tpu.memory_space<vmem>>[vector<16xi32>], vector<16xf32>, vector<16xi1>
        %get3A_367 = arith.constant 24 : index
        %get3A_368 = tpu.vector_load %arg9[%get3A_367] {strides = array<i32>} : memref<144xi32, #tpu.memory_space<vmem>>, vector<16xi32>,
        %get3A_369 = arith.constant 23 : index
        %get3A_370 = tpu.vector_load %arg9[%get3A_369] {strides = array<i32>} : memref<144xi32, #tpu.memory_space<vmem>>, vector<16xi32>,
        %get3A_371 = arith.constant 25 : index
        %get3A_372 = tpu.vector_load %arg9[%get3A_371] {strides = array<i32>} : memref<144xi32, #tpu.memory_space<vmem>>, vector<16xi32>,
        %add3A_373 = arith.constant 16 : i32
        %add3A_374 = arith.addi %add3A_351, %add3A_373 : i32
        %add3A_375 = vector.broadcast %add3A_374 : i32 to vector<16xi32>
        %add3A_376 = arith.addi %iota3A, %add3A_375 : vector<16xi32>
        %convert_element_type3A_377 = arith.sitofp %add3A_376 : vector<16xi32> to vector<16xf32>
        %ne3A_378 = arith.cmpi ne, %get3A_368, %get3A_370 : vector<16xi32>
        tpu.vector_store_idx %arg13[%get3A_368], %convert_element_type3A_377 masked %ne3A_378 : memref<4096xf32, #tpu.memory_space<vmem>>[vector<16xi32>], vector<16xf32>, vector<16xi1>
        %add3A_379 = arith.constant 1.000000e+00 : f32
        %add3A_380 = vector.broadcast %add3A_379 : f32 to vector<16xf32>
        %add3A_381 = arith.addf %convert_element_type3A_377, %add3A_380 : vector<16xf32>
        %ne3A_382 = arith.cmpi ne, %get3A_368, %get3A_372 : vector<16xi32>
        tpu.vector_store_idx %arg14[%get3A_368], %add3A_381 masked %ne3A_382 : memref<4096xf32, #tpu.memory_space<vmem>>[vector<16xi32>], vector<16xf32>, vector<16xi1>
        %get3A_383 = arith.constant 40 : index
        %get3A_384 = tpu.vector_load %arg9[%get3A_383] {strides = array<i32>} : memref<144xi32, #tpu.memory_space<vmem>>, vector<16xi32>,
        %get3A_385 = arith.constant 39 : index
        %get3A_386 = tpu.vector_load %arg9[%get3A_385] {strides = array<i32>} : memref<144xi32, #tpu.memory_space<vmem>>, vector<16xi32>,
        %get3A_387 = arith.constant 41 : index
        %get3A_388 = tpu.vector_load %arg9[%get3A_387] {strides = array<i32>} : memref<144xi32, #tpu.memory_space<vmem>>, vector<16xi32>,
        %add3A_389 = arith.constant 32 : i32
        %add3A_390 = arith.addi %add3A_351, %add3A_389 : i32
        %add3A_391 = vector.broadcast %add3A_390 : i32 to vector<16xi32>
        %add3A_392 = arith.addi %iota3A, %add3A_391 : vector<16xi32>
        %convert_element_type3A_393 = arith.sitofp %add3A_392 : vector<16xi32> to vector<16xf32>
        %ne3A_394 = arith.cmpi ne, %get3A_384, %get3A_386 : vector<16xi32>
        tpu.vector_store_idx %arg13[%get3A_384], %convert_element_type3A_393 masked %ne3A_394 : memref<4096xf32, #tpu.memory_space<vmem>>[vector<16xi32>], vector<16xf32>, vector<16xi1>
        %add3A_395 = arith.constant 1.000000e+00 : f32
        %add3A_396 = vector.broadcast %add3A_395 : f32 to vector<16xf32>
        %add3A_397 = arith.addf %convert_element_type3A_393, %add3A_396 : vector<16xf32>
        %ne3A_398 = arith.cmpi ne, %get3A_384, %get3A_388 : vector<16xi32>
        tpu.vector_store_idx %arg14[%get3A_384], %add3A_397 masked %ne3A_398 : memref<4096xf32, #tpu.memory_space<vmem>>[vector<16xi32>], vector<16xf32>, vector<16xi1>
        %get3A_399 = arith.constant 56 : index
        %get3A_400 = tpu.vector_load %arg9[%get3A_399] {strides = array<i32>} : memref<144xi32, #tpu.memory_space<vmem>>, vector<16xi32>,
        %get3A_401 = arith.constant 55 : index
        %get3A_402 = tpu.vector_load %arg9[%get3A_401] {strides = array<i32>} : memref<144xi32, #tpu.memory_space<vmem>>, vector<16xi32>,
        %get3A_403 = arith.constant 57 : index
        %get3A_404 = tpu.vector_load %arg9[%get3A_403] {strides = array<i32>} : memref<144xi32, #tpu.memory_space<vmem>>, vector<16xi32>,
        %add3A_405 = arith.constant 48 : i32
        %add3A_406 = arith.addi %add3A_351, %add3A_405 : i32
        %add3A_407 = vector.broadcast %add3A_406 : i32 to vector<16xi32>
        %add3A_408 = arith.addi %iota3A, %add3A_407 : vector<16xi32>
        %convert_element_type3A_409 = arith.sitofp %add3A_408 : vector<16xi32> to vector<16xf32>
        %ne3A_410 = arith.cmpi ne, %get3A_400, %get3A_402 : vector<16xi32>
        tpu.vector_store_idx %arg13[%get3A_400], %convert_element_type3A_409 masked %ne3A_410 : memref<4096xf32, #tpu.memory_space<vmem>>[vector<16xi32>], vector<16xf32>, vector<16xi1>
        %add3A_411 = arith.constant 1.000000e+00 : f32
        %add3A_412 = vector.broadcast %add3A_411 : f32 to vector<16xf32>
        %add3A_413 = arith.addf %convert_element_type3A_409, %add3A_412 : vector<16xf32>
        %ne3A_414 = arith.cmpi ne, %get3A_400, %get3A_404 : vector<16xi32>
        tpu.vector_store_idx %arg14[%get3A_400], %add3A_413 masked %ne3A_414 : memref<4096xf32, #tpu.memory_space<vmem>>[vector<16xi32>], vector<16xf32>, vector<16xi1>
        %get3A_415 = arith.constant 72 : index
        %get3A_416 = tpu.vector_load %arg9[%get3A_415] {strides = array<i32>} : memref<144xi32, #tpu.memory_space<vmem>>, vector<16xi32>,
        %get3A_417 = arith.constant 71 : index
        %get3A_418 = tpu.vector_load %arg9[%get3A_417] {strides = array<i32>} : memref<144xi32, #tpu.memory_space<vmem>>, vector<16xi32>,
        %get3A_419 = arith.constant 73 : index
        %get3A_420 = tpu.vector_load %arg9[%get3A_419] {strides = array<i32>} : memref<144xi32, #tpu.memory_space<vmem>>, vector<16xi32>,
        %add3A_421 = arith.constant 64 : i32
        %add3A_422 = arith.addi %add3A_351, %add3A_421 : i32
        %add3A_423 = vector.broadcast %add3A_422 : i32 to vector<16xi32>
        %add3A_424 = arith.addi %iota3A, %add3A_423 : vector<16xi32>
        %convert_element_type3A_425 = arith.sitofp %add3A_424 : vector<16xi32> to vector<16xf32>
        %ne3A_426 = arith.cmpi ne, %get3A_416, %get3A_418 : vector<16xi32>
        tpu.vector_store_idx %arg13[%get3A_416], %convert_element_type3A_425 masked %ne3A_426 : memref<4096xf32, #tpu.memory_space<vmem>>[vector<16xi32>], vector<16xf32>, vector<16xi1>
        %add3A_427 = arith.constant 1.000000e+00 : f32
        %add3A_428 = vector.broadcast %add3A_427 : f32 to vector<16xf32>
        %add3A_429 = arith.addf %convert_element_type3A_425, %add3A_428 : vector<16xf32>
        %ne3A_430 = arith.cmpi ne, %get3A_416, %get3A_420 : vector<16xi32>
        tpu.vector_store_idx %arg14[%get3A_416], %add3A_429 masked %ne3A_430 : memref<4096xf32, #tpu.memory_space<vmem>>[vector<16xi32>], vector<16xf32>, vector<16xi1>
        %get3A_431 = arith.constant 88 : index
        %get3A_432 = tpu.vector_load %arg9[%get3A_431] {strides = array<i32>} : memref<144xi32, #tpu.memory_space<vmem>>, vector<16xi32>,
        %get3A_433 = arith.constant 87 : index
        %get3A_434 = tpu.vector_load %arg9[%get3A_433] {strides = array<i32>} : memref<144xi32, #tpu.memory_space<vmem>>, vector<16xi32>,
        %get3A_435 = arith.constant 89 : index
        %get3A_436 = tpu.vector_load %arg9[%get3A_435] {strides = array<i32>} : memref<144xi32, #tpu.memory_space<vmem>>, vector<16xi32>,
        %add3A_437 = arith.constant 80 : i32
        %add3A_438 = arith.addi %add3A_351, %add3A_437 : i32
        %add3A_439 = vector.broadcast %add3A_438 : i32 to vector<16xi32>
        %add3A_440 = arith.addi %iota3A, %add3A_439 : vector<16xi32>
        %convert_element_type3A_441 = arith.sitofp %add3A_440 : vector<16xi32> to vector<16xf32>
        %ne3A_442 = arith.cmpi ne, %get3A_432, %get3A_434 : vector<16xi32>
        tpu.vector_store_idx %arg13[%get3A_432], %convert_element_type3A_441 masked %ne3A_442 : memref<4096xf32, #tpu.memory_space<vmem>>[vector<16xi32>], vector<16xf32>, vector<16xi1>
        %add3A_443 = arith.constant 1.000000e+00 : f32
        %add3A_444 = vector.broadcast %add3A_443 : f32 to vector<16xf32>
        %add3A_445 = arith.addf %convert_element_type3A_441, %add3A_444 : vector<16xf32>
        %ne3A_446 = arith.cmpi ne, %get3A_432, %get3A_436 : vector<16xi32>
        tpu.vector_store_idx %arg14[%get3A_432], %add3A_445 masked %ne3A_446 : memref<4096xf32, #tpu.memory_space<vmem>>[vector<16xi32>], vector<16xf32>, vector<16xi1>
        %get3A_447 = arith.constant 104 : index
        %get3A_448 = tpu.vector_load %arg9[%get3A_447] {strides = array<i32>} : memref<144xi32, #tpu.memory_space<vmem>>, vector<16xi32>,
        %get3A_449 = arith.constant 103 : index
        %get3A_450 = tpu.vector_load %arg9[%get3A_449] {strides = array<i32>} : memref<144xi32, #tpu.memory_space<vmem>>, vector<16xi32>,
        %get3A_451 = arith.constant 105 : index
        %get3A_452 = tpu.vector_load %arg9[%get3A_451] {strides = array<i32>} : memref<144xi32, #tpu.memory_space<vmem>>, vector<16xi32>,
        %add3A_453 = arith.constant 96 : i32
        %add3A_454 = arith.addi %add3A_351, %add3A_453 : i32
        %add3A_455 = vector.broadcast %add3A_454 : i32 to vector<16xi32>
        %add3A_456 = arith.addi %iota3A, %add3A_455 : vector<16xi32>
        %convert_element_type3A_457 = arith.sitofp %add3A_456 : vector<16xi32> to vector<16xf32>
        %ne3A_458 = arith.cmpi ne, %get3A_448, %get3A_450 : vector<16xi32>
        tpu.vector_store_idx %arg13[%get3A_448], %convert_element_type3A_457 masked %ne3A_458 : memref<4096xf32, #tpu.memory_space<vmem>>[vector<16xi32>], vector<16xf32>, vector<16xi1>
        %add3A_459 = arith.constant 1.000000e+00 : f32
        %add3A_460 = vector.broadcast %add3A_459 : f32 to vector<16xf32>
        %add3A_461 = arith.addf %convert_element_type3A_457, %add3A_460 : vector<16xf32>
        %ne3A_462 = arith.cmpi ne, %get3A_448, %get3A_452 : vector<16xi32>
        tpu.vector_store_idx %arg14[%get3A_448], %add3A_461 masked %ne3A_462 : memref<4096xf32, #tpu.memory_space<vmem>>[vector<16xi32>], vector<16xf32>, vector<16xi1>
        %get3A_463 = arith.constant 120 : index
        %get3A_464 = tpu.vector_load %arg9[%get3A_463] {strides = array<i32>} : memref<144xi32, #tpu.memory_space<vmem>>, vector<16xi32>,
        %get3A_465 = arith.constant 119 : index
        %get3A_466 = tpu.vector_load %arg9[%get3A_465] {strides = array<i32>} : memref<144xi32, #tpu.memory_space<vmem>>, vector<16xi32>,
        %get3A_467 = arith.constant 121 : index
        %get3A_468 = tpu.vector_load %arg9[%get3A_467] {strides = array<i32>} : memref<144xi32, #tpu.memory_space<vmem>>, vector<16xi32>,
        %add3A_469 = arith.constant 112 : i32
        %add3A_470 = arith.addi %add3A_351, %add3A_469 : i32
        %add3A_471 = vector.broadcast %add3A_470 : i32 to vector<16xi32>
        %add3A_472 = arith.addi %iota3A, %add3A_471 : vector<16xi32>
        %convert_element_type3A_473 = arith.sitofp %add3A_472 : vector<16xi32> to vector<16xf32>
        %ne3A_474 = arith.cmpi ne, %get3A_464, %get3A_466 : vector<16xi32>
        tpu.vector_store_idx %arg13[%get3A_464], %convert_element_type3A_473 masked %ne3A_474 : memref<4096xf32, #tpu.memory_space<vmem>>[vector<16xi32>], vector<16xf32>, vector<16xi1>
        %add3A_475 = arith.constant 1.000000e+00 : f32
        %add3A_476 = vector.broadcast %add3A_475 : f32 to vector<16xf32>
        %add3A_477 = arith.addf %convert_element_type3A_473, %add3A_476 : vector<16xf32>
        %ne3A_478 = arith.cmpi ne, %get3A_464, %get3A_468 : vector<16xi32>
        tpu.vector_store_idx %arg14[%get3A_464], %add3A_477 masked %ne3A_478 : memref<4096xf32, #tpu.memory_space<vmem>>[vector<16xi32>], vector<16xf32>, vector<16xi1>
      } else {
      }
      %jit3A_232 = arith.constant 4 : i32
      %eq3A_233 = arith.constant 0 : i32
      %eq3A_234 = arith.cmpi eq, %jit3A_232, %eq3A_233 : i32
      %jit3A_235 = arith.constant 1 : i32
      %select_n3A_236 = arith.select %eq3A_234, %jit3A_235, %jit3A_232 : i32
      %rem3A_237 = arith.remsi %while3A_210, %select_n3A_236 : i32
      %ne3A_238 = arith.constant 0 : i32
      %ne3A_239 = arith.cmpi ne, %rem3A_237, %ne3A_238 : i32
      %lt3A_240 = arith.constant 0 : i32
      %lt3A_241 = arith.cmpi slt, %rem3A_237, %lt3A_240 : i32
      %lt3A_242 = arith.constant 0 : i32
      %lt3A_243 = arith.cmpi slt, %select_n3A_236, %lt3A_242 : i32
      %ne3A_244 = arith.xori %lt3A_241, %lt3A_243 : i1
      %and3A_245 = arith.andi %ne3A_244, %ne3A_239 : i1
      %add3A_246 = arith.addi %rem3A_237, %select_n3A_236 : i32
      %select_n3A_247 = arith.select %and3A_245, %add3A_246, %rem3A_237 : i32
      %eq3A_248 = arith.constant 1 : i32
      %eq3A_249 = arith.cmpi eq, %select_n3A_247, %eq3A_248 : i32
      %convert_element_type3A_250 = arith.extui %eq3A_249 : i1 to i32
      %cond3A_251 = arith.constant 0 : i32
      %cond3A_252 = arith.cmpi ne, %convert_element_type3A_250, %cond3A_251 : i32
      scf.if %cond3A_252 {
        %ge3A = arith.constant 2 : i32
        %ge3A_295 = arith.cmpi sge, %while3A_210, %ge3A : i32
        %convert_element_type3A_296 = arith.extui %ge3A_295 : i1 to i32
        %cond3A_297 = arith.constant 0 : i32
        %cond3A_298 = arith.cmpi ne, %convert_element_type3A_296, %cond3A_297 : i32
        scf.if %cond3A_298 {
          %dma_wait3A_479 = arith.constant 3 : i32
          %dma_wait3A_480 = arith.constant 3 : i32
          %dma_wait3A_481 = arith.constant 0 : i32
          %dma_wait3A_482 = arith.constant 0 : i32
          %dma_wait3A_483 = tpu.memref_slice %arg7[%dma_wait3A_479, %dma_wait3A_481, %dma_wait3A_482] : memref<4x128x128xf32, #tpu.memory_space<vmem>> -> memref<1x128x128xf32, #tpu.memory_space<vmem>>
          %dma_wait3A_484 = tpu.memref_squeeze %dma_wait3A_483 : memref<1x128x128xf32, #tpu.memory_space<vmem>> -> memref<128x128xf32, #tpu.memory_space<vmem>>
          %dma_wait3A_485 = arith.constant 0 : i32
          %dma_wait3A_486 = tpu.memref_slice %arg8[%dma_wait3A_480, %dma_wait3A_485] : memref<4x128xi32, #tpu.memory_space<vmem>> -> memref<1x128xi32, #tpu.memory_space<vmem>>
          %dma_wait3A_487 = tpu.memref_squeeze %dma_wait3A_486 : memref<1x128xi32, #tpu.memory_space<vmem>> -> memref<128xi32, #tpu.memory_space<vmem>>
          %dma_wait3A_488 = arith.constant 0 : i32
          %dma_wait3A_489 = arith.constant 0 : i32
          %dma_wait3A_490 = tpu.memref_slice %arg32[%dma_wait3A_488, %dma_wait3A_489] : memref<4096x128xf32, #tpu.memory_space<vmem_shared>> -> memref<4096x128xf32, #tpu.memory_space<vmem_shared>>
          tpu.wait_indirect_dma semaphore(%arg31 : memref<!tpu.dma_semaphore, #tpu.memory_space<semaphore_mem>>) src(%dma_wait3A_484 : memref<128x128xf32, #tpu.memory_space<vmem>>) dst(%dma_wait3A_490 : memref<4096x128xf32, #tpu.memory_space<vmem_shared>>)
        } else {
        }
        %add3A_299 = arith.constant 2 : i32
        %add3A_300 = arith.addi %while3A_210, %add3A_299 : i32
        %lt3A_301 = arith.cmpi slt, %add3A_300, %add3A_49 : i32
        %convert_element_type3A_302 = arith.extui %lt3A_301 : i1 to i32
        %cond3A_303 = arith.constant 0 : i32
        %cond3A_304 = arith.cmpi ne, %convert_element_type3A_302, %cond3A_303 : i32
        scf.if %cond3A_304 {
          %add3A_479 = arith.constant 2 : i32
          %add3A_480 = arith.addi %while3A_210, %add3A_479 : i32
          %mul3A_481 = arith.constant 128 : i32
          %mul3A_482 = arith.muli %add3A_480, %mul3A_481 : i32
          %add3A_483 = arith.addi %add3A_27, %mul3A_482 : i32
          %dma_start3A_484 = arith.constant 3 : i32
          %dma_start3A_485 = arith.constant 0 : i32
          %dma_start3A_486 = arith.constant 0 : i32
          %dma_start3A_487 = tpu.memref_slice %arg7[%dma_start3A_484, %dma_start3A_485, %dma_start3A_486] : memref<4x128x128xf32, #tpu.memory_space<vmem>> -> memref<1x128x128xf32, #tpu.memory_space<vmem>>
          %dma_start3A_488 = tpu.memref_squeeze %dma_start3A_487 : memref<1x128x128xf32, #tpu.memory_space<vmem>> -> memref<128x128xf32, #tpu.memory_space<vmem>>
          %dma_start3A_489 = arith.constant 0 : i32
          %dma_start3A_490 = tpu.memref_slice %arg2[%add3A_483, %dma_start3A_489] : memref<320000x128xf32, #tpu.memory_space<hbm>> -> memref<128x128xf32, #tpu.memory_space<hbm>>
          %dma_start3A_491 = arith.constant 0 : i32
          %dma_start3A_492 = arith.constant 0 : i32
          %dma_start3A_493 = tpu.memref_slice %arg7[%dma_start3A_484, %dma_start3A_491, %dma_start3A_492] : memref<4x128x128xf32, #tpu.memory_space<vmem>> -> memref<1x128x128xf32, #tpu.memory_space<vmem>>
          %dma_start3A_494 = tpu.memref_squeeze %dma_start3A_493 : memref<1x128x128xf32, #tpu.memory_space<vmem>> -> memref<128x128xf32, #tpu.memory_space<vmem>>
          %dma_start3A_495 = arith.constant 0 : i32
          %dma_start3A_496 = tpu.memref_slice %arg2[%add3A_483, %dma_start3A_495] : memref<320000x128xf32, #tpu.memory_space<hbm>> -> memref<128x128xf32, #tpu.memory_space<hbm>>
          tpu.enqueue_dma source(%dma_start3A_496 : memref<128x128xf32, #tpu.memory_space<hbm>>) target(%dma_start3A_494 : memref<128x128xf32, #tpu.memory_space<vmem>>) target_semaphore(%arg19 : memref<!tpu.dma_semaphore, #tpu.memory_space<semaphore_mem>>)
          %add3A_497 = arith.addi %select_n3A, %add3A_480 : i32
          %dma_start3A_498 = arith.constant 3 : i32
          %dma_start3A_499 = arith.constant 0 : i32
          %dma_start3A_500 = tpu.memref_slice %arg8[%dma_start3A_498, %dma_start3A_499] : memref<4x128xi32, #tpu.memory_space<vmem>> -> memref<1x128xi32, #tpu.memory_space<vmem>>
          %dma_start3A_501 = tpu.memref_squeeze %dma_start3A_500 : memref<1x128xi32, #tpu.memory_space<vmem>> -> memref<128xi32, #tpu.memory_space<vmem>>
          %dma_start3A_502 = arith.constant 0 : i32
          %dma_start3A_503 = tpu.memref_slice %arg3[%add3A_497, %dma_start3A_502] : memref<2500x128xi32, #tpu.memory_space<hbm>> -> memref<1x128xi32, #tpu.memory_space<hbm>>
          %dma_start3A_504 = tpu.memref_squeeze %dma_start3A_503 : memref<1x128xi32, #tpu.memory_space<hbm>> -> memref<128xi32, #tpu.memory_space<hbm>>
          %dma_start3A_505 = arith.constant 0 : i32
          %dma_start3A_506 = tpu.memref_slice %arg8[%dma_start3A_498, %dma_start3A_505] : memref<4x128xi32, #tpu.memory_space<vmem>> -> memref<1x128xi32, #tpu.memory_space<vmem>>
          %dma_start3A_507 = tpu.memref_squeeze %dma_start3A_506 : memref<1x128xi32, #tpu.memory_space<vmem>> -> memref<128xi32, #tpu.memory_space<vmem>>
          %dma_start3A_508 = arith.constant 0 : i32
          %dma_start3A_509 = tpu.memref_slice %arg3[%add3A_497, %dma_start3A_508] : memref<2500x128xi32, #tpu.memory_space<hbm>> -> memref<1x128xi32, #tpu.memory_space<hbm>>
          %dma_start3A_510 = tpu.memref_squeeze %dma_start3A_509 : memref<1x128xi32, #tpu.memory_space<hbm>> -> memref<128xi32, #tpu.memory_space<hbm>>
          tpu.enqueue_dma source(%dma_start3A_510 : memref<128xi32, #tpu.memory_space<hbm>>) target(%dma_start3A_507 : memref<128xi32, #tpu.memory_space<vmem>>) target_semaphore(%arg23 : memref<!tpu.dma_semaphore, #tpu.memory_space<semaphore_mem>>)
          %mul3A_511 = arith.constant 128 : i32
          %mul3A_512 = arith.muli %add3A_480, %mul3A_511 : i32
          %add3A_513 = arith.addi %add3A_27, %mul3A_512 : i32
          %dma_start3A_514 = tpu.memref_slice %arg4[%add3A_513] : memref<320016xi32, #tpu.memory_space<hbm>> -> memref<144xi32, #tpu.memory_space<hbm>>
          %dma_start3A_515 = tpu.memref_slice %arg4[%add3A_513] : memref<320016xi32, #tpu.memory_space<hbm>> -> memref<144xi32, #tpu.memory_space<hbm>>
          tpu.enqueue_dma source(%dma_start3A_515 : memref<144xi32, #tpu.memory_space<hbm>>) target(%arg12 : memref<144xi32, #tpu.memory_space<vmem>>) target_semaphore(%arg27 : memref<!tpu.dma_semaphore, #tpu.memory_space<semaphore_mem>>)
        } else {
        }
        %dma_wait3A = arith.constant 1 : i32
        %dma_wait3A_305 = arith.constant 0 : i32
        %dma_wait3A_306 = arith.constant 0 : i32
        %dma_wait3A_307 = tpu.memref_slice %arg7[%dma_wait3A, %dma_wait3A_305, %dma_wait3A_306] : memref<4x128x128xf32, #tpu.memory_space<vmem>> -> memref<1x128x128xf32, #tpu.memory_space<vmem>>
        %dma_wait3A_308 = tpu.memref_squeeze %dma_wait3A_307 : memref<1x128x128xf32, #tpu.memory_space<vmem>> -> memref<128x128xf32, #tpu.memory_space<vmem>>
        %dma_wait3A_309 = arith.constant 0 : i32
        %dma_wait3A_310 = arith.constant 0 : i32
        %dma_wait3A_311 = tpu.memref_slice %arg2[%dma_wait3A_309, %dma_wait3A_310] : memref<320000x128xf32, #tpu.memory_space<hbm>> -> memref<128x128xf32, #tpu.memory_space<hbm>>
        %dma_wait3A_312 = arith.constant 0 : i32
        %dma_wait3A_313 = arith.constant 0 : i32
        %dma_wait3A_314 = tpu.memref_slice %arg7[%dma_wait3A, %dma_wait3A_312, %dma_wait3A_313] : memref<4x128x128xf32, #tpu.memory_space<vmem>> -> memref<1x128x128xf32, #tpu.memory_space<vmem>>
        %dma_wait3A_315 = tpu.memref_squeeze %dma_wait3A_314 : memref<1x128x128xf32, #tpu.memory_space<vmem>> -> memref<128x128xf32, #tpu.memory_space<vmem>>
        %dma_wait3A_316 = arith.constant 0 : i32
        %dma_wait3A_317 = arith.constant 0 : i32
        %dma_wait3A_318 = tpu.memref_slice %arg2[%dma_wait3A_316, %dma_wait3A_317] : memref<320000x128xf32, #tpu.memory_space<hbm>> -> memref<128x128xf32, #tpu.memory_space<hbm>>
        tpu.wait_dma2 semaphore(%arg17 : memref<!tpu.dma_semaphore, #tpu.memory_space<semaphore_mem>>) src(%dma_wait3A_318 : memref<128x128xf32, #tpu.memory_space<hbm>>) dst(%dma_wait3A_315 : memref<128x128xf32, #tpu.memory_space<vmem>>)
        %dma_wait3A_319 = arith.constant 0 : i32
        %dma_wait3A_320 = arith.constant 1 : i32
        %dma_wait3A_321 = arith.constant 0 : i32
        %dma_wait3A_322 = tpu.memref_slice %arg8[%dma_wait3A_320, %dma_wait3A_321] : memref<4x128xi32, #tpu.memory_space<vmem>> -> memref<1x128xi32, #tpu.memory_space<vmem>>
        %dma_wait3A_323 = tpu.memref_squeeze %dma_wait3A_322 : memref<1x128xi32, #tpu.memory_space<vmem>> -> memref<128xi32, #tpu.memory_space<vmem>>
        %dma_wait3A_324 = arith.constant 0 : i32
        %dma_wait3A_325 = tpu.memref_slice %arg3[%dma_wait3A_319, %dma_wait3A_324] : memref<2500x128xi32, #tpu.memory_space<hbm>> -> memref<1x128xi32, #tpu.memory_space<hbm>>
        %dma_wait3A_326 = tpu.memref_squeeze %dma_wait3A_325 : memref<1x128xi32, #tpu.memory_space<hbm>> -> memref<128xi32, #tpu.memory_space<hbm>>
        %dma_wait3A_327 = arith.constant 0 : i32
        %dma_wait3A_328 = tpu.memref_slice %arg8[%dma_wait3A_320, %dma_wait3A_327] : memref<4x128xi32, #tpu.memory_space<vmem>> -> memref<1x128xi32, #tpu.memory_space<vmem>>
        %dma_wait3A_329 = tpu.memref_squeeze %dma_wait3A_328 : memref<1x128xi32, #tpu.memory_space<vmem>> -> memref<128xi32, #tpu.memory_space<vmem>>
        %dma_wait3A_330 = arith.constant 0 : i32
        %dma_wait3A_331 = tpu.memref_slice %arg3[%dma_wait3A_319, %dma_wait3A_330] : memref<2500x128xi32, #tpu.memory_space<hbm>> -> memref<1x128xi32, #tpu.memory_space<hbm>>
        %dma_wait3A_332 = tpu.memref_squeeze %dma_wait3A_331 : memref<1x128xi32, #tpu.memory_space<hbm>> -> memref<128xi32, #tpu.memory_space<hbm>>
        tpu.wait_dma2 semaphore(%arg21 : memref<!tpu.dma_semaphore, #tpu.memory_space<semaphore_mem>>) src(%dma_wait3A_332 : memref<128xi32, #tpu.memory_space<hbm>>) dst(%dma_wait3A_329 : memref<128xi32, #tpu.memory_space<vmem>>)
        %dma_wait3A_333 = arith.constant 0 : i32
        %dma_wait3A_334 = tpu.memref_slice %arg4[%dma_wait3A_333] : memref<320016xi32, #tpu.memory_space<hbm>> -> memref<144xi32, #tpu.memory_space<hbm>>
        %dma_wait3A_335 = arith.constant 0 : i32
        %dma_wait3A_336 = tpu.memref_slice %arg4[%dma_wait3A_335] : memref<320016xi32, #tpu.memory_space<hbm>> -> memref<144xi32, #tpu.memory_space<hbm>>
        tpu.wait_dma2 semaphore(%arg25 : memref<!tpu.dma_semaphore, #tpu.memory_space<semaphore_mem>>) src(%dma_wait3A_336 : memref<144xi32, #tpu.memory_space<hbm>>) dst(%arg10 : memref<144xi32, #tpu.memory_space<vmem>>)
        %dma_start3A_337 = arith.constant 1 : i32
        %dma_start3A_338 = arith.constant 1 : i32
        %dma_start3A_339 = arith.constant 0 : i32
        %dma_start3A_340 = arith.constant 0 : i32
        %dma_start3A_341 = tpu.memref_slice %arg7[%dma_start3A_337, %dma_start3A_339, %dma_start3A_340] : memref<4x128x128xf32, #tpu.memory_space<vmem>> -> memref<1x128x128xf32, #tpu.memory_space<vmem>>
        %dma_start3A_342 = tpu.memref_squeeze %dma_start3A_341 : memref<1x128x128xf32, #tpu.memory_space<vmem>> -> memref<128x128xf32, #tpu.memory_space<vmem>>
        %dma_start3A_343 = arith.constant 0 : i32
        %dma_start3A_344 = tpu.memref_slice %arg8[%dma_start3A_338, %dma_start3A_343] : memref<4x128xi32, #tpu.memory_space<vmem>> -> memref<1x128xi32, #tpu.memory_space<vmem>>
        %dma_start3A_345 = tpu.memref_squeeze %dma_start3A_344 : memref<1x128xi32, #tpu.memory_space<vmem>> -> memref<128xi32, #tpu.memory_space<vmem>>
        %dma_start3A_346 = arith.constant 0 : i32
        %dma_start3A_347 = arith.constant 0 : i32
        %dma_start3A_348 = tpu.memref_slice %arg32[%dma_start3A_346, %dma_start3A_347] : memref<4096x128xf32, #tpu.memory_space<vmem_shared>> -> memref<4096x128xf32, #tpu.memory_space<vmem_shared>>
        tpu.enqueue_indirect_dma source(%dma_start3A_342 : memref<128x128xf32, #tpu.memory_space<vmem>>) target(%dma_start3A_348 : memref<4096x128xf32, #tpu.memory_space<vmem_shared>>) offsets(%dma_start3A_345 : memref<128xi32, #tpu.memory_space<vmem>>) semaphore(%arg29 : memref<!tpu.dma_semaphore, #tpu.memory_space<semaphore_mem>>) {add = true}
        %mul3A_349 = arith.constant 128 : i32
        %mul3A_350 = arith.muli %while3A_210, %mul3A_349 : i32
        %add3A_351 = arith.addi %add3A_27, %mul3A_350 : i32
        %get3A = arith.constant 8 : index
        %get3A_352 = tpu.vector_load %arg10[%get3A] {strides = array<i32>} : memref<144xi32, #tpu.memory_space<vmem>>, vector<16xi32>,
        %get3A_353 = arith.constant 7 : index
        %get3A_354 = tpu.vector_load %arg10[%get3A_353] {strides = array<i32>} : memref<144xi32, #tpu.memory_space<vmem>>, vector<16xi32>,
        %get3A_355 = arith.constant 9 : index
        %get3A_356 = tpu.vector_load %arg10[%get3A_355] {strides = array<i32>} : memref<144xi32, #tpu.memory_space<vmem>>, vector<16xi32>,
        %add3A_357 = arith.constant 0 : i32
        %add3A_358 = arith.addi %add3A_351, %add3A_357 : i32
        %add3A_359 = vector.broadcast %add3A_358 : i32 to vector<16xi32>
        %add3A_360 = arith.addi %iota3A, %add3A_359 : vector<16xi32>
        %convert_element_type3A_361 = arith.sitofp %add3A_360 : vector<16xi32> to vector<16xf32>
        %ne3A_362 = arith.cmpi ne, %get3A_352, %get3A_354 : vector<16xi32>
        tpu.vector_store_idx %arg13[%get3A_352], %convert_element_type3A_361 masked %ne3A_362 : memref<4096xf32, #tpu.memory_space<vmem>>[vector<16xi32>], vector<16xf32>, vector<16xi1>
        %add3A_363 = arith.constant 1.000000e+00 : f32
        %add3A_364 = vector.broadcast %add3A_363 : f32 to vector<16xf32>
        %add3A_365 = arith.addf %convert_element_type3A_361, %add3A_364 : vector<16xf32>
        %ne3A_366 = arith.cmpi ne, %get3A_352, %get3A_356 : vector<16xi32>
        tpu.vector_store_idx %arg14[%get3A_352], %add3A_365 masked %ne3A_366 : memref<4096xf32, #tpu.memory_space<vmem>>[vector<16xi32>], vector<16xf32>, vector<16xi1>
        %get3A_367 = arith.constant 24 : index
        %get3A_368 = tpu.vector_load %arg10[%get3A_367] {strides = array<i32>} : memref<144xi32, #tpu.memory_space<vmem>>, vector<16xi32>,
        %get3A_369 = arith.constant 23 : index
        %get3A_370 = tpu.vector_load %arg10[%get3A_369] {strides = array<i32>} : memref<144xi32, #tpu.memory_space<vmem>>, vector<16xi32>,
        %get3A_371 = arith.constant 25 : index
        %get3A_372 = tpu.vector_load %arg10[%get3A_371] {strides = array<i32>} : memref<144xi32, #tpu.memory_space<vmem>>, vector<16xi32>,
        %add3A_373 = arith.constant 16 : i32
        %add3A_374 = arith.addi %add3A_351, %add3A_373 : i32
        %add3A_375 = vector.broadcast %add3A_374 : i32 to vector<16xi32>
        %add3A_376 = arith.addi %iota3A, %add3A_375 : vector<16xi32>
        %convert_element_type3A_377 = arith.sitofp %add3A_376 : vector<16xi32> to vector<16xf32>
        %ne3A_378 = arith.cmpi ne, %get3A_368, %get3A_370 : vector<16xi32>
        tpu.vector_store_idx %arg13[%get3A_368], %convert_element_type3A_377 masked %ne3A_378 : memref<4096xf32, #tpu.memory_space<vmem>>[vector<16xi32>], vector<16xf32>, vector<16xi1>
        %add3A_379 = arith.constant 1.000000e+00 : f32
        %add3A_380 = vector.broadcast %add3A_379 : f32 to vector<16xf32>
        %add3A_381 = arith.addf %convert_element_type3A_377, %add3A_380 : vector<16xf32>
        %ne3A_382 = arith.cmpi ne, %get3A_368, %get3A_372 : vector<16xi32>
        tpu.vector_store_idx %arg14[%get3A_368], %add3A_381 masked %ne3A_382 : memref<4096xf32, #tpu.memory_space<vmem>>[vector<16xi32>], vector<16xf32>, vector<16xi1>
        %get3A_383 = arith.constant 40 : index
        %get3A_384 = tpu.vector_load %arg10[%get3A_383] {strides = array<i32>} : memref<144xi32, #tpu.memory_space<vmem>>, vector<16xi32>,
        %get3A_385 = arith.constant 39 : index
        %get3A_386 = tpu.vector_load %arg10[%get3A_385] {strides = array<i32>} : memref<144xi32, #tpu.memory_space<vmem>>, vector<16xi32>,
        %get3A_387 = arith.constant 41 : index
        %get3A_388 = tpu.vector_load %arg10[%get3A_387] {strides = array<i32>} : memref<144xi32, #tpu.memory_space<vmem>>, vector<16xi32>,
        %add3A_389 = arith.constant 32 : i32
        %add3A_390 = arith.addi %add3A_351, %add3A_389 : i32
        %add3A_391 = vector.broadcast %add3A_390 : i32 to vector<16xi32>
        %add3A_392 = arith.addi %iota3A, %add3A_391 : vector<16xi32>
        %convert_element_type3A_393 = arith.sitofp %add3A_392 : vector<16xi32> to vector<16xf32>
        %ne3A_394 = arith.cmpi ne, %get3A_384, %get3A_386 : vector<16xi32>
        tpu.vector_store_idx %arg13[%get3A_384], %convert_element_type3A_393 masked %ne3A_394 : memref<4096xf32, #tpu.memory_space<vmem>>[vector<16xi32>], vector<16xf32>, vector<16xi1>
        %add3A_395 = arith.constant 1.000000e+00 : f32
        %add3A_396 = vector.broadcast %add3A_395 : f32 to vector<16xf32>
        %add3A_397 = arith.addf %convert_element_type3A_393, %add3A_396 : vector<16xf32>
        %ne3A_398 = arith.cmpi ne, %get3A_384, %get3A_388 : vector<16xi32>
        tpu.vector_store_idx %arg14[%get3A_384], %add3A_397 masked %ne3A_398 : memref<4096xf32, #tpu.memory_space<vmem>>[vector<16xi32>], vector<16xf32>, vector<16xi1>
        %get3A_399 = arith.constant 56 : index
        %get3A_400 = tpu.vector_load %arg10[%get3A_399] {strides = array<i32>} : memref<144xi32, #tpu.memory_space<vmem>>, vector<16xi32>,
        %get3A_401 = arith.constant 55 : index
        %get3A_402 = tpu.vector_load %arg10[%get3A_401] {strides = array<i32>} : memref<144xi32, #tpu.memory_space<vmem>>, vector<16xi32>,
        %get3A_403 = arith.constant 57 : index
        %get3A_404 = tpu.vector_load %arg10[%get3A_403] {strides = array<i32>} : memref<144xi32, #tpu.memory_space<vmem>>, vector<16xi32>,
        %add3A_405 = arith.constant 48 : i32
        %add3A_406 = arith.addi %add3A_351, %add3A_405 : i32
        %add3A_407 = vector.broadcast %add3A_406 : i32 to vector<16xi32>
        %add3A_408 = arith.addi %iota3A, %add3A_407 : vector<16xi32>
        %convert_element_type3A_409 = arith.sitofp %add3A_408 : vector<16xi32> to vector<16xf32>
        %ne3A_410 = arith.cmpi ne, %get3A_400, %get3A_402 : vector<16xi32>
        tpu.vector_store_idx %arg13[%get3A_400], %convert_element_type3A_409 masked %ne3A_410 : memref<4096xf32, #tpu.memory_space<vmem>>[vector<16xi32>], vector<16xf32>, vector<16xi1>
        %add3A_411 = arith.constant 1.000000e+00 : f32
        %add3A_412 = vector.broadcast %add3A_411 : f32 to vector<16xf32>
        %add3A_413 = arith.addf %convert_element_type3A_409, %add3A_412 : vector<16xf32>
        %ne3A_414 = arith.cmpi ne, %get3A_400, %get3A_404 : vector<16xi32>
        tpu.vector_store_idx %arg14[%get3A_400], %add3A_413 masked %ne3A_414 : memref<4096xf32, #tpu.memory_space<vmem>>[vector<16xi32>], vector<16xf32>, vector<16xi1>
        %get3A_415 = arith.constant 72 : index
        %get3A_416 = tpu.vector_load %arg10[%get3A_415] {strides = array<i32>} : memref<144xi32, #tpu.memory_space<vmem>>, vector<16xi32>,
        %get3A_417 = arith.constant 71 : index
        %get3A_418 = tpu.vector_load %arg10[%get3A_417] {strides = array<i32>} : memref<144xi32, #tpu.memory_space<vmem>>, vector<16xi32>,
        %get3A_419 = arith.constant 73 : index
        %get3A_420 = tpu.vector_load %arg10[%get3A_419] {strides = array<i32>} : memref<144xi32, #tpu.memory_space<vmem>>, vector<16xi32>,
        %add3A_421 = arith.constant 64 : i32
        %add3A_422 = arith.addi %add3A_351, %add3A_421 : i32
        %add3A_423 = vector.broadcast %add3A_422 : i32 to vector<16xi32>
        %add3A_424 = arith.addi %iota3A, %add3A_423 : vector<16xi32>
        %convert_element_type3A_425 = arith.sitofp %add3A_424 : vector<16xi32> to vector<16xf32>
        %ne3A_426 = arith.cmpi ne, %get3A_416, %get3A_418 : vector<16xi32>
        tpu.vector_store_idx %arg13[%get3A_416], %convert_element_type3A_425 masked %ne3A_426 : memref<4096xf32, #tpu.memory_space<vmem>>[vector<16xi32>], vector<16xf32>, vector<16xi1>
        %add3A_427 = arith.constant 1.000000e+00 : f32
        %add3A_428 = vector.broadcast %add3A_427 : f32 to vector<16xf32>
        %add3A_429 = arith.addf %convert_element_type3A_425, %add3A_428 : vector<16xf32>
        %ne3A_430 = arith.cmpi ne, %get3A_416, %get3A_420 : vector<16xi32>
        tpu.vector_store_idx %arg14[%get3A_416], %add3A_429 masked %ne3A_430 : memref<4096xf32, #tpu.memory_space<vmem>>[vector<16xi32>], vector<16xf32>, vector<16xi1>
        %get3A_431 = arith.constant 88 : index
        %get3A_432 = tpu.vector_load %arg10[%get3A_431] {strides = array<i32>} : memref<144xi32, #tpu.memory_space<vmem>>, vector<16xi32>,
        %get3A_433 = arith.constant 87 : index
        %get3A_434 = tpu.vector_load %arg10[%get3A_433] {strides = array<i32>} : memref<144xi32, #tpu.memory_space<vmem>>, vector<16xi32>,
        %get3A_435 = arith.constant 89 : index
        %get3A_436 = tpu.vector_load %arg10[%get3A_435] {strides = array<i32>} : memref<144xi32, #tpu.memory_space<vmem>>, vector<16xi32>,
        %add3A_437 = arith.constant 80 : i32
        %add3A_438 = arith.addi %add3A_351, %add3A_437 : i32
        %add3A_439 = vector.broadcast %add3A_438 : i32 to vector<16xi32>
        %add3A_440 = arith.addi %iota3A, %add3A_439 : vector<16xi32>
        %convert_element_type3A_441 = arith.sitofp %add3A_440 : vector<16xi32> to vector<16xf32>
        %ne3A_442 = arith.cmpi ne, %get3A_432, %get3A_434 : vector<16xi32>
        tpu.vector_store_idx %arg13[%get3A_432], %convert_element_type3A_441 masked %ne3A_442 : memref<4096xf32, #tpu.memory_space<vmem>>[vector<16xi32>], vector<16xf32>, vector<16xi1>
        %add3A_443 = arith.constant 1.000000e+00 : f32
        %add3A_444 = vector.broadcast %add3A_443 : f32 to vector<16xf32>
        %add3A_445 = arith.addf %convert_element_type3A_441, %add3A_444 : vector<16xf32>
        %ne3A_446 = arith.cmpi ne, %get3A_432, %get3A_436 : vector<16xi32>
        tpu.vector_store_idx %arg14[%get3A_432], %add3A_445 masked %ne3A_446 : memref<4096xf32, #tpu.memory_space<vmem>>[vector<16xi32>], vector<16xf32>, vector<16xi1>
        %get3A_447 = arith.constant 104 : index
        %get3A_448 = tpu.vector_load %arg10[%get3A_447] {strides = array<i32>} : memref<144xi32, #tpu.memory_space<vmem>>, vector<16xi32>,
        %get3A_449 = arith.constant 103 : index
        %get3A_450 = tpu.vector_load %arg10[%get3A_449] {strides = array<i32>} : memref<144xi32, #tpu.memory_space<vmem>>, vector<16xi32>,
        %get3A_451 = arith.constant 105 : index
        %get3A_452 = tpu.vector_load %arg10[%get3A_451] {strides = array<i32>} : memref<144xi32, #tpu.memory_space<vmem>>, vector<16xi32>,
        %add3A_453 = arith.constant 96 : i32
        %add3A_454 = arith.addi %add3A_351, %add3A_453 : i32
        %add3A_455 = vector.broadcast %add3A_454 : i32 to vector<16xi32>
        %add3A_456 = arith.addi %iota3A, %add3A_455 : vector<16xi32>
        %convert_element_type3A_457 = arith.sitofp %add3A_456 : vector<16xi32> to vector<16xf32>
        %ne3A_458 = arith.cmpi ne, %get3A_448, %get3A_450 : vector<16xi32>
        tpu.vector_store_idx %arg13[%get3A_448], %convert_element_type3A_457 masked %ne3A_458 : memref<4096xf32, #tpu.memory_space<vmem>>[vector<16xi32>], vector<16xf32>, vector<16xi1>
        %add3A_459 = arith.constant 1.000000e+00 : f32
        %add3A_460 = vector.broadcast %add3A_459 : f32 to vector<16xf32>
        %add3A_461 = arith.addf %convert_element_type3A_457, %add3A_460 : vector<16xf32>
        %ne3A_462 = arith.cmpi ne, %get3A_448, %get3A_452 : vector<16xi32>
        tpu.vector_store_idx %arg14[%get3A_448], %add3A_461 masked %ne3A_462 : memref<4096xf32, #tpu.memory_space<vmem>>[vector<16xi32>], vector<16xf32>, vector<16xi1>
        %get3A_463 = arith.constant 120 : index
        %get3A_464 = tpu.vector_load %arg10[%get3A_463] {strides = array<i32>} : memref<144xi32, #tpu.memory_space<vmem>>, vector<16xi32>,
        %get3A_465 = arith.constant 119 : index
        %get3A_466 = tpu.vector_load %arg10[%get3A_465] {strides = array<i32>} : memref<144xi32, #tpu.memory_space<vmem>>, vector<16xi32>,
        %get3A_467 = arith.constant 121 : index
        %get3A_468 = tpu.vector_load %arg10[%get3A_467] {strides = array<i32>} : memref<144xi32, #tpu.memory_space<vmem>>, vector<16xi32>,
        %add3A_469 = arith.constant 112 : i32
        %add3A_470 = arith.addi %add3A_351, %add3A_469 : i32
        %add3A_471 = vector.broadcast %add3A_470 : i32 to vector<16xi32>
        %add3A_472 = arith.addi %iota3A, %add3A_471 : vector<16xi32>
        %convert_element_type3A_473 = arith.sitofp %add3A_472 : vector<16xi32> to vector<16xf32>
        %ne3A_474 = arith.cmpi ne, %get3A_464, %get3A_466 : vector<16xi32>
        tpu.vector_store_idx %arg13[%get3A_464], %convert_element_type3A_473 masked %ne3A_474 : memref<4096xf32, #tpu.memory_space<vmem>>[vector<16xi32>], vector<16xf32>, vector<16xi1>
        %add3A_475 = arith.constant 1.000000e+00 : f32
        %add3A_476 = vector.broadcast %add3A_475 : f32 to vector<16xf32>
        %add3A_477 = arith.addf %convert_element_type3A_473, %add3A_476 : vector<16xf32>
        %ne3A_478 = arith.cmpi ne, %get3A_464, %get3A_468 : vector<16xi32>
        tpu.vector_store_idx %arg14[%get3A_464], %add3A_477 masked %ne3A_478 : memref<4096xf32, #tpu.memory_space<vmem>>[vector<16xi32>], vector<16xf32>, vector<16xi1>
      } else {
      }
      %jit3A_253 = arith.constant 4 : i32
      %eq3A_254 = arith.constant 0 : i32
      %eq3A_255 = arith.cmpi eq, %jit3A_253, %eq3A_254 : i32
      %jit3A_256 = arith.constant 1 : i32
      %select_n3A_257 = arith.select %eq3A_255, %jit3A_256, %jit3A_253 : i32
      %rem3A_258 = arith.remsi %while3A_210, %select_n3A_257 : i32
      %ne3A_259 = arith.constant 0 : i32
      %ne3A_260 = arith.cmpi ne, %rem3A_258, %ne3A_259 : i32
      %lt3A_261 = arith.constant 0 : i32
      %lt3A_262 = arith.cmpi slt, %rem3A_258, %lt3A_261 : i32
      %lt3A_263 = arith.constant 0 : i32
      %lt3A_264 = arith.cmpi slt, %select_n3A_257, %lt3A_263 : i32
      %ne3A_265 = arith.xori %lt3A_262, %lt3A_264 : i1
      %and3A_266 = arith.andi %ne3A_265, %ne3A_260 : i1
      %add3A_267 = arith.addi %rem3A_258, %select_n3A_257 : i32
      %select_n3A_268 = arith.select %and3A_266, %add3A_267, %rem3A_258 : i32
      %eq3A_269 = arith.constant 2 : i32
      %eq3A_270 = arith.cmpi eq, %select_n3A_268, %eq3A_269 : i32
      %convert_element_type3A_271 = arith.extui %eq3A_270 : i1 to i32
      %cond3A_272 = arith.constant 0 : i32
      %cond3A_273 = arith.cmpi ne, %convert_element_type3A_271, %cond3A_272 : i32
      scf.if %cond3A_273 {
        %ge3A = arith.constant 2 : i32
        %ge3A_295 = arith.cmpi sge, %while3A_210, %ge3A : i32
        %convert_element_type3A_296 = arith.extui %ge3A_295 : i1 to i32
        %cond3A_297 = arith.constant 0 : i32
        %cond3A_298 = arith.cmpi ne, %convert_element_type3A_296, %cond3A_297 : i32
        scf.if %cond3A_298 {
          %dma_wait3A_479 = arith.constant 0 : i32
          %dma_wait3A_480 = arith.constant 0 : i32
          %dma_wait3A_481 = arith.constant 0 : i32
          %dma_wait3A_482 = arith.constant 0 : i32
          %dma_wait3A_483 = tpu.memref_slice %arg7[%dma_wait3A_479, %dma_wait3A_481, %dma_wait3A_482] : memref<4x128x128xf32, #tpu.memory_space<vmem>> -> memref<1x128x128xf32, #tpu.memory_space<vmem>>
          %dma_wait3A_484 = tpu.memref_squeeze %dma_wait3A_483 : memref<1x128x128xf32, #tpu.memory_space<vmem>> -> memref<128x128xf32, #tpu.memory_space<vmem>>
          %dma_wait3A_485 = arith.constant 0 : i32
          %dma_wait3A_486 = tpu.memref_slice %arg8[%dma_wait3A_480, %dma_wait3A_485] : memref<4x128xi32, #tpu.memory_space<vmem>> -> memref<1x128xi32, #tpu.memory_space<vmem>>
          %dma_wait3A_487 = tpu.memref_squeeze %dma_wait3A_486 : memref<1x128xi32, #tpu.memory_space<vmem>> -> memref<128xi32, #tpu.memory_space<vmem>>
          %dma_wait3A_488 = arith.constant 0 : i32
          %dma_wait3A_489 = arith.constant 0 : i32
          %dma_wait3A_490 = tpu.memref_slice %arg32[%dma_wait3A_488, %dma_wait3A_489] : memref<4096x128xf32, #tpu.memory_space<vmem_shared>> -> memref<4096x128xf32, #tpu.memory_space<vmem_shared>>
          tpu.wait_indirect_dma semaphore(%arg28 : memref<!tpu.dma_semaphore, #tpu.memory_space<semaphore_mem>>) src(%dma_wait3A_484 : memref<128x128xf32, #tpu.memory_space<vmem>>) dst(%dma_wait3A_490 : memref<4096x128xf32, #tpu.memory_space<vmem_shared>>)
        } else {
        }
        %add3A_299 = arith.constant 2 : i32
        %add3A_300 = arith.addi %while3A_210, %add3A_299 : i32
        %lt3A_301 = arith.cmpi slt, %add3A_300, %add3A_49 : i32
        %convert_element_type3A_302 = arith.extui %lt3A_301 : i1 to i32
        %cond3A_303 = arith.constant 0 : i32
        %cond3A_304 = arith.cmpi ne, %convert_element_type3A_302, %cond3A_303 : i32
        scf.if %cond3A_304 {
          %add3A_479 = arith.constant 2 : i32
          %add3A_480 = arith.addi %while3A_210, %add3A_479 : i32
          %mul3A_481 = arith.constant 128 : i32
          %mul3A_482 = arith.muli %add3A_480, %mul3A_481 : i32
          %add3A_483 = arith.addi %add3A_27, %mul3A_482 : i32
          %dma_start3A_484 = arith.constant 0 : i32
          %dma_start3A_485 = arith.constant 0 : i32
          %dma_start3A_486 = arith.constant 0 : i32
          %dma_start3A_487 = tpu.memref_slice %arg7[%dma_start3A_484, %dma_start3A_485, %dma_start3A_486] : memref<4x128x128xf32, #tpu.memory_space<vmem>> -> memref<1x128x128xf32, #tpu.memory_space<vmem>>
          %dma_start3A_488 = tpu.memref_squeeze %dma_start3A_487 : memref<1x128x128xf32, #tpu.memory_space<vmem>> -> memref<128x128xf32, #tpu.memory_space<vmem>>
          %dma_start3A_489 = arith.constant 0 : i32
          %dma_start3A_490 = tpu.memref_slice %arg2[%add3A_483, %dma_start3A_489] : memref<320000x128xf32, #tpu.memory_space<hbm>> -> memref<128x128xf32, #tpu.memory_space<hbm>>
          %dma_start3A_491 = arith.constant 0 : i32
          %dma_start3A_492 = arith.constant 0 : i32
          %dma_start3A_493 = tpu.memref_slice %arg7[%dma_start3A_484, %dma_start3A_491, %dma_start3A_492] : memref<4x128x128xf32, #tpu.memory_space<vmem>> -> memref<1x128x128xf32, #tpu.memory_space<vmem>>
          %dma_start3A_494 = tpu.memref_squeeze %dma_start3A_493 : memref<1x128x128xf32, #tpu.memory_space<vmem>> -> memref<128x128xf32, #tpu.memory_space<vmem>>
          %dma_start3A_495 = arith.constant 0 : i32
          %dma_start3A_496 = tpu.memref_slice %arg2[%add3A_483, %dma_start3A_495] : memref<320000x128xf32, #tpu.memory_space<hbm>> -> memref<128x128xf32, #tpu.memory_space<hbm>>
          tpu.enqueue_dma source(%dma_start3A_496 : memref<128x128xf32, #tpu.memory_space<hbm>>) target(%dma_start3A_494 : memref<128x128xf32, #tpu.memory_space<vmem>>) target_semaphore(%arg16 : memref<!tpu.dma_semaphore, #tpu.memory_space<semaphore_mem>>)
          %add3A_497 = arith.addi %select_n3A, %add3A_480 : i32
          %dma_start3A_498 = arith.constant 0 : i32
          %dma_start3A_499 = arith.constant 0 : i32
          %dma_start3A_500 = tpu.memref_slice %arg8[%dma_start3A_498, %dma_start3A_499] : memref<4x128xi32, #tpu.memory_space<vmem>> -> memref<1x128xi32, #tpu.memory_space<vmem>>
          %dma_start3A_501 = tpu.memref_squeeze %dma_start3A_500 : memref<1x128xi32, #tpu.memory_space<vmem>> -> memref<128xi32, #tpu.memory_space<vmem>>
          %dma_start3A_502 = arith.constant 0 : i32
          %dma_start3A_503 = tpu.memref_slice %arg3[%add3A_497, %dma_start3A_502] : memref<2500x128xi32, #tpu.memory_space<hbm>> -> memref<1x128xi32, #tpu.memory_space<hbm>>
          %dma_start3A_504 = tpu.memref_squeeze %dma_start3A_503 : memref<1x128xi32, #tpu.memory_space<hbm>> -> memref<128xi32, #tpu.memory_space<hbm>>
          %dma_start3A_505 = arith.constant 0 : i32
          %dma_start3A_506 = tpu.memref_slice %arg8[%dma_start3A_498, %dma_start3A_505] : memref<4x128xi32, #tpu.memory_space<vmem>> -> memref<1x128xi32, #tpu.memory_space<vmem>>
          %dma_start3A_507 = tpu.memref_squeeze %dma_start3A_506 : memref<1x128xi32, #tpu.memory_space<vmem>> -> memref<128xi32, #tpu.memory_space<vmem>>
          %dma_start3A_508 = arith.constant 0 : i32
          %dma_start3A_509 = tpu.memref_slice %arg3[%add3A_497, %dma_start3A_508] : memref<2500x128xi32, #tpu.memory_space<hbm>> -> memref<1x128xi32, #tpu.memory_space<hbm>>
          %dma_start3A_510 = tpu.memref_squeeze %dma_start3A_509 : memref<1x128xi32, #tpu.memory_space<hbm>> -> memref<128xi32, #tpu.memory_space<hbm>>
          tpu.enqueue_dma source(%dma_start3A_510 : memref<128xi32, #tpu.memory_space<hbm>>) target(%dma_start3A_507 : memref<128xi32, #tpu.memory_space<vmem>>) target_semaphore(%arg20 : memref<!tpu.dma_semaphore, #tpu.memory_space<semaphore_mem>>)
          %mul3A_511 = arith.constant 128 : i32
          %mul3A_512 = arith.muli %add3A_480, %mul3A_511 : i32
          %add3A_513 = arith.addi %add3A_27, %mul3A_512 : i32
          %dma_start3A_514 = tpu.memref_slice %arg4[%add3A_513] : memref<320016xi32, #tpu.memory_space<hbm>> -> memref<144xi32, #tpu.memory_space<hbm>>
          %dma_start3A_515 = tpu.memref_slice %arg4[%add3A_513] : memref<320016xi32, #tpu.memory_space<hbm>> -> memref<144xi32, #tpu.memory_space<hbm>>
          tpu.enqueue_dma source(%dma_start3A_515 : memref<144xi32, #tpu.memory_space<hbm>>) target(%arg9 : memref<144xi32, #tpu.memory_space<vmem>>) target_semaphore(%arg24 : memref<!tpu.dma_semaphore, #tpu.memory_space<semaphore_mem>>)
        } else {
        }
        %dma_wait3A = arith.constant 2 : i32
        %dma_wait3A_305 = arith.constant 0 : i32
        %dma_wait3A_306 = arith.constant 0 : i32
        %dma_wait3A_307 = tpu.memref_slice %arg7[%dma_wait3A, %dma_wait3A_305, %dma_wait3A_306] : memref<4x128x128xf32, #tpu.memory_space<vmem>> -> memref<1x128x128xf32, #tpu.memory_space<vmem>>
        %dma_wait3A_308 = tpu.memref_squeeze %dma_wait3A_307 : memref<1x128x128xf32, #tpu.memory_space<vmem>> -> memref<128x128xf32, #tpu.memory_space<vmem>>
        %dma_wait3A_309 = arith.constant 0 : i32
        %dma_wait3A_310 = arith.constant 0 : i32
        %dma_wait3A_311 = tpu.memref_slice %arg2[%dma_wait3A_309, %dma_wait3A_310] : memref<320000x128xf32, #tpu.memory_space<hbm>> -> memref<128x128xf32, #tpu.memory_space<hbm>>
        %dma_wait3A_312 = arith.constant 0 : i32
        %dma_wait3A_313 = arith.constant 0 : i32
        %dma_wait3A_314 = tpu.memref_slice %arg7[%dma_wait3A, %dma_wait3A_312, %dma_wait3A_313] : memref<4x128x128xf32, #tpu.memory_space<vmem>> -> memref<1x128x128xf32, #tpu.memory_space<vmem>>
        %dma_wait3A_315 = tpu.memref_squeeze %dma_wait3A_314 : memref<1x128x128xf32, #tpu.memory_space<vmem>> -> memref<128x128xf32, #tpu.memory_space<vmem>>
        %dma_wait3A_316 = arith.constant 0 : i32
        %dma_wait3A_317 = arith.constant 0 : i32
        %dma_wait3A_318 = tpu.memref_slice %arg2[%dma_wait3A_316, %dma_wait3A_317] : memref<320000x128xf32, #tpu.memory_space<hbm>> -> memref<128x128xf32, #tpu.memory_space<hbm>>
        tpu.wait_dma2 semaphore(%arg18 : memref<!tpu.dma_semaphore, #tpu.memory_space<semaphore_mem>>) src(%dma_wait3A_318 : memref<128x128xf32, #tpu.memory_space<hbm>>) dst(%dma_wait3A_315 : memref<128x128xf32, #tpu.memory_space<vmem>>)
        %dma_wait3A_319 = arith.constant 0 : i32
        %dma_wait3A_320 = arith.constant 2 : i32
        %dma_wait3A_321 = arith.constant 0 : i32
        %dma_wait3A_322 = tpu.memref_slice %arg8[%dma_wait3A_320, %dma_wait3A_321] : memref<4x128xi32, #tpu.memory_space<vmem>> -> memref<1x128xi32, #tpu.memory_space<vmem>>
        %dma_wait3A_323 = tpu.memref_squeeze %dma_wait3A_322 : memref<1x128xi32, #tpu.memory_space<vmem>> -> memref<128xi32, #tpu.memory_space<vmem>>
        %dma_wait3A_324 = arith.constant 0 : i32
        %dma_wait3A_325 = tpu.memref_slice %arg3[%dma_wait3A_319, %dma_wait3A_324] : memref<2500x128xi32, #tpu.memory_space<hbm>> -> memref<1x128xi32, #tpu.memory_space<hbm>>
        %dma_wait3A_326 = tpu.memref_squeeze %dma_wait3A_325 : memref<1x128xi32, #tpu.memory_space<hbm>> -> memref<128xi32, #tpu.memory_space<hbm>>
        %dma_wait3A_327 = arith.constant 0 : i32
        %dma_wait3A_328 = tpu.memref_slice %arg8[%dma_wait3A_320, %dma_wait3A_327] : memref<4x128xi32, #tpu.memory_space<vmem>> -> memref<1x128xi32, #tpu.memory_space<vmem>>
        %dma_wait3A_329 = tpu.memref_squeeze %dma_wait3A_328 : memref<1x128xi32, #tpu.memory_space<vmem>> -> memref<128xi32, #tpu.memory_space<vmem>>
        %dma_wait3A_330 = arith.constant 0 : i32
        %dma_wait3A_331 = tpu.memref_slice %arg3[%dma_wait3A_319, %dma_wait3A_330] : memref<2500x128xi32, #tpu.memory_space<hbm>> -> memref<1x128xi32, #tpu.memory_space<hbm>>
        %dma_wait3A_332 = tpu.memref_squeeze %dma_wait3A_331 : memref<1x128xi32, #tpu.memory_space<hbm>> -> memref<128xi32, #tpu.memory_space<hbm>>
        tpu.wait_dma2 semaphore(%arg22 : memref<!tpu.dma_semaphore, #tpu.memory_space<semaphore_mem>>) src(%dma_wait3A_332 : memref<128xi32, #tpu.memory_space<hbm>>) dst(%dma_wait3A_329 : memref<128xi32, #tpu.memory_space<vmem>>)
        %dma_wait3A_333 = arith.constant 0 : i32
        %dma_wait3A_334 = tpu.memref_slice %arg4[%dma_wait3A_333] : memref<320016xi32, #tpu.memory_space<hbm>> -> memref<144xi32, #tpu.memory_space<hbm>>
        %dma_wait3A_335 = arith.constant 0 : i32
        %dma_wait3A_336 = tpu.memref_slice %arg4[%dma_wait3A_335] : memref<320016xi32, #tpu.memory_space<hbm>> -> memref<144xi32, #tpu.memory_space<hbm>>
        tpu.wait_dma2 semaphore(%arg26 : memref<!tpu.dma_semaphore, #tpu.memory_space<semaphore_mem>>) src(%dma_wait3A_336 : memref<144xi32, #tpu.memory_space<hbm>>) dst(%arg11 : memref<144xi32, #tpu.memory_space<vmem>>)
        %dma_start3A_337 = arith.constant 2 : i32
        %dma_start3A_338 = arith.constant 2 : i32
        %dma_start3A_339 = arith.constant 0 : i32
        %dma_start3A_340 = arith.constant 0 : i32
        %dma_start3A_341 = tpu.memref_slice %arg7[%dma_start3A_337, %dma_start3A_339, %dma_start3A_340] : memref<4x128x128xf32, #tpu.memory_space<vmem>> -> memref<1x128x128xf32, #tpu.memory_space<vmem>>
        %dma_start3A_342 = tpu.memref_squeeze %dma_start3A_341 : memref<1x128x128xf32, #tpu.memory_space<vmem>> -> memref<128x128xf32, #tpu.memory_space<vmem>>
        %dma_start3A_343 = arith.constant 0 : i32
        %dma_start3A_344 = tpu.memref_slice %arg8[%dma_start3A_338, %dma_start3A_343] : memref<4x128xi32, #tpu.memory_space<vmem>> -> memref<1x128xi32, #tpu.memory_space<vmem>>
        %dma_start3A_345 = tpu.memref_squeeze %dma_start3A_344 : memref<1x128xi32, #tpu.memory_space<vmem>> -> memref<128xi32, #tpu.memory_space<vmem>>
        %dma_start3A_346 = arith.constant 0 : i32
        %dma_start3A_347 = arith.constant 0 : i32
        %dma_start3A_348 = tpu.memref_slice %arg32[%dma_start3A_346, %dma_start3A_347] : memref<4096x128xf32, #tpu.memory_space<vmem_shared>> -> memref<4096x128xf32, #tpu.memory_space<vmem_shared>>
        tpu.enqueue_indirect_dma source(%dma_start3A_342 : memref<128x128xf32, #tpu.memory_space<vmem>>) target(%dma_start3A_348 : memref<4096x128xf32, #tpu.memory_space<vmem_shared>>) offsets(%dma_start3A_345 : memref<128xi32, #tpu.memory_space<vmem>>) semaphore(%arg30 : memref<!tpu.dma_semaphore, #tpu.memory_space<semaphore_mem>>) {add = true}
        %mul3A_349 = arith.constant 128 : i32
        %mul3A_350 = arith.muli %while3A_210, %mul3A_349 : i32
        %add3A_351 = arith.addi %add3A_27, %mul3A_350 : i32
        %get3A = arith.constant 8 : index
        %get3A_352 = tpu.vector_load %arg11[%get3A] {strides = array<i32>} : memref<144xi32, #tpu.memory_space<vmem>>, vector<16xi32>,
        %get3A_353 = arith.constant 7 : index
        %get3A_354 = tpu.vector_load %arg11[%get3A_353] {strides = array<i32>} : memref<144xi32, #tpu.memory_space<vmem>>, vector<16xi32>,
        %get3A_355 = arith.constant 9 : index
        %get3A_356 = tpu.vector_load %arg11[%get3A_355] {strides = array<i32>} : memref<144xi32, #tpu.memory_space<vmem>>, vector<16xi32>,
        %add3A_357 = arith.constant 0 : i32
        %add3A_358 = arith.addi %add3A_351, %add3A_357 : i32
        %add3A_359 = vector.broadcast %add3A_358 : i32 to vector<16xi32>
        %add3A_360 = arith.addi %iota3A, %add3A_359 : vector<16xi32>
        %convert_element_type3A_361 = arith.sitofp %add3A_360 : vector<16xi32> to vector<16xf32>
        %ne3A_362 = arith.cmpi ne, %get3A_352, %get3A_354 : vector<16xi32>
        tpu.vector_store_idx %arg13[%get3A_352], %convert_element_type3A_361 masked %ne3A_362 : memref<4096xf32, #tpu.memory_space<vmem>>[vector<16xi32>], vector<16xf32>, vector<16xi1>
        %add3A_363 = arith.constant 1.000000e+00 : f32
        %add3A_364 = vector.broadcast %add3A_363 : f32 to vector<16xf32>
        %add3A_365 = arith.addf %convert_element_type3A_361, %add3A_364 : vector<16xf32>
        %ne3A_366 = arith.cmpi ne, %get3A_352, %get3A_356 : vector<16xi32>
        tpu.vector_store_idx %arg14[%get3A_352], %add3A_365 masked %ne3A_366 : memref<4096xf32, #tpu.memory_space<vmem>>[vector<16xi32>], vector<16xf32>, vector<16xi1>
        %get3A_367 = arith.constant 24 : index
        %get3A_368 = tpu.vector_load %arg11[%get3A_367] {strides = array<i32>} : memref<144xi32, #tpu.memory_space<vmem>>, vector<16xi32>,
        %get3A_369 = arith.constant 23 : index
        %get3A_370 = tpu.vector_load %arg11[%get3A_369] {strides = array<i32>} : memref<144xi32, #tpu.memory_space<vmem>>, vector<16xi32>,
        %get3A_371 = arith.constant 25 : index
        %get3A_372 = tpu.vector_load %arg11[%get3A_371] {strides = array<i32>} : memref<144xi32, #tpu.memory_space<vmem>>, vector<16xi32>,
        %add3A_373 = arith.constant 16 : i32
        %add3A_374 = arith.addi %add3A_351, %add3A_373 : i32
        %add3A_375 = vector.broadcast %add3A_374 : i32 to vector<16xi32>
        %add3A_376 = arith.addi %iota3A, %add3A_375 : vector<16xi32>
        %convert_element_type3A_377 = arith.sitofp %add3A_376 : vector<16xi32> to vector<16xf32>
        %ne3A_378 = arith.cmpi ne, %get3A_368, %get3A_370 : vector<16xi32>
        tpu.vector_store_idx %arg13[%get3A_368], %convert_element_type3A_377 masked %ne3A_378 : memref<4096xf32, #tpu.memory_space<vmem>>[vector<16xi32>], vector<16xf32>, vector<16xi1>
        %add3A_379 = arith.constant 1.000000e+00 : f32
        %add3A_380 = vector.broadcast %add3A_379 : f32 to vector<16xf32>
        %add3A_381 = arith.addf %convert_element_type3A_377, %add3A_380 : vector<16xf32>
        %ne3A_382 = arith.cmpi ne, %get3A_368, %get3A_372 : vector<16xi32>
        tpu.vector_store_idx %arg14[%get3A_368], %add3A_381 masked %ne3A_382 : memref<4096xf32, #tpu.memory_space<vmem>>[vector<16xi32>], vector<16xf32>, vector<16xi1>
        %get3A_383 = arith.constant 40 : index
        %get3A_384 = tpu.vector_load %arg11[%get3A_383] {strides = array<i32>} : memref<144xi32, #tpu.memory_space<vmem>>, vector<16xi32>,
        %get3A_385 = arith.constant 39 : index
        %get3A_386 = tpu.vector_load %arg11[%get3A_385] {strides = array<i32>} : memref<144xi32, #tpu.memory_space<vmem>>, vector<16xi32>,
        %get3A_387 = arith.constant 41 : index
        %get3A_388 = tpu.vector_load %arg11[%get3A_387] {strides = array<i32>} : memref<144xi32, #tpu.memory_space<vmem>>, vector<16xi32>,
        %add3A_389 = arith.constant 32 : i32
        %add3A_390 = arith.addi %add3A_351, %add3A_389 : i32
        %add3A_391 = vector.broadcast %add3A_390 : i32 to vector<16xi32>
        %add3A_392 = arith.addi %iota3A, %add3A_391 : vector<16xi32>
        %convert_element_type3A_393 = arith.sitofp %add3A_392 : vector<16xi32> to vector<16xf32>
        %ne3A_394 = arith.cmpi ne, %get3A_384, %get3A_386 : vector<16xi32>
        tpu.vector_store_idx %arg13[%get3A_384], %convert_element_type3A_393 masked %ne3A_394 : memref<4096xf32, #tpu.memory_space<vmem>>[vector<16xi32>], vector<16xf32>, vector<16xi1>
        %add3A_395 = arith.constant 1.000000e+00 : f32
        %add3A_396 = vector.broadcast %add3A_395 : f32 to vector<16xf32>
        %add3A_397 = arith.addf %convert_element_type3A_393, %add3A_396 : vector<16xf32>
        %ne3A_398 = arith.cmpi ne, %get3A_384, %get3A_388 : vector<16xi32>
        tpu.vector_store_idx %arg14[%get3A_384], %add3A_397 masked %ne3A_398 : memref<4096xf32, #tpu.memory_space<vmem>>[vector<16xi32>], vector<16xf32>, vector<16xi1>
        %get3A_399 = arith.constant 56 : index
        %get3A_400 = tpu.vector_load %arg11[%get3A_399] {strides = array<i32>} : memref<144xi32, #tpu.memory_space<vmem>>, vector<16xi32>,
        %get3A_401 = arith.constant 55 : index
        %get3A_402 = tpu.vector_load %arg11[%get3A_401] {strides = array<i32>} : memref<144xi32, #tpu.memory_space<vmem>>, vector<16xi32>,
        %get3A_403 = arith.constant 57 : index
        %get3A_404 = tpu.vector_load %arg11[%get3A_403] {strides = array<i32>} : memref<144xi32, #tpu.memory_space<vmem>>, vector<16xi32>,
        %add3A_405 = arith.constant 48 : i32
        %add3A_406 = arith.addi %add3A_351, %add3A_405 : i32
        %add3A_407 = vector.broadcast %add3A_406 : i32 to vector<16xi32>
        %add3A_408 = arith.addi %iota3A, %add3A_407 : vector<16xi32>
        %convert_element_type3A_409 = arith.sitofp %add3A_408 : vector<16xi32> to vector<16xf32>
        %ne3A_410 = arith.cmpi ne, %get3A_400, %get3A_402 : vector<16xi32>
        tpu.vector_store_idx %arg13[%get3A_400], %convert_element_type3A_409 masked %ne3A_410 : memref<4096xf32, #tpu.memory_space<vmem>>[vector<16xi32>], vector<16xf32>, vector<16xi1>
        %add3A_411 = arith.constant 1.000000e+00 : f32
        %add3A_412 = vector.broadcast %add3A_411 : f32 to vector<16xf32>
        %add3A_413 = arith.addf %convert_element_type3A_409, %add3A_412 : vector<16xf32>
        %ne3A_414 = arith.cmpi ne, %get3A_400, %get3A_404 : vector<16xi32>
        tpu.vector_store_idx %arg14[%get3A_400], %add3A_413 masked %ne3A_414 : memref<4096xf32, #tpu.memory_space<vmem>>[vector<16xi32>], vector<16xf32>, vector<16xi1>
        %get3A_415 = arith.constant 72 : index
        %get3A_416 = tpu.vector_load %arg11[%get3A_415] {strides = array<i32>} : memref<144xi32, #tpu.memory_space<vmem>>, vector<16xi32>,
        %get3A_417 = arith.constant 71 : index
        %get3A_418 = tpu.vector_load %arg11[%get3A_417] {strides = array<i32>} : memref<144xi32, #tpu.memory_space<vmem>>, vector<16xi32>,
        %get3A_419 = arith.constant 73 : index
        %get3A_420 = tpu.vector_load %arg11[%get3A_419] {strides = array<i32>} : memref<144xi32, #tpu.memory_space<vmem>>, vector<16xi32>,
        %add3A_421 = arith.constant 64 : i32
        %add3A_422 = arith.addi %add3A_351, %add3A_421 : i32
        %add3A_423 = vector.broadcast %add3A_422 : i32 to vector<16xi32>
        %add3A_424 = arith.addi %iota3A, %add3A_423 : vector<16xi32>
        %convert_element_type3A_425 = arith.sitofp %add3A_424 : vector<16xi32> to vector<16xf32>
        %ne3A_426 = arith.cmpi ne, %get3A_416, %get3A_418 : vector<16xi32>
        tpu.vector_store_idx %arg13[%get3A_416], %convert_element_type3A_425 masked %ne3A_426 : memref<4096xf32, #tpu.memory_space<vmem>>[vector<16xi32>], vector<16xf32>, vector<16xi1>
        %add3A_427 = arith.constant 1.000000e+00 : f32
        %add3A_428 = vector.broadcast %add3A_427 : f32 to vector<16xf32>
        %add3A_429 = arith.addf %convert_element_type3A_425, %add3A_428 : vector<16xf32>
        %ne3A_430 = arith.cmpi ne, %get3A_416, %get3A_420 : vector<16xi32>
        tpu.vector_store_idx %arg14[%get3A_416], %add3A_429 masked %ne3A_430 : memref<4096xf32, #tpu.memory_space<vmem>>[vector<16xi32>], vector<16xf32>, vector<16xi1>
        %get3A_431 = arith.constant 88 : index
        %get3A_432 = tpu.vector_load %arg11[%get3A_431] {strides = array<i32>} : memref<144xi32, #tpu.memory_space<vmem>>, vector<16xi32>,
        %get3A_433 = arith.constant 87 : index
        %get3A_434 = tpu.vector_load %arg11[%get3A_433] {strides = array<i32>} : memref<144xi32, #tpu.memory_space<vmem>>, vector<16xi32>,
        %get3A_435 = arith.constant 89 : index
        %get3A_436 = tpu.vector_load %arg11[%get3A_435] {strides = array<i32>} : memref<144xi32, #tpu.memory_space<vmem>>, vector<16xi32>,
        %add3A_437 = arith.constant 80 : i32
        %add3A_438 = arith.addi %add3A_351, %add3A_437 : i32
        %add3A_439 = vector.broadcast %add3A_438 : i32 to vector<16xi32>
        %add3A_440 = arith.addi %iota3A, %add3A_439 : vector<16xi32>
        %convert_element_type3A_441 = arith.sitofp %add3A_440 : vector<16xi32> to vector<16xf32>
        %ne3A_442 = arith.cmpi ne, %get3A_432, %get3A_434 : vector<16xi32>
        tpu.vector_store_idx %arg13[%get3A_432], %convert_element_type3A_441 masked %ne3A_442 : memref<4096xf32, #tpu.memory_space<vmem>>[vector<16xi32>], vector<16xf32>, vector<16xi1>
        %add3A_443 = arith.constant 1.000000e+00 : f32
        %add3A_444 = vector.broadcast %add3A_443 : f32 to vector<16xf32>
        %add3A_445 = arith.addf %convert_element_type3A_441, %add3A_444 : vector<16xf32>
        %ne3A_446 = arith.cmpi ne, %get3A_432, %get3A_436 : vector<16xi32>
        tpu.vector_store_idx %arg14[%get3A_432], %add3A_445 masked %ne3A_446 : memref<4096xf32, #tpu.memory_space<vmem>>[vector<16xi32>], vector<16xf32>, vector<16xi1>
        %get3A_447 = arith.constant 104 : index
        %get3A_448 = tpu.vector_load %arg11[%get3A_447] {strides = array<i32>} : memref<144xi32, #tpu.memory_space<vmem>>, vector<16xi32>,
        %get3A_449 = arith.constant 103 : index
        %get3A_450 = tpu.vector_load %arg11[%get3A_449] {strides = array<i32>} : memref<144xi32, #tpu.memory_space<vmem>>, vector<16xi32>,
        %get3A_451 = arith.constant 105 : index
        %get3A_452 = tpu.vector_load %arg11[%get3A_451] {strides = array<i32>} : memref<144xi32, #tpu.memory_space<vmem>>, vector<16xi32>,
        %add3A_453 = arith.constant 96 : i32
        %add3A_454 = arith.addi %add3A_351, %add3A_453 : i32
        %add3A_455 = vector.broadcast %add3A_454 : i32 to vector<16xi32>
        %add3A_456 = arith.addi %iota3A, %add3A_455 : vector<16xi32>
        %convert_element_type3A_457 = arith.sitofp %add3A_456 : vector<16xi32> to vector<16xf32>
        %ne3A_458 = arith.cmpi ne, %get3A_448, %get3A_450 : vector<16xi32>
        tpu.vector_store_idx %arg13[%get3A_448], %convert_element_type3A_457 masked %ne3A_458 : memref<4096xf32, #tpu.memory_space<vmem>>[vector<16xi32>], vector<16xf32>, vector<16xi1>
        %add3A_459 = arith.constant 1.000000e+00 : f32
        %add3A_460 = vector.broadcast %add3A_459 : f32 to vector<16xf32>
        %add3A_461 = arith.addf %convert_element_type3A_457, %add3A_460 : vector<16xf32>
        %ne3A_462 = arith.cmpi ne, %get3A_448, %get3A_452 : vector<16xi32>
        tpu.vector_store_idx %arg14[%get3A_448], %add3A_461 masked %ne3A_462 : memref<4096xf32, #tpu.memory_space<vmem>>[vector<16xi32>], vector<16xf32>, vector<16xi1>
        %get3A_463 = arith.constant 120 : index
        %get3A_464 = tpu.vector_load %arg11[%get3A_463] {strides = array<i32>} : memref<144xi32, #tpu.memory_space<vmem>>, vector<16xi32>,
        %get3A_465 = arith.constant 119 : index
        %get3A_466 = tpu.vector_load %arg11[%get3A_465] {strides = array<i32>} : memref<144xi32, #tpu.memory_space<vmem>>, vector<16xi32>,
        %get3A_467 = arith.constant 121 : index
        %get3A_468 = tpu.vector_load %arg11[%get3A_467] {strides = array<i32>} : memref<144xi32, #tpu.memory_space<vmem>>, vector<16xi32>,
        %add3A_469 = arith.constant 112 : i32
        %add3A_470 = arith.addi %add3A_351, %add3A_469 : i32
        %add3A_471 = vector.broadcast %add3A_470 : i32 to vector<16xi32>
        %add3A_472 = arith.addi %iota3A, %add3A_471 : vector<16xi32>
        %convert_element_type3A_473 = arith.sitofp %add3A_472 : vector<16xi32> to vector<16xf32>
        %ne3A_474 = arith.cmpi ne, %get3A_464, %get3A_466 : vector<16xi32>
        tpu.vector_store_idx %arg13[%get3A_464], %convert_element_type3A_473 masked %ne3A_474 : memref<4096xf32, #tpu.memory_space<vmem>>[vector<16xi32>], vector<16xf32>, vector<16xi1>
        %add3A_475 = arith.constant 1.000000e+00 : f32
        %add3A_476 = vector.broadcast %add3A_475 : f32 to vector<16xf32>
        %add3A_477 = arith.addf %convert_element_type3A_473, %add3A_476 : vector<16xf32>
        %ne3A_478 = arith.cmpi ne, %get3A_464, %get3A_468 : vector<16xi32>
        tpu.vector_store_idx %arg14[%get3A_464], %add3A_477 masked %ne3A_478 : memref<4096xf32, #tpu.memory_space<vmem>>[vector<16xi32>], vector<16xf32>, vector<16xi1>
      } else {
      }
      %jit3A_274 = arith.constant 4 : i32
      %eq3A_275 = arith.constant 0 : i32
      %eq3A_276 = arith.cmpi eq, %jit3A_274, %eq3A_275 : i32
      %jit3A_277 = arith.constant 1 : i32
      %select_n3A_278 = arith.select %eq3A_276, %jit3A_277, %jit3A_274 : i32
      %rem3A_279 = arith.remsi %while3A_210, %select_n3A_278 : i32
      %ne3A_280 = arith.constant 0 : i32
      %ne3A_281 = arith.cmpi ne, %rem3A_279, %ne3A_280 : i32
      %lt3A_282 = arith.constant 0 : i32
      %lt3A_283 = arith.cmpi slt, %rem3A_279, %lt3A_282 : i32
      %lt3A_284 = arith.constant 0 : i32
      %lt3A_285 = arith.cmpi slt, %select_n3A_278, %lt3A_284 : i32
      %ne3A_286 = arith.xori %lt3A_283, %lt3A_285 : i1
      %and3A_287 = arith.andi %ne3A_286, %ne3A_281 : i1
      %add3A_288 = arith.addi %rem3A_279, %select_n3A_278 : i32
      %select_n3A_289 = arith.select %and3A_287, %add3A_288, %rem3A_279 : i32
      %eq3A_290 = arith.constant 3 : i32
      %eq3A_291 = arith.cmpi eq, %select_n3A_289, %eq3A_290 : i32
      %convert_element_type3A_292 = arith.extui %eq3A_291 : i1 to i32
      %cond3A_293 = arith.constant 0 : i32
      %cond3A_294 = arith.cmpi ne, %convert_element_type3A_292, %cond3A_293 : i32
      scf.if %cond3A_294 {
        %ge3A = arith.constant 2 : i32
        %ge3A_295 = arith.cmpi sge, %while3A_210, %ge3A : i32
        %convert_element_type3A_296 = arith.extui %ge3A_295 : i1 to i32
        %cond3A_297 = arith.constant 0 : i32
        %cond3A_298 = arith.cmpi ne, %convert_element_type3A_296, %cond3A_297 : i32
        scf.if %cond3A_298 {
          %dma_wait3A_479 = arith.constant 1 : i32
          %dma_wait3A_480 = arith.constant 1 : i32
          %dma_wait3A_481 = arith.constant 0 : i32
          %dma_wait3A_482 = arith.constant 0 : i32
          %dma_wait3A_483 = tpu.memref_slice %arg7[%dma_wait3A_479, %dma_wait3A_481, %dma_wait3A_482] : memref<4x128x128xf32, #tpu.memory_space<vmem>> -> memref<1x128x128xf32, #tpu.memory_space<vmem>>
          %dma_wait3A_484 = tpu.memref_squeeze %dma_wait3A_483 : memref<1x128x128xf32, #tpu.memory_space<vmem>> -> memref<128x128xf32, #tpu.memory_space<vmem>>
          %dma_wait3A_485 = arith.constant 0 : i32
          %dma_wait3A_486 = tpu.memref_slice %arg8[%dma_wait3A_480, %dma_wait3A_485] : memref<4x128xi32, #tpu.memory_space<vmem>> -> memref<1x128xi32, #tpu.memory_space<vmem>>
          %dma_wait3A_487 = tpu.memref_squeeze %dma_wait3A_486 : memref<1x128xi32, #tpu.memory_space<vmem>> -> memref<128xi32, #tpu.memory_space<vmem>>
          %dma_wait3A_488 = arith.constant 0 : i32
          %dma_wait3A_489 = arith.constant 0 : i32
          %dma_wait3A_490 = tpu.memref_slice %arg32[%dma_wait3A_488, %dma_wait3A_489] : memref<4096x128xf32, #tpu.memory_space<vmem_shared>> -> memref<4096x128xf32, #tpu.memory_space<vmem_shared>>
          tpu.wait_indirect_dma semaphore(%arg29 : memref<!tpu.dma_semaphore, #tpu.memory_space<semaphore_mem>>) src(%dma_wait3A_484 : memref<128x128xf32, #tpu.memory_space<vmem>>) dst(%dma_wait3A_490 : memref<4096x128xf32, #tpu.memory_space<vmem_shared>>)
        } else {
        }
        %add3A_299 = arith.constant 2 : i32
        %add3A_300 = arith.addi %while3A_210, %add3A_299 : i32
        %lt3A_301 = arith.cmpi slt, %add3A_300, %add3A_49 : i32
        %convert_element_type3A_302 = arith.extui %lt3A_301 : i1 to i32
        %cond3A_303 = arith.constant 0 : i32
        %cond3A_304 = arith.cmpi ne, %convert_element_type3A_302, %cond3A_303 : i32
        scf.if %cond3A_304 {
          %add3A_479 = arith.constant 2 : i32
          %add3A_480 = arith.addi %while3A_210, %add3A_479 : i32
          %mul3A_481 = arith.constant 128 : i32
          %mul3A_482 = arith.muli %add3A_480, %mul3A_481 : i32
          %add3A_483 = arith.addi %add3A_27, %mul3A_482 : i32
          %dma_start3A_484 = arith.constant 1 : i32
          %dma_start3A_485 = arith.constant 0 : i32
          %dma_start3A_486 = arith.constant 0 : i32
          %dma_start3A_487 = tpu.memref_slice %arg7[%dma_start3A_484, %dma_start3A_485, %dma_start3A_486] : memref<4x128x128xf32, #tpu.memory_space<vmem>> -> memref<1x128x128xf32, #tpu.memory_space<vmem>>
          %dma_start3A_488 = tpu.memref_squeeze %dma_start3A_487 : memref<1x128x128xf32, #tpu.memory_space<vmem>> -> memref<128x128xf32, #tpu.memory_space<vmem>>
          %dma_start3A_489 = arith.constant 0 : i32
          %dma_start3A_490 = tpu.memref_slice %arg2[%add3A_483, %dma_start3A_489] : memref<320000x128xf32, #tpu.memory_space<hbm>> -> memref<128x128xf32, #tpu.memory_space<hbm>>
          %dma_start3A_491 = arith.constant 0 : i32
          %dma_start3A_492 = arith.constant 0 : i32
          %dma_start3A_493 = tpu.memref_slice %arg7[%dma_start3A_484, %dma_start3A_491, %dma_start3A_492] : memref<4x128x128xf32, #tpu.memory_space<vmem>> -> memref<1x128x128xf32, #tpu.memory_space<vmem>>
          %dma_start3A_494 = tpu.memref_squeeze %dma_start3A_493 : memref<1x128x128xf32, #tpu.memory_space<vmem>> -> memref<128x128xf32, #tpu.memory_space<vmem>>
          %dma_start3A_495 = arith.constant 0 : i32
          %dma_start3A_496 = tpu.memref_slice %arg2[%add3A_483, %dma_start3A_495] : memref<320000x128xf32, #tpu.memory_space<hbm>> -> memref<128x128xf32, #tpu.memory_space<hbm>>
          tpu.enqueue_dma source(%dma_start3A_496 : memref<128x128xf32, #tpu.memory_space<hbm>>) target(%dma_start3A_494 : memref<128x128xf32, #tpu.memory_space<vmem>>) target_semaphore(%arg17 : memref<!tpu.dma_semaphore, #tpu.memory_space<semaphore_mem>>)
          %add3A_497 = arith.addi %select_n3A, %add3A_480 : i32
          %dma_start3A_498 = arith.constant 1 : i32
          %dma_start3A_499 = arith.constant 0 : i32
          %dma_start3A_500 = tpu.memref_slice %arg8[%dma_start3A_498, %dma_start3A_499] : memref<4x128xi32, #tpu.memory_space<vmem>> -> memref<1x128xi32, #tpu.memory_space<vmem>>
          %dma_start3A_501 = tpu.memref_squeeze %dma_start3A_500 : memref<1x128xi32, #tpu.memory_space<vmem>> -> memref<128xi32, #tpu.memory_space<vmem>>
          %dma_start3A_502 = arith.constant 0 : i32
          %dma_start3A_503 = tpu.memref_slice %arg3[%add3A_497, %dma_start3A_502] : memref<2500x128xi32, #tpu.memory_space<hbm>> -> memref<1x128xi32, #tpu.memory_space<hbm>>
          %dma_start3A_504 = tpu.memref_squeeze %dma_start3A_503 : memref<1x128xi32, #tpu.memory_space<hbm>> -> memref<128xi32, #tpu.memory_space<hbm>>
          %dma_start3A_505 = arith.constant 0 : i32
          %dma_start3A_506 = tpu.memref_slice %arg8[%dma_start3A_498, %dma_start3A_505] : memref<4x128xi32, #tpu.memory_space<vmem>> -> memref<1x128xi32, #tpu.memory_space<vmem>>
          %dma_start3A_507 = tpu.memref_squeeze %dma_start3A_506 : memref<1x128xi32, #tpu.memory_space<vmem>> -> memref<128xi32, #tpu.memory_space<vmem>>
          %dma_start3A_508 = arith.constant 0 : i32
          %dma_start3A_509 = tpu.memref_slice %arg3[%add3A_497, %dma_start3A_508] : memref<2500x128xi32, #tpu.memory_space<hbm>> -> memref<1x128xi32, #tpu.memory_space<hbm>>
          %dma_start3A_510 = tpu.memref_squeeze %dma_start3A_509 : memref<1x128xi32, #tpu.memory_space<hbm>> -> memref<128xi32, #tpu.memory_space<hbm>>
          tpu.enqueue_dma source(%dma_start3A_510 : memref<128xi32, #tpu.memory_space<hbm>>) target(%dma_start3A_507 : memref<128xi32, #tpu.memory_space<vmem>>) target_semaphore(%arg21 : memref<!tpu.dma_semaphore, #tpu.memory_space<semaphore_mem>>)
          %mul3A_511 = arith.constant 128 : i32
          %mul3A_512 = arith.muli %add3A_480, %mul3A_511 : i32
          %add3A_513 = arith.addi %add3A_27, %mul3A_512 : i32
          %dma_start3A_514 = tpu.memref_slice %arg4[%add3A_513] : memref<320016xi32, #tpu.memory_space<hbm>> -> memref<144xi32, #tpu.memory_space<hbm>>
          %dma_start3A_515 = tpu.memref_slice %arg4[%add3A_513] : memref<320016xi32, #tpu.memory_space<hbm>> -> memref<144xi32, #tpu.memory_space<hbm>>
          tpu.enqueue_dma source(%dma_start3A_515 : memref<144xi32, #tpu.memory_space<hbm>>) target(%arg10 : memref<144xi32, #tpu.memory_space<vmem>>) target_semaphore(%arg25 : memref<!tpu.dma_semaphore, #tpu.memory_space<semaphore_mem>>)
        } else {
        }
        %dma_wait3A = arith.constant 3 : i32
        %dma_wait3A_305 = arith.constant 0 : i32
        %dma_wait3A_306 = arith.constant 0 : i32
        %dma_wait3A_307 = tpu.memref_slice %arg7[%dma_wait3A, %dma_wait3A_305, %dma_wait3A_306] : memref<4x128x128xf32, #tpu.memory_space<vmem>> -> memref<1x128x128xf32, #tpu.memory_space<vmem>>
        %dma_wait3A_308 = tpu.memref_squeeze %dma_wait3A_307 : memref<1x128x128xf32, #tpu.memory_space<vmem>> -> memref<128x128xf32, #tpu.memory_space<vmem>>
        %dma_wait3A_309 = arith.constant 0 : i32
        %dma_wait3A_310 = arith.constant 0 : i32
        %dma_wait3A_311 = tpu.memref_slice %arg2[%dma_wait3A_309, %dma_wait3A_310] : memref<320000x128xf32, #tpu.memory_space<hbm>> -> memref<128x128xf32, #tpu.memory_space<hbm>>
        %dma_wait3A_312 = arith.constant 0 : i32
        %dma_wait3A_313 = arith.constant 0 : i32
        %dma_wait3A_314 = tpu.memref_slice %arg7[%dma_wait3A, %dma_wait3A_312, %dma_wait3A_313] : memref<4x128x128xf32, #tpu.memory_space<vmem>> -> memref<1x128x128xf32, #tpu.memory_space<vmem>>
        %dma_wait3A_315 = tpu.memref_squeeze %dma_wait3A_314 : memref<1x128x128xf32, #tpu.memory_space<vmem>> -> memref<128x128xf32, #tpu.memory_space<vmem>>
        %dma_wait3A_316 = arith.constant 0 : i32
        %dma_wait3A_317 = arith.constant 0 : i32
        %dma_wait3A_318 = tpu.memref_slice %arg2[%dma_wait3A_316, %dma_wait3A_317] : memref<320000x128xf32, #tpu.memory_space<hbm>> -> memref<128x128xf32, #tpu.memory_space<hbm>>
        tpu.wait_dma2 semaphore(%arg19 : memref<!tpu.dma_semaphore, #tpu.memory_space<semaphore_mem>>) src(%dma_wait3A_318 : memref<128x128xf32, #tpu.memory_space<hbm>>) dst(%dma_wait3A_315 : memref<128x128xf32, #tpu.memory_space<vmem>>)
        %dma_wait3A_319 = arith.constant 0 : i32
        %dma_wait3A_320 = arith.constant 3 : i32
        %dma_wait3A_321 = arith.constant 0 : i32
        %dma_wait3A_322 = tpu.memref_slice %arg8[%dma_wait3A_320, %dma_wait3A_321] : memref<4x128xi32, #tpu.memory_space<vmem>> -> memref<1x128xi32, #tpu.memory_space<vmem>>
        %dma_wait3A_323 = tpu.memref_squeeze %dma_wait3A_322 : memref<1x128xi32, #tpu.memory_space<vmem>> -> memref<128xi32, #tpu.memory_space<vmem>>
        %dma_wait3A_324 = arith.constant 0 : i32
        %dma_wait3A_325 = tpu.memref_slice %arg3[%dma_wait3A_319, %dma_wait3A_324] : memref<2500x128xi32, #tpu.memory_space<hbm>> -> memref<1x128xi32, #tpu.memory_space<hbm>>
        %dma_wait3A_326 = tpu.memref_squeeze %dma_wait3A_325 : memref<1x128xi32, #tpu.memory_space<hbm>> -> memref<128xi32, #tpu.memory_space<hbm>>
        %dma_wait3A_327 = arith.constant 0 : i32
        %dma_wait3A_328 = tpu.memref_slice %arg8[%dma_wait3A_320, %dma_wait3A_327] : memref<4x128xi32, #tpu.memory_space<vmem>> -> memref<1x128xi32, #tpu.memory_space<vmem>>
        %dma_wait3A_329 = tpu.memref_squeeze %dma_wait3A_328 : memref<1x128xi32, #tpu.memory_space<vmem>> -> memref<128xi32, #tpu.memory_space<vmem>>
        %dma_wait3A_330 = arith.constant 0 : i32
        %dma_wait3A_331 = tpu.memref_slice %arg3[%dma_wait3A_319, %dma_wait3A_330] : memref<2500x128xi32, #tpu.memory_space<hbm>> -> memref<1x128xi32, #tpu.memory_space<hbm>>
        %dma_wait3A_332 = tpu.memref_squeeze %dma_wait3A_331 : memref<1x128xi32, #tpu.memory_space<hbm>> -> memref<128xi32, #tpu.memory_space<hbm>>
        tpu.wait_dma2 semaphore(%arg23 : memref<!tpu.dma_semaphore, #tpu.memory_space<semaphore_mem>>) src(%dma_wait3A_332 : memref<128xi32, #tpu.memory_space<hbm>>) dst(%dma_wait3A_329 : memref<128xi32, #tpu.memory_space<vmem>>)
        %dma_wait3A_333 = arith.constant 0 : i32
        %dma_wait3A_334 = tpu.memref_slice %arg4[%dma_wait3A_333] : memref<320016xi32, #tpu.memory_space<hbm>> -> memref<144xi32, #tpu.memory_space<hbm>>
        %dma_wait3A_335 = arith.constant 0 : i32
        %dma_wait3A_336 = tpu.memref_slice %arg4[%dma_wait3A_335] : memref<320016xi32, #tpu.memory_space<hbm>> -> memref<144xi32, #tpu.memory_space<hbm>>
        tpu.wait_dma2 semaphore(%arg27 : memref<!tpu.dma_semaphore, #tpu.memory_space<semaphore_mem>>) src(%dma_wait3A_336 : memref<144xi32, #tpu.memory_space<hbm>>) dst(%arg12 : memref<144xi32, #tpu.memory_space<vmem>>)
        %dma_start3A_337 = arith.constant 3 : i32
        %dma_start3A_338 = arith.constant 3 : i32
        %dma_start3A_339 = arith.constant 0 : i32
        %dma_start3A_340 = arith.constant 0 : i32
        %dma_start3A_341 = tpu.memref_slice %arg7[%dma_start3A_337, %dma_start3A_339, %dma_start3A_340] : memref<4x128x128xf32, #tpu.memory_space<vmem>> -> memref<1x128x128xf32, #tpu.memory_space<vmem>>
        %dma_start3A_342 = tpu.memref_squeeze %dma_start3A_341 : memref<1x128x128xf32, #tpu.memory_space<vmem>> -> memref<128x128xf32, #tpu.memory_space<vmem>>
        %dma_start3A_343 = arith.constant 0 : i32
        %dma_start3A_344 = tpu.memref_slice %arg8[%dma_start3A_338, %dma_start3A_343] : memref<4x128xi32, #tpu.memory_space<vmem>> -> memref<1x128xi32, #tpu.memory_space<vmem>>
        %dma_start3A_345 = tpu.memref_squeeze %dma_start3A_344 : memref<1x128xi32, #tpu.memory_space<vmem>> -> memref<128xi32, #tpu.memory_space<vmem>>
        %dma_start3A_346 = arith.constant 0 : i32
        %dma_start3A_347 = arith.constant 0 : i32
        %dma_start3A_348 = tpu.memref_slice %arg32[%dma_start3A_346, %dma_start3A_347] : memref<4096x128xf32, #tpu.memory_space<vmem_shared>> -> memref<4096x128xf32, #tpu.memory_space<vmem_shared>>
        tpu.enqueue_indirect_dma source(%dma_start3A_342 : memref<128x128xf32, #tpu.memory_space<vmem>>) target(%dma_start3A_348 : memref<4096x128xf32, #tpu.memory_space<vmem_shared>>) offsets(%dma_start3A_345 : memref<128xi32, #tpu.memory_space<vmem>>) semaphore(%arg31 : memref<!tpu.dma_semaphore, #tpu.memory_space<semaphore_mem>>) {add = true}
        %mul3A_349 = arith.constant 128 : i32
        %mul3A_350 = arith.muli %while3A_210, %mul3A_349 : i32
        %add3A_351 = arith.addi %add3A_27, %mul3A_350 : i32
        %get3A = arith.constant 8 : index
        %get3A_352 = tpu.vector_load %arg12[%get3A] {strides = array<i32>} : memref<144xi32, #tpu.memory_space<vmem>>, vector<16xi32>,
        %get3A_353 = arith.constant 7 : index
        %get3A_354 = tpu.vector_load %arg12[%get3A_353] {strides = array<i32>} : memref<144xi32, #tpu.memory_space<vmem>>, vector<16xi32>,
        %get3A_355 = arith.constant 9 : index
        %get3A_356 = tpu.vector_load %arg12[%get3A_355] {strides = array<i32>} : memref<144xi32, #tpu.memory_space<vmem>>, vector<16xi32>,
        %add3A_357 = arith.constant 0 : i32
        %add3A_358 = arith.addi %add3A_351, %add3A_357 : i32
        %add3A_359 = vector.broadcast %add3A_358 : i32 to vector<16xi32>
        %add3A_360 = arith.addi %iota3A, %add3A_359 : vector<16xi32>
        %convert_element_type3A_361 = arith.sitofp %add3A_360 : vector<16xi32> to vector<16xf32>
        %ne3A_362 = arith.cmpi ne, %get3A_352, %get3A_354 : vector<16xi32>
        tpu.vector_store_idx %arg13[%get3A_352], %convert_element_type3A_361 masked %ne3A_362 : memref<4096xf32, #tpu.memory_space<vmem>>[vector<16xi32>], vector<16xf32>, vector<16xi1>
        %add3A_363 = arith.constant 1.000000e+00 : f32
        %add3A_364 = vector.broadcast %add3A_363 : f32 to vector<16xf32>
        %add3A_365 = arith.addf %convert_element_type3A_361, %add3A_364 : vector<16xf32>
        %ne3A_366 = arith.cmpi ne, %get3A_352, %get3A_356 : vector<16xi32>
        tpu.vector_store_idx %arg14[%get3A_352], %add3A_365 masked %ne3A_366 : memref<4096xf32, #tpu.memory_space<vmem>>[vector<16xi32>], vector<16xf32>, vector<16xi1>
        %get3A_367 = arith.constant 24 : index
        %get3A_368 = tpu.vector_load %arg12[%get3A_367] {strides = array<i32>} : memref<144xi32, #tpu.memory_space<vmem>>, vector<16xi32>,
        %get3A_369 = arith.constant 23 : index
        %get3A_370 = tpu.vector_load %arg12[%get3A_369] {strides = array<i32>} : memref<144xi32, #tpu.memory_space<vmem>>, vector<16xi32>,
        %get3A_371 = arith.constant 25 : index
        %get3A_372 = tpu.vector_load %arg12[%get3A_371] {strides = array<i32>} : memref<144xi32, #tpu.memory_space<vmem>>, vector<16xi32>,
        %add3A_373 = arith.constant 16 : i32
        %add3A_374 = arith.addi %add3A_351, %add3A_373 : i32
        %add3A_375 = vector.broadcast %add3A_374 : i32 to vector<16xi32>
        %add3A_376 = arith.addi %iota3A, %add3A_375 : vector<16xi32>
        %convert_element_type3A_377 = arith.sitofp %add3A_376 : vector<16xi32> to vector<16xf32>
        %ne3A_378 = arith.cmpi ne, %get3A_368, %get3A_370 : vector<16xi32>
        tpu.vector_store_idx %arg13[%get3A_368], %convert_element_type3A_377 masked %ne3A_378 : memref<4096xf32, #tpu.memory_space<vmem>>[vector<16xi32>], vector<16xf32>, vector<16xi1>
        %add3A_379 = arith.constant 1.000000e+00 : f32
        %add3A_380 = vector.broadcast %add3A_379 : f32 to vector<16xf32>
        %add3A_381 = arith.addf %convert_element_type3A_377, %add3A_380 : vector<16xf32>
        %ne3A_382 = arith.cmpi ne, %get3A_368, %get3A_372 : vector<16xi32>
        tpu.vector_store_idx %arg14[%get3A_368], %add3A_381 masked %ne3A_382 : memref<4096xf32, #tpu.memory_space<vmem>>[vector<16xi32>], vector<16xf32>, vector<16xi1>
        %get3A_383 = arith.constant 40 : index
        %get3A_384 = tpu.vector_load %arg12[%get3A_383] {strides = array<i32>} : memref<144xi32, #tpu.memory_space<vmem>>, vector<16xi32>,
        %get3A_385 = arith.constant 39 : index
        %get3A_386 = tpu.vector_load %arg12[%get3A_385] {strides = array<i32>} : memref<144xi32, #tpu.memory_space<vmem>>, vector<16xi32>,
        %get3A_387 = arith.constant 41 : index
        %get3A_388 = tpu.vector_load %arg12[%get3A_387] {strides = array<i32>} : memref<144xi32, #tpu.memory_space<vmem>>, vector<16xi32>,
        %add3A_389 = arith.constant 32 : i32
        %add3A_390 = arith.addi %add3A_351, %add3A_389 : i32
        %add3A_391 = vector.broadcast %add3A_390 : i32 to vector<16xi32>
        %add3A_392 = arith.addi %iota3A, %add3A_391 : vector<16xi32>
        %convert_element_type3A_393 = arith.sitofp %add3A_392 : vector<16xi32> to vector<16xf32>
        %ne3A_394 = arith.cmpi ne, %get3A_384, %get3A_386 : vector<16xi32>
        tpu.vector_store_idx %arg13[%get3A_384], %convert_element_type3A_393 masked %ne3A_394 : memref<4096xf32, #tpu.memory_space<vmem>>[vector<16xi32>], vector<16xf32>, vector<16xi1>
        %add3A_395 = arith.constant 1.000000e+00 : f32
        %add3A_396 = vector.broadcast %add3A_395 : f32 to vector<16xf32>
        %add3A_397 = arith.addf %convert_element_type3A_393, %add3A_396 : vector<16xf32>
        %ne3A_398 = arith.cmpi ne, %get3A_384, %get3A_388 : vector<16xi32>
        tpu.vector_store_idx %arg14[%get3A_384], %add3A_397 masked %ne3A_398 : memref<4096xf32, #tpu.memory_space<vmem>>[vector<16xi32>], vector<16xf32>, vector<16xi1>
        %get3A_399 = arith.constant 56 : index
        %get3A_400 = tpu.vector_load %arg12[%get3A_399] {strides = array<i32>} : memref<144xi32, #tpu.memory_space<vmem>>, vector<16xi32>,
        %get3A_401 = arith.constant 55 : index
        %get3A_402 = tpu.vector_load %arg12[%get3A_401] {strides = array<i32>} : memref<144xi32, #tpu.memory_space<vmem>>, vector<16xi32>,
        %get3A_403 = arith.constant 57 : index
        %get3A_404 = tpu.vector_load %arg12[%get3A_403] {strides = array<i32>} : memref<144xi32, #tpu.memory_space<vmem>>, vector<16xi32>,
        %add3A_405 = arith.constant 48 : i32
        %add3A_406 = arith.addi %add3A_351, %add3A_405 : i32
        %add3A_407 = vector.broadcast %add3A_406 : i32 to vector<16xi32>
        %add3A_408 = arith.addi %iota3A, %add3A_407 : vector<16xi32>
        %convert_element_type3A_409 = arith.sitofp %add3A_408 : vector<16xi32> to vector<16xf32>
        %ne3A_410 = arith.cmpi ne, %get3A_400, %get3A_402 : vector<16xi32>
        tpu.vector_store_idx %arg13[%get3A_400], %convert_element_type3A_409 masked %ne3A_410 : memref<4096xf32, #tpu.memory_space<vmem>>[vector<16xi32>], vector<16xf32>, vector<16xi1>
        %add3A_411 = arith.constant 1.000000e+00 : f32
        %add3A_412 = vector.broadcast %add3A_411 : f32 to vector<16xf32>
        %add3A_413 = arith.addf %convert_element_type3A_409, %add3A_412 : vector<16xf32>
        %ne3A_414 = arith.cmpi ne, %get3A_400, %get3A_404 : vector<16xi32>
        tpu.vector_store_idx %arg14[%get3A_400], %add3A_413 masked %ne3A_414 : memref<4096xf32, #tpu.memory_space<vmem>>[vector<16xi32>], vector<16xf32>, vector<16xi1>
        %get3A_415 = arith.constant 72 : index
        %get3A_416 = tpu.vector_load %arg12[%get3A_415] {strides = array<i32>} : memref<144xi32, #tpu.memory_space<vmem>>, vector<16xi32>,
        %get3A_417 = arith.constant 71 : index
        %get3A_418 = tpu.vector_load %arg12[%get3A_417] {strides = array<i32>} : memref<144xi32, #tpu.memory_space<vmem>>, vector<16xi32>,
        %get3A_419 = arith.constant 73 : index
        %get3A_420 = tpu.vector_load %arg12[%get3A_419] {strides = array<i32>} : memref<144xi32, #tpu.memory_space<vmem>>, vector<16xi32>,
        %add3A_421 = arith.constant 64 : i32
        %add3A_422 = arith.addi %add3A_351, %add3A_421 : i32
        %add3A_423 = vector.broadcast %add3A_422 : i32 to vector<16xi32>
        %add3A_424 = arith.addi %iota3A, %add3A_423 : vector<16xi32>
        %convert_element_type3A_425 = arith.sitofp %add3A_424 : vector<16xi32> to vector<16xf32>
        %ne3A_426 = arith.cmpi ne, %get3A_416, %get3A_418 : vector<16xi32>
        tpu.vector_store_idx %arg13[%get3A_416], %convert_element_type3A_425 masked %ne3A_426 : memref<4096xf32, #tpu.memory_space<vmem>>[vector<16xi32>], vector<16xf32>, vector<16xi1>
        %add3A_427 = arith.constant 1.000000e+00 : f32
        %add3A_428 = vector.broadcast %add3A_427 : f32 to vector<16xf32>
        %add3A_429 = arith.addf %convert_element_type3A_425, %add3A_428 : vector<16xf32>
        %ne3A_430 = arith.cmpi ne, %get3A_416, %get3A_420 : vector<16xi32>
        tpu.vector_store_idx %arg14[%get3A_416], %add3A_429 masked %ne3A_430 : memref<4096xf32, #tpu.memory_space<vmem>>[vector<16xi32>], vector<16xf32>, vector<16xi1>
        %get3A_431 = arith.constant 88 : index
        %get3A_432 = tpu.vector_load %arg12[%get3A_431] {strides = array<i32>} : memref<144xi32, #tpu.memory_space<vmem>>, vector<16xi32>,
        %get3A_433 = arith.constant 87 : index
        %get3A_434 = tpu.vector_load %arg12[%get3A_433] {strides = array<i32>} : memref<144xi32, #tpu.memory_space<vmem>>, vector<16xi32>,
        %get3A_435 = arith.constant 89 : index
        %get3A_436 = tpu.vector_load %arg12[%get3A_435] {strides = array<i32>} : memref<144xi32, #tpu.memory_space<vmem>>, vector<16xi32>,
        %add3A_437 = arith.constant 80 : i32
        %add3A_438 = arith.addi %add3A_351, %add3A_437 : i32
        %add3A_439 = vector.broadcast %add3A_438 : i32 to vector<16xi32>
        %add3A_440 = arith.addi %iota3A, %add3A_439 : vector<16xi32>
        %convert_element_type3A_441 = arith.sitofp %add3A_440 : vector<16xi32> to vector<16xf32>
        %ne3A_442 = arith.cmpi ne, %get3A_432, %get3A_434 : vector<16xi32>
        tpu.vector_store_idx %arg13[%get3A_432], %convert_element_type3A_441 masked %ne3A_442 : memref<4096xf32, #tpu.memory_space<vmem>>[vector<16xi32>], vector<16xf32>, vector<16xi1>
        %add3A_443 = arith.constant 1.000000e+00 : f32
        %add3A_444 = vector.broadcast %add3A_443 : f32 to vector<16xf32>
        %add3A_445 = arith.addf %convert_element_type3A_441, %add3A_444 : vector<16xf32>
        %ne3A_446 = arith.cmpi ne, %get3A_432, %get3A_436 : vector<16xi32>
        tpu.vector_store_idx %arg14[%get3A_432], %add3A_445 masked %ne3A_446 : memref<4096xf32, #tpu.memory_space<vmem>>[vector<16xi32>], vector<16xf32>, vector<16xi1>
        %get3A_447 = arith.constant 104 : index
        %get3A_448 = tpu.vector_load %arg12[%get3A_447] {strides = array<i32>} : memref<144xi32, #tpu.memory_space<vmem>>, vector<16xi32>,
        %get3A_449 = arith.constant 103 : index
        %get3A_450 = tpu.vector_load %arg12[%get3A_449] {strides = array<i32>} : memref<144xi32, #tpu.memory_space<vmem>>, vector<16xi32>,
        %get3A_451 = arith.constant 105 : index
        %get3A_452 = tpu.vector_load %arg12[%get3A_451] {strides = array<i32>} : memref<144xi32, #tpu.memory_space<vmem>>, vector<16xi32>,
        %add3A_453 = arith.constant 96 : i32
        %add3A_454 = arith.addi %add3A_351, %add3A_453 : i32
        %add3A_455 = vector.broadcast %add3A_454 : i32 to vector<16xi32>
        %add3A_456 = arith.addi %iota3A, %add3A_455 : vector<16xi32>
        %convert_element_type3A_457 = arith.sitofp %add3A_456 : vector<16xi32> to vector<16xf32>
        %ne3A_458 = arith.cmpi ne, %get3A_448, %get3A_450 : vector<16xi32>
        tpu.vector_store_idx %arg13[%get3A_448], %convert_element_type3A_457 masked %ne3A_458 : memref<4096xf32, #tpu.memory_space<vmem>>[vector<16xi32>], vector<16xf32>, vector<16xi1>
        %add3A_459 = arith.constant 1.000000e+00 : f32
        %add3A_460 = vector.broadcast %add3A_459 : f32 to vector<16xf32>
        %add3A_461 = arith.addf %convert_element_type3A_457, %add3A_460 : vector<16xf32>
        %ne3A_462 = arith.cmpi ne, %get3A_448, %get3A_452 : vector<16xi32>
        tpu.vector_store_idx %arg14[%get3A_448], %add3A_461 masked %ne3A_462 : memref<4096xf32, #tpu.memory_space<vmem>>[vector<16xi32>], vector<16xf32>, vector<16xi1>
        %get3A_463 = arith.constant 120 : index
        %get3A_464 = tpu.vector_load %arg12[%get3A_463] {strides = array<i32>} : memref<144xi32, #tpu.memory_space<vmem>>, vector<16xi32>,
        %get3A_465 = arith.constant 119 : index
        %get3A_466 = tpu.vector_load %arg12[%get3A_465] {strides = array<i32>} : memref<144xi32, #tpu.memory_space<vmem>>, vector<16xi32>,
        %get3A_467 = arith.constant 121 : index
        %get3A_468 = tpu.vector_load %arg12[%get3A_467] {strides = array<i32>} : memref<144xi32, #tpu.memory_space<vmem>>, vector<16xi32>,
        %add3A_469 = arith.constant 112 : i32
        %add3A_470 = arith.addi %add3A_351, %add3A_469 : i32
        %add3A_471 = vector.broadcast %add3A_470 : i32 to vector<16xi32>
        %add3A_472 = arith.addi %iota3A, %add3A_471 : vector<16xi32>
        %convert_element_type3A_473 = arith.sitofp %add3A_472 : vector<16xi32> to vector<16xf32>
        %ne3A_474 = arith.cmpi ne, %get3A_464, %get3A_466 : vector<16xi32>
        tpu.vector_store_idx %arg13[%get3A_464], %convert_element_type3A_473 masked %ne3A_474 : memref<4096xf32, #tpu.memory_space<vmem>>[vector<16xi32>], vector<16xf32>, vector<16xi1>
        %add3A_475 = arith.constant 1.000000e+00 : f32
        %add3A_476 = vector.broadcast %add3A_475 : f32 to vector<16xf32>
        %add3A_477 = arith.addf %convert_element_type3A_473, %add3A_476 : vector<16xf32>
        %ne3A_478 = arith.cmpi ne, %get3A_464, %get3A_468 : vector<16xi32>
        tpu.vector_store_idx %arg14[%get3A_464], %add3A_477 masked %ne3A_478 : memref<4096xf32, #tpu.memory_space<vmem>>[vector<16xi32>], vector<16xf32>, vector<16xi1>
      } else {
      }
    }
    %sub3A_126 = arith.constant 1 : i32
    %sub3A_127 = arith.subi %add3A_49, %sub3A_126 : i32
    %jit3A_128 = arith.constant 4 : i32
    %eq3A = arith.constant 0 : i32
    %eq3A_129 = arith.cmpi eq, %jit3A_128, %eq3A : i32
    %jit3A_130 = arith.constant 1 : i32
    %select_n3A_131 = arith.select %eq3A_129, %jit3A_130, %jit3A_128 : i32
    %rem3A_132 = arith.remsi %sub3A_127, %select_n3A_131 : i32
    %ne3A_133 = arith.constant 0 : i32
    %ne3A_134 = arith.cmpi ne, %rem3A_132, %ne3A_133 : i32
    %lt3A_135 = arith.constant 0 : i32
    %lt3A_136 = arith.cmpi slt, %rem3A_132, %lt3A_135 : i32
    %lt3A_137 = arith.constant 0 : i32
    %lt3A_138 = arith.cmpi slt, %select_n3A_131, %lt3A_137 : i32
    %ne3A_139 = arith.xori %lt3A_136, %lt3A_138 : i1
    %and3A_140 = arith.andi %ne3A_139, %ne3A_134 : i1
    %add3A_141 = arith.addi %rem3A_132, %select_n3A_131 : i32
    %select_n3A_142 = arith.select %and3A_140, %add3A_141, %rem3A_132 : i32
    %sub3A_143 = arith.constant 2 : i32
    %sub3A_144 = arith.subi %add3A_49, %sub3A_143 : i32
    %jit3A_145 = arith.constant 4 : i32
    %eq3A_146 = arith.constant 0 : i32
    %eq3A_147 = arith.cmpi eq, %jit3A_145, %eq3A_146 : i32
    %jit3A_148 = arith.constant 1 : i32
    %select_n3A_149 = arith.select %eq3A_147, %jit3A_148, %jit3A_145 : i32
    %rem3A_150 = arith.remsi %sub3A_144, %select_n3A_149 : i32
    %ne3A_151 = arith.constant 0 : i32
    %ne3A_152 = arith.cmpi ne, %rem3A_150, %ne3A_151 : i32
    %lt3A_153 = arith.constant 0 : i32
    %lt3A_154 = arith.cmpi slt, %rem3A_150, %lt3A_153 : i32
    %lt3A_155 = arith.constant 0 : i32
    %lt3A_156 = arith.cmpi slt, %select_n3A_149, %lt3A_155 : i32
    %ne3A_157 = arith.xori %lt3A_154, %lt3A_156 : i1
    %and3A_158 = arith.andi %ne3A_157, %ne3A_152 : i1
    %add3A_159 = arith.addi %rem3A_150, %select_n3A_149 : i32
    %select_n3A_160 = arith.select %and3A_158, %add3A_159, %rem3A_150 : i32
    %eq3A_161 = arith.constant 0 : i32
    %eq3A_162 = arith.cmpi eq, %select_n3A_142, %eq3A_161 : i32
    %eq3A_163 = arith.constant 0 : i32
    %eq3A_164 = arith.cmpi eq, %select_n3A_160, %eq3A_163 : i32
    %or3A = arith.ori %eq3A_162, %eq3A_164 : i1
    %convert_element_type3A = arith.extui %or3A : i1 to i32
    %cond3A = arith.constant 0 : i32
    %cond3A_165 = arith.cmpi ne, %convert_element_type3A, %cond3A : i32
    scf.if %cond3A_165 {
      %dma_wait3A = arith.constant 0 : i32
      %dma_wait3A_210 = arith.constant 0 : i32
      %dma_wait3A_211 = arith.constant 0 : i32
      %dma_wait3A_212 = arith.constant 0 : i32
      %dma_wait3A_213 = tpu.memref_slice %arg7[%dma_wait3A, %dma_wait3A_211, %dma_wait3A_212] : memref<4x128x128xf32, #tpu.memory_space<vmem>> -> memref<1x128x128xf32, #tpu.memory_space<vmem>>
      %dma_wait3A_214 = tpu.memref_squeeze %dma_wait3A_213 : memref<1x128x128xf32, #tpu.memory_space<vmem>> -> memref<128x128xf32, #tpu.memory_space<vmem>>
      %dma_wait3A_215 = arith.constant 0 : i32
      %dma_wait3A_216 = tpu.memref_slice %arg8[%dma_wait3A_210, %dma_wait3A_215] : memref<4x128xi32, #tpu.memory_space<vmem>> -> memref<1x128xi32, #tpu.memory_space<vmem>>
      %dma_wait3A_217 = tpu.memref_squeeze %dma_wait3A_216 : memref<1x128xi32, #tpu.memory_space<vmem>> -> memref<128xi32, #tpu.memory_space<vmem>>
      %dma_wait3A_218 = arith.constant 0 : i32
      %dma_wait3A_219 = arith.constant 0 : i32
      %dma_wait3A_220 = tpu.memref_slice %arg32[%dma_wait3A_218, %dma_wait3A_219] : memref<4096x128xf32, #tpu.memory_space<vmem_shared>> -> memref<4096x128xf32, #tpu.memory_space<vmem_shared>>
      tpu.wait_indirect_dma semaphore(%arg28 : memref<!tpu.dma_semaphore, #tpu.memory_space<semaphore_mem>>) src(%dma_wait3A_214 : memref<128x128xf32, #tpu.memory_space<vmem>>) dst(%dma_wait3A_220 : memref<4096x128xf32, #tpu.memory_space<vmem_shared>>)
    } else {
    }
    %eq3A_166 = arith.constant 1 : i32
    %eq3A_167 = arith.cmpi eq, %select_n3A_142, %eq3A_166 : i32
    %eq3A_168 = arith.constant 1 : i32
    %eq3A_169 = arith.cmpi eq, %select_n3A_160, %eq3A_168 : i32
    %or3A_170 = arith.ori %eq3A_167, %eq3A_169 : i1
    %convert_element_type3A_171 = arith.extui %or3A_170 : i1 to i32
    %cond3A_172 = arith.constant 0 : i32
    %cond3A_173 = arith.cmpi ne, %convert_element_type3A_171, %cond3A_172 : i32
    scf.if %cond3A_173 {
      %dma_wait3A = arith.constant 1 : i32
      %dma_wait3A_210 = arith.constant 1 : i32
      %dma_wait3A_211 = arith.constant 0 : i32
      %dma_wait3A_212 = arith.constant 0 : i32
      %dma_wait3A_213 = tpu.memref_slice %arg7[%dma_wait3A, %dma_wait3A_211, %dma_wait3A_212] : memref<4x128x128xf32, #tpu.memory_space<vmem>> -> memref<1x128x128xf32, #tpu.memory_space<vmem>>
      %dma_wait3A_214 = tpu.memref_squeeze %dma_wait3A_213 : memref<1x128x128xf32, #tpu.memory_space<vmem>> -> memref<128x128xf32, #tpu.memory_space<vmem>>
      %dma_wait3A_215 = arith.constant 0 : i32
      %dma_wait3A_216 = tpu.memref_slice %arg8[%dma_wait3A_210, %dma_wait3A_215] : memref<4x128xi32, #tpu.memory_space<vmem>> -> memref<1x128xi32, #tpu.memory_space<vmem>>
      %dma_wait3A_217 = tpu.memref_squeeze %dma_wait3A_216 : memref<1x128xi32, #tpu.memory_space<vmem>> -> memref<128xi32, #tpu.memory_space<vmem>>
      %dma_wait3A_218 = arith.constant 0 : i32
      %dma_wait3A_219 = arith.constant 0 : i32
      %dma_wait3A_220 = tpu.memref_slice %arg32[%dma_wait3A_218, %dma_wait3A_219] : memref<4096x128xf32, #tpu.memory_space<vmem_shared>> -> memref<4096x128xf32, #tpu.memory_space<vmem_shared>>
      tpu.wait_indirect_dma semaphore(%arg29 : memref<!tpu.dma_semaphore, #tpu.memory_space<semaphore_mem>>) src(%dma_wait3A_214 : memref<128x128xf32, #tpu.memory_space<vmem>>) dst(%dma_wait3A_220 : memref<4096x128xf32, #tpu.memory_space<vmem_shared>>)
    } else {
    }
    %eq3A_174 = arith.constant 2 : i32
    %eq3A_175 = arith.cmpi eq, %select_n3A_142, %eq3A_174 : i32
    %eq3A_176 = arith.constant 2 : i32
    %eq3A_177 = arith.cmpi eq, %select_n3A_160, %eq3A_176 : i32
    %or3A_178 = arith.ori %eq3A_175, %eq3A_177 : i1
    %convert_element_type3A_179 = arith.extui %or3A_178 : i1 to i32
    %cond3A_180 = arith.constant 0 : i32
    %cond3A_181 = arith.cmpi ne, %convert_element_type3A_179, %cond3A_180 : i32
    scf.if %cond3A_181 {
      %dma_wait3A = arith.constant 2 : i32
      %dma_wait3A_210 = arith.constant 2 : i32
      %dma_wait3A_211 = arith.constant 0 : i32
      %dma_wait3A_212 = arith.constant 0 : i32
      %dma_wait3A_213 = tpu.memref_slice %arg7[%dma_wait3A, %dma_wait3A_211, %dma_wait3A_212] : memref<4x128x128xf32, #tpu.memory_space<vmem>> -> memref<1x128x128xf32, #tpu.memory_space<vmem>>
      %dma_wait3A_214 = tpu.memref_squeeze %dma_wait3A_213 : memref<1x128x128xf32, #tpu.memory_space<vmem>> -> memref<128x128xf32, #tpu.memory_space<vmem>>
      %dma_wait3A_215 = arith.constant 0 : i32
      %dma_wait3A_216 = tpu.memref_slice %arg8[%dma_wait3A_210, %dma_wait3A_215] : memref<4x128xi32, #tpu.memory_space<vmem>> -> memref<1x128xi32, #tpu.memory_space<vmem>>
      %dma_wait3A_217 = tpu.memref_squeeze %dma_wait3A_216 : memref<1x128xi32, #tpu.memory_space<vmem>> -> memref<128xi32, #tpu.memory_space<vmem>>
      %dma_wait3A_218 = arith.constant 0 : i32
      %dma_wait3A_219 = arith.constant 0 : i32
      %dma_wait3A_220 = tpu.memref_slice %arg32[%dma_wait3A_218, %dma_wait3A_219] : memref<4096x128xf32, #tpu.memory_space<vmem_shared>> -> memref<4096x128xf32, #tpu.memory_space<vmem_shared>>
      tpu.wait_indirect_dma semaphore(%arg30 : memref<!tpu.dma_semaphore, #tpu.memory_space<semaphore_mem>>) src(%dma_wait3A_214 : memref<128x128xf32, #tpu.memory_space<vmem>>) dst(%dma_wait3A_220 : memref<4096x128xf32, #tpu.memory_space<vmem_shared>>)
    } else {
    }
    %eq3A_182 = arith.constant 3 : i32
    %eq3A_183 = arith.cmpi eq, %select_n3A_142, %eq3A_182 : i32
    %eq3A_184 = arith.constant 3 : i32
    %eq3A_185 = arith.cmpi eq, %select_n3A_160, %eq3A_184 : i32
    %or3A_186 = arith.ori %eq3A_183, %eq3A_185 : i1
    %convert_element_type3A_187 = arith.extui %or3A_186 : i1 to i32
    %cond3A_188 = arith.constant 0 : i32
    %cond3A_189 = arith.cmpi ne, %convert_element_type3A_187, %cond3A_188 : i32
    scf.if %cond3A_189 {
      %dma_wait3A = arith.constant 3 : i32
      %dma_wait3A_210 = arith.constant 3 : i32
      %dma_wait3A_211 = arith.constant 0 : i32
      %dma_wait3A_212 = arith.constant 0 : i32
      %dma_wait3A_213 = tpu.memref_slice %arg7[%dma_wait3A, %dma_wait3A_211, %dma_wait3A_212] : memref<4x128x128xf32, #tpu.memory_space<vmem>> -> memref<1x128x128xf32, #tpu.memory_space<vmem>>
      %dma_wait3A_214 = tpu.memref_squeeze %dma_wait3A_213 : memref<1x128x128xf32, #tpu.memory_space<vmem>> -> memref<128x128xf32, #tpu.memory_space<vmem>>
      %dma_wait3A_215 = arith.constant 0 : i32
      %dma_wait3A_216 = tpu.memref_slice %arg8[%dma_wait3A_210, %dma_wait3A_215] : memref<4x128xi32, #tpu.memory_space<vmem>> -> memref<1x128xi32, #tpu.memory_space<vmem>>
      %dma_wait3A_217 = tpu.memref_squeeze %dma_wait3A_216 : memref<1x128xi32, #tpu.memory_space<vmem>> -> memref<128xi32, #tpu.memory_space<vmem>>
      %dma_wait3A_218 = arith.constant 0 : i32
      %dma_wait3A_219 = arith.constant 0 : i32
      %dma_wait3A_220 = tpu.memref_slice %arg32[%dma_wait3A_218, %dma_wait3A_219] : memref<4096x128xf32, #tpu.memory_space<vmem_shared>> -> memref<4096x128xf32, #tpu.memory_space<vmem_shared>>
      tpu.wait_indirect_dma semaphore(%arg31 : memref<!tpu.dma_semaphore, #tpu.memory_space<semaphore_mem>>) src(%dma_wait3A_214 : memref<128x128xf32, #tpu.memory_space<vmem>>) dst(%dma_wait3A_220 : memref<4096x128xf32, #tpu.memory_space<vmem_shared>>)
    } else {
    }
    %scan3A_190 = arith.constant 0 : i32
    %scan3A_191 = arith.constant 0 : i32
    %scan3A_192 = arith.constant 256 : i32
    %scan3A_193 = arith.addi %scan3A_191, %scan3A_192 : i32
    %scan3A_194 = arith.constant 1 : i32
    scf.for %scan3A_210 = %scan3A_191 to %scan3A_193 step %scan3A_194  : i32 {
      %mul3A_211 = arith.constant 16 : i32
      %mul3A_212 = arith.muli %scan3A_210, %mul3A_211 : i32
      %get3A = arith.index_cast %mul3A_212 : i32 to index
      %get3A_213 = tpu.vector_load %arg14[%get3A] {strides = array<i32>} : memref<4096xf32, #tpu.memory_space<vmem>>, vector<16xf32>,
      %get3A_214 = arith.index_cast %mul3A_212 : i32 to index
      %get3A_215 = tpu.vector_load %arg13[%get3A_214] {strides = array<i32>} : memref<4096xf32, #tpu.memory_space<vmem>>, vector<16xf32>,
      %sub3A_216 = arith.subf %get3A_213, %get3A_215 : vector<16xf32>
      %swap3A = arith.index_cast %mul3A_212 : i32 to index
      %swap3A_217 = tpu.vector_load %arg14[%swap3A] {strides = array<i32>} : memref<4096xf32, #tpu.memory_space<vmem>>, vector<16xf32>,
      tpu.vector_store %arg14[%swap3A], %sub3A_216 {strides = array<i32>} : memref<4096xf32, #tpu.memory_space<vmem>>, vector<16xf32>,
    }
    %scan3A_195 = arith.constant 256 : i32
    "tpu.region"() ({
      %run_scoped3A_210 = tpu.sem_alloc : memref<!tpu.dma_semaphore, #tpu.memory_space<semaphore_mem>>
      %dma_start3A_211 = arith.constant 0 : i32
      %dma_start3A_212 = tpu.memref_slice %arg33[%arg1, %dma_start3A_211] : memref<16x4096xf32, #tpu.memory_space<vmem_shared>> -> memref<1x4096xf32, #tpu.memory_space<vmem_shared>>
      %dma_start3A_213 = tpu.memref_squeeze %dma_start3A_212 : memref<1x4096xf32, #tpu.memory_space<vmem_shared>> -> memref<4096xf32, #tpu.memory_space<vmem_shared>>
      %dma_start3A_214 = arith.constant 0 : i32
      %dma_start3A_215 = tpu.memref_slice %arg33[%arg1, %dma_start3A_214] : memref<16x4096xf32, #tpu.memory_space<vmem_shared>> -> memref<1x4096xf32, #tpu.memory_space<vmem_shared>>
      %dma_start3A_216 = tpu.memref_squeeze %dma_start3A_215 : memref<1x4096xf32, #tpu.memory_space<vmem_shared>> -> memref<4096xf32, #tpu.memory_space<vmem_shared>>
      tpu.enqueue_dma source(%arg14 : memref<4096xf32, #tpu.memory_space<vmem>>) target(%dma_start3A_216 : memref<4096xf32, #tpu.memory_space<vmem_shared>>) target_semaphore(%run_scoped3A_210 : memref<!tpu.dma_semaphore, #tpu.memory_space<semaphore_mem>>)
      %dma_wait3A = arith.constant 0 : i32
      %dma_wait3A_217 = tpu.memref_slice %arg33[%arg1, %dma_wait3A] : memref<16x4096xf32, #tpu.memory_space<vmem_shared>> -> memref<1x4096xf32, #tpu.memory_space<vmem_shared>>
      %dma_wait3A_218 = tpu.memref_squeeze %dma_wait3A_217 : memref<1x4096xf32, #tpu.memory_space<vmem_shared>> -> memref<4096xf32, #tpu.memory_space<vmem_shared>>
      %dma_wait3A_219 = arith.constant 0 : i32
      %dma_wait3A_220 = tpu.memref_slice %arg33[%arg1, %dma_wait3A_219] : memref<16x4096xf32, #tpu.memory_space<vmem_shared>> -> memref<1x4096xf32, #tpu.memory_space<vmem_shared>>
      %dma_wait3A_221 = tpu.memref_squeeze %dma_wait3A_220 : memref<1x4096xf32, #tpu.memory_space<vmem_shared>> -> memref<4096xf32, #tpu.memory_space<vmem_shared>>
      tpu.wait_dma2 semaphore(%run_scoped3A_210 : memref<!tpu.dma_semaphore, #tpu.memory_space<semaphore_mem>>) src(%arg14 : memref<4096xf32, #tpu.memory_space<vmem>>) dst(%dma_wait3A_221 : memref<4096xf32, #tpu.memory_space<vmem_shared>>)
      tpu.yield
    }) : () -> ()
    %barrier3A_196 = arith.constant 0 : index
    tpu.barrier barrier_id(%barrier3A_196)
    %mul3A_197 = arith.constant 256 : i32
    %mul3A_198 = arith.muli %arg1, %mul3A_197 : i32
    %mul3A_199 = arith.constant 256 : i32
    %mul3A_200 = arith.muli %arg1, %mul3A_199 : i32
    "tpu.region"() ({
      %run_scoped3A_210 = tpu.sem_alloc : memref<!tpu.dma_semaphore, #tpu.memory_space<semaphore_mem>>
      %dma_start3A_211 = arith.constant 0 : i32
      %dma_start3A_212 = tpu.memref_slice %arg5[%arg0, %mul3A_200, %dma_start3A_211] : memref<2x4096x128xf32, #tpu.memory_space<hbm>> -> memref<1x256x128xf32, #tpu.memory_space<hbm>>
      %dma_start3A_213 = tpu.memref_squeeze %dma_start3A_212 : memref<1x256x128xf32, #tpu.memory_space<hbm>> -> memref<256x128xf32, #tpu.memory_space<hbm>>
      %dma_start3A_214 = arith.constant 0 : i32
      %dma_start3A_215 = tpu.memref_slice %arg32[%mul3A_198, %dma_start3A_214] : memref<4096x128xf32, #tpu.memory_space<vmem_shared>> -> memref<256x128xf32, #tpu.memory_space<vmem_shared>>
      tpu.enqueue_dma source(%dma_start3A_215 : memref<256x128xf32, #tpu.memory_space<vmem_shared>>) target(%dma_start3A_213 : memref<256x128xf32, #tpu.memory_space<hbm>>) target_semaphore(%run_scoped3A_210 : memref<!tpu.dma_semaphore, #tpu.memory_space<semaphore_mem>>)
      %dma_wait3A = arith.constant 0 : i32
      %dma_wait3A_216 = tpu.memref_slice %arg5[%arg0, %mul3A_200, %dma_wait3A] : memref<2x4096x128xf32, #tpu.memory_space<hbm>> -> memref<1x256x128xf32, #tpu.memory_space<hbm>>
      %dma_wait3A_217 = tpu.memref_squeeze %dma_wait3A_216 : memref<1x256x128xf32, #tpu.memory_space<hbm>> -> memref<256x128xf32, #tpu.memory_space<hbm>>
      %dma_wait3A_218 = arith.constant 0 : i32
      %dma_wait3A_219 = tpu.memref_slice %arg32[%mul3A_198, %dma_wait3A_218] : memref<4096x128xf32, #tpu.memory_space<vmem_shared>> -> memref<256x128xf32, #tpu.memory_space<vmem_shared>>
      tpu.wait_dma2 semaphore(%run_scoped3A_210 : memref<!tpu.dma_semaphore, #tpu.memory_space<semaphore_mem>>) src(%dma_wait3A_219 : memref<256x128xf32, #tpu.memory_space<vmem_shared>>) dst(%dma_wait3A_217 : memref<256x128xf32, #tpu.memory_space<hbm>>)
      tpu.yield
    }) : () -> ()
    %mul3A_201 = arith.constant 256 : i32
    %mul3A_202 = arith.muli %arg1, %mul3A_201 : i32
    "tpu.region"() ({
      %run_scoped3A_210 = tpu.sem_alloc : memref<!tpu.dma_semaphore, #tpu.memory_space<semaphore_mem>>
      %dma_start3A_211 = arith.constant 0 : i32
      %dma_start3A_212 = tpu.memref_slice %arg33[%dma_start3A_211, %mul3A_202] : memref<16x4096xf32, #tpu.memory_space<vmem_shared>> -> memref<16x256xf32, #tpu.memory_space<vmem_shared>>
      %dma_start3A_213 = arith.constant 0 : i32
      %dma_start3A_214 = tpu.memref_slice %arg33[%dma_start3A_213, %mul3A_202] : memref<16x4096xf32, #tpu.memory_space<vmem_shared>> -> memref<16x256xf32, #tpu.memory_space<vmem_shared>>
      tpu.enqueue_dma source(%dma_start3A_214 : memref<16x256xf32, #tpu.memory_space<vmem_shared>>) target(%arg15 : memref<16x256xf32, #tpu.memory_space<vmem>>) target_semaphore(%run_scoped3A_210 : memref<!tpu.dma_semaphore, #tpu.memory_space<semaphore_mem>>)
      %dma_wait3A = arith.constant 0 : i32
      %dma_wait3A_215 = tpu.memref_slice %arg33[%dma_wait3A, %mul3A_202] : memref<16x4096xf32, #tpu.memory_space<vmem_shared>> -> memref<16x256xf32, #tpu.memory_space<vmem_shared>>
      %dma_wait3A_216 = arith.constant 0 : i32
      %dma_wait3A_217 = tpu.memref_slice %arg33[%dma_wait3A_216, %mul3A_202] : memref<16x4096xf32, #tpu.memory_space<vmem_shared>> -> memref<16x256xf32, #tpu.memory_space<vmem_shared>>
      tpu.wait_dma2 semaphore(%run_scoped3A_210 : memref<!tpu.dma_semaphore, #tpu.memory_space<semaphore_mem>>) src(%dma_wait3A_217 : memref<16x256xf32, #tpu.memory_space<vmem_shared>>) dst(%arg15 : memref<16x256xf32, #tpu.memory_space<vmem>>)
      tpu.yield
    }) : () -> ()
    %scan3A_203 = arith.constant 0 : i32
    %scan3A_204 = arith.constant 0 : i32
    %scan3A_205 = arith.constant 16 : i32
    %scan3A_206 = arith.addi %scan3A_204, %scan3A_205 : i32
    %scan3A_207 = arith.constant 1 : i32
    scf.for %scan3A_210 = %scan3A_204 to %scan3A_206 step %scan3A_207  : i32 {
      %mul3A_211 = arith.constant 16 : i32
      %mul3A_212 = arith.muli %scan3A_210, %mul3A_211 : i32
      %get3A = arith.constant 0 : i32
      %get3A_213 = arith.index_cast %get3A : i32 to index
      %get3A_214 = arith.index_cast %mul3A_212 : i32 to index
      %get3A_215 = tpu.vector_load %arg15[%get3A_213, %get3A_214] {strides = array<i32>} : memref<16x256xf32, #tpu.memory_space<vmem>>, vector<16xf32>,
      %get3A_216 = arith.constant 1 : i32
      %get3A_217 = arith.index_cast %get3A_216 : i32 to index
      %get3A_218 = arith.index_cast %mul3A_212 : i32 to index
      %get3A_219 = tpu.vector_load %arg15[%get3A_217, %get3A_218] {strides = array<i32>} : memref<16x256xf32, #tpu.memory_space<vmem>>, vector<16xf32>,
      %add3A_220 = arith.addf %get3A_215, %get3A_219 : vector<16xf32>
      %get3A_221 = arith.constant 2 : i32
      %get3A_222 = arith.index_cast %get3A_221 : i32 to index
      %get3A_223 = arith.index_cast %mul3A_212 : i32 to index
      %get3A_224 = tpu.vector_load %arg15[%get3A_222, %get3A_223] {strides = array<i32>} : memref<16x256xf32, #tpu.memory_space<vmem>>, vector<16xf32>,
      %add3A_225 = arith.addf %add3A_220, %get3A_224 : vector<16xf32>
      %get3A_226 = arith.constant 3 : i32
      %get3A_227 = arith.index_cast %get3A_226 : i32 to index
      %get3A_228 = arith.index_cast %mul3A_212 : i32 to index
      %get3A_229 = tpu.vector_load %arg15[%get3A_227, %get3A_228] {strides = array<i32>} : memref<16x256xf32, #tpu.memory_space<vmem>>, vector<16xf32>,
      %add3A_230 = arith.addf %add3A_225, %get3A_229 : vector<16xf32>
      %get3A_231 = arith.constant 4 : i32
      %get3A_232 = arith.index_cast %get3A_231 : i32 to index
      %get3A_233 = arith.index_cast %mul3A_212 : i32 to index
      %get3A_234 = tpu.vector_load %arg15[%get3A_232, %get3A_233] {strides = array<i32>} : memref<16x256xf32, #tpu.memory_space<vmem>>, vector<16xf32>,
      %add3A_235 = arith.addf %add3A_230, %get3A_234 : vector<16xf32>
      %get3A_236 = arith.constant 5 : i32
      %get3A_237 = arith.index_cast %get3A_236 : i32 to index
      %get3A_238 = arith.index_cast %mul3A_212 : i32 to index
      %get3A_239 = tpu.vector_load %arg15[%get3A_237, %get3A_238] {strides = array<i32>} : memref<16x256xf32, #tpu.memory_space<vmem>>, vector<16xf32>,
      %add3A_240 = arith.addf %add3A_235, %get3A_239 : vector<16xf32>
      %get3A_241 = arith.constant 6 : i32
      %get3A_242 = arith.index_cast %get3A_241 : i32 to index
      %get3A_243 = arith.index_cast %mul3A_212 : i32 to index
      %get3A_244 = tpu.vector_load %arg15[%get3A_242, %get3A_243] {strides = array<i32>} : memref<16x256xf32, #tpu.memory_space<vmem>>, vector<16xf32>,
      %add3A_245 = arith.addf %add3A_240, %get3A_244 : vector<16xf32>
      %get3A_246 = arith.constant 7 : i32
      %get3A_247 = arith.index_cast %get3A_246 : i32 to index
      %get3A_248 = arith.index_cast %mul3A_212 : i32 to index
      %get3A_249 = tpu.vector_load %arg15[%get3A_247, %get3A_248] {strides = array<i32>} : memref<16x256xf32, #tpu.memory_space<vmem>>, vector<16xf32>,
      %add3A_250 = arith.addf %add3A_245, %get3A_249 : vector<16xf32>
      %get3A_251 = arith.constant 8 : i32
      %get3A_252 = arith.index_cast %get3A_251 : i32 to index
      %get3A_253 = arith.index_cast %mul3A_212 : i32 to index
      %get3A_254 = tpu.vector_load %arg15[%get3A_252, %get3A_253] {strides = array<i32>} : memref<16x256xf32, #tpu.memory_space<vmem>>, vector<16xf32>,
      %add3A_255 = arith.addf %add3A_250, %get3A_254 : vector<16xf32>
      %get3A_256 = arith.constant 9 : i32
      %get3A_257 = arith.index_cast %get3A_256 : i32 to index
      %get3A_258 = arith.index_cast %mul3A_212 : i32 to index
      %get3A_259 = tpu.vector_load %arg15[%get3A_257, %get3A_258] {strides = array<i32>} : memref<16x256xf32, #tpu.memory_space<vmem>>, vector<16xf32>,
      %add3A_260 = arith.addf %add3A_255, %get3A_259 : vector<16xf32>
      %get3A_261 = arith.constant 10 : i32
      %get3A_262 = arith.index_cast %get3A_261 : i32 to index
      %get3A_263 = arith.index_cast %mul3A_212 : i32 to index
      %get3A_264 = tpu.vector_load %arg15[%get3A_262, %get3A_263] {strides = array<i32>} : memref<16x256xf32, #tpu.memory_space<vmem>>, vector<16xf32>,
      %add3A_265 = arith.addf %add3A_260, %get3A_264 : vector<16xf32>
      %get3A_266 = arith.constant 11 : i32
      %get3A_267 = arith.index_cast %get3A_266 : i32 to index
      %get3A_268 = arith.index_cast %mul3A_212 : i32 to index
      %get3A_269 = tpu.vector_load %arg15[%get3A_267, %get3A_268] {strides = array<i32>} : memref<16x256xf32, #tpu.memory_space<vmem>>, vector<16xf32>,
      %add3A_270 = arith.addf %add3A_265, %get3A_269 : vector<16xf32>
      %get3A_271 = arith.constant 12 : i32
      %get3A_272 = arith.index_cast %get3A_271 : i32 to index
      %get3A_273 = arith.index_cast %mul3A_212 : i32 to index
      %get3A_274 = tpu.vector_load %arg15[%get3A_272, %get3A_273] {strides = array<i32>} : memref<16x256xf32, #tpu.memory_space<vmem>>, vector<16xf32>,
      %add3A_275 = arith.addf %add3A_270, %get3A_274 : vector<16xf32>
      %get3A_276 = arith.constant 13 : i32
      %get3A_277 = arith.index_cast %get3A_276 : i32 to index
      %get3A_278 = arith.index_cast %mul3A_212 : i32 to index
      %get3A_279 = tpu.vector_load %arg15[%get3A_277, %get3A_278] {strides = array<i32>} : memref<16x256xf32, #tpu.memory_space<vmem>>, vector<16xf32>,
      %add3A_280 = arith.addf %add3A_275, %get3A_279 : vector<16xf32>
      %get3A_281 = arith.constant 14 : i32
      %get3A_282 = arith.index_cast %get3A_281 : i32 to index
      %get3A_283 = arith.index_cast %mul3A_212 : i32 to index
      %get3A_284 = tpu.vector_load %arg15[%get3A_282, %get3A_283] {strides = array<i32>} : memref<16x256xf32, #tpu.memory_space<vmem>>, vector<16xf32>,
      %add3A_285 = arith.addf %add3A_280, %get3A_284 : vector<16xf32>
      %get3A_286 = arith.constant 15 : i32
      %get3A_287 = arith.index_cast %get3A_286 : i32 to index
      %get3A_288 = arith.index_cast %mul3A_212 : i32 to index
      %get3A_289 = tpu.vector_load %arg15[%get3A_287, %get3A_288] {strides = array<i32>} : memref<16x256xf32, #tpu.memory_space<vmem>>, vector<16xf32>,
      %add3A_290 = arith.addf %add3A_285, %get3A_289 : vector<16xf32>
      %swap3A = arith.constant 0 : i32
      %swap3A_291 = arith.index_cast %swap3A : i32 to index
      %swap3A_292 = arith.index_cast %mul3A_212 : i32 to index
      %swap3A_293 = tpu.vector_load %arg15[%swap3A_291, %swap3A_292] {strides = array<i32>} : memref<16x256xf32, #tpu.memory_space<vmem>>, vector<16xf32>,
      tpu.vector_store %arg15[%swap3A_291, %swap3A_292], %add3A_290 {strides = array<i32>} : memref<16x256xf32, #tpu.memory_space<vmem>>, vector<16xf32>,
    }
    %scan3A_208 = arith.constant 16 : i32
    %run_scoped3A_209 = arith.constant 0 : i32
    "tpu.region"() ({
      %run_scoped3A_210 = tpu.sem_alloc : memref<!tpu.dma_semaphore, #tpu.memory_space<semaphore_mem>>
      %dma_start3A_211 = arith.constant 0 : i32
      %dma_start3A_212 = tpu.memref_slice %arg15[%run_scoped3A_209, %dma_start3A_211] : memref<16x256xf32, #tpu.memory_space<vmem>> -> memref<1x256xf32, #tpu.memory_space<vmem>>
      %dma_start3A_213 = tpu.memref_squeeze %dma_start3A_212 : memref<1x256xf32, #tpu.memory_space<vmem>> -> memref<256xf32, #tpu.memory_space<vmem>>
      %dma_start3A_214 = arith.constant 0 : i32
      %dma_start3A_215 = tpu.memref_slice %arg6[%arg0, %arg1, %dma_start3A_214] : memref<2x16x256xf32, #tpu.memory_space<hbm>> -> memref<1x1x256xf32, #tpu.memory_space<hbm>>
      %dma_start3A_216 = tpu.memref_squeeze %dma_start3A_215 : memref<1x1x256xf32, #tpu.memory_space<hbm>> -> memref<256xf32, #tpu.memory_space<hbm>>
      %dma_start3A_217 = arith.constant 0 : i32
      %dma_start3A_218 = tpu.memref_slice %arg6[%arg0, %arg1, %dma_start3A_217] : memref<2x16x256xf32, #tpu.memory_space<hbm>> -> memref<1x1x256xf32, #tpu.memory_space<hbm>>
      %dma_start3A_219 = tpu.memref_squeeze %dma_start3A_218 : memref<1x1x256xf32, #tpu.memory_space<hbm>> -> memref<256xf32, #tpu.memory_space<hbm>>
      %dma_start3A_220 = arith.constant 0 : i32
      %dma_start3A_221 = tpu.memref_slice %arg15[%run_scoped3A_209, %dma_start3A_220] : memref<16x256xf32, #tpu.memory_space<vmem>> -> memref<1x256xf32, #tpu.memory_space<vmem>>
      %dma_start3A_222 = tpu.memref_squeeze %dma_start3A_221 : memref<1x256xf32, #tpu.memory_space<vmem>> -> memref<256xf32, #tpu.memory_space<vmem>>
      tpu.enqueue_dma source(%dma_start3A_222 : memref<256xf32, #tpu.memory_space<vmem>>) target(%dma_start3A_219 : memref<256xf32, #tpu.memory_space<hbm>>) target_semaphore(%run_scoped3A_210 : memref<!tpu.dma_semaphore, #tpu.memory_space<semaphore_mem>>)
      %dma_wait3A = arith.constant 0 : i32
      %dma_wait3A_223 = tpu.memref_slice %arg15[%run_scoped3A_209, %dma_wait3A] : memref<16x256xf32, #tpu.memory_space<vmem>> -> memref<1x256xf32, #tpu.memory_space<vmem>>
      %dma_wait3A_224 = tpu.memref_squeeze %dma_wait3A_223 : memref<1x256xf32, #tpu.memory_space<vmem>> -> memref<256xf32, #tpu.memory_space<vmem>>
      %dma_wait3A_225 = arith.constant 0 : i32
      %dma_wait3A_226 = tpu.memref_slice %arg6[%arg0, %arg1, %dma_wait3A_225] : memref<2x16x256xf32, #tpu.memory_space<hbm>> -> memref<1x1x256xf32, #tpu.memory_space<hbm>>
      %dma_wait3A_227 = tpu.memref_squeeze %dma_wait3A_226 : memref<1x1x256xf32, #tpu.memory_space<hbm>> -> memref<256xf32, #tpu.memory_space<hbm>>
      %dma_wait3A_228 = arith.constant 0 : i32
      %dma_wait3A_229 = tpu.memref_slice %arg6[%arg0, %arg1, %dma_wait3A_228] : memref<2x16x256xf32, #tpu.memory_space<hbm>> -> memref<1x1x256xf32, #tpu.memory_space<hbm>>
      %dma_wait3A_230 = tpu.memref_squeeze %dma_wait3A_229 : memref<1x1x256xf32, #tpu.memory_space<hbm>> -> memref<256xf32, #tpu.memory_space<hbm>>
      %dma_wait3A_231 = arith.constant 0 : i32
      %dma_wait3A_232 = tpu.memref_slice %arg15[%run_scoped3A_209, %dma_wait3A_231] : memref<16x256xf32, #tpu.memory_space<vmem>> -> memref<1x256xf32, #tpu.memory_space<vmem>>
      %dma_wait3A_233 = tpu.memref_squeeze %dma_wait3A_232 : memref<1x256xf32, #tpu.memory_space<vmem>> -> memref<256xf32, #tpu.memory_space<vmem>>
      tpu.wait_dma2 semaphore(%run_scoped3A_210 : memref<!tpu.dma_semaphore, #tpu.memory_space<semaphore_mem>>) src(%dma_wait3A_233 : memref<256xf32, #tpu.memory_space<vmem>>) dst(%dma_wait3A_230 : memref<256xf32, #tpu.memory_space<hbm>>)
      tpu.yield
    }) : () -> ()
    return
  }
}

#map = affine_map<(d0, d1) -> (0, 0, 0)>
#map1 = affine_map<(d0, d1) -> (0, 0)>
module attributes {stable_mosaic.version = 14 : i64} {
  func.func @k2(%arg0: i32, %arg1: i32, %arg2: memref<2x4096x128xf32, #tpu.memory_space<hbm>>, %arg3: memref<2x4096xf32, #tpu.memory_space<hbm>>, %arg4: memref<4096x128xf32, #tpu.memory_space<hbm>>, %arg5: memref<128x128xf32, #tpu.memory_space<vmem>>, %arg6: memref<128x128xf32, #tpu.memory_space<vmem>>, %arg7: memref<128xf32, #tpu.memory_space<vmem>>, %arg8: memref<128xf32, #tpu.memory_space<vmem>>, %arg9: memref<2048xf32, #tpu.memory_space<vmem>>) attributes {dimension_semantics = [#tpu.dimension_semantics<core_parallel>, #tpu.dimension_semantics<subcore_parallel>], iteration_bounds = array<i64: 2, 16>, scalar_prefetch = 0 : i64, scratch_operands = 5 : i64, tpu.core_type = #tpu.core_type<sc_vector_subcore>, window_params = [{transform_indices = #map}, {transform_indices = #map1}, {transform_indices = #map1}]} {
    %mul3A = arith.constant 16 : i32
    %mul3A_0 = arith.muli %arg0, %mul3A : i32
    %add3A = arith.addi %mul3A_0, %arg1 : i32
    %mul3A_1 = arith.constant 128 : i32
    %mul3A_2 = arith.muli %add3A, %mul3A_1 : i32
    %run_scoped3A = arith.constant 0 : i32
    "tpu.region"() ({
      %run_scoped3A_864 = tpu.sem_alloc : memref<!tpu.dma_semaphore, #tpu.memory_space<semaphore_mem>>
      %dma_start3A = arith.constant 0 : i32
      %dma_start3A_865 = tpu.memref_slice %arg2[%run_scoped3A, %mul3A_2, %dma_start3A] : memref<2x4096x128xf32, #tpu.memory_space<hbm>> -> memref<1x128x128xf32, #tpu.memory_space<hbm>>
      %dma_start3A_866 = tpu.memref_squeeze %dma_start3A_865 : memref<1x128x128xf32, #tpu.memory_space<hbm>> -> memref<128x128xf32, #tpu.memory_space<hbm>>
      %dma_start3A_867 = arith.constant 0 : i32
      %dma_start3A_868 = tpu.memref_slice %arg2[%run_scoped3A, %mul3A_2, %dma_start3A_867] : memref<2x4096x128xf32, #tpu.memory_space<hbm>> -> memref<1x128x128xf32, #tpu.memory_space<hbm>>
      %dma_start3A_869 = tpu.memref_squeeze %dma_start3A_868 : memref<1x128x128xf32, #tpu.memory_space<hbm>> -> memref<128x128xf32, #tpu.memory_space<hbm>>
      tpu.enqueue_dma source(%dma_start3A_869 : memref<128x128xf32, #tpu.memory_space<hbm>>) target(%arg5 : memref<128x128xf32, #tpu.memory_space<vmem>>) target_semaphore(%run_scoped3A_864 : memref<!tpu.dma_semaphore, #tpu.memory_space<semaphore_mem>>)
      %dma_wait3A = arith.constant 0 : i32
      %dma_wait3A_870 = tpu.memref_slice %arg2[%run_scoped3A, %mul3A_2, %dma_wait3A] : memref<2x4096x128xf32, #tpu.memory_space<hbm>> -> memref<1x128x128xf32, #tpu.memory_space<hbm>>
      %dma_wait3A_871 = tpu.memref_squeeze %dma_wait3A_870 : memref<1x128x128xf32, #tpu.memory_space<hbm>> -> memref<128x128xf32, #tpu.memory_space<hbm>>
      %dma_wait3A_872 = arith.constant 0 : i32
      %dma_wait3A_873 = tpu.memref_slice %arg2[%run_scoped3A, %mul3A_2, %dma_wait3A_872] : memref<2x4096x128xf32, #tpu.memory_space<hbm>> -> memref<1x128x128xf32, #tpu.memory_space<hbm>>
      %dma_wait3A_874 = tpu.memref_squeeze %dma_wait3A_873 : memref<1x128x128xf32, #tpu.memory_space<hbm>> -> memref<128x128xf32, #tpu.memory_space<hbm>>
      tpu.wait_dma2 semaphore(%run_scoped3A_864 : memref<!tpu.dma_semaphore, #tpu.memory_space<semaphore_mem>>) src(%dma_wait3A_874 : memref<128x128xf32, #tpu.memory_space<hbm>>) dst(%arg5 : memref<128x128xf32, #tpu.memory_space<vmem>>)
      tpu.yield
    }) : () -> ()
    %run_scoped3A_3 = arith.constant 1 : i32
    "tpu.region"() ({
      %run_scoped3A_864 = tpu.sem_alloc : memref<!tpu.dma_semaphore, #tpu.memory_space<semaphore_mem>>
      %dma_start3A = arith.constant 0 : i32
      %dma_start3A_865 = tpu.memref_slice %arg2[%run_scoped3A_3, %mul3A_2, %dma_start3A] : memref<2x4096x128xf32, #tpu.memory_space<hbm>> -> memref<1x128x128xf32, #tpu.memory_space<hbm>>
      %dma_start3A_866 = tpu.memref_squeeze %dma_start3A_865 : memref<1x128x128xf32, #tpu.memory_space<hbm>> -> memref<128x128xf32, #tpu.memory_space<hbm>>
      %dma_start3A_867 = arith.constant 0 : i32
      %dma_start3A_868 = tpu.memref_slice %arg2[%run_scoped3A_3, %mul3A_2, %dma_start3A_867] : memref<2x4096x128xf32, #tpu.memory_space<hbm>> -> memref<1x128x128xf32, #tpu.memory_space<hbm>>
      %dma_start3A_869 = tpu.memref_squeeze %dma_start3A_868 : memref<1x128x128xf32, #tpu.memory_space<hbm>> -> memref<128x128xf32, #tpu.memory_space<hbm>>
      tpu.enqueue_dma source(%dma_start3A_869 : memref<128x128xf32, #tpu.memory_space<hbm>>) target(%arg6 : memref<128x128xf32, #tpu.memory_space<vmem>>) target_semaphore(%run_scoped3A_864 : memref<!tpu.dma_semaphore, #tpu.memory_space<semaphore_mem>>)
      %dma_wait3A = arith.constant 0 : i32
      %dma_wait3A_870 = tpu.memref_slice %arg2[%run_scoped3A_3, %mul3A_2, %dma_wait3A] : memref<2x4096x128xf32, #tpu.memory_space<hbm>> -> memref<1x128x128xf32, #tpu.memory_space<hbm>>
      %dma_wait3A_871 = tpu.memref_squeeze %dma_wait3A_870 : memref<1x128x128xf32, #tpu.memory_space<hbm>> -> memref<128x128xf32, #tpu.memory_space<hbm>>
      %dma_wait3A_872 = arith.constant 0 : i32
      %dma_wait3A_873 = tpu.memref_slice %arg2[%run_scoped3A_3, %mul3A_2, %dma_wait3A_872] : memref<2x4096x128xf32, #tpu.memory_space<hbm>> -> memref<1x128x128xf32, #tpu.memory_space<hbm>>
      %dma_wait3A_874 = tpu.memref_squeeze %dma_wait3A_873 : memref<1x128x128xf32, #tpu.memory_space<hbm>> -> memref<128x128xf32, #tpu.memory_space<hbm>>
      tpu.wait_dma2 semaphore(%run_scoped3A_864 : memref<!tpu.dma_semaphore, #tpu.memory_space<semaphore_mem>>) src(%dma_wait3A_874 : memref<128x128xf32, #tpu.memory_space<hbm>>) dst(%arg6 : memref<128x128xf32, #tpu.memory_space<vmem>>)
      tpu.yield
    }) : () -> ()
    %run_scoped3A_4 = arith.constant 0 : i32
    "tpu.region"() ({
      %run_scoped3A_864 = tpu.sem_alloc : memref<!tpu.dma_semaphore, #tpu.memory_space<semaphore_mem>>
      %dma_start3A = tpu.memref_slice %arg3[%run_scoped3A_4, %mul3A_2] : memref<2x4096xf32, #tpu.memory_space<hbm>> -> memref<1x128xf32, #tpu.memory_space<hbm>>
      %dma_start3A_865 = tpu.memref_squeeze %dma_start3A : memref<1x128xf32, #tpu.memory_space<hbm>> -> memref<128xf32, #tpu.memory_space<hbm>>
      %dma_start3A_866 = tpu.memref_slice %arg3[%run_scoped3A_4, %mul3A_2] : memref<2x4096xf32, #tpu.memory_space<hbm>> -> memref<1x128xf32, #tpu.memory_space<hbm>>
      %dma_start3A_867 = tpu.memref_squeeze %dma_start3A_866 : memref<1x128xf32, #tpu.memory_space<hbm>> -> memref<128xf32, #tpu.memory_space<hbm>>
      tpu.enqueue_dma source(%dma_start3A_867 : memref<128xf32, #tpu.memory_space<hbm>>) target(%arg7 : memref<128xf32, #tpu.memory_space<vmem>>) target_semaphore(%run_scoped3A_864 : memref<!tpu.dma_semaphore, #tpu.memory_space<semaphore_mem>>)
      %dma_wait3A = tpu.memref_slice %arg3[%run_scoped3A_4, %mul3A_2] : memref<2x4096xf32, #tpu.memory_space<hbm>> -> memref<1x128xf32, #tpu.memory_space<hbm>>
      %dma_wait3A_868 = tpu.memref_squeeze %dma_wait3A : memref<1x128xf32, #tpu.memory_space<hbm>> -> memref<128xf32, #tpu.memory_space<hbm>>
      %dma_wait3A_869 = tpu.memref_slice %arg3[%run_scoped3A_4, %mul3A_2] : memref<2x4096xf32, #tpu.memory_space<hbm>> -> memref<1x128xf32, #tpu.memory_space<hbm>>
      %dma_wait3A_870 = tpu.memref_squeeze %dma_wait3A_869 : memref<1x128xf32, #tpu.memory_space<hbm>> -> memref<128xf32, #tpu.memory_space<hbm>>
      tpu.wait_dma2 semaphore(%run_scoped3A_864 : memref<!tpu.dma_semaphore, #tpu.memory_space<semaphore_mem>>) src(%dma_wait3A_870 : memref<128xf32, #tpu.memory_space<hbm>>) dst(%arg7 : memref<128xf32, #tpu.memory_space<vmem>>)
      tpu.yield
    }) : () -> ()
    %run_scoped3A_5 = arith.constant 1 : i32
    "tpu.region"() ({
      %run_scoped3A_864 = tpu.sem_alloc : memref<!tpu.dma_semaphore, #tpu.memory_space<semaphore_mem>>
      %dma_start3A = tpu.memref_slice %arg3[%run_scoped3A_5, %mul3A_2] : memref<2x4096xf32, #tpu.memory_space<hbm>> -> memref<1x128xf32, #tpu.memory_space<hbm>>
      %dma_start3A_865 = tpu.memref_squeeze %dma_start3A : memref<1x128xf32, #tpu.memory_space<hbm>> -> memref<128xf32, #tpu.memory_space<hbm>>
      %dma_start3A_866 = tpu.memref_slice %arg3[%run_scoped3A_5, %mul3A_2] : memref<2x4096xf32, #tpu.memory_space<hbm>> -> memref<1x128xf32, #tpu.memory_space<hbm>>
      %dma_start3A_867 = tpu.memref_squeeze %dma_start3A_866 : memref<1x128xf32, #tpu.memory_space<hbm>> -> memref<128xf32, #tpu.memory_space<hbm>>
      tpu.enqueue_dma source(%dma_start3A_867 : memref<128xf32, #tpu.memory_space<hbm>>) target(%arg8 : memref<128xf32, #tpu.memory_space<vmem>>) target_semaphore(%run_scoped3A_864 : memref<!tpu.dma_semaphore, #tpu.memory_space<semaphore_mem>>)
      %dma_wait3A = tpu.memref_slice %arg3[%run_scoped3A_5, %mul3A_2] : memref<2x4096xf32, #tpu.memory_space<hbm>> -> memref<1x128xf32, #tpu.memory_space<hbm>>
      %dma_wait3A_868 = tpu.memref_squeeze %dma_wait3A : memref<1x128xf32, #tpu.memory_space<hbm>> -> memref<128xf32, #tpu.memory_space<hbm>>
      %dma_wait3A_869 = tpu.memref_slice %arg3[%run_scoped3A_5, %mul3A_2] : memref<2x4096xf32, #tpu.memory_space<hbm>> -> memref<1x128xf32, #tpu.memory_space<hbm>>
      %dma_wait3A_870 = tpu.memref_squeeze %dma_wait3A_869 : memref<1x128xf32, #tpu.memory_space<hbm>> -> memref<128xf32, #tpu.memory_space<hbm>>
      tpu.wait_dma2 semaphore(%run_scoped3A_864 : memref<!tpu.dma_semaphore, #tpu.memory_space<semaphore_mem>>) src(%dma_wait3A_870 : memref<128xf32, #tpu.memory_space<hbm>>) dst(%arg8 : memref<128xf32, #tpu.memory_space<vmem>>)
      tpu.yield
    }) : () -> ()
    %iota3A = tpu.iota {dimensions = array<i32: 0>} : vector<16xi32>
    %get3A = arith.constant 0 : index
    %get3A_6 = tpu.vector_load %arg7[%get3A] {strides = array<i32>} : memref<128xf32, #tpu.memory_space<vmem>>, vector<16xf32>,
    %get3A_7 = arith.constant 0 : index
    %get3A_8 = tpu.vector_load %arg8[%get3A_7] {strides = array<i32>} : memref<128xf32, #tpu.memory_space<vmem>>, vector<16xf32>,
    %add3A_9 = arith.addf %get3A_6, %get3A_8 : vector<16xf32>
    %max3A = arith.constant 1.000000e+00 : f32
    %max3A_10 = vector.broadcast %max3A : f32 to vector<16xf32>
    %max3A_11 = arith.maximumf %add3A_9, %max3A_10 : vector<16xf32>
    %div3A = arith.constant 1.000000e+00 : f32
    %div3A_12 = vector.broadcast %div3A : f32 to vector<16xf32>
    %div3A_13 = arith.divf %div3A_12, %max3A_11 : vector<16xf32>
    %mul3A_14 = arith.constant 16 : i32
    %mul3A_15 = vector.broadcast %mul3A_14 : i32 to vector<16xi32>
    %mul3A_16 = arith.muli %iota3A, %mul3A_15 : vector<16xi32>
    %add3A_17 = arith.constant 0 : i32
    %add3A_18 = vector.broadcast %add3A_17 : i32 to vector<16xi32>
    %add3A_19 = arith.addi %mul3A_16, %add3A_18 : vector<16xi32>
    tpu.vector_store_idx %arg9[%add3A_19], %div3A_13 : memref<2048xf32, #tpu.memory_space<vmem>>[vector<16xi32>], vector<16xf32>,
    %mul3A_20 = arith.constant 16 : i32
    %mul3A_21 = vector.broadcast %mul3A_20 : i32 to vector<16xi32>
    %mul3A_22 = arith.muli %iota3A, %mul3A_21 : vector<16xi32>
    %add3A_23 = arith.constant 1 : i32
    %add3A_24 = vector.broadcast %add3A_23 : i32 to vector<16xi32>
    %add3A_25 = arith.addi %mul3A_22, %add3A_24 : vector<16xi32>
    tpu.vector_store_idx %arg9[%add3A_25], %div3A_13 : memref<2048xf32, #tpu.memory_space<vmem>>[vector<16xi32>], vector<16xf32>,
    %mul3A_26 = arith.constant 16 : i32
    %mul3A_27 = vector.broadcast %mul3A_26 : i32 to vector<16xi32>
    %mul3A_28 = arith.muli %iota3A, %mul3A_27 : vector<16xi32>
    %add3A_29 = arith.constant 2 : i32
    %add3A_30 = vector.broadcast %add3A_29 : i32 to vector<16xi32>
    %add3A_31 = arith.addi %mul3A_28, %add3A_30 : vector<16xi32>
    tpu.vector_store_idx %arg9[%add3A_31], %div3A_13 : memref<2048xf32, #tpu.memory_space<vmem>>[vector<16xi32>], vector<16xf32>,
    %mul3A_32 = arith.constant 16 : i32
    %mul3A_33 = vector.broadcast %mul3A_32 : i32 to vector<16xi32>
    %mul3A_34 = arith.muli %iota3A, %mul3A_33 : vector<16xi32>
    %add3A_35 = arith.constant 3 : i32
    %add3A_36 = vector.broadcast %add3A_35 : i32 to vector<16xi32>
    %add3A_37 = arith.addi %mul3A_34, %add3A_36 : vector<16xi32>
    tpu.vector_store_idx %arg9[%add3A_37], %div3A_13 : memref<2048xf32, #tpu.memory_space<vmem>>[vector<16xi32>], vector<16xf32>,
    %mul3A_38 = arith.constant 16 : i32
    %mul3A_39 = vector.broadcast %mul3A_38 : i32 to vector<16xi32>
    %mul3A_40 = arith.muli %iota3A, %mul3A_39 : vector<16xi32>
    %add3A_41 = arith.constant 4 : i32
    %add3A_42 = vector.broadcast %add3A_41 : i32 to vector<16xi32>
    %add3A_43 = arith.addi %mul3A_40, %add3A_42 : vector<16xi32>
    tpu.vector_store_idx %arg9[%add3A_43], %div3A_13 : memref<2048xf32, #tpu.memory_space<vmem>>[vector<16xi32>], vector<16xf32>,
    %mul3A_44 = arith.constant 16 : i32
    %mul3A_45 = vector.broadcast %mul3A_44 : i32 to vector<16xi32>
    %mul3A_46 = arith.muli %iota3A, %mul3A_45 : vector<16xi32>
    %add3A_47 = arith.constant 5 : i32
    %add3A_48 = vector.broadcast %add3A_47 : i32 to vector<16xi32>
    %add3A_49 = arith.addi %mul3A_46, %add3A_48 : vector<16xi32>
    tpu.vector_store_idx %arg9[%add3A_49], %div3A_13 : memref<2048xf32, #tpu.memory_space<vmem>>[vector<16xi32>], vector<16xf32>,
    %mul3A_50 = arith.constant 16 : i32
    %mul3A_51 = vector.broadcast %mul3A_50 : i32 to vector<16xi32>
    %mul3A_52 = arith.muli %iota3A, %mul3A_51 : vector<16xi32>
    %add3A_53 = arith.constant 6 : i32
    %add3A_54 = vector.broadcast %add3A_53 : i32 to vector<16xi32>
    %add3A_55 = arith.addi %mul3A_52, %add3A_54 : vector<16xi32>
    tpu.vector_store_idx %arg9[%add3A_55], %div3A_13 : memref<2048xf32, #tpu.memory_space<vmem>>[vector<16xi32>], vector<16xf32>,
    %mul3A_56 = arith.constant 16 : i32
    %mul3A_57 = vector.broadcast %mul3A_56 : i32 to vector<16xi32>
    %mul3A_58 = arith.muli %iota3A, %mul3A_57 : vector<16xi32>
    %add3A_59 = arith.constant 7 : i32
    %add3A_60 = vector.broadcast %add3A_59 : i32 to vector<16xi32>
    %add3A_61 = arith.addi %mul3A_58, %add3A_60 : vector<16xi32>
    tpu.vector_store_idx %arg9[%add3A_61], %div3A_13 : memref<2048xf32, #tpu.memory_space<vmem>>[vector<16xi32>], vector<16xf32>,
    %mul3A_62 = arith.constant 16 : i32
    %mul3A_63 = vector.broadcast %mul3A_62 : i32 to vector<16xi32>
    %mul3A_64 = arith.muli %iota3A, %mul3A_63 : vector<16xi32>
    %add3A_65 = arith.constant 8 : i32
    %add3A_66 = vector.broadcast %add3A_65 : i32 to vector<16xi32>
    %add3A_67 = arith.addi %mul3A_64, %add3A_66 : vector<16xi32>
    tpu.vector_store_idx %arg9[%add3A_67], %div3A_13 : memref<2048xf32, #tpu.memory_space<vmem>>[vector<16xi32>], vector<16xf32>,
    %mul3A_68 = arith.constant 16 : i32
    %mul3A_69 = vector.broadcast %mul3A_68 : i32 to vector<16xi32>
    %mul3A_70 = arith.muli %iota3A, %mul3A_69 : vector<16xi32>
    %add3A_71 = arith.constant 9 : i32
    %add3A_72 = vector.broadcast %add3A_71 : i32 to vector<16xi32>
    %add3A_73 = arith.addi %mul3A_70, %add3A_72 : vector<16xi32>
    tpu.vector_store_idx %arg9[%add3A_73], %div3A_13 : memref<2048xf32, #tpu.memory_space<vmem>>[vector<16xi32>], vector<16xf32>,
    %mul3A_74 = arith.constant 16 : i32
    %mul3A_75 = vector.broadcast %mul3A_74 : i32 to vector<16xi32>
    %mul3A_76 = arith.muli %iota3A, %mul3A_75 : vector<16xi32>
    %add3A_77 = arith.constant 10 : i32
    %add3A_78 = vector.broadcast %add3A_77 : i32 to vector<16xi32>
    %add3A_79 = arith.addi %mul3A_76, %add3A_78 : vector<16xi32>
    tpu.vector_store_idx %arg9[%add3A_79], %div3A_13 : memref<2048xf32, #tpu.memory_space<vmem>>[vector<16xi32>], vector<16xf32>,
    %mul3A_80 = arith.constant 16 : i32
    %mul3A_81 = vector.broadcast %mul3A_80 : i32 to vector<16xi32>
    %mul3A_82 = arith.muli %iota3A, %mul3A_81 : vector<16xi32>
    %add3A_83 = arith.constant 11 : i32
    %add3A_84 = vector.broadcast %add3A_83 : i32 to vector<16xi32>
    %add3A_85 = arith.addi %mul3A_82, %add3A_84 : vector<16xi32>
    tpu.vector_store_idx %arg9[%add3A_85], %div3A_13 : memref<2048xf32, #tpu.memory_space<vmem>>[vector<16xi32>], vector<16xf32>,
    %mul3A_86 = arith.constant 16 : i32
    %mul3A_87 = vector.broadcast %mul3A_86 : i32 to vector<16xi32>
    %mul3A_88 = arith.muli %iota3A, %mul3A_87 : vector<16xi32>
    %add3A_89 = arith.constant 12 : i32
    %add3A_90 = vector.broadcast %add3A_89 : i32 to vector<16xi32>
    %add3A_91 = arith.addi %mul3A_88, %add3A_90 : vector<16xi32>
    tpu.vector_store_idx %arg9[%add3A_91], %div3A_13 : memref<2048xf32, #tpu.memory_space<vmem>>[vector<16xi32>], vector<16xf32>,
    %mul3A_92 = arith.constant 16 : i32
    %mul3A_93 = vector.broadcast %mul3A_92 : i32 to vector<16xi32>
    %mul3A_94 = arith.muli %iota3A, %mul3A_93 : vector<16xi32>
    %add3A_95 = arith.constant 13 : i32
    %add3A_96 = vector.broadcast %add3A_95 : i32 to vector<16xi32>
    %add3A_97 = arith.addi %mul3A_94, %add3A_96 : vector<16xi32>
    tpu.vector_store_idx %arg9[%add3A_97], %div3A_13 : memref<2048xf32, #tpu.memory_space<vmem>>[vector<16xi32>], vector<16xf32>,
    %mul3A_98 = arith.constant 16 : i32
    %mul3A_99 = vector.broadcast %mul3A_98 : i32 to vector<16xi32>
    %mul3A_100 = arith.muli %iota3A, %mul3A_99 : vector<16xi32>
    %add3A_101 = arith.constant 14 : i32
    %add3A_102 = vector.broadcast %add3A_101 : i32 to vector<16xi32>
    %add3A_103 = arith.addi %mul3A_100, %add3A_102 : vector<16xi32>
    tpu.vector_store_idx %arg9[%add3A_103], %div3A_13 : memref<2048xf32, #tpu.memory_space<vmem>>[vector<16xi32>], vector<16xf32>,
    %mul3A_104 = arith.constant 16 : i32
    %mul3A_105 = vector.broadcast %mul3A_104 : i32 to vector<16xi32>
    %mul3A_106 = arith.muli %iota3A, %mul3A_105 : vector<16xi32>
    %add3A_107 = arith.constant 15 : i32
    %add3A_108 = vector.broadcast %add3A_107 : i32 to vector<16xi32>
    %add3A_109 = arith.addi %mul3A_106, %add3A_108 : vector<16xi32>
    tpu.vector_store_idx %arg9[%add3A_109], %div3A_13 : memref<2048xf32, #tpu.memory_space<vmem>>[vector<16xi32>], vector<16xf32>,
    %get3A_110 = arith.constant 16 : index
    %get3A_111 = tpu.vector_load %arg7[%get3A_110] {strides = array<i32>} : memref<128xf32, #tpu.memory_space<vmem>>, vector<16xf32>,
    %get3A_112 = arith.constant 16 : index
    %get3A_113 = tpu.vector_load %arg8[%get3A_112] {strides = array<i32>} : memref<128xf32, #tpu.memory_space<vmem>>, vector<16xf32>,
    %add3A_114 = arith.addf %get3A_111, %get3A_113 : vector<16xf32>
    %max3A_115 = arith.constant 1.000000e+00 : f32
    %max3A_116 = vector.broadcast %max3A_115 : f32 to vector<16xf32>
    %max3A_117 = arith.maximumf %add3A_114, %max3A_116 : vector<16xf32>
    %div3A_118 = arith.constant 1.000000e+00 : f32
    %div3A_119 = vector.broadcast %div3A_118 : f32 to vector<16xf32>
    %div3A_120 = arith.divf %div3A_119, %max3A_117 : vector<16xf32>
    %mul3A_121 = arith.constant 16 : i32
    %mul3A_122 = vector.broadcast %mul3A_121 : i32 to vector<16xi32>
    %mul3A_123 = arith.muli %iota3A, %mul3A_122 : vector<16xi32>
    %add3A_124 = arith.constant 256 : i32
    %add3A_125 = vector.broadcast %add3A_124 : i32 to vector<16xi32>
    %add3A_126 = arith.addi %mul3A_123, %add3A_125 : vector<16xi32>
    tpu.vector_store_idx %arg9[%add3A_126], %div3A_120 : memref<2048xf32, #tpu.memory_space<vmem>>[vector<16xi32>], vector<16xf32>,
    %mul3A_127 = arith.constant 16 : i32
    %mul3A_128 = vector.broadcast %mul3A_127 : i32 to vector<16xi32>
    %mul3A_129 = arith.muli %iota3A, %mul3A_128 : vector<16xi32>
    %add3A_130 = arith.constant 257 : i32
    %add3A_131 = vector.broadcast %add3A_130 : i32 to vector<16xi32>
    %add3A_132 = arith.addi %mul3A_129, %add3A_131 : vector<16xi32>
    tpu.vector_store_idx %arg9[%add3A_132], %div3A_120 : memref<2048xf32, #tpu.memory_space<vmem>>[vector<16xi32>], vector<16xf32>,
    %mul3A_133 = arith.constant 16 : i32
    %mul3A_134 = vector.broadcast %mul3A_133 : i32 to vector<16xi32>
    %mul3A_135 = arith.muli %iota3A, %mul3A_134 : vector<16xi32>
    %add3A_136 = arith.constant 258 : i32
    %add3A_137 = vector.broadcast %add3A_136 : i32 to vector<16xi32>
    %add3A_138 = arith.addi %mul3A_135, %add3A_137 : vector<16xi32>
    tpu.vector_store_idx %arg9[%add3A_138], %div3A_120 : memref<2048xf32, #tpu.memory_space<vmem>>[vector<16xi32>], vector<16xf32>,
    %mul3A_139 = arith.constant 16 : i32
    %mul3A_140 = vector.broadcast %mul3A_139 : i32 to vector<16xi32>
    %mul3A_141 = arith.muli %iota3A, %mul3A_140 : vector<16xi32>
    %add3A_142 = arith.constant 259 : i32
    %add3A_143 = vector.broadcast %add3A_142 : i32 to vector<16xi32>
    %add3A_144 = arith.addi %mul3A_141, %add3A_143 : vector<16xi32>
    tpu.vector_store_idx %arg9[%add3A_144], %div3A_120 : memref<2048xf32, #tpu.memory_space<vmem>>[vector<16xi32>], vector<16xf32>,
    %mul3A_145 = arith.constant 16 : i32
    %mul3A_146 = vector.broadcast %mul3A_145 : i32 to vector<16xi32>
    %mul3A_147 = arith.muli %iota3A, %mul3A_146 : vector<16xi32>
    %add3A_148 = arith.constant 260 : i32
    %add3A_149 = vector.broadcast %add3A_148 : i32 to vector<16xi32>
    %add3A_150 = arith.addi %mul3A_147, %add3A_149 : vector<16xi32>
    tpu.vector_store_idx %arg9[%add3A_150], %div3A_120 : memref<2048xf32, #tpu.memory_space<vmem>>[vector<16xi32>], vector<16xf32>,
    %mul3A_151 = arith.constant 16 : i32
    %mul3A_152 = vector.broadcast %mul3A_151 : i32 to vector<16xi32>
    %mul3A_153 = arith.muli %iota3A, %mul3A_152 : vector<16xi32>
    %add3A_154 = arith.constant 261 : i32
    %add3A_155 = vector.broadcast %add3A_154 : i32 to vector<16xi32>
    %add3A_156 = arith.addi %mul3A_153, %add3A_155 : vector<16xi32>
    tpu.vector_store_idx %arg9[%add3A_156], %div3A_120 : memref<2048xf32, #tpu.memory_space<vmem>>[vector<16xi32>], vector<16xf32>,
    %mul3A_157 = arith.constant 16 : i32
    %mul3A_158 = vector.broadcast %mul3A_157 : i32 to vector<16xi32>
    %mul3A_159 = arith.muli %iota3A, %mul3A_158 : vector<16xi32>
    %add3A_160 = arith.constant 262 : i32
    %add3A_161 = vector.broadcast %add3A_160 : i32 to vector<16xi32>
    %add3A_162 = arith.addi %mul3A_159, %add3A_161 : vector<16xi32>
    tpu.vector_store_idx %arg9[%add3A_162], %div3A_120 : memref<2048xf32, #tpu.memory_space<vmem>>[vector<16xi32>], vector<16xf32>,
    %mul3A_163 = arith.constant 16 : i32
    %mul3A_164 = vector.broadcast %mul3A_163 : i32 to vector<16xi32>
    %mul3A_165 = arith.muli %iota3A, %mul3A_164 : vector<16xi32>
    %add3A_166 = arith.constant 263 : i32
    %add3A_167 = vector.broadcast %add3A_166 : i32 to vector<16xi32>
    %add3A_168 = arith.addi %mul3A_165, %add3A_167 : vector<16xi32>
    tpu.vector_store_idx %arg9[%add3A_168], %div3A_120 : memref<2048xf32, #tpu.memory_space<vmem>>[vector<16xi32>], vector<16xf32>,
    %mul3A_169 = arith.constant 16 : i32
    %mul3A_170 = vector.broadcast %mul3A_169 : i32 to vector<16xi32>
    %mul3A_171 = arith.muli %iota3A, %mul3A_170 : vector<16xi32>
    %add3A_172 = arith.constant 264 : i32
    %add3A_173 = vector.broadcast %add3A_172 : i32 to vector<16xi32>
    %add3A_174 = arith.addi %mul3A_171, %add3A_173 : vector<16xi32>
    tpu.vector_store_idx %arg9[%add3A_174], %div3A_120 : memref<2048xf32, #tpu.memory_space<vmem>>[vector<16xi32>], vector<16xf32>,
    %mul3A_175 = arith.constant 16 : i32
    %mul3A_176 = vector.broadcast %mul3A_175 : i32 to vector<16xi32>
    %mul3A_177 = arith.muli %iota3A, %mul3A_176 : vector<16xi32>
    %add3A_178 = arith.constant 265 : i32
    %add3A_179 = vector.broadcast %add3A_178 : i32 to vector<16xi32>
    %add3A_180 = arith.addi %mul3A_177, %add3A_179 : vector<16xi32>
    tpu.vector_store_idx %arg9[%add3A_180], %div3A_120 : memref<2048xf32, #tpu.memory_space<vmem>>[vector<16xi32>], vector<16xf32>,
    %mul3A_181 = arith.constant 16 : i32
    %mul3A_182 = vector.broadcast %mul3A_181 : i32 to vector<16xi32>
    %mul3A_183 = arith.muli %iota3A, %mul3A_182 : vector<16xi32>
    %add3A_184 = arith.constant 266 : i32
    %add3A_185 = vector.broadcast %add3A_184 : i32 to vector<16xi32>
    %add3A_186 = arith.addi %mul3A_183, %add3A_185 : vector<16xi32>
    tpu.vector_store_idx %arg9[%add3A_186], %div3A_120 : memref<2048xf32, #tpu.memory_space<vmem>>[vector<16xi32>], vector<16xf32>,
    %mul3A_187 = arith.constant 16 : i32
    %mul3A_188 = vector.broadcast %mul3A_187 : i32 to vector<16xi32>
    %mul3A_189 = arith.muli %iota3A, %mul3A_188 : vector<16xi32>
    %add3A_190 = arith.constant 267 : i32
    %add3A_191 = vector.broadcast %add3A_190 : i32 to vector<16xi32>
    %add3A_192 = arith.addi %mul3A_189, %add3A_191 : vector<16xi32>
    tpu.vector_store_idx %arg9[%add3A_192], %div3A_120 : memref<2048xf32, #tpu.memory_space<vmem>>[vector<16xi32>], vector<16xf32>,
    %mul3A_193 = arith.constant 16 : i32
    %mul3A_194 = vector.broadcast %mul3A_193 : i32 to vector<16xi32>
    %mul3A_195 = arith.muli %iota3A, %mul3A_194 : vector<16xi32>
    %add3A_196 = arith.constant 268 : i32
    %add3A_197 = vector.broadcast %add3A_196 : i32 to vector<16xi32>
    %add3A_198 = arith.addi %mul3A_195, %add3A_197 : vector<16xi32>
    tpu.vector_store_idx %arg9[%add3A_198], %div3A_120 : memref<2048xf32, #tpu.memory_space<vmem>>[vector<16xi32>], vector<16xf32>,
    %mul3A_199 = arith.constant 16 : i32
    %mul3A_200 = vector.broadcast %mul3A_199 : i32 to vector<16xi32>
    %mul3A_201 = arith.muli %iota3A, %mul3A_200 : vector<16xi32>
    %add3A_202 = arith.constant 269 : i32
    %add3A_203 = vector.broadcast %add3A_202 : i32 to vector<16xi32>
    %add3A_204 = arith.addi %mul3A_201, %add3A_203 : vector<16xi32>
    tpu.vector_store_idx %arg9[%add3A_204], %div3A_120 : memref<2048xf32, #tpu.memory_space<vmem>>[vector<16xi32>], vector<16xf32>,
    %mul3A_205 = arith.constant 16 : i32
    %mul3A_206 = vector.broadcast %mul3A_205 : i32 to vector<16xi32>
    %mul3A_207 = arith.muli %iota3A, %mul3A_206 : vector<16xi32>
    %add3A_208 = arith.constant 270 : i32
    %add3A_209 = vector.broadcast %add3A_208 : i32 to vector<16xi32>
    %add3A_210 = arith.addi %mul3A_207, %add3A_209 : vector<16xi32>
    tpu.vector_store_idx %arg9[%add3A_210], %div3A_120 : memref<2048xf32, #tpu.memory_space<vmem>>[vector<16xi32>], vector<16xf32>,
    %mul3A_211 = arith.constant 16 : i32
    %mul3A_212 = vector.broadcast %mul3A_211 : i32 to vector<16xi32>
    %mul3A_213 = arith.muli %iota3A, %mul3A_212 : vector<16xi32>
    %add3A_214 = arith.constant 271 : i32
    %add3A_215 = vector.broadcast %add3A_214 : i32 to vector<16xi32>
    %add3A_216 = arith.addi %mul3A_213, %add3A_215 : vector<16xi32>
    tpu.vector_store_idx %arg9[%add3A_216], %div3A_120 : memref<2048xf32, #tpu.memory_space<vmem>>[vector<16xi32>], vector<16xf32>,
    %get3A_217 = arith.constant 32 : index
    %get3A_218 = tpu.vector_load %arg7[%get3A_217] {strides = array<i32>} : memref<128xf32, #tpu.memory_space<vmem>>, vector<16xf32>,
    %get3A_219 = arith.constant 32 : index
    %get3A_220 = tpu.vector_load %arg8[%get3A_219] {strides = array<i32>} : memref<128xf32, #tpu.memory_space<vmem>>, vector<16xf32>,
    %add3A_221 = arith.addf %get3A_218, %get3A_220 : vector<16xf32>
    %max3A_222 = arith.constant 1.000000e+00 : f32
    %max3A_223 = vector.broadcast %max3A_222 : f32 to vector<16xf32>
    %max3A_224 = arith.maximumf %add3A_221, %max3A_223 : vector<16xf32>
    %div3A_225 = arith.constant 1.000000e+00 : f32
    %div3A_226 = vector.broadcast %div3A_225 : f32 to vector<16xf32>
    %div3A_227 = arith.divf %div3A_226, %max3A_224 : vector<16xf32>
    %mul3A_228 = arith.constant 16 : i32
    %mul3A_229 = vector.broadcast %mul3A_228 : i32 to vector<16xi32>
    %mul3A_230 = arith.muli %iota3A, %mul3A_229 : vector<16xi32>
    %add3A_231 = arith.constant 512 : i32
    %add3A_232 = vector.broadcast %add3A_231 : i32 to vector<16xi32>
    %add3A_233 = arith.addi %mul3A_230, %add3A_232 : vector<16xi32>
    tpu.vector_store_idx %arg9[%add3A_233], %div3A_227 : memref<2048xf32, #tpu.memory_space<vmem>>[vector<16xi32>], vector<16xf32>,
    %mul3A_234 = arith.constant 16 : i32
    %mul3A_235 = vector.broadcast %mul3A_234 : i32 to vector<16xi32>
    %mul3A_236 = arith.muli %iota3A, %mul3A_235 : vector<16xi32>
    %add3A_237 = arith.constant 513 : i32
    %add3A_238 = vector.broadcast %add3A_237 : i32 to vector<16xi32>
    %add3A_239 = arith.addi %mul3A_236, %add3A_238 : vector<16xi32>
    tpu.vector_store_idx %arg9[%add3A_239], %div3A_227 : memref<2048xf32, #tpu.memory_space<vmem>>[vector<16xi32>], vector<16xf32>,
    %mul3A_240 = arith.constant 16 : i32
    %mul3A_241 = vector.broadcast %mul3A_240 : i32 to vector<16xi32>
    %mul3A_242 = arith.muli %iota3A, %mul3A_241 : vector<16xi32>
    %add3A_243 = arith.constant 514 : i32
    %add3A_244 = vector.broadcast %add3A_243 : i32 to vector<16xi32>
    %add3A_245 = arith.addi %mul3A_242, %add3A_244 : vector<16xi32>
    tpu.vector_store_idx %arg9[%add3A_245], %div3A_227 : memref<2048xf32, #tpu.memory_space<vmem>>[vector<16xi32>], vector<16xf32>,
    %mul3A_246 = arith.constant 16 : i32
    %mul3A_247 = vector.broadcast %mul3A_246 : i32 to vector<16xi32>
    %mul3A_248 = arith.muli %iota3A, %mul3A_247 : vector<16xi32>
    %add3A_249 = arith.constant 515 : i32
    %add3A_250 = vector.broadcast %add3A_249 : i32 to vector<16xi32>
    %add3A_251 = arith.addi %mul3A_248, %add3A_250 : vector<16xi32>
    tpu.vector_store_idx %arg9[%add3A_251], %div3A_227 : memref<2048xf32, #tpu.memory_space<vmem>>[vector<16xi32>], vector<16xf32>,
    %mul3A_252 = arith.constant 16 : i32
    %mul3A_253 = vector.broadcast %mul3A_252 : i32 to vector<16xi32>
    %mul3A_254 = arith.muli %iota3A, %mul3A_253 : vector<16xi32>
    %add3A_255 = arith.constant 516 : i32
    %add3A_256 = vector.broadcast %add3A_255 : i32 to vector<16xi32>
    %add3A_257 = arith.addi %mul3A_254, %add3A_256 : vector<16xi32>
    tpu.vector_store_idx %arg9[%add3A_257], %div3A_227 : memref<2048xf32, #tpu.memory_space<vmem>>[vector<16xi32>], vector<16xf32>,
    %mul3A_258 = arith.constant 16 : i32
    %mul3A_259 = vector.broadcast %mul3A_258 : i32 to vector<16xi32>
    %mul3A_260 = arith.muli %iota3A, %mul3A_259 : vector<16xi32>
    %add3A_261 = arith.constant 517 : i32
    %add3A_262 = vector.broadcast %add3A_261 : i32 to vector<16xi32>
    %add3A_263 = arith.addi %mul3A_260, %add3A_262 : vector<16xi32>
    tpu.vector_store_idx %arg9[%add3A_263], %div3A_227 : memref<2048xf32, #tpu.memory_space<vmem>>[vector<16xi32>], vector<16xf32>,
    %mul3A_264 = arith.constant 16 : i32
    %mul3A_265 = vector.broadcast %mul3A_264 : i32 to vector<16xi32>
    %mul3A_266 = arith.muli %iota3A, %mul3A_265 : vector<16xi32>
    %add3A_267 = arith.constant 518 : i32
    %add3A_268 = vector.broadcast %add3A_267 : i32 to vector<16xi32>
    %add3A_269 = arith.addi %mul3A_266, %add3A_268 : vector<16xi32>
    tpu.vector_store_idx %arg9[%add3A_269], %div3A_227 : memref<2048xf32, #tpu.memory_space<vmem>>[vector<16xi32>], vector<16xf32>,
    %mul3A_270 = arith.constant 16 : i32
    %mul3A_271 = vector.broadcast %mul3A_270 : i32 to vector<16xi32>
    %mul3A_272 = arith.muli %iota3A, %mul3A_271 : vector<16xi32>
    %add3A_273 = arith.constant 519 : i32
    %add3A_274 = vector.broadcast %add3A_273 : i32 to vector<16xi32>
    %add3A_275 = arith.addi %mul3A_272, %add3A_274 : vector<16xi32>
    tpu.vector_store_idx %arg9[%add3A_275], %div3A_227 : memref<2048xf32, #tpu.memory_space<vmem>>[vector<16xi32>], vector<16xf32>,
    %mul3A_276 = arith.constant 16 : i32
    %mul3A_277 = vector.broadcast %mul3A_276 : i32 to vector<16xi32>
    %mul3A_278 = arith.muli %iota3A, %mul3A_277 : vector<16xi32>
    %add3A_279 = arith.constant 520 : i32
    %add3A_280 = vector.broadcast %add3A_279 : i32 to vector<16xi32>
    %add3A_281 = arith.addi %mul3A_278, %add3A_280 : vector<16xi32>
    tpu.vector_store_idx %arg9[%add3A_281], %div3A_227 : memref<2048xf32, #tpu.memory_space<vmem>>[vector<16xi32>], vector<16xf32>,
    %mul3A_282 = arith.constant 16 : i32
    %mul3A_283 = vector.broadcast %mul3A_282 : i32 to vector<16xi32>
    %mul3A_284 = arith.muli %iota3A, %mul3A_283 : vector<16xi32>
    %add3A_285 = arith.constant 521 : i32
    %add3A_286 = vector.broadcast %add3A_285 : i32 to vector<16xi32>
    %add3A_287 = arith.addi %mul3A_284, %add3A_286 : vector<16xi32>
    tpu.vector_store_idx %arg9[%add3A_287], %div3A_227 : memref<2048xf32, #tpu.memory_space<vmem>>[vector<16xi32>], vector<16xf32>,
    %mul3A_288 = arith.constant 16 : i32
    %mul3A_289 = vector.broadcast %mul3A_288 : i32 to vector<16xi32>
    %mul3A_290 = arith.muli %iota3A, %mul3A_289 : vector<16xi32>
    %add3A_291 = arith.constant 522 : i32
    %add3A_292 = vector.broadcast %add3A_291 : i32 to vector<16xi32>
    %add3A_293 = arith.addi %mul3A_290, %add3A_292 : vector<16xi32>
    tpu.vector_store_idx %arg9[%add3A_293], %div3A_227 : memref<2048xf32, #tpu.memory_space<vmem>>[vector<16xi32>], vector<16xf32>,
    %mul3A_294 = arith.constant 16 : i32
    %mul3A_295 = vector.broadcast %mul3A_294 : i32 to vector<16xi32>
    %mul3A_296 = arith.muli %iota3A, %mul3A_295 : vector<16xi32>
    %add3A_297 = arith.constant 523 : i32
    %add3A_298 = vector.broadcast %add3A_297 : i32 to vector<16xi32>
    %add3A_299 = arith.addi %mul3A_296, %add3A_298 : vector<16xi32>
    tpu.vector_store_idx %arg9[%add3A_299], %div3A_227 : memref<2048xf32, #tpu.memory_space<vmem>>[vector<16xi32>], vector<16xf32>,
    %mul3A_300 = arith.constant 16 : i32
    %mul3A_301 = vector.broadcast %mul3A_300 : i32 to vector<16xi32>
    %mul3A_302 = arith.muli %iota3A, %mul3A_301 : vector<16xi32>
    %add3A_303 = arith.constant 524 : i32
    %add3A_304 = vector.broadcast %add3A_303 : i32 to vector<16xi32>
    %add3A_305 = arith.addi %mul3A_302, %add3A_304 : vector<16xi32>
    tpu.vector_store_idx %arg9[%add3A_305], %div3A_227 : memref<2048xf32, #tpu.memory_space<vmem>>[vector<16xi32>], vector<16xf32>,
    %mul3A_306 = arith.constant 16 : i32
    %mul3A_307 = vector.broadcast %mul3A_306 : i32 to vector<16xi32>
    %mul3A_308 = arith.muli %iota3A, %mul3A_307 : vector<16xi32>
    %add3A_309 = arith.constant 525 : i32
    %add3A_310 = vector.broadcast %add3A_309 : i32 to vector<16xi32>
    %add3A_311 = arith.addi %mul3A_308, %add3A_310 : vector<16xi32>
    tpu.vector_store_idx %arg9[%add3A_311], %div3A_227 : memref<2048xf32, #tpu.memory_space<vmem>>[vector<16xi32>], vector<16xf32>,
    %mul3A_312 = arith.constant 16 : i32
    %mul3A_313 = vector.broadcast %mul3A_312 : i32 to vector<16xi32>
    %mul3A_314 = arith.muli %iota3A, %mul3A_313 : vector<16xi32>
    %add3A_315 = arith.constant 526 : i32
    %add3A_316 = vector.broadcast %add3A_315 : i32 to vector<16xi32>
    %add3A_317 = arith.addi %mul3A_314, %add3A_316 : vector<16xi32>
    tpu.vector_store_idx %arg9[%add3A_317], %div3A_227 : memref<2048xf32, #tpu.memory_space<vmem>>[vector<16xi32>], vector<16xf32>,
    %mul3A_318 = arith.constant 16 : i32
    %mul3A_319 = vector.broadcast %mul3A_318 : i32 to vector<16xi32>
    %mul3A_320 = arith.muli %iota3A, %mul3A_319 : vector<16xi32>
    %add3A_321 = arith.constant 527 : i32
    %add3A_322 = vector.broadcast %add3A_321 : i32 to vector<16xi32>
    %add3A_323 = arith.addi %mul3A_320, %add3A_322 : vector<16xi32>
    tpu.vector_store_idx %arg9[%add3A_323], %div3A_227 : memref<2048xf32, #tpu.memory_space<vmem>>[vector<16xi32>], vector<16xf32>,
    %get3A_324 = arith.constant 48 : index
    %get3A_325 = tpu.vector_load %arg7[%get3A_324] {strides = array<i32>} : memref<128xf32, #tpu.memory_space<vmem>>, vector<16xf32>,
    %get3A_326 = arith.constant 48 : index
    %get3A_327 = tpu.vector_load %arg8[%get3A_326] {strides = array<i32>} : memref<128xf32, #tpu.memory_space<vmem>>, vector<16xf32>,
    %add3A_328 = arith.addf %get3A_325, %get3A_327 : vector<16xf32>
    %max3A_329 = arith.constant 1.000000e+00 : f32
    %max3A_330 = vector.broadcast %max3A_329 : f32 to vector<16xf32>
    %max3A_331 = arith.maximumf %add3A_328, %max3A_330 : vector<16xf32>
    %div3A_332 = arith.constant 1.000000e+00 : f32
    %div3A_333 = vector.broadcast %div3A_332 : f32 to vector<16xf32>
    %div3A_334 = arith.divf %div3A_333, %max3A_331 : vector<16xf32>
    %mul3A_335 = arith.constant 16 : i32
    %mul3A_336 = vector.broadcast %mul3A_335 : i32 to vector<16xi32>
    %mul3A_337 = arith.muli %iota3A, %mul3A_336 : vector<16xi32>
    %add3A_338 = arith.constant 768 : i32
    %add3A_339 = vector.broadcast %add3A_338 : i32 to vector<16xi32>
    %add3A_340 = arith.addi %mul3A_337, %add3A_339 : vector<16xi32>
    tpu.vector_store_idx %arg9[%add3A_340], %div3A_334 : memref<2048xf32, #tpu.memory_space<vmem>>[vector<16xi32>], vector<16xf32>,
    %mul3A_341 = arith.constant 16 : i32
    %mul3A_342 = vector.broadcast %mul3A_341 : i32 to vector<16xi32>
    %mul3A_343 = arith.muli %iota3A, %mul3A_342 : vector<16xi32>
    %add3A_344 = arith.constant 769 : i32
    %add3A_345 = vector.broadcast %add3A_344 : i32 to vector<16xi32>
    %add3A_346 = arith.addi %mul3A_343, %add3A_345 : vector<16xi32>
    tpu.vector_store_idx %arg9[%add3A_346], %div3A_334 : memref<2048xf32, #tpu.memory_space<vmem>>[vector<16xi32>], vector<16xf32>,
    %mul3A_347 = arith.constant 16 : i32
    %mul3A_348 = vector.broadcast %mul3A_347 : i32 to vector<16xi32>
    %mul3A_349 = arith.muli %iota3A, %mul3A_348 : vector<16xi32>
    %add3A_350 = arith.constant 770 : i32
    %add3A_351 = vector.broadcast %add3A_350 : i32 to vector<16xi32>
    %add3A_352 = arith.addi %mul3A_349, %add3A_351 : vector<16xi32>
    tpu.vector_store_idx %arg9[%add3A_352], %div3A_334 : memref<2048xf32, #tpu.memory_space<vmem>>[vector<16xi32>], vector<16xf32>,
    %mul3A_353 = arith.constant 16 : i32
    %mul3A_354 = vector.broadcast %mul3A_353 : i32 to vector<16xi32>
    %mul3A_355 = arith.muli %iota3A, %mul3A_354 : vector<16xi32>
    %add3A_356 = arith.constant 771 : i32
    %add3A_357 = vector.broadcast %add3A_356 : i32 to vector<16xi32>
    %add3A_358 = arith.addi %mul3A_355, %add3A_357 : vector<16xi32>
    tpu.vector_store_idx %arg9[%add3A_358], %div3A_334 : memref<2048xf32, #tpu.memory_space<vmem>>[vector<16xi32>], vector<16xf32>,
    %mul3A_359 = arith.constant 16 : i32
    %mul3A_360 = vector.broadcast %mul3A_359 : i32 to vector<16xi32>
    %mul3A_361 = arith.muli %iota3A, %mul3A_360 : vector<16xi32>
    %add3A_362 = arith.constant 772 : i32
    %add3A_363 = vector.broadcast %add3A_362 : i32 to vector<16xi32>
    %add3A_364 = arith.addi %mul3A_361, %add3A_363 : vector<16xi32>
    tpu.vector_store_idx %arg9[%add3A_364], %div3A_334 : memref<2048xf32, #tpu.memory_space<vmem>>[vector<16xi32>], vector<16xf32>,
    %mul3A_365 = arith.constant 16 : i32
    %mul3A_366 = vector.broadcast %mul3A_365 : i32 to vector<16xi32>
    %mul3A_367 = arith.muli %iota3A, %mul3A_366 : vector<16xi32>
    %add3A_368 = arith.constant 773 : i32
    %add3A_369 = vector.broadcast %add3A_368 : i32 to vector<16xi32>
    %add3A_370 = arith.addi %mul3A_367, %add3A_369 : vector<16xi32>
    tpu.vector_store_idx %arg9[%add3A_370], %div3A_334 : memref<2048xf32, #tpu.memory_space<vmem>>[vector<16xi32>], vector<16xf32>,
    %mul3A_371 = arith.constant 16 : i32
    %mul3A_372 = vector.broadcast %mul3A_371 : i32 to vector<16xi32>
    %mul3A_373 = arith.muli %iota3A, %mul3A_372 : vector<16xi32>
    %add3A_374 = arith.constant 774 : i32
    %add3A_375 = vector.broadcast %add3A_374 : i32 to vector<16xi32>
    %add3A_376 = arith.addi %mul3A_373, %add3A_375 : vector<16xi32>
    tpu.vector_store_idx %arg9[%add3A_376], %div3A_334 : memref<2048xf32, #tpu.memory_space<vmem>>[vector<16xi32>], vector<16xf32>,
    %mul3A_377 = arith.constant 16 : i32
    %mul3A_378 = vector.broadcast %mul3A_377 : i32 to vector<16xi32>
    %mul3A_379 = arith.muli %iota3A, %mul3A_378 : vector<16xi32>
    %add3A_380 = arith.constant 775 : i32
    %add3A_381 = vector.broadcast %add3A_380 : i32 to vector<16xi32>
    %add3A_382 = arith.addi %mul3A_379, %add3A_381 : vector<16xi32>
    tpu.vector_store_idx %arg9[%add3A_382], %div3A_334 : memref<2048xf32, #tpu.memory_space<vmem>>[vector<16xi32>], vector<16xf32>,
    %mul3A_383 = arith.constant 16 : i32
    %mul3A_384 = vector.broadcast %mul3A_383 : i32 to vector<16xi32>
    %mul3A_385 = arith.muli %iota3A, %mul3A_384 : vector<16xi32>
    %add3A_386 = arith.constant 776 : i32
    %add3A_387 = vector.broadcast %add3A_386 : i32 to vector<16xi32>
    %add3A_388 = arith.addi %mul3A_385, %add3A_387 : vector<16xi32>
    tpu.vector_store_idx %arg9[%add3A_388], %div3A_334 : memref<2048xf32, #tpu.memory_space<vmem>>[vector<16xi32>], vector<16xf32>,
    %mul3A_389 = arith.constant 16 : i32
    %mul3A_390 = vector.broadcast %mul3A_389 : i32 to vector<16xi32>
    %mul3A_391 = arith.muli %iota3A, %mul3A_390 : vector<16xi32>
    %add3A_392 = arith.constant 777 : i32
    %add3A_393 = vector.broadcast %add3A_392 : i32 to vector<16xi32>
    %add3A_394 = arith.addi %mul3A_391, %add3A_393 : vector<16xi32>
    tpu.vector_store_idx %arg9[%add3A_394], %div3A_334 : memref<2048xf32, #tpu.memory_space<vmem>>[vector<16xi32>], vector<16xf32>,
    %mul3A_395 = arith.constant 16 : i32
    %mul3A_396 = vector.broadcast %mul3A_395 : i32 to vector<16xi32>
    %mul3A_397 = arith.muli %iota3A, %mul3A_396 : vector<16xi32>
    %add3A_398 = arith.constant 778 : i32
    %add3A_399 = vector.broadcast %add3A_398 : i32 to vector<16xi32>
    %add3A_400 = arith.addi %mul3A_397, %add3A_399 : vector<16xi32>
    tpu.vector_store_idx %arg9[%add3A_400], %div3A_334 : memref<2048xf32, #tpu.memory_space<vmem>>[vector<16xi32>], vector<16xf32>,
    %mul3A_401 = arith.constant 16 : i32
    %mul3A_402 = vector.broadcast %mul3A_401 : i32 to vector<16xi32>
    %mul3A_403 = arith.muli %iota3A, %mul3A_402 : vector<16xi32>
    %add3A_404 = arith.constant 779 : i32
    %add3A_405 = vector.broadcast %add3A_404 : i32 to vector<16xi32>
    %add3A_406 = arith.addi %mul3A_403, %add3A_405 : vector<16xi32>
    tpu.vector_store_idx %arg9[%add3A_406], %div3A_334 : memref<2048xf32, #tpu.memory_space<vmem>>[vector<16xi32>], vector<16xf32>,
    %mul3A_407 = arith.constant 16 : i32
    %mul3A_408 = vector.broadcast %mul3A_407 : i32 to vector<16xi32>
    %mul3A_409 = arith.muli %iota3A, %mul3A_408 : vector<16xi32>
    %add3A_410 = arith.constant 780 : i32
    %add3A_411 = vector.broadcast %add3A_410 : i32 to vector<16xi32>
    %add3A_412 = arith.addi %mul3A_409, %add3A_411 : vector<16xi32>
    tpu.vector_store_idx %arg9[%add3A_412], %div3A_334 : memref<2048xf32, #tpu.memory_space<vmem>>[vector<16xi32>], vector<16xf32>,
    %mul3A_413 = arith.constant 16 : i32
    %mul3A_414 = vector.broadcast %mul3A_413 : i32 to vector<16xi32>
    %mul3A_415 = arith.muli %iota3A, %mul3A_414 : vector<16xi32>
    %add3A_416 = arith.constant 781 : i32
    %add3A_417 = vector.broadcast %add3A_416 : i32 to vector<16xi32>
    %add3A_418 = arith.addi %mul3A_415, %add3A_417 : vector<16xi32>
    tpu.vector_store_idx %arg9[%add3A_418], %div3A_334 : memref<2048xf32, #tpu.memory_space<vmem>>[vector<16xi32>], vector<16xf32>,
    %mul3A_419 = arith.constant 16 : i32
    %mul3A_420 = vector.broadcast %mul3A_419 : i32 to vector<16xi32>
    %mul3A_421 = arith.muli %iota3A, %mul3A_420 : vector<16xi32>
    %add3A_422 = arith.constant 782 : i32
    %add3A_423 = vector.broadcast %add3A_422 : i32 to vector<16xi32>
    %add3A_424 = arith.addi %mul3A_421, %add3A_423 : vector<16xi32>
    tpu.vector_store_idx %arg9[%add3A_424], %div3A_334 : memref<2048xf32, #tpu.memory_space<vmem>>[vector<16xi32>], vector<16xf32>,
    %mul3A_425 = arith.constant 16 : i32
    %mul3A_426 = vector.broadcast %mul3A_425 : i32 to vector<16xi32>
    %mul3A_427 = arith.muli %iota3A, %mul3A_426 : vector<16xi32>
    %add3A_428 = arith.constant 783 : i32
    %add3A_429 = vector.broadcast %add3A_428 : i32 to vector<16xi32>
    %add3A_430 = arith.addi %mul3A_427, %add3A_429 : vector<16xi32>
    tpu.vector_store_idx %arg9[%add3A_430], %div3A_334 : memref<2048xf32, #tpu.memory_space<vmem>>[vector<16xi32>], vector<16xf32>,
    %get3A_431 = arith.constant 64 : index
    %get3A_432 = tpu.vector_load %arg7[%get3A_431] {strides = array<i32>} : memref<128xf32, #tpu.memory_space<vmem>>, vector<16xf32>,
    %get3A_433 = arith.constant 64 : index
    %get3A_434 = tpu.vector_load %arg8[%get3A_433] {strides = array<i32>} : memref<128xf32, #tpu.memory_space<vmem>>, vector<16xf32>,
    %add3A_435 = arith.addf %get3A_432, %get3A_434 : vector<16xf32>
    %max3A_436 = arith.constant 1.000000e+00 : f32
    %max3A_437 = vector.broadcast %max3A_436 : f32 to vector<16xf32>
    %max3A_438 = arith.maximumf %add3A_435, %max3A_437 : vector<16xf32>
    %div3A_439 = arith.constant 1.000000e+00 : f32
    %div3A_440 = vector.broadcast %div3A_439 : f32 to vector<16xf32>
    %div3A_441 = arith.divf %div3A_440, %max3A_438 : vector<16xf32>
    %mul3A_442 = arith.constant 16 : i32
    %mul3A_443 = vector.broadcast %mul3A_442 : i32 to vector<16xi32>
    %mul3A_444 = arith.muli %iota3A, %mul3A_443 : vector<16xi32>
    %add3A_445 = arith.constant 1024 : i32
    %add3A_446 = vector.broadcast %add3A_445 : i32 to vector<16xi32>
    %add3A_447 = arith.addi %mul3A_444, %add3A_446 : vector<16xi32>
    tpu.vector_store_idx %arg9[%add3A_447], %div3A_441 : memref<2048xf32, #tpu.memory_space<vmem>>[vector<16xi32>], vector<16xf32>,
    %mul3A_448 = arith.constant 16 : i32
    %mul3A_449 = vector.broadcast %mul3A_448 : i32 to vector<16xi32>
    %mul3A_450 = arith.muli %iota3A, %mul3A_449 : vector<16xi32>
    %add3A_451 = arith.constant 1025 : i32
    %add3A_452 = vector.broadcast %add3A_451 : i32 to vector<16xi32>
    %add3A_453 = arith.addi %mul3A_450, %add3A_452 : vector<16xi32>
    tpu.vector_store_idx %arg9[%add3A_453], %div3A_441 : memref<2048xf32, #tpu.memory_space<vmem>>[vector<16xi32>], vector<16xf32>,
    %mul3A_454 = arith.constant 16 : i32
    %mul3A_455 = vector.broadcast %mul3A_454 : i32 to vector<16xi32>
    %mul3A_456 = arith.muli %iota3A, %mul3A_455 : vector<16xi32>
    %add3A_457 = arith.constant 1026 : i32
    %add3A_458 = vector.broadcast %add3A_457 : i32 to vector<16xi32>
    %add3A_459 = arith.addi %mul3A_456, %add3A_458 : vector<16xi32>
    tpu.vector_store_idx %arg9[%add3A_459], %div3A_441 : memref<2048xf32, #tpu.memory_space<vmem>>[vector<16xi32>], vector<16xf32>,
    %mul3A_460 = arith.constant 16 : i32
    %mul3A_461 = vector.broadcast %mul3A_460 : i32 to vector<16xi32>
    %mul3A_462 = arith.muli %iota3A, %mul3A_461 : vector<16xi32>
    %add3A_463 = arith.constant 1027 : i32
    %add3A_464 = vector.broadcast %add3A_463 : i32 to vector<16xi32>
    %add3A_465 = arith.addi %mul3A_462, %add3A_464 : vector<16xi32>
    tpu.vector_store_idx %arg9[%add3A_465], %div3A_441 : memref<2048xf32, #tpu.memory_space<vmem>>[vector<16xi32>], vector<16xf32>,
    %mul3A_466 = arith.constant 16 : i32
    %mul3A_467 = vector.broadcast %mul3A_466 : i32 to vector<16xi32>
    %mul3A_468 = arith.muli %iota3A, %mul3A_467 : vector<16xi32>
    %add3A_469 = arith.constant 1028 : i32
    %add3A_470 = vector.broadcast %add3A_469 : i32 to vector<16xi32>
    %add3A_471 = arith.addi %mul3A_468, %add3A_470 : vector<16xi32>
    tpu.vector_store_idx %arg9[%add3A_471], %div3A_441 : memref<2048xf32, #tpu.memory_space<vmem>>[vector<16xi32>], vector<16xf32>,
    %mul3A_472 = arith.constant 16 : i32
    %mul3A_473 = vector.broadcast %mul3A_472 : i32 to vector<16xi32>
    %mul3A_474 = arith.muli %iota3A, %mul3A_473 : vector<16xi32>
    %add3A_475 = arith.constant 1029 : i32
    %add3A_476 = vector.broadcast %add3A_475 : i32 to vector<16xi32>
    %add3A_477 = arith.addi %mul3A_474, %add3A_476 : vector<16xi32>
    tpu.vector_store_idx %arg9[%add3A_477], %div3A_441 : memref<2048xf32, #tpu.memory_space<vmem>>[vector<16xi32>], vector<16xf32>,
    %mul3A_478 = arith.constant 16 : i32
    %mul3A_479 = vector.broadcast %mul3A_478 : i32 to vector<16xi32>
    %mul3A_480 = arith.muli %iota3A, %mul3A_479 : vector<16xi32>
    %add3A_481 = arith.constant 1030 : i32
    %add3A_482 = vector.broadcast %add3A_481 : i32 to vector<16xi32>
    %add3A_483 = arith.addi %mul3A_480, %add3A_482 : vector<16xi32>
    tpu.vector_store_idx %arg9[%add3A_483], %div3A_441 : memref<2048xf32, #tpu.memory_space<vmem>>[vector<16xi32>], vector<16xf32>,
    %mul3A_484 = arith.constant 16 : i32
    %mul3A_485 = vector.broadcast %mul3A_484 : i32 to vector<16xi32>
    %mul3A_486 = arith.muli %iota3A, %mul3A_485 : vector<16xi32>
    %add3A_487 = arith.constant 1031 : i32
    %add3A_488 = vector.broadcast %add3A_487 : i32 to vector<16xi32>
    %add3A_489 = arith.addi %mul3A_486, %add3A_488 : vector<16xi32>
    tpu.vector_store_idx %arg9[%add3A_489], %div3A_441 : memref<2048xf32, #tpu.memory_space<vmem>>[vector<16xi32>], vector<16xf32>,
    %mul3A_490 = arith.constant 16 : i32
    %mul3A_491 = vector.broadcast %mul3A_490 : i32 to vector<16xi32>
    %mul3A_492 = arith.muli %iota3A, %mul3A_491 : vector<16xi32>
    %add3A_493 = arith.constant 1032 : i32
    %add3A_494 = vector.broadcast %add3A_493 : i32 to vector<16xi32>
    %add3A_495 = arith.addi %mul3A_492, %add3A_494 : vector<16xi32>
    tpu.vector_store_idx %arg9[%add3A_495], %div3A_441 : memref<2048xf32, #tpu.memory_space<vmem>>[vector<16xi32>], vector<16xf32>,
    %mul3A_496 = arith.constant 16 : i32
    %mul3A_497 = vector.broadcast %mul3A_496 : i32 to vector<16xi32>
    %mul3A_498 = arith.muli %iota3A, %mul3A_497 : vector<16xi32>
    %add3A_499 = arith.constant 1033 : i32
    %add3A_500 = vector.broadcast %add3A_499 : i32 to vector<16xi32>
    %add3A_501 = arith.addi %mul3A_498, %add3A_500 : vector<16xi32>
    tpu.vector_store_idx %arg9[%add3A_501], %div3A_441 : memref<2048xf32, #tpu.memory_space<vmem>>[vector<16xi32>], vector<16xf32>,
    %mul3A_502 = arith.constant 16 : i32
    %mul3A_503 = vector.broadcast %mul3A_502 : i32 to vector<16xi32>
    %mul3A_504 = arith.muli %iota3A, %mul3A_503 : vector<16xi32>
    %add3A_505 = arith.constant 1034 : i32
    %add3A_506 = vector.broadcast %add3A_505 : i32 to vector<16xi32>
    %add3A_507 = arith.addi %mul3A_504, %add3A_506 : vector<16xi32>
    tpu.vector_store_idx %arg9[%add3A_507], %div3A_441 : memref<2048xf32, #tpu.memory_space<vmem>>[vector<16xi32>], vector<16xf32>,
    %mul3A_508 = arith.constant 16 : i32
    %mul3A_509 = vector.broadcast %mul3A_508 : i32 to vector<16xi32>
    %mul3A_510 = arith.muli %iota3A, %mul3A_509 : vector<16xi32>
    %add3A_511 = arith.constant 1035 : i32
    %add3A_512 = vector.broadcast %add3A_511 : i32 to vector<16xi32>
    %add3A_513 = arith.addi %mul3A_510, %add3A_512 : vector<16xi32>
    tpu.vector_store_idx %arg9[%add3A_513], %div3A_441 : memref<2048xf32, #tpu.memory_space<vmem>>[vector<16xi32>], vector<16xf32>,
    %mul3A_514 = arith.constant 16 : i32
    %mul3A_515 = vector.broadcast %mul3A_514 : i32 to vector<16xi32>
    %mul3A_516 = arith.muli %iota3A, %mul3A_515 : vector<16xi32>
    %add3A_517 = arith.constant 1036 : i32
    %add3A_518 = vector.broadcast %add3A_517 : i32 to vector<16xi32>
    %add3A_519 = arith.addi %mul3A_516, %add3A_518 : vector<16xi32>
    tpu.vector_store_idx %arg9[%add3A_519], %div3A_441 : memref<2048xf32, #tpu.memory_space<vmem>>[vector<16xi32>], vector<16xf32>,
    %mul3A_520 = arith.constant 16 : i32
    %mul3A_521 = vector.broadcast %mul3A_520 : i32 to vector<16xi32>
    %mul3A_522 = arith.muli %iota3A, %mul3A_521 : vector<16xi32>
    %add3A_523 = arith.constant 1037 : i32
    %add3A_524 = vector.broadcast %add3A_523 : i32 to vector<16xi32>
    %add3A_525 = arith.addi %mul3A_522, %add3A_524 : vector<16xi32>
    tpu.vector_store_idx %arg9[%add3A_525], %div3A_441 : memref<2048xf32, #tpu.memory_space<vmem>>[vector<16xi32>], vector<16xf32>,
    %mul3A_526 = arith.constant 16 : i32
    %mul3A_527 = vector.broadcast %mul3A_526 : i32 to vector<16xi32>
    %mul3A_528 = arith.muli %iota3A, %mul3A_527 : vector<16xi32>
    %add3A_529 = arith.constant 1038 : i32
    %add3A_530 = vector.broadcast %add3A_529 : i32 to vector<16xi32>
    %add3A_531 = arith.addi %mul3A_528, %add3A_530 : vector<16xi32>
    tpu.vector_store_idx %arg9[%add3A_531], %div3A_441 : memref<2048xf32, #tpu.memory_space<vmem>>[vector<16xi32>], vector<16xf32>,
    %mul3A_532 = arith.constant 16 : i32
    %mul3A_533 = vector.broadcast %mul3A_532 : i32 to vector<16xi32>
    %mul3A_534 = arith.muli %iota3A, %mul3A_533 : vector<16xi32>
    %add3A_535 = arith.constant 1039 : i32
    %add3A_536 = vector.broadcast %add3A_535 : i32 to vector<16xi32>
    %add3A_537 = arith.addi %mul3A_534, %add3A_536 : vector<16xi32>
    tpu.vector_store_idx %arg9[%add3A_537], %div3A_441 : memref<2048xf32, #tpu.memory_space<vmem>>[vector<16xi32>], vector<16xf32>,
    %get3A_538 = arith.constant 80 : index
    %get3A_539 = tpu.vector_load %arg7[%get3A_538] {strides = array<i32>} : memref<128xf32, #tpu.memory_space<vmem>>, vector<16xf32>,
    %get3A_540 = arith.constant 80 : index
    %get3A_541 = tpu.vector_load %arg8[%get3A_540] {strides = array<i32>} : memref<128xf32, #tpu.memory_space<vmem>>, vector<16xf32>,
    %add3A_542 = arith.addf %get3A_539, %get3A_541 : vector<16xf32>
    %max3A_543 = arith.constant 1.000000e+00 : f32
    %max3A_544 = vector.broadcast %max3A_543 : f32 to vector<16xf32>
    %max3A_545 = arith.maximumf %add3A_542, %max3A_544 : vector<16xf32>
    %div3A_546 = arith.constant 1.000000e+00 : f32
    %div3A_547 = vector.broadcast %div3A_546 : f32 to vector<16xf32>
    %div3A_548 = arith.divf %div3A_547, %max3A_545 : vector<16xf32>
    %mul3A_549 = arith.constant 16 : i32
    %mul3A_550 = vector.broadcast %mul3A_549 : i32 to vector<16xi32>
    %mul3A_551 = arith.muli %iota3A, %mul3A_550 : vector<16xi32>
    %add3A_552 = arith.constant 1280 : i32
    %add3A_553 = vector.broadcast %add3A_552 : i32 to vector<16xi32>
    %add3A_554 = arith.addi %mul3A_551, %add3A_553 : vector<16xi32>
    tpu.vector_store_idx %arg9[%add3A_554], %div3A_548 : memref<2048xf32, #tpu.memory_space<vmem>>[vector<16xi32>], vector<16xf32>,
    %mul3A_555 = arith.constant 16 : i32
    %mul3A_556 = vector.broadcast %mul3A_555 : i32 to vector<16xi32>
    %mul3A_557 = arith.muli %iota3A, %mul3A_556 : vector<16xi32>
    %add3A_558 = arith.constant 1281 : i32
    %add3A_559 = vector.broadcast %add3A_558 : i32 to vector<16xi32>
    %add3A_560 = arith.addi %mul3A_557, %add3A_559 : vector<16xi32>
    tpu.vector_store_idx %arg9[%add3A_560], %div3A_548 : memref<2048xf32, #tpu.memory_space<vmem>>[vector<16xi32>], vector<16xf32>,
    %mul3A_561 = arith.constant 16 : i32
    %mul3A_562 = vector.broadcast %mul3A_561 : i32 to vector<16xi32>
    %mul3A_563 = arith.muli %iota3A, %mul3A_562 : vector<16xi32>
    %add3A_564 = arith.constant 1282 : i32
    %add3A_565 = vector.broadcast %add3A_564 : i32 to vector<16xi32>
    %add3A_566 = arith.addi %mul3A_563, %add3A_565 : vector<16xi32>
    tpu.vector_store_idx %arg9[%add3A_566], %div3A_548 : memref<2048xf32, #tpu.memory_space<vmem>>[vector<16xi32>], vector<16xf32>,
    %mul3A_567 = arith.constant 16 : i32
    %mul3A_568 = vector.broadcast %mul3A_567 : i32 to vector<16xi32>
    %mul3A_569 = arith.muli %iota3A, %mul3A_568 : vector<16xi32>
    %add3A_570 = arith.constant 1283 : i32
    %add3A_571 = vector.broadcast %add3A_570 : i32 to vector<16xi32>
    %add3A_572 = arith.addi %mul3A_569, %add3A_571 : vector<16xi32>
    tpu.vector_store_idx %arg9[%add3A_572], %div3A_548 : memref<2048xf32, #tpu.memory_space<vmem>>[vector<16xi32>], vector<16xf32>,
    %mul3A_573 = arith.constant 16 : i32
    %mul3A_574 = vector.broadcast %mul3A_573 : i32 to vector<16xi32>
    %mul3A_575 = arith.muli %iota3A, %mul3A_574 : vector<16xi32>
    %add3A_576 = arith.constant 1284 : i32
    %add3A_577 = vector.broadcast %add3A_576 : i32 to vector<16xi32>
    %add3A_578 = arith.addi %mul3A_575, %add3A_577 : vector<16xi32>
    tpu.vector_store_idx %arg9[%add3A_578], %div3A_548 : memref<2048xf32, #tpu.memory_space<vmem>>[vector<16xi32>], vector<16xf32>,
    %mul3A_579 = arith.constant 16 : i32
    %mul3A_580 = vector.broadcast %mul3A_579 : i32 to vector<16xi32>
    %mul3A_581 = arith.muli %iota3A, %mul3A_580 : vector<16xi32>
    %add3A_582 = arith.constant 1285 : i32
    %add3A_583 = vector.broadcast %add3A_582 : i32 to vector<16xi32>
    %add3A_584 = arith.addi %mul3A_581, %add3A_583 : vector<16xi32>
    tpu.vector_store_idx %arg9[%add3A_584], %div3A_548 : memref<2048xf32, #tpu.memory_space<vmem>>[vector<16xi32>], vector<16xf32>,
    %mul3A_585 = arith.constant 16 : i32
    %mul3A_586 = vector.broadcast %mul3A_585 : i32 to vector<16xi32>
    %mul3A_587 = arith.muli %iota3A, %mul3A_586 : vector<16xi32>
    %add3A_588 = arith.constant 1286 : i32
    %add3A_589 = vector.broadcast %add3A_588 : i32 to vector<16xi32>
    %add3A_590 = arith.addi %mul3A_587, %add3A_589 : vector<16xi32>
    tpu.vector_store_idx %arg9[%add3A_590], %div3A_548 : memref<2048xf32, #tpu.memory_space<vmem>>[vector<16xi32>], vector<16xf32>,
    %mul3A_591 = arith.constant 16 : i32
    %mul3A_592 = vector.broadcast %mul3A_591 : i32 to vector<16xi32>
    %mul3A_593 = arith.muli %iota3A, %mul3A_592 : vector<16xi32>
    %add3A_594 = arith.constant 1287 : i32
    %add3A_595 = vector.broadcast %add3A_594 : i32 to vector<16xi32>
    %add3A_596 = arith.addi %mul3A_593, %add3A_595 : vector<16xi32>
    tpu.vector_store_idx %arg9[%add3A_596], %div3A_548 : memref<2048xf32, #tpu.memory_space<vmem>>[vector<16xi32>], vector<16xf32>,
    %mul3A_597 = arith.constant 16 : i32
    %mul3A_598 = vector.broadcast %mul3A_597 : i32 to vector<16xi32>
    %mul3A_599 = arith.muli %iota3A, %mul3A_598 : vector<16xi32>
    %add3A_600 = arith.constant 1288 : i32
    %add3A_601 = vector.broadcast %add3A_600 : i32 to vector<16xi32>
    %add3A_602 = arith.addi %mul3A_599, %add3A_601 : vector<16xi32>
    tpu.vector_store_idx %arg9[%add3A_602], %div3A_548 : memref<2048xf32, #tpu.memory_space<vmem>>[vector<16xi32>], vector<16xf32>,
    %mul3A_603 = arith.constant 16 : i32
    %mul3A_604 = vector.broadcast %mul3A_603 : i32 to vector<16xi32>
    %mul3A_605 = arith.muli %iota3A, %mul3A_604 : vector<16xi32>
    %add3A_606 = arith.constant 1289 : i32
    %add3A_607 = vector.broadcast %add3A_606 : i32 to vector<16xi32>
    %add3A_608 = arith.addi %mul3A_605, %add3A_607 : vector<16xi32>
    tpu.vector_store_idx %arg9[%add3A_608], %div3A_548 : memref<2048xf32, #tpu.memory_space<vmem>>[vector<16xi32>], vector<16xf32>,
    %mul3A_609 = arith.constant 16 : i32
    %mul3A_610 = vector.broadcast %mul3A_609 : i32 to vector<16xi32>
    %mul3A_611 = arith.muli %iota3A, %mul3A_610 : vector<16xi32>
    %add3A_612 = arith.constant 1290 : i32
    %add3A_613 = vector.broadcast %add3A_612 : i32 to vector<16xi32>
    %add3A_614 = arith.addi %mul3A_611, %add3A_613 : vector<16xi32>
    tpu.vector_store_idx %arg9[%add3A_614], %div3A_548 : memref<2048xf32, #tpu.memory_space<vmem>>[vector<16xi32>], vector<16xf32>,
    %mul3A_615 = arith.constant 16 : i32
    %mul3A_616 = vector.broadcast %mul3A_615 : i32 to vector<16xi32>
    %mul3A_617 = arith.muli %iota3A, %mul3A_616 : vector<16xi32>
    %add3A_618 = arith.constant 1291 : i32
    %add3A_619 = vector.broadcast %add3A_618 : i32 to vector<16xi32>
    %add3A_620 = arith.addi %mul3A_617, %add3A_619 : vector<16xi32>
    tpu.vector_store_idx %arg9[%add3A_620], %div3A_548 : memref<2048xf32, #tpu.memory_space<vmem>>[vector<16xi32>], vector<16xf32>,
    %mul3A_621 = arith.constant 16 : i32
    %mul3A_622 = vector.broadcast %mul3A_621 : i32 to vector<16xi32>
    %mul3A_623 = arith.muli %iota3A, %mul3A_622 : vector<16xi32>
    %add3A_624 = arith.constant 1292 : i32
    %add3A_625 = vector.broadcast %add3A_624 : i32 to vector<16xi32>
    %add3A_626 = arith.addi %mul3A_623, %add3A_625 : vector<16xi32>
    tpu.vector_store_idx %arg9[%add3A_626], %div3A_548 : memref<2048xf32, #tpu.memory_space<vmem>>[vector<16xi32>], vector<16xf32>,
    %mul3A_627 = arith.constant 16 : i32
    %mul3A_628 = vector.broadcast %mul3A_627 : i32 to vector<16xi32>
    %mul3A_629 = arith.muli %iota3A, %mul3A_628 : vector<16xi32>
    %add3A_630 = arith.constant 1293 : i32
    %add3A_631 = vector.broadcast %add3A_630 : i32 to vector<16xi32>
    %add3A_632 = arith.addi %mul3A_629, %add3A_631 : vector<16xi32>
    tpu.vector_store_idx %arg9[%add3A_632], %div3A_548 : memref<2048xf32, #tpu.memory_space<vmem>>[vector<16xi32>], vector<16xf32>,
    %mul3A_633 = arith.constant 16 : i32
    %mul3A_634 = vector.broadcast %mul3A_633 : i32 to vector<16xi32>
    %mul3A_635 = arith.muli %iota3A, %mul3A_634 : vector<16xi32>
    %add3A_636 = arith.constant 1294 : i32
    %add3A_637 = vector.broadcast %add3A_636 : i32 to vector<16xi32>
    %add3A_638 = arith.addi %mul3A_635, %add3A_637 : vector<16xi32>
    tpu.vector_store_idx %arg9[%add3A_638], %div3A_548 : memref<2048xf32, #tpu.memory_space<vmem>>[vector<16xi32>], vector<16xf32>,
    %mul3A_639 = arith.constant 16 : i32
    %mul3A_640 = vector.broadcast %mul3A_639 : i32 to vector<16xi32>
    %mul3A_641 = arith.muli %iota3A, %mul3A_640 : vector<16xi32>
    %add3A_642 = arith.constant 1295 : i32
    %add3A_643 = vector.broadcast %add3A_642 : i32 to vector<16xi32>
    %add3A_644 = arith.addi %mul3A_641, %add3A_643 : vector<16xi32>
    tpu.vector_store_idx %arg9[%add3A_644], %div3A_548 : memref<2048xf32, #tpu.memory_space<vmem>>[vector<16xi32>], vector<16xf32>,
    %get3A_645 = arith.constant 96 : index
    %get3A_646 = tpu.vector_load %arg7[%get3A_645] {strides = array<i32>} : memref<128xf32, #tpu.memory_space<vmem>>, vector<16xf32>,
    %get3A_647 = arith.constant 96 : index
    %get3A_648 = tpu.vector_load %arg8[%get3A_647] {strides = array<i32>} : memref<128xf32, #tpu.memory_space<vmem>>, vector<16xf32>,
    %add3A_649 = arith.addf %get3A_646, %get3A_648 : vector<16xf32>
    %max3A_650 = arith.constant 1.000000e+00 : f32
    %max3A_651 = vector.broadcast %max3A_650 : f32 to vector<16xf32>
    %max3A_652 = arith.maximumf %add3A_649, %max3A_651 : vector<16xf32>
    %div3A_653 = arith.constant 1.000000e+00 : f32
    %div3A_654 = vector.broadcast %div3A_653 : f32 to vector<16xf32>
    %div3A_655 = arith.divf %div3A_654, %max3A_652 : vector<16xf32>
    %mul3A_656 = arith.constant 16 : i32
    %mul3A_657 = vector.broadcast %mul3A_656 : i32 to vector<16xi32>
    %mul3A_658 = arith.muli %iota3A, %mul3A_657 : vector<16xi32>
    %add3A_659 = arith.constant 1536 : i32
    %add3A_660 = vector.broadcast %add3A_659 : i32 to vector<16xi32>
    %add3A_661 = arith.addi %mul3A_658, %add3A_660 : vector<16xi32>
    tpu.vector_store_idx %arg9[%add3A_661], %div3A_655 : memref<2048xf32, #tpu.memory_space<vmem>>[vector<16xi32>], vector<16xf32>,
    %mul3A_662 = arith.constant 16 : i32
    %mul3A_663 = vector.broadcast %mul3A_662 : i32 to vector<16xi32>
    %mul3A_664 = arith.muli %iota3A, %mul3A_663 : vector<16xi32>
    %add3A_665 = arith.constant 1537 : i32
    %add3A_666 = vector.broadcast %add3A_665 : i32 to vector<16xi32>
    %add3A_667 = arith.addi %mul3A_664, %add3A_666 : vector<16xi32>
    tpu.vector_store_idx %arg9[%add3A_667], %div3A_655 : memref<2048xf32, #tpu.memory_space<vmem>>[vector<16xi32>], vector<16xf32>,
    %mul3A_668 = arith.constant 16 : i32
    %mul3A_669 = vector.broadcast %mul3A_668 : i32 to vector<16xi32>
    %mul3A_670 = arith.muli %iota3A, %mul3A_669 : vector<16xi32>
    %add3A_671 = arith.constant 1538 : i32
    %add3A_672 = vector.broadcast %add3A_671 : i32 to vector<16xi32>
    %add3A_673 = arith.addi %mul3A_670, %add3A_672 : vector<16xi32>
    tpu.vector_store_idx %arg9[%add3A_673], %div3A_655 : memref<2048xf32, #tpu.memory_space<vmem>>[vector<16xi32>], vector<16xf32>,
    %mul3A_674 = arith.constant 16 : i32
    %mul3A_675 = vector.broadcast %mul3A_674 : i32 to vector<16xi32>
    %mul3A_676 = arith.muli %iota3A, %mul3A_675 : vector<16xi32>
    %add3A_677 = arith.constant 1539 : i32
    %add3A_678 = vector.broadcast %add3A_677 : i32 to vector<16xi32>
    %add3A_679 = arith.addi %mul3A_676, %add3A_678 : vector<16xi32>
    tpu.vector_store_idx %arg9[%add3A_679], %div3A_655 : memref<2048xf32, #tpu.memory_space<vmem>>[vector<16xi32>], vector<16xf32>,
    %mul3A_680 = arith.constant 16 : i32
    %mul3A_681 = vector.broadcast %mul3A_680 : i32 to vector<16xi32>
    %mul3A_682 = arith.muli %iota3A, %mul3A_681 : vector<16xi32>
    %add3A_683 = arith.constant 1540 : i32
    %add3A_684 = vector.broadcast %add3A_683 : i32 to vector<16xi32>
    %add3A_685 = arith.addi %mul3A_682, %add3A_684 : vector<16xi32>
    tpu.vector_store_idx %arg9[%add3A_685], %div3A_655 : memref<2048xf32, #tpu.memory_space<vmem>>[vector<16xi32>], vector<16xf32>,
    %mul3A_686 = arith.constant 16 : i32
    %mul3A_687 = vector.broadcast %mul3A_686 : i32 to vector<16xi32>
    %mul3A_688 = arith.muli %iota3A, %mul3A_687 : vector<16xi32>
    %add3A_689 = arith.constant 1541 : i32
    %add3A_690 = vector.broadcast %add3A_689 : i32 to vector<16xi32>
    %add3A_691 = arith.addi %mul3A_688, %add3A_690 : vector<16xi32>
    tpu.vector_store_idx %arg9[%add3A_691], %div3A_655 : memref<2048xf32, #tpu.memory_space<vmem>>[vector<16xi32>], vector<16xf32>,
    %mul3A_692 = arith.constant 16 : i32
    %mul3A_693 = vector.broadcast %mul3A_692 : i32 to vector<16xi32>
    %mul3A_694 = arith.muli %iota3A, %mul3A_693 : vector<16xi32>
    %add3A_695 = arith.constant 1542 : i32
    %add3A_696 = vector.broadcast %add3A_695 : i32 to vector<16xi32>
    %add3A_697 = arith.addi %mul3A_694, %add3A_696 : vector<16xi32>
    tpu.vector_store_idx %arg9[%add3A_697], %div3A_655 : memref<2048xf32, #tpu.memory_space<vmem>>[vector<16xi32>], vector<16xf32>,
    %mul3A_698 = arith.constant 16 : i32
    %mul3A_699 = vector.broadcast %mul3A_698 : i32 to vector<16xi32>
    %mul3A_700 = arith.muli %iota3A, %mul3A_699 : vector<16xi32>
    %add3A_701 = arith.constant 1543 : i32
    %add3A_702 = vector.broadcast %add3A_701 : i32 to vector<16xi32>
    %add3A_703 = arith.addi %mul3A_700, %add3A_702 : vector<16xi32>
    tpu.vector_store_idx %arg9[%add3A_703], %div3A_655 : memref<2048xf32, #tpu.memory_space<vmem>>[vector<16xi32>], vector<16xf32>,
    %mul3A_704 = arith.constant 16 : i32
    %mul3A_705 = vector.broadcast %mul3A_704 : i32 to vector<16xi32>
    %mul3A_706 = arith.muli %iota3A, %mul3A_705 : vector<16xi32>
    %add3A_707 = arith.constant 1544 : i32
    %add3A_708 = vector.broadcast %add3A_707 : i32 to vector<16xi32>
    %add3A_709 = arith.addi %mul3A_706, %add3A_708 : vector<16xi32>
    tpu.vector_store_idx %arg9[%add3A_709], %div3A_655 : memref<2048xf32, #tpu.memory_space<vmem>>[vector<16xi32>], vector<16xf32>,
    %mul3A_710 = arith.constant 16 : i32
    %mul3A_711 = vector.broadcast %mul3A_710 : i32 to vector<16xi32>
    %mul3A_712 = arith.muli %iota3A, %mul3A_711 : vector<16xi32>
    %add3A_713 = arith.constant 1545 : i32
    %add3A_714 = vector.broadcast %add3A_713 : i32 to vector<16xi32>
    %add3A_715 = arith.addi %mul3A_712, %add3A_714 : vector<16xi32>
    tpu.vector_store_idx %arg9[%add3A_715], %div3A_655 : memref<2048xf32, #tpu.memory_space<vmem>>[vector<16xi32>], vector<16xf32>,
    %mul3A_716 = arith.constant 16 : i32
    %mul3A_717 = vector.broadcast %mul3A_716 : i32 to vector<16xi32>
    %mul3A_718 = arith.muli %iota3A, %mul3A_717 : vector<16xi32>
    %add3A_719 = arith.constant 1546 : i32
    %add3A_720 = vector.broadcast %add3A_719 : i32 to vector<16xi32>
    %add3A_721 = arith.addi %mul3A_718, %add3A_720 : vector<16xi32>
    tpu.vector_store_idx %arg9[%add3A_721], %div3A_655 : memref<2048xf32, #tpu.memory_space<vmem>>[vector<16xi32>], vector<16xf32>,
    %mul3A_722 = arith.constant 16 : i32
    %mul3A_723 = vector.broadcast %mul3A_722 : i32 to vector<16xi32>
    %mul3A_724 = arith.muli %iota3A, %mul3A_723 : vector<16xi32>
    %add3A_725 = arith.constant 1547 : i32
    %add3A_726 = vector.broadcast %add3A_725 : i32 to vector<16xi32>
    %add3A_727 = arith.addi %mul3A_724, %add3A_726 : vector<16xi32>
    tpu.vector_store_idx %arg9[%add3A_727], %div3A_655 : memref<2048xf32, #tpu.memory_space<vmem>>[vector<16xi32>], vector<16xf32>,
    %mul3A_728 = arith.constant 16 : i32
    %mul3A_729 = vector.broadcast %mul3A_728 : i32 to vector<16xi32>
    %mul3A_730 = arith.muli %iota3A, %mul3A_729 : vector<16xi32>
    %add3A_731 = arith.constant 1548 : i32
    %add3A_732 = vector.broadcast %add3A_731 : i32 to vector<16xi32>
    %add3A_733 = arith.addi %mul3A_730, %add3A_732 : vector<16xi32>
    tpu.vector_store_idx %arg9[%add3A_733], %div3A_655 : memref<2048xf32, #tpu.memory_space<vmem>>[vector<16xi32>], vector<16xf32>,
    %mul3A_734 = arith.constant 16 : i32
    %mul3A_735 = vector.broadcast %mul3A_734 : i32 to vector<16xi32>
    %mul3A_736 = arith.muli %iota3A, %mul3A_735 : vector<16xi32>
    %add3A_737 = arith.constant 1549 : i32
    %add3A_738 = vector.broadcast %add3A_737 : i32 to vector<16xi32>
    %add3A_739 = arith.addi %mul3A_736, %add3A_738 : vector<16xi32>
    tpu.vector_store_idx %arg9[%add3A_739], %div3A_655 : memref<2048xf32, #tpu.memory_space<vmem>>[vector<16xi32>], vector<16xf32>,
    %mul3A_740 = arith.constant 16 : i32
    %mul3A_741 = vector.broadcast %mul3A_740 : i32 to vector<16xi32>
    %mul3A_742 = arith.muli %iota3A, %mul3A_741 : vector<16xi32>
    %add3A_743 = arith.constant 1550 : i32
    %add3A_744 = vector.broadcast %add3A_743 : i32 to vector<16xi32>
    %add3A_745 = arith.addi %mul3A_742, %add3A_744 : vector<16xi32>
    tpu.vector_store_idx %arg9[%add3A_745], %div3A_655 : memref<2048xf32, #tpu.memory_space<vmem>>[vector<16xi32>], vector<16xf32>,
    %mul3A_746 = arith.constant 16 : i32
    %mul3A_747 = vector.broadcast %mul3A_746 : i32 to vector<16xi32>
    %mul3A_748 = arith.muli %iota3A, %mul3A_747 : vector<16xi32>
    %add3A_749 = arith.constant 1551 : i32
    %add3A_750 = vector.broadcast %add3A_749 : i32 to vector<16xi32>
    %add3A_751 = arith.addi %mul3A_748, %add3A_750 : vector<16xi32>
    tpu.vector_store_idx %arg9[%add3A_751], %div3A_655 : memref<2048xf32, #tpu.memory_space<vmem>>[vector<16xi32>], vector<16xf32>,
    %get3A_752 = arith.constant 112 : index
    %get3A_753 = tpu.vector_load %arg7[%get3A_752] {strides = array<i32>} : memref<128xf32, #tpu.memory_space<vmem>>, vector<16xf32>,
    %get3A_754 = arith.constant 112 : index
    %get3A_755 = tpu.vector_load %arg8[%get3A_754] {strides = array<i32>} : memref<128xf32, #tpu.memory_space<vmem>>, vector<16xf32>,
    %add3A_756 = arith.addf %get3A_753, %get3A_755 : vector<16xf32>
    %max3A_757 = arith.constant 1.000000e+00 : f32
    %max3A_758 = vector.broadcast %max3A_757 : f32 to vector<16xf32>
    %max3A_759 = arith.maximumf %add3A_756, %max3A_758 : vector<16xf32>
    %div3A_760 = arith.constant 1.000000e+00 : f32
    %div3A_761 = vector.broadcast %div3A_760 : f32 to vector<16xf32>
    %div3A_762 = arith.divf %div3A_761, %max3A_759 : vector<16xf32>
    %mul3A_763 = arith.constant 16 : i32
    %mul3A_764 = vector.broadcast %mul3A_763 : i32 to vector<16xi32>
    %mul3A_765 = arith.muli %iota3A, %mul3A_764 : vector<16xi32>
    %add3A_766 = arith.constant 1792 : i32
    %add3A_767 = vector.broadcast %add3A_766 : i32 to vector<16xi32>
    %add3A_768 = arith.addi %mul3A_765, %add3A_767 : vector<16xi32>
    tpu.vector_store_idx %arg9[%add3A_768], %div3A_762 : memref<2048xf32, #tpu.memory_space<vmem>>[vector<16xi32>], vector<16xf32>,
    %mul3A_769 = arith.constant 16 : i32
    %mul3A_770 = vector.broadcast %mul3A_769 : i32 to vector<16xi32>
    %mul3A_771 = arith.muli %iota3A, %mul3A_770 : vector<16xi32>
    %add3A_772 = arith.constant 1793 : i32
    %add3A_773 = vector.broadcast %add3A_772 : i32 to vector<16xi32>
    %add3A_774 = arith.addi %mul3A_771, %add3A_773 : vector<16xi32>
    tpu.vector_store_idx %arg9[%add3A_774], %div3A_762 : memref<2048xf32, #tpu.memory_space<vmem>>[vector<16xi32>], vector<16xf32>,
    %mul3A_775 = arith.constant 16 : i32
    %mul3A_776 = vector.broadcast %mul3A_775 : i32 to vector<16xi32>
    %mul3A_777 = arith.muli %iota3A, %mul3A_776 : vector<16xi32>
    %add3A_778 = arith.constant 1794 : i32
    %add3A_779 = vector.broadcast %add3A_778 : i32 to vector<16xi32>
    %add3A_780 = arith.addi %mul3A_777, %add3A_779 : vector<16xi32>
    tpu.vector_store_idx %arg9[%add3A_780], %div3A_762 : memref<2048xf32, #tpu.memory_space<vmem>>[vector<16xi32>], vector<16xf32>,
    %mul3A_781 = arith.constant 16 : i32
    %mul3A_782 = vector.broadcast %mul3A_781 : i32 to vector<16xi32>
    %mul3A_783 = arith.muli %iota3A, %mul3A_782 : vector<16xi32>
    %add3A_784 = arith.constant 1795 : i32
    %add3A_785 = vector.broadcast %add3A_784 : i32 to vector<16xi32>
    %add3A_786 = arith.addi %mul3A_783, %add3A_785 : vector<16xi32>
    tpu.vector_store_idx %arg9[%add3A_786], %div3A_762 : memref<2048xf32, #tpu.memory_space<vmem>>[vector<16xi32>], vector<16xf32>,
    %mul3A_787 = arith.constant 16 : i32
    %mul3A_788 = vector.broadcast %mul3A_787 : i32 to vector<16xi32>
    %mul3A_789 = arith.muli %iota3A, %mul3A_788 : vector<16xi32>
    %add3A_790 = arith.constant 1796 : i32
    %add3A_791 = vector.broadcast %add3A_790 : i32 to vector<16xi32>
    %add3A_792 = arith.addi %mul3A_789, %add3A_791 : vector<16xi32>
    tpu.vector_store_idx %arg9[%add3A_792], %div3A_762 : memref<2048xf32, #tpu.memory_space<vmem>>[vector<16xi32>], vector<16xf32>,
    %mul3A_793 = arith.constant 16 : i32
    %mul3A_794 = vector.broadcast %mul3A_793 : i32 to vector<16xi32>
    %mul3A_795 = arith.muli %iota3A, %mul3A_794 : vector<16xi32>
    %add3A_796 = arith.constant 1797 : i32
    %add3A_797 = vector.broadcast %add3A_796 : i32 to vector<16xi32>
    %add3A_798 = arith.addi %mul3A_795, %add3A_797 : vector<16xi32>
    tpu.vector_store_idx %arg9[%add3A_798], %div3A_762 : memref<2048xf32, #tpu.memory_space<vmem>>[vector<16xi32>], vector<16xf32>,
    %mul3A_799 = arith.constant 16 : i32
    %mul3A_800 = vector.broadcast %mul3A_799 : i32 to vector<16xi32>
    %mul3A_801 = arith.muli %iota3A, %mul3A_800 : vector<16xi32>
    %add3A_802 = arith.constant 1798 : i32
    %add3A_803 = vector.broadcast %add3A_802 : i32 to vector<16xi32>
    %add3A_804 = arith.addi %mul3A_801, %add3A_803 : vector<16xi32>
    tpu.vector_store_idx %arg9[%add3A_804], %div3A_762 : memref<2048xf32, #tpu.memory_space<vmem>>[vector<16xi32>], vector<16xf32>,
    %mul3A_805 = arith.constant 16 : i32
    %mul3A_806 = vector.broadcast %mul3A_805 : i32 to vector<16xi32>
    %mul3A_807 = arith.muli %iota3A, %mul3A_806 : vector<16xi32>
    %add3A_808 = arith.constant 1799 : i32
    %add3A_809 = vector.broadcast %add3A_808 : i32 to vector<16xi32>
    %add3A_810 = arith.addi %mul3A_807, %add3A_809 : vector<16xi32>
    tpu.vector_store_idx %arg9[%add3A_810], %div3A_762 : memref<2048xf32, #tpu.memory_space<vmem>>[vector<16xi32>], vector<16xf32>,
    %mul3A_811 = arith.constant 16 : i32
    %mul3A_812 = vector.broadcast %mul3A_811 : i32 to vector<16xi32>
    %mul3A_813 = arith.muli %iota3A, %mul3A_812 : vector<16xi32>
    %add3A_814 = arith.constant 1800 : i32
    %add3A_815 = vector.broadcast %add3A_814 : i32 to vector<16xi32>
    %add3A_816 = arith.addi %mul3A_813, %add3A_815 : vector<16xi32>
    tpu.vector_store_idx %arg9[%add3A_816], %div3A_762 : memref<2048xf32, #tpu.memory_space<vmem>>[vector<16xi32>], vector<16xf32>,
    %mul3A_817 = arith.constant 16 : i32
    %mul3A_818 = vector.broadcast %mul3A_817 : i32 to vector<16xi32>
    %mul3A_819 = arith.muli %iota3A, %mul3A_818 : vector<16xi32>
    %add3A_820 = arith.constant 1801 : i32
    %add3A_821 = vector.broadcast %add3A_820 : i32 to vector<16xi32>
    %add3A_822 = arith.addi %mul3A_819, %add3A_821 : vector<16xi32>
    tpu.vector_store_idx %arg9[%add3A_822], %div3A_762 : memref<2048xf32, #tpu.memory_space<vmem>>[vector<16xi32>], vector<16xf32>,
    %mul3A_823 = arith.constant 16 : i32
    %mul3A_824 = vector.broadcast %mul3A_823 : i32 to vector<16xi32>
    %mul3A_825 = arith.muli %iota3A, %mul3A_824 : vector<16xi32>
    %add3A_826 = arith.constant 1802 : i32
    %add3A_827 = vector.broadcast %add3A_826 : i32 to vector<16xi32>
    %add3A_828 = arith.addi %mul3A_825, %add3A_827 : vector<16xi32>
    tpu.vector_store_idx %arg9[%add3A_828], %div3A_762 : memref<2048xf32, #tpu.memory_space<vmem>>[vector<16xi32>], vector<16xf32>,
    %mul3A_829 = arith.constant 16 : i32
    %mul3A_830 = vector.broadcast %mul3A_829 : i32 to vector<16xi32>
    %mul3A_831 = arith.muli %iota3A, %mul3A_830 : vector<16xi32>
    %add3A_832 = arith.constant 1803 : i32
    %add3A_833 = vector.broadcast %add3A_832 : i32 to vector<16xi32>
    %add3A_834 = arith.addi %mul3A_831, %add3A_833 : vector<16xi32>
    tpu.vector_store_idx %arg9[%add3A_834], %div3A_762 : memref<2048xf32, #tpu.memory_space<vmem>>[vector<16xi32>], vector<16xf32>,
    %mul3A_835 = arith.constant 16 : i32
    %mul3A_836 = vector.broadcast %mul3A_835 : i32 to vector<16xi32>
    %mul3A_837 = arith.muli %iota3A, %mul3A_836 : vector<16xi32>
    %add3A_838 = arith.constant 1804 : i32
    %add3A_839 = vector.broadcast %add3A_838 : i32 to vector<16xi32>
    %add3A_840 = arith.addi %mul3A_837, %add3A_839 : vector<16xi32>
    tpu.vector_store_idx %arg9[%add3A_840], %div3A_762 : memref<2048xf32, #tpu.memory_space<vmem>>[vector<16xi32>], vector<16xf32>,
    %mul3A_841 = arith.constant 16 : i32
    %mul3A_842 = vector.broadcast %mul3A_841 : i32 to vector<16xi32>
    %mul3A_843 = arith.muli %iota3A, %mul3A_842 : vector<16xi32>
    %add3A_844 = arith.constant 1805 : i32
    %add3A_845 = vector.broadcast %add3A_844 : i32 to vector<16xi32>
    %add3A_846 = arith.addi %mul3A_843, %add3A_845 : vector<16xi32>
    tpu.vector_store_idx %arg9[%add3A_846], %div3A_762 : memref<2048xf32, #tpu.memory_space<vmem>>[vector<16xi32>], vector<16xf32>,
    %mul3A_847 = arith.constant 16 : i32
    %mul3A_848 = vector.broadcast %mul3A_847 : i32 to vector<16xi32>
    %mul3A_849 = arith.muli %iota3A, %mul3A_848 : vector<16xi32>
    %add3A_850 = arith.constant 1806 : i32
    %add3A_851 = vector.broadcast %add3A_850 : i32 to vector<16xi32>
    %add3A_852 = arith.addi %mul3A_849, %add3A_851 : vector<16xi32>
    tpu.vector_store_idx %arg9[%add3A_852], %div3A_762 : memref<2048xf32, #tpu.memory_space<vmem>>[vector<16xi32>], vector<16xf32>,
    %mul3A_853 = arith.constant 16 : i32
    %mul3A_854 = vector.broadcast %mul3A_853 : i32 to vector<16xi32>
    %mul3A_855 = arith.muli %iota3A, %mul3A_854 : vector<16xi32>
    %add3A_856 = arith.constant 1807 : i32
    %add3A_857 = vector.broadcast %add3A_856 : i32 to vector<16xi32>
    %add3A_858 = arith.addi %mul3A_855, %add3A_857 : vector<16xi32>
    tpu.vector_store_idx %arg9[%add3A_858], %div3A_762 : memref<2048xf32, #tpu.memory_space<vmem>>[vector<16xi32>], vector<16xf32>,
    %scan3A = arith.constant 0 : i32
    %scan3A_859 = arith.constant 0 : i32
    %scan3A_860 = arith.constant 128 : i32
    %scan3A_861 = arith.addi %scan3A_859, %scan3A_860 : i32
    %scan3A_862 = arith.constant 1 : i32
    scf.for %scan3A_864 = %scan3A_859 to %scan3A_861 step %scan3A_862  : i32 {
      %mul3A_865 = arith.constant 16 : i32
      %mul3A_866 = arith.muli %scan3A_864, %mul3A_865 : i32
      %get3A_867 = arith.index_cast %mul3A_866 : i32 to index
      %get3A_868 = tpu.vector_load %arg9[%get3A_867] {strides = array<i32>} : memref<2048xf32, #tpu.memory_space<vmem>>, vector<16xf32>,
      %get3A_869 = arith.index_cast %scan3A_864 : i32 to index
      %get3A_870 = arith.constant 0 : index
      %get3A_871 = tpu.vector_load %arg5[%get3A_869, %get3A_870] {strides = array<i32>} : memref<128x128xf32, #tpu.memory_space<vmem>>, vector<16xf32>,
      %get3A_872 = arith.index_cast %scan3A_864 : i32 to index
      %get3A_873 = arith.constant 0 : index
      %get3A_874 = tpu.vector_load %arg6[%get3A_872, %get3A_873] {strides = array<i32>} : memref<128x128xf32, #tpu.memory_space<vmem>>, vector<16xf32>,
      %add3A_875 = arith.addf %get3A_871, %get3A_874 : vector<16xf32>
      %mul3A_876 = arith.mulf %add3A_875, %get3A_868 : vector<16xf32>
      %swap3A = arith.index_cast %scan3A_864 : i32 to index
      %swap3A_877 = arith.constant 0 : index
      %swap3A_878 = tpu.vector_load %arg5[%swap3A, %swap3A_877] {strides = array<i32>} : memref<128x128xf32, #tpu.memory_space<vmem>>, vector<16xf32>,
      tpu.vector_store %arg5[%swap3A, %swap3A_877], %mul3A_876 {strides = array<i32>} : memref<128x128xf32, #tpu.memory_space<vmem>>, vector<16xf32>,
      %get3A_879 = arith.index_cast %scan3A_864 : i32 to index
      %get3A_880 = arith.constant 16 : index
      %get3A_881 = tpu.vector_load %arg5[%get3A_879, %get3A_880] {strides = array<i32>} : memref<128x128xf32, #tpu.memory_space<vmem>>, vector<16xf32>,
      %get3A_882 = arith.index_cast %scan3A_864 : i32 to index
      %get3A_883 = arith.constant 16 : index
      %get3A_884 = tpu.vector_load %arg6[%get3A_882, %get3A_883] {strides = array<i32>} : memref<128x128xf32, #tpu.memory_space<vmem>>, vector<16xf32>,
      %add3A_885 = arith.addf %get3A_881, %get3A_884 : vector<16xf32>
      %mul3A_886 = arith.mulf %add3A_885, %get3A_868 : vector<16xf32>
      %swap3A_887 = arith.index_cast %scan3A_864 : i32 to index
      %swap3A_888 = arith.constant 16 : index
      %swap3A_889 = tpu.vector_load %arg5[%swap3A_887, %swap3A_888] {strides = array<i32>} : memref<128x128xf32, #tpu.memory_space<vmem>>, vector<16xf32>,
      tpu.vector_store %arg5[%swap3A_887, %swap3A_888], %mul3A_886 {strides = array<i32>} : memref<128x128xf32, #tpu.memory_space<vmem>>, vector<16xf32>,
      %get3A_890 = arith.index_cast %scan3A_864 : i32 to index
      %get3A_891 = arith.constant 32 : index
      %get3A_892 = tpu.vector_load %arg5[%get3A_890, %get3A_891] {strides = array<i32>} : memref<128x128xf32, #tpu.memory_space<vmem>>, vector<16xf32>,
      %get3A_893 = arith.index_cast %scan3A_864 : i32 to index
      %get3A_894 = arith.constant 32 : index
      %get3A_895 = tpu.vector_load %arg6[%get3A_893, %get3A_894] {strides = array<i32>} : memref<128x128xf32, #tpu.memory_space<vmem>>, vector<16xf32>,
      %add3A_896 = arith.addf %get3A_892, %get3A_895 : vector<16xf32>
      %mul3A_897 = arith.mulf %add3A_896, %get3A_868 : vector<16xf32>
      %swap3A_898 = arith.index_cast %scan3A_864 : i32 to index
      %swap3A_899 = arith.constant 32 : index
      %swap3A_900 = tpu.vector_load %arg5[%swap3A_898, %swap3A_899] {strides = array<i32>} : memref<128x128xf32, #tpu.memory_space<vmem>>, vector<16xf32>,
      tpu.vector_store %arg5[%swap3A_898, %swap3A_899], %mul3A_897 {strides = array<i32>} : memref<128x128xf32, #tpu.memory_space<vmem>>, vector<16xf32>,
      %get3A_901 = arith.index_cast %scan3A_864 : i32 to index
      %get3A_902 = arith.constant 48 : index
      %get3A_903 = tpu.vector_load %arg5[%get3A_901, %get3A_902] {strides = array<i32>} : memref<128x128xf32, #tpu.memory_space<vmem>>, vector<16xf32>,
      %get3A_904 = arith.index_cast %scan3A_864 : i32 to index
      %get3A_905 = arith.constant 48 : index
      %get3A_906 = tpu.vector_load %arg6[%get3A_904, %get3A_905] {strides = array<i32>} : memref<128x128xf32, #tpu.memory_space<vmem>>, vector<16xf32>,
      %add3A_907 = arith.addf %get3A_903, %get3A_906 : vector<16xf32>
      %mul3A_908 = arith.mulf %add3A_907, %get3A_868 : vector<16xf32>
      %swap3A_909 = arith.index_cast %scan3A_864 : i32 to index
      %swap3A_910 = arith.constant 48 : index
      %swap3A_911 = tpu.vector_load %arg5[%swap3A_909, %swap3A_910] {strides = array<i32>} : memref<128x128xf32, #tpu.memory_space<vmem>>, vector<16xf32>,
      tpu.vector_store %arg5[%swap3A_909, %swap3A_910], %mul3A_908 {strides = array<i32>} : memref<128x128xf32, #tpu.memory_space<vmem>>, vector<16xf32>,
      %get3A_912 = arith.index_cast %scan3A_864 : i32 to index
      %get3A_913 = arith.constant 64 : index
      %get3A_914 = tpu.vector_load %arg5[%get3A_912, %get3A_913] {strides = array<i32>} : memref<128x128xf32, #tpu.memory_space<vmem>>, vector<16xf32>,
      %get3A_915 = arith.index_cast %scan3A_864 : i32 to index
      %get3A_916 = arith.constant 64 : index
      %get3A_917 = tpu.vector_load %arg6[%get3A_915, %get3A_916] {strides = array<i32>} : memref<128x128xf32, #tpu.memory_space<vmem>>, vector<16xf32>,
      %add3A_918 = arith.addf %get3A_914, %get3A_917 : vector<16xf32>
      %mul3A_919 = arith.mulf %add3A_918, %get3A_868 : vector<16xf32>
      %swap3A_920 = arith.index_cast %scan3A_864 : i32 to index
      %swap3A_921 = arith.constant 64 : index
      %swap3A_922 = tpu.vector_load %arg5[%swap3A_920, %swap3A_921] {strides = array<i32>} : memref<128x128xf32, #tpu.memory_space<vmem>>, vector<16xf32>,
      tpu.vector_store %arg5[%swap3A_920, %swap3A_921], %mul3A_919 {strides = array<i32>} : memref<128x128xf32, #tpu.memory_space<vmem>>, vector<16xf32>,
      %get3A_923 = arith.index_cast %scan3A_864 : i32 to index
      %get3A_924 = arith.constant 80 : index
      %get3A_925 = tpu.vector_load %arg5[%get3A_923, %get3A_924] {strides = array<i32>} : memref<128x128xf32, #tpu.memory_space<vmem>>, vector<16xf32>,
      %get3A_926 = arith.index_cast %scan3A_864 : i32 to index
      %get3A_927 = arith.constant 80 : index
      %get3A_928 = tpu.vector_load %arg6[%get3A_926, %get3A_927] {strides = array<i32>} : memref<128x128xf32, #tpu.memory_space<vmem>>, vector<16xf32>,
      %add3A_929 = arith.addf %get3A_925, %get3A_928 : vector<16xf32>
      %mul3A_930 = arith.mulf %add3A_929, %get3A_868 : vector<16xf32>
      %swap3A_931 = arith.index_cast %scan3A_864 : i32 to index
      %swap3A_932 = arith.constant 80 : index
      %swap3A_933 = tpu.vector_load %arg5[%swap3A_931, %swap3A_932] {strides = array<i32>} : memref<128x128xf32, #tpu.memory_space<vmem>>, vector<16xf32>,
      tpu.vector_store %arg5[%swap3A_931, %swap3A_932], %mul3A_930 {strides = array<i32>} : memref<128x128xf32, #tpu.memory_space<vmem>>, vector<16xf32>,
      %get3A_934 = arith.index_cast %scan3A_864 : i32 to index
      %get3A_935 = arith.constant 96 : index
      %get3A_936 = tpu.vector_load %arg5[%get3A_934, %get3A_935] {strides = array<i32>} : memref<128x128xf32, #tpu.memory_space<vmem>>, vector<16xf32>,
      %get3A_937 = arith.index_cast %scan3A_864 : i32 to index
      %get3A_938 = arith.constant 96 : index
      %get3A_939 = tpu.vector_load %arg6[%get3A_937, %get3A_938] {strides = array<i32>} : memref<128x128xf32, #tpu.memory_space<vmem>>, vector<16xf32>,
      %add3A_940 = arith.addf %get3A_936, %get3A_939 : vector<16xf32>
      %mul3A_941 = arith.mulf %add3A_940, %get3A_868 : vector<16xf32>
      %swap3A_942 = arith.index_cast %scan3A_864 : i32 to index
      %swap3A_943 = arith.constant 96 : index
      %swap3A_944 = tpu.vector_load %arg5[%swap3A_942, %swap3A_943] {strides = array<i32>} : memref<128x128xf32, #tpu.memory_space<vmem>>, vector<16xf32>,
      tpu.vector_store %arg5[%swap3A_942, %swap3A_943], %mul3A_941 {strides = array<i32>} : memref<128x128xf32, #tpu.memory_space<vmem>>, vector<16xf32>,
      %get3A_945 = arith.index_cast %scan3A_864 : i32 to index
      %get3A_946 = arith.constant 112 : index
      %get3A_947 = tpu.vector_load %arg5[%get3A_945, %get3A_946] {strides = array<i32>} : memref<128x128xf32, #tpu.memory_space<vmem>>, vector<16xf32>,
      %get3A_948 = arith.index_cast %scan3A_864 : i32 to index
      %get3A_949 = arith.constant 112 : index
      %get3A_950 = tpu.vector_load %arg6[%get3A_948, %get3A_949] {strides = array<i32>} : memref<128x128xf32, #tpu.memory_space<vmem>>, vector<16xf32>,
      %add3A_951 = arith.addf %get3A_947, %get3A_950 : vector<16xf32>
      %mul3A_952 = arith.mulf %add3A_951, %get3A_868 : vector<16xf32>
      %swap3A_953 = arith.index_cast %scan3A_864 : i32 to index
      %swap3A_954 = arith.constant 112 : index
      %swap3A_955 = tpu.vector_load %arg5[%swap3A_953, %swap3A_954] {strides = array<i32>} : memref<128x128xf32, #tpu.memory_space<vmem>>, vector<16xf32>,
      tpu.vector_store %arg5[%swap3A_953, %swap3A_954], %mul3A_952 {strides = array<i32>} : memref<128x128xf32, #tpu.memory_space<vmem>>, vector<16xf32>,
    }
    %scan3A_863 = arith.constant 128 : i32
    "tpu.region"() ({
      %run_scoped3A_864 = tpu.sem_alloc : memref<!tpu.dma_semaphore, #tpu.memory_space<semaphore_mem>>
      %dma_start3A = arith.constant 0 : i32
      %dma_start3A_865 = tpu.memref_slice %arg4[%mul3A_2, %dma_start3A] : memref<4096x128xf32, #tpu.memory_space<hbm>> -> memref<128x128xf32, #tpu.memory_space<hbm>>
      %dma_start3A_866 = arith.constant 0 : i32
      %dma_start3A_867 = tpu.memref_slice %arg4[%mul3A_2, %dma_start3A_866] : memref<4096x128xf32, #tpu.memory_space<hbm>> -> memref<128x128xf32, #tpu.memory_space<hbm>>
      tpu.enqueue_dma source(%arg5 : memref<128x128xf32, #tpu.memory_space<vmem>>) target(%dma_start3A_867 : memref<128x128xf32, #tpu.memory_space<hbm>>) target_semaphore(%run_scoped3A_864 : memref<!tpu.dma_semaphore, #tpu.memory_space<semaphore_mem>>)
      %dma_wait3A = arith.constant 0 : i32
      %dma_wait3A_868 = tpu.memref_slice %arg4[%mul3A_2, %dma_wait3A] : memref<4096x128xf32, #tpu.memory_space<hbm>> -> memref<128x128xf32, #tpu.memory_space<hbm>>
      %dma_wait3A_869 = arith.constant 0 : i32
      %dma_wait3A_870 = tpu.memref_slice %arg4[%mul3A_2, %dma_wait3A_869] : memref<4096x128xf32, #tpu.memory_space<hbm>> -> memref<128x128xf32, #tpu.memory_space<hbm>>
      tpu.wait_dma2 semaphore(%run_scoped3A_864 : memref<!tpu.dma_semaphore, #tpu.memory_space<semaphore_mem>>) src(%arg5 : memref<128x128xf32, #tpu.memory_space<vmem>>) dst(%dma_wait3A_870 : memref<128x128xf32, #tpu.memory_space<hbm>>)
      tpu.yield
    }) : () -> ()
    return
  }
}

</mosaic_0001>

<sc_bundles>
// kernel: kernel.4.cloned.1.call-start
scs
__scs_entry_jumppad:
0x0: {  	(pc) =	sbr.rel $0x88, $3  }
0x1: {  	(tag) =	ssettag $0x0;
	lr =	simm.s32 $0x1  }
0x2: {  	[smem:$0x3F9F] =	sst lr;
	_ =	strace $0xD0000000  }
0x3: {  	_ = 	snop  }
0x4: {  	_ = 	snop  }
0x5: {  	_ = 	snop  }
0x6: {  	_ = 	snop  }
0x7: {  	_ = 	snop  }
__scs_overlays_trampoline_lowered:
0x8: {  	[smem:$0x3FAE] =	sst s0  }
0x9: {  	[smem:$0x3FAF] =	sst s1  }
0xa: {  	[smem:$0x3FB0] =	sst s2  }
0xb: {  	[smem:$0x3FB1] =	sst s3  }
0xc: {  	[smem:$0x3FB2] =	sst s4  }
0xd: {  	[smem:$0x3FB3] =	sst s5  }
0xe: {  	[smem:$0x3FB4] =	sst s6  }
0xf: {  	[smem:$0x3FB5] =	sst s7  }
0x10: {  	[smem:$0x3FB6] =	sst s8  }
0x11: {  	[smem:$0x3FB7] =	sst s9;
	s0 =	simm.s32 @!p0 $0x0  }
0x12: {  	s1 =	sld [smem:$0x3F9D];
	s0 =	simm.s32 @p0 $0x1  }
0x13: {  	[smem:$0x3FB8] =	sst s0;
	s0 =	simm.s32 @!p1 $0x0  }
0x14: {  	s2 =	sld [smem:$0x3F9C];
	s0 =	simm.s32 @p1 $0x1  }
0x15: {  	[smem:$0x3FB9] =	sst s0;
	s0 =	simm.s32 @!p2 $0x0  }
0x16: {  	s3 =	sld [smem:$0x3FDB];
	s0 =	simm.s32 @p2 $0x1  }
0x17: {  	s4 =	simm.s32 $0x1BF5;
	[smem:$0x3FBB] =	sst s0  }
0x18: {  	s0 =	sld [smem:$0x3F9E];
	_ =	swait.ge [sflag:s4], $0x0  }
0x19: {  	s7 =	sld [smem:$0x3F9F]  }
0x1a: {  	s8 =	sadd.s32 $0xFFFFE003, lr  }
0x1b: {  	s9 =	sadd.s32 $0xFFFFFEF7, lr;
	s5 =	simm.s32 $0xFFFFFFFF;
	p2 =	slt.u32 s8, $0xFFFFF086  }
0x1c: {  	p1 =	slt.u32 s9, $0xF7A;
	s5 =	simm.s32 @!p2 $0x0  }
0x1d: {  	s5 =	simm.s32 @p1 $0x1;
	p0 =	seq.s32 s7, s2  }
0x1e: {  	s7 =	smul.u32 @!p0 $0xF7A, s2;
	p2 =	seq.s32 @!p0 s5, $0x0  }
0x1f: {  	s9 =	smul.u32 $0xF7A, s1;
	s8 =	simm.s32 @!p0 $0x1BF5;
	p2 =	por !p2, p0  }
0x20: {  	[sflag:s8] =	ssyncset.s32 @!p0 $0xFFFFF086;
	s6 =	sadd.s32 @!p0 s3, s7;
	s7 =	simm.s32 @!p0 $0x108  }
0x21: {  	s3 =	sadd.s32 s3, s9;
	s6 =	sadd.s32 @!p0 $0x88, s6;
	s7 =	simm.s32 @p2 $0x1082  }
0x22: {  	[simem:s7], [sflag:s8] =	dma.local @!p0 [hbm:s6], $0xF7A  }
0x23: {  	s9 =	sor.u32 $0xD0000000, s2;
	s6 =	simm.s32 $0x108;
	_ =	swait.ge @!p0 [sflag:s8], $0x0  }
0x24: {  	s3 =	sadd.s32 $0x88, s3;
	s6 =	simm.s32 @!p1 $0x1082;
	[sflag:s4] =	ssyncset.s32 $0xFFFFF086  }
0x25: {  	[simem:s6], [sflag:s4] =	dma.local [hbm:s3], $0xF7A  }
0x26: {  	[smem:$0x3F9F] =	sst s1;
	(tag) =	ssettag s2;
	_ =	strace s9  }
0x27: {  	s1 =	sld [smem:$0x3FAF]  }
0x28: {  	s2 =	sld [smem:$0x3FB0]  }
0x29: {  	s4 =	sld [smem:$0x3FB2]  }
0x2a: {  	p0 =	seq.s32 s5, $0x0;
	s5 =	sld [smem:$0x3FB3]  }
0x2b: {  	s6 =	sld [smem:$0x3FB4]  }
0x2c: {  	s7 =	sld [smem:$0x3FB5]  }
0x2d: {  	s3 =	simm.s32 $0x108;
	s8 =	sld [smem:$0x3FB6]  }
0x2e: {  	s3 =	simm.s32 @!p0 $0x1082;
	s9 =	sld [smem:$0x3FB7]  }
0x2f: {  	lr =	sadd.s32 s0, s3;
	s0 =	sld [smem:$0x3FAE]  }
0x30: {  	s3 =	sld [smem:$0x3FB1]  }
0x31: {  	[smem:$0x3FBA] =	sst s10  }
0x32: {  	s10 =	sld [smem:$0x3FB8];
	_ =	sdelay $0x3  }
0x33: {  	p0 =	seq.s32 s10, $0x1;
	s10 =	sld [smem:$0x3FBA];
	_ =	sdelay $0x3  }
0x34: {  	[smem:$0x3FBA] =	sst s10  }
0x35: {  	s10 =	sld [smem:$0x3FB9];
	_ =	sdelay $0x3  }
0x36: {  	p1 =	seq.s32 s10, $0x1;
	s10 =	sld [smem:$0x3FBA];
	_ =	sdelay $0x3  }
0x37: {  	[smem:$0x3FBA] =	sst s10  }
0x38: {  	s10 =	sld [smem:$0x3FBB]  }
0x39: {  	_ = 	snop;
	(pc) =	sbr.ind lr, $3  }
0x3a: {  	_ = 	snop  }
0x3b: {  	_ = 	snop  }
0x3c: {  	p2 =	seq.s32 s10, $0x1;
	s10 =	sld [smem:$0x3FBA]  }
0x3d: {  	_ =	shalt  }
0x3e: {  	_ =	shalt  }
0x3f: {  	_ =	shalt  }
0x40: {  	_ =	shalt  }
0x41: {  	_ =	shalt  }
0x42: {  	_ =	shalt  }
0x43: {  	_ =	shalt  }
0x44: {  	_ =	shalt  }
0x45: {  	_ =	shalt  }
0x46: {  	_ =	shalt  }
0x47: {  	_ =	shalt  }
0x48: {  	_ =	shalt  }
0x49: {  	_ =	shalt  }
0x4a: {  	_ =	shalt  }
0x4b: {  	_ =	shalt  }
0x4c: {  	_ =	shalt  }
0x4d: {  	_ =	shalt  }
0x4e: {  	_ =	shalt  }
0x4f: {  	_ =	shalt  }
0x50: {  	_ =	shalt  }
0x51: {  	_ =	shalt  }
0x52: {  	_ =	shalt  }
0x53: {  	_ =	shalt  }
0x54: {  	_ =	shalt  }
0x55: {  	_ =	shalt  }
0x56: {  	_ =	shalt  }
0x57: {  	_ =	shalt  }
0x58: {  	_ =	shalt  }
0x59: {  	_ =	shalt  }
0x5a: {  	_ =	shalt  }
0x5b: {  	_ =	shalt  }
0x5c: {  	_ =	shalt  }
0x5d: {  	_ =	shalt  }
0x5e: {  	_ =	shalt  }
0x5f: {  	_ =	shalt  }
0x60: {  	_ =	shalt  }
0x61: {  	_ =	shalt  }
0x62: {  	_ =	shalt  }
0x63: {  	_ =	shalt  }
0x64: {  	_ =	shalt  }
0x65: {  	_ =	shalt  }
0x66: {  	_ =	shalt  }
0x67: {  	_ =	shalt  }
0x68: {  	_ =	shalt  }
0x69: {  	_ =	shalt  }
0x6a: {  	_ =	shalt  }
0x6b: {  	_ =	shalt  }
0x6c: {  	_ =	shalt  }
0x6d: {  	_ =	shalt  }
0x6e: {  	_ =	shalt  }
0x6f: {  	_ =	shalt  }
0x70: {  	_ =	shalt  }
0x71: {  	_ =	shalt  }
0x72: {  	_ =	shalt  }
0x73: {  	_ =	shalt  }
0x74: {  	_ =	shalt  }
0x75: {  	_ =	shalt  }
0x76: {  	_ =	shalt  }
0x77: {  	_ =	shalt  }
0x78: {  	_ =	shalt  }
0x79: {  	_ =	shalt  }
0x7a: {  	_ =	shalt  }
0x7b: {  	_ =	shalt  }
0x7c: {  	_ =	shalt  }
0x7d: {  	_ =	shalt  }
0x7e: {  	_ =	shalt  }
0x7f: {  	_ =	shalt  }
0x80: {  	_ =	shalt  }
0x81: {  	_ =	shalt  }
0x82: {  	_ =	shalt  }
0x83: {  	_ =	shalt  }
0x84: {  	_ =	shalt  }
0x85: {  	_ =	shalt  }
0x86: {  	_ =	shalt  }
0x87: {  	_ =	shalt  }
.Lfunc_end0:
.L_simem_size_0:
called_computation_lowered:
.L_overlay_start_0:
0x88: {  	s2 =	sld [smem:$0x3FD9]  }
0x89: {  	s3 =	sld [smem:$0x3FFE];
	_ =	sdelay $0x1  }
0x8a: {  	s1 =	srdreg.scid  }
0x8b: {  	s0 =	sand.u32 $0x1, s1  }
0x8c: {  	s17 =	sshll.u32 s0, $0xA;
	s2 =	sadd.s32 s3, s2  }
0x8d: {  	s2 =	sadd.s32 s2, s17  }
0x8e: {  	[smem:$0x3FC6] =	sst s2  }
0x8f: {  	_ = 	snop  }
0x90: {  	s2 =	sld [smem:$0x3FC9]  }
0x91: {  	s18 =	sld [smem:$0x3FC8]  }
0x92: {  	s4 =	sld [smem:$0x3FD0];
	(tm) =	ssettm $0x1  }
0x93: {  	s5 =	sld [smem:$0x3FFB];
	_ =	sdelay $0x3  }
0x94: {  	_ =	strace s5  }
0x95: {  	s5 =	sld [smem:$0x3FFC];
	_ =	sdelay $0x3  }
0x96: {  	_ =	strace s5  }
0x97: {  	s5 =	sld [smem:$0x3FFD];
	_ =	sdelay $0x3  }
0x98: {  	_ =	strace s5  }
0x99: {  	_ =	strace $0x8FFFFFFF  }
0x9a: {  	s19 =	sld [smem:$0x3FDB];
	_ =	sdelay $0x1  }
0x9b: {  	s6 =	simm.s32 $_scs_section_size  }
0x9c: {  	s7 =	simm.s32 $_size__tile_overlayer_lowered;
	s8 =	simm.s32 $_tile_overlayer_lowered  }
0x9d: {  	s22 =	simm.s32 $0x1BFF;
	s21 =	sshll.u32 s8, $0x1;
	s5 =	sadd.s32 s6, s19  }
0x9e: {  	s9 =	simm.s32 $0x0;
	s20 =	sshll.u32 s7, $0x1;
	s7 =	sadd.s32 s21, s5  }
0x9f: {  	[timem:s9], [sflag:s22] =	dma.local [hbm:s7], s20  }
0xa0: {  	_ =	swait.ge [sflag:s22], s20  }
0xa1: {  	s6 =	ssub.s32 $0x0, s20;
	[sflag:s22] =	ssyncset.done $0x0  }
0xa2: {  	[sflag:s22] =	ssyncadd.s32 s6;
	_ =	sdelay $0x1  }
0xa3: {  	s23 =	simm.s32 $0x1B8B  }
0xa4: {  	_ =	swait.ge [sflag:s23], $0x1  }
0xa5: {  	[sflag:s23] =	ssyncset.done $0x0  }
0xa6: {  	s25 =	simm.s32 $0x1B8E;
	s24 =	sld [smem:$0x3FFE];
	[sflag:s23] =	ssyncadd.s32 $0xFFFFFFFF  }
0xa7: {  	s26 =	simm.s32 $execute0_lowered;
	[smem:$0x3FD2] =	sst s25  }
0xa8: {  	s7 =	sshll.u32 s26, $0x1;
	_ =	strace $0x80000046;
	[dreg:$0x1] =	wrdreg $0xFFFFFFFF  }
0xa9: {  	s28 =	simm.s32 $_size_execute0_lowered;
	s5 =	sadd.s32 s5, s7;
	[dreg:$0x0] =	wrdreg $0x0  }
0xaa: {  	s7 =	sshll.u32 s28, $0x1;
	[dreg:$0x2] =	wrdreg s5  }
0xab: {  	[dreg:$0x3] =	wrdreg s7  }
0xac: {  	[dreg:$0x4] =	wrdreg $0xC0  }
0xad: {  	_ =	task [dreg:s9], $0x5FFFF  }
0xae: {  	[dreg:$0x1] =	wrdreg $0xFFFFFFFF  }
0xaf: {  	[dreg:$0x0] =	wrdreg $0x60  }
0xb0: {  	[dreg:$0x2] =	wrdreg s2  }
0xb1: {  	[dreg:$0x3] =	wrdreg s18  }
0xb2: {  	[dreg:$0x4] =	wrdreg s4  }
0xb3: {  	[dreg:$0x5] =	wrdreg s24  }
0xb4: {  	[dreg:$0x6] =	wrdreg $0x136000  }
0xb5: {  	[dreg:$0x7] =	wrdreg $0x1B6000  }
0xb6: {  	[dreg:$0x8] =	wrdreg $0x9  }
0xb7: {  	_ =	task.clear_ibuf [dreg:s9], $0x9FFFF;
	_ =	strace $0x90000046  }
0xb8: {  	s29 =	simm.s32 $0x9;
	_ =	strace $0x80000048  }
0xb9: {  	_ =	swait.ge [sflag:s29], $0x1  }
0xba: {  	[sflag:s29] =	ssyncadd.s32 $0xFFFFFFFF  }
0xbb: {  	_ =	strace $0x90000048  }
0xbc: {  	_ =	sfence  }
0xbd: {  	s30 =	sld [smem:$0x0];
	_ =	sdelay $0x2  }
0xbe: {  	s31 =	sshll.u32 s1, $0xD;
	s1 =	sshrl.u32 s1, $0x2  }
0xbf: {  	s3 =	sand.u32 $0x4000, s31;
	s1 =	sadd.s32 s1, s30  }
0xc0: {  	s0 =	sor.u32 s3, s0;
	s1 =	sshll.u32 s1, $0x11  }
0xc1: {  	s0 =	sor.u32 s1, s0  }
0xc2: {  	s0 =	sadd.s32 $0x8F2B, s0  }
0xc3: {  	[sflag:s0] =	ssyncadd.remote.s32 $0x1  }
0xc4: {  	_ =	sfence.sel $0xFFFF  }
0xc5: {  	[dreg:$0x0] =	wrdreg $0xFFFFFFFF;
	(pc) =	sbr.abs _section_cstart, $3  }
0xc6: {  	[dreg:$0x1] =	wrdreg $0xFFFFFFFF  }
0xc7: {  	_ =	task.clear_ibuf [dreg:s9], $0x2FFFF;
	_ =	strace $0x9FFFFFFF  }
0xc8: {  	(tm) =	ssettm $0x7FFFFFFF  }
0xc9: {  	_ =	shalt  }
tec
execute0_lowered:
.L_overlay_start_1:
0x0: {  	(tag) =	ssettag $0x1  }
0x1: {  	s4 =	rddreg [dreg:$0x0]  }
0x2: {  	s0 =	rddreg [dreg:$0x1]  }
0x3: {  	s1 =	rddreg [dreg:$0x2]  }
0x4: {  	s5 =	rddreg [dreg:$0x3]  }
0x5: {  	s2 =	rddreg [dreg:$0x4]  }
0x6: {  	s7 =	rddreg [dreg:$0x5]  }
0x7: {  	s18 =	stileid.u32;
	s6 =	srdreg.scid;
	s3 =	simm.s32 $0x0  }
0x8: {  	s30 =	simm.s32 $0x10080;
	s28 =	simm.s32 $0x5;
	s31 =	simm.s32 $0x9  }
0x9: {  	s8 =	sand.u32 $0x1, s6;
	s9 =	sshrl.u32 s18, $0x3;
	s22 =	sshll.u32 s18, $0x7  }
0xa: {  	[smem:$0x7FF] =	sst s3;
	s24 =	sshll.u32 s18, $0xC;
	s13 =	sshll.u32 s18, $0xF  }
0xb: {  	s10 =	sshll.u32 s8, $0xC;
	s11 =	sshll.u32 s9, $0xB;
	s12 =	sand.u32 $0x380, s22  }
0xc: {  	_ =	strace $0x80000047;
	s25 =	sshll.u32 s8, $0x4;
	s26 =	ssub.s32 $0x2, s8  }
0xd: {  	s29 =	sadd.s32 s13, s2;
	s9 =	sshll.u32 s9, $0xF;
	s23 =	sor.u32 s10, s11  }
0xe: {  	s10 =	sadd.s32 s24, s5;
	s11 =	sor.u32 s18, s25;
	s16 =	sshrl.u32 s26, $0x1  }
0xf: {  	s17 =	sadd.s32 $0x4000, s29;
	s9 =	sadd.s32 s9, s7;
	s24 =	sshll.u32 s18, $0xB  }
0x10: {  	s25 =	smul.u32 $0x27000, s8;
	[dreg:$0x7] =	wrdreg s29;
	s6 =	sor.u32 s12, s23  }
0x11: {  	s14 =	smul.u32 $0x2700, s11;
	s15 =	smin.u32 s11, $0x4;
	s16 =	ssub.s32 s26, s16  }
0x12: {  	[dreg:$0x8] =	wrdreg s17;
	p0 =	slt.u32 s11, $0x4;
	s9 =	sadd.s32 s12, s9  }
0x13: {  	s23 =	sshll.u32 s8, $0x10;
	s7 =	sadd.s32 s24, s7;
	s12 =	simm.s32 $0xC  }
0x14: {  	s6 =	sshrl.u32 s6, $0x3;
	s13 =	sshll.u32 s15, $0x7;
	[dreg:$0xe] =	wrdreg s9  }
0x15: {  	s9 =	sadd.s32 s23, s10;
	[dreg:$0xf] =	wrdreg s7;
	s7 =	simm.s32 $0xF  }
0x16: {  	s23 =	sshll.u32 s15, $0xB;
	s10 =	simm.s32 $0xA;
	s15 =	simm.s32 $0xB  }
0x17: {  	s5 =	sadd.s32 s6, s5;
	s14 =	sadd.s32 s14, s13;
	s6 =	simm.s32 $0x4F  }
0x18: {  	s9 =	sadd.s32 $0x1000, s9;
	s7 =	simm.s32 @!p0 $0xE;
	s19 =	sshll.u32 s14, $0x4  }
0x19: {  	s6 =	simm.s32 @!p0 $0x4E;
	s20 =	sshrl.u32 s14, $0x3;
	[dreg:$0x11] =	wrdreg s9  }
0x1a: {  	s14 =	sadd.s32 $0x80, s14;
	s5 =	sadd.s32 $0xC00, s5;
	[dreg:$0x15] =	wrdreg s7  }
0x1b: {  	s7 =	simm.s32 $0x11600;
	s9 =	simm.s32 $0x6;
	s11 =	sadd.s32 s4, s19  }
0x1c: {  	s17 =	sadd.s32 s0, s20;
	s21 =	sadd.s32 s1, s20;
	[dreg:$0x12] =	wrdreg s5  }
0x1d: {  	s22 =	sshll.u32 s14, $0x4;
	s26 =	sshrl.u32 s14, $0x3;
	[dreg:$0x9] =	wrdreg s11  }
0x1e: {  	s14 =	smul.u32 $0x2700, s18;
	s19 =	smax.u32 s16, $0x1;
	[dreg:$0xa] =	wrdreg s17  }
0x1f: {  	s5 =	simm.s32 $0x10600;
	s16 =	simm.s32 $0x0;
	[dreg:$0xb] =	wrdreg s21  }
0x20: {  	s11 =	sadd.s32 $0x10, s20;
	s17 =	sadd.s32 s4, s22;
	s21 =	smul.u32 $0x270000, s8  }
0x21: {  	[dreg:$0x13] =	wrdreg s19;
	s8 =	simm.s32 $0xE;
	s22 =	smul.u32 $0x27000, s18  }
0x22: {  	[dreg:$0xc] =	wrdreg s17;
	s11 =	sand.u32 $0xFFFFFF0, s11;
	s17 =	sadd.s32 s1, s26  }
0x23: {  	s20 =	sadd.s32 s14, s25;
	s8 =	simm.s32 @!p0 $0xD;
	s14 =	simm.s32 $0x7  }
0x24: {  	s11 =	sadd.s32 s0, s11;
	[dreg:$0x10] =	wrdreg s17;
	s19 =	sadd.s32 s13, s20  }
0x25: {  	[dreg:$0x14] =	wrdreg s8;
	s4 =	sadd.s32 s21, s4;
	s8 =	simm.s32 $0x2  }
0x26: {  	s13 =	simm.s32 $0x3;
	s21 =	simm.s32 $0x4;
	[dreg:$0xd] =	wrdreg s11  }
0x27: {  	s4 =	sadd.s32 s22, s4;
	s24 =	sadd.s32 $0x100, s19;
	s25 =	sshrl.u32 s19, $0x3  }
0x28: {  	s11 =	simm.s32 $0x8000;
	s22 =	simm.s32 $0x8;
	s4 =	sadd.s32 s23, s4  }
0x29: {  	s26 =	sshrl.u32 s24, $0x3;
	s0 =	sadd.s32 s0, s25;
	s4 =	sadd.s32 $0x1000, s4  }
0x2a: {  	s24 =	sshll.u32 s6, $0x7;
	s1 =	sadd.s32 s26, s1;
	[dreg:$0x16] =	wrdreg s4  }
0x2b: {  	s25 =	simm.s32 $0x11;
	s0 =	sadd.s32 $0x20, s0;
	[dreg:$0x17] =	wrdreg s1  }
0x2c: {  	v0 =	vimm.f32 $0.0e+00;
	v1 =	vlaneseq.u32;
	[dreg:$0x18] =	wrdreg s0;
	s0 =	simm.s32 $0x1;
	s1 =	simm.s32 $0x80  }
.LBB2_1:
0x2d: {  	s4 =	simm.s32 $0x0;
	s17 =	simm.s32 $0x200  }
.LBB2_2:
0x2e: {  	p0 =	sne.s32 s17, $0xFE00;
	[tilespmem:s4+$0x70] =	vst v0  }
0x2f: {  	[tilespmem:s4+$0x0] =	vst v0  }
0x30: {  	[tilespmem:s4+$0x10] =	vst v0  }
.Ltmp0:
0x31: {  	[tilespmem:s4+$0x20] =	vst v0;
	(pc) =	sbr.rel @p0 .LBB2_2-.Ltmp0, $4  }
0x32: {  	[tilespmem:s4+$0x30] =	vst v0  }
0x33: {  	[tilespmem:s4+$0x40] =	vst v0  }
0x34: {  	[tilespmem:s4+$0x50] =	vst v0  }
0x35: {  	[tilespmem:s4+$0x60] =	vst v0;
	s4 =	sshra.s32 s17, $0x2;
	s17 =	sadd.s32 $0x200, s17  }
0x36: {  	[tilespmem:s4+$0x70] =	vst v0  }
0x37: {  	[tilespmem:s4+$0x0] =	vst v0  }
0x38: {  	[tilespmem:s4+$0x10] =	vst v0  }
0x39: {  	[tilespmem:s4+$0x20] =	vst v0  }
0x3a: {  	[tilespmem:s4+$0x30] =	vst v0  }
0x3b: {  	[tilespmem:s4+$0x40] =	vst v0  }
0x3c: {  	[tilespmem:s4+$0x50] =	vst v0  }
0x3d: {  	[tilespmem:s4+$0x60] =	vst v0;
	s4 =	simm.s32 $0x40;
	s17 =	simm.s32 $0x0  }
.LBB2_4:
0x3e: {  	p0 =	sne.s32 s4, $0x3FC0;
	[tilespmem:s17+$0x10600] =	vst v0;
	s18 =	smov.u32 s4;
	s4 =	sadd.s32 $0x40, s4  }
.Ltmp1:
0x3f: {  	[tilespmem:s17+$0x11600] =	vst v0;
	(pc) =	sbr.rel @p0 .LBB2_4-.Ltmp1, $2  }
0x40: {  	_ =	sdelay $0x2  }
0x41: {  	s17 =	sshra.s32 s18, $0x2  }
0x42: {  	[tilespmem:s17+$0x10600] =	vst v0  }
0x43: {  	[tilespmem:s17+$0x11600] =	vst v0;
	s18 =	simm.s32 $0x0  }
0x44: {  	[spmem:s29] =	stream.linear.scatter [tilespmem:s18], [sflag:$0x11], $0x4000, $0x38;
	[tilespmem:$0x1C600] =	vst v63  }
0x45: {  	_ =	swait.ge [sflag:s25], $0x4000  }
0x46: {  	[sflag:s25] =	ssyncset.done $0x0  }
0x47: {  	s4 =	rddreg [dreg:$0x8];
	[sflag:s25] =	ssyncadd.s32 $0xFFFFC000  }
0x48: {  	[spmem:s4] =	stream.linear.scatter [tilespmem:s18], [sflag:$0x11], $0x4000, $0x38;
	[tilespmem:$0x1C600] =	vst v63  }
0x49: {  	_ =	swait.ge [sflag:s25], $0x4000  }
0x4a: {  	[sflag:s25] =	ssyncset.done $0x0  }
0x4b: {  	[sflag:s25] =	ssyncadd.s32 $0xFFFFC000  }
0x4c: {  	[bflag:$0x0] =	sbarrier.arrive $0xFFFF  }
0x4d: {  	s17 =	rddreg [dreg:$0x9]  }
0x4e: {  	s20 =	rddreg [dreg:$0xa]  }
0x4f: {  	s26 =	rddreg [dreg:$0xb]  }
0x50: {  	[tilespmem:s18], [sflag:$0x1] =	stream.linear.gather [hbm4b:s17+s18], $0x4000, $0x38;
	[tilespmem:$0x1C600] =	vst v63  }
0x51: {  	s23 =	simm.s32 $0x10000;
	s4 =	rddreg [dreg:$0x16]  }
0x52: {  	[tilespmem:s23], [sflag:$0x5] =	stream.linear.gather [hbm4b:s20+s18], $0x80, $0x38;
	[tilespmem:$0x1C600] =	vst v63  }
0x53: {  	s29 =	simm.s32 $0x10200;
	s17 =	rddreg [dreg:$0xc]  }
0x54: {  	[tilespmem:s29], [sflag:$0x9] =	stream.linear.gather [hbm4b:s26+s18], $0x90, $0x38;
	[tilespmem:$0x1C600] =	vst v63  }
0x55: {  	s20 =	simm.s32 $0x4000;
	s23 =	rddreg [dreg:$0xd]  }
0x56: {  	[tilespmem:s20], [sflag:$0x2] =	stream.linear.gather [hbm4b:s17+s18], $0x4000, $0x38;
	[tilespmem:$0x1C600] =	vst v63  }
.Ltmp2:
0x57: {  	s26 =	rddreg [dreg:$0x10];
	(pc) =	sbr.rel .LBB2_6-.Ltmp2, $4  }
0x58: {  	s17 =	rddreg [dreg:$0x18]  }
0x59: {  	[tilespmem:s30], [sflag:$0x6] =	stream.linear.gather [hbm4b:s23+s18], $0x80, $0x38;
	[tilespmem:$0x1C600] =	vst v63  }
0x5a: {  	s29 =	simm.s32 $0x10300;
	s20 =	simm.s32 $0x2;
	s23 =	rddreg [dreg:$0x17]  }
0x5b: {  	[tilespmem:s29], [sflag:$0xA] =	stream.linear.gather [hbm4b:s26+s18], $0x90, $0x38;
	[tilespmem:$0x1C600] =	vst v63  }
.LBB2_12:
0x5c: {  	s26 =	simm.s32 @!p0 $0xE  }
0x5d: {  	_ =	swait.ge @!p0 [sflag:s26], $0x4000  }
0x5e: {  	p1 =	sge.u32 s20, s6;
	[sflag:s26] =	ssyncset.done @!p0 $0x0  }
0x5f: {  	s29 =	simm.s32 @!p1 $0x4000;
	[sflag:s26] =	ssyncadd.s32 @!p0 $0xFFFFC000;
	s26 =	simm.s32 @!p1 $0x0  }
0x60: {  	[tilespmem:s29], [sflag:$0x2] =	stream.linear.gather @!p1 [hbm4b:s4+s26], $0x4000, $0x38;
	[tilespmem:$0x1C600] =	vst v63  }
0x61: {  	s29 =	simm.s32 @!p1 $0x10080  }
0x62: {  	[tilespmem:s29], [sflag:$0x6] =	stream.linear.gather @!p1 [hbm4b:s17+s26], $0x80, $0x38;
	[tilespmem:$0x1C600] =	vst v63  }
0x63: {  	s29 =	simm.s32 @!p1 $0x10300  }
0x64: {  	[tilespmem:s29], [sflag:$0xA] =	stream.linear.gather @!p1 [hbm4b:s23+s26], $0x90, $0x38;
	[tilespmem:$0x1C600] =	vst v63  }
0x65: {  	_ =	swait.ge [sflag:s21], $0x4000  }
0x66: {  	[sflag:s21] =	ssyncset.done $0x0  }
0x67: {  	[sflag:s21] =	ssyncadd.s32 $0xFFFFC000  }
0x68: {  	_ =	swait.ge [sflag:s22], $0x80  }
0x69: {  	[sflag:s22] =	ssyncset.done $0x0  }
0x6a: {  	[sflag:s22] =	ssyncadd.s32 $0xFFFFFF80  }
0x6b: {  	_ =	swait.ge [sflag:s12], $0x90  }
0x6c: {  	[sflag:s12] =	ssyncset.done $0x0  }
0x6d: {  	s26 =	simm.s32 $0x10180;
	s29 =	simm.s32 $0xC000;
	[sflag:s12] =	ssyncadd.s32 $0xFFFFFF70  }
0x6e: {  	[spmem:s2] =	stream.indirect.scatter.add.f32 [tilespmem:s29], [sflag:$0x10], $0x80, s26, s1, $0xb8;
	[tilespmem:$0x1C600] =	vst v63  }
0x6f: {  	v2 =	vld [tilespmem:$0x10508]  }
0x70: {  	v3 =	vld [tilespmem:$0x10507]  }
0x71: {  	v4 =	vld [tilespmem:$0x10509];
	_ =	sdelay $0x3  }
0x72: {  	vm0 =	vne.s32 v2, v3  }
0x73: {  	s26 =	sadd.s32 s18, s19;
	vm1 =	vne.s32 v2, v4  }
0x74: {  	v3 =	vor.u32 s26, v1  }
0x75: {  	v3 =	vcvt.s32.f32 v3;
	_ =	sdelay $0x1  }
0x76: {  	v56 =	vadd.f32 $1.000000000e+00, v3  }
0x77: {  	[tilespmem:v2+s5+$0x0] =	vst.idx.msk vm0, v3  }
0x78: {  	[tilespmem:v2+s7+$0x0] =	vst.idx.msk vm1, v56  }
0x79: {  	v2 =	vld [tilespmem:$0x10518]  }
0x7a: {  	v3 =	vld [tilespmem:$0x10517]  }
0x7b: {  	v4 =	vld [tilespmem:$0x10519];
	_ =	sdelay $0x3  }
0x7c: {  	vm14 =	vne.s32 v2, v3  }
0x7d: {  	s29 =	sadd.s32 $0x10, s26;
	vm15 =	vne.s32 v2, v4  }
0x7e: {  	v3 =	vor.u32 s29, v1  }
0x7f: {  	v3 =	vcvt.s32.f32 v3;
	_ =	sdelay $0x1  }
0x80: {  	v57 =	vadd.f32 $1.000000000e+00, v3  }
0x81: {  	[tilespmem:v2+s5+$0x0] =	vst.idx.msk vm14, v3  }
0x82: {  	[tilespmem:v2+s7+$0x0] =	vst.idx.msk vm15, v57  }
0x83: {  	v2 =	vld [tilespmem:$0x10528]  }
0x84: {  	v3 =	vld [tilespmem:$0x10527]  }
0x85: {  	v4 =	vld [tilespmem:$0x10529];
	_ =	sdelay $0x3  }
0x86: {  	vm4 =	vne.s32 v2, v3  }
0x87: {  	s29 =	sadd.s32 $0x20, s26;
	vm5 =	vne.s32 v2, v4  }
0x88: {  	v3 =	vor.u32 s29, v1  }
0x89: {  	v3 =	vcvt.s32.f32 v3;
	_ =	sdelay $0x1  }
0x8a: {  	v58 =	vadd.f32 $1.000000000e+00, v3  }
0x8b: {  	[tilespmem:v2+s5+$0x0] =	vst.idx.msk vm4, v3  }
0x8c: {  	[tilespmem:v2+s7+$0x0] =	vst.idx.msk vm5, v58  }
0x8d: {  	v2 =	vld [tilespmem:$0x10538]  }
0x8e: {  	v3 =	vld [tilespmem:$0x10537]  }
0x8f: {  	v4 =	vld [tilespmem:$0x10539];
	_ =	sdelay $0x3  }
0x90: {  	vm6 =	vne.s32 v2, v3  }
0x91: {  	s29 =	sadd.s32 $0x30, s26;
	vm7 =	vne.s32 v2, v4  }
0x92: {  	v3 =	vor.u32 s29, v1  }
0x93: {  	v3 =	vcvt.s32.f32 v3;
	_ =	sdelay $0x1  }
0x94: {  	v59 =	vadd.f32 $1.000000000e+00, v3  }
0x95: {  	[tilespmem:v2+s5+$0x0] =	vst.idx.msk vm6, v3  }
0x96: {  	[tilespmem:v2+s7+$0x0] =	vst.idx.msk vm7, v59  }
0x97: {  	v2 =	vld [tilespmem:$0x10548]  }
0x98: {  	v3 =	vld [tilespmem:$0x10547]  }
0x99: {  	v4 =	vld [tilespmem:$0x10549];
	_ =	sdelay $0x3  }
0x9a: {  	vm8 =	vne.s32 v2, v3  }
0x9b: {  	s29 =	sadd.s32 $0x40, s26;
	vm9 =	vne.s32 v2, v4  }
0x9c: {  	v3 =	vor.u32 s29, v1  }
0x9d: {  	v3 =	vcvt.s32.f32 v3;
	_ =	sdelay $0x1  }
0x9e: {  	v60 =	vadd.f32 $1.000000000e+00, v3  }
0x9f: {  	[tilespmem:v2+s5+$0x0] =	vst.idx.msk vm8, v3  }
0xa0: {  	[tilespmem:v2+s7+$0x0] =	vst.idx.msk vm9, v60  }
0xa1: {  	v2 =	vld [tilespmem:$0x10558]  }
0xa2: {  	v3 =	vld [tilespmem:$0x10557]  }
0xa3: {  	v4 =	vld [tilespmem:$0x10559];
	_ =	sdelay $0x3  }
0xa4: {  	vm10 =	vne.s32 v2, v3  }
0xa5: {  	s29 =	sadd.s32 $0x50, s26;
	vm11 =	vne.s32 v2, v4  }
0xa6: {  	v3 =	vor.u32 s29, v1  }
0xa7: {  	v3 =	vcvt.s32.f32 v3;
	_ =	sdelay $0x1  }
0xa8: {  	v61 =	vadd.f32 $1.000000000e+00, v3  }
0xa9: {  	[tilespmem:v2+s5+$0x0] =	vst.idx.msk vm10, v3  }
0xaa: {  	[tilespmem:v2+s7+$0x0] =	vst.idx.msk vm11, v61  }
0xab: {  	v2 =	vld [tilespmem:$0x10568]  }
0xac: {  	v3 =	vld [tilespmem:$0x10567]  }
0xad: {  	v4 =	vld [tilespmem:$0x10569];
	_ =	sdelay $0x3  }
0xae: {  	vm12 =	vne.s32 v2, v3  }
0xaf: {  	s29 =	sadd.s32 $0x60, s26;
	vm13 =	vne.s32 v2, v4  }
0xb0: {  	v3 =	vor.u32 s29, v1  }
0xb1: {  	v3 =	vcvt.s32.f32 v3;
	_ =	sdelay $0x1  }
0xb2: {  	v62 =	vadd.f32 $1.000000000e+00, v3  }
0xb3: {  	[tilespmem:v2+s5+$0x0] =	vst.idx.msk vm12, v3  }
0xb4: {  	[tilespmem:v2+s7+$0x0] =	vst.idx.msk vm13, v62  }
0xb5: {  	v2 =	vld [tilespmem:$0x10578]  }
0xb6: {  	v3 =	vld [tilespmem:$0x10577]  }
0xb7: {  	v4 =	vld [tilespmem:$0x10579];
	_ =	sdelay $0x3  }
0xb8: {  	vm14 =	vne.s32 v2, v3  }
0xb9: {  	s26 =	sadd.s32 $0x70, s26;
	vm15 =	vne.s32 v2, v4  }
0xba: {  	v3 =	vor.u32 s26, v1  }
0xbb: {  	v3 =	vcvt.s32.f32 v3;
	_ =	sdelay $0x1  }
0xbc: {  	v63 =	vadd.f32 $1.000000000e+00, v3  }
0xbd: {  	[tilespmem:v2+s5+$0x0] =	vst.idx.msk vm14, v3  }
0xbe: {  	[tilespmem:v2+s7+$0x0] =	vst.idx.msk vm15, v63  }
.LBB2_13:
0xbf: {  	s18 =	sadd.s32 $0x80, s18  }
0xc0: {  	p0 =	sne.s32 s24, s18  }
.Ltmp3:
0xc1: {  	_ = 	snop;
	(pc) =	sbr.rel @!p0 .LBB2_14-.Ltmp3, $3  }
0xc2: {  	_ =	sdelay $0x1  }
0xc3: {  	s4 =	sadd.s32 $0x800, s4  }
0xc4: {  	s23 =	sadd.s32 $0x10, s23;
	s17 =	sadd.s32 $0x10, s17;
	s20 =	sadd.s32 $0x1, s20  }
.LBB2_6:
0xc5: {  	s26 =	sadd.s32 $0xFFFFFFFE, s20  }
0xc6: {  	s29 =	sand.u32 $0x3, s26  }
0xc7: {  	p0 =	sgt.s32 s29, $0x1  }
.Ltmp4:
0xc8: {  	_ = 	snop;
	(pc) =	sbr.rel @p0 .LBB2_11-.Ltmp4, $1  }
0xc9: {  	_ =	sdelay $0x3  }
0xca: {  	p0 =	seq.s32 s29, $0x0  }
.Ltmp5:
0xcb: {  	_ = 	snop;
	(pc) =	sbr.rel @!p0 .LBB2_9-.Ltmp5, $1  }
0xcc: {  	_ =	sdelay $0x3  }
0xcd: {  	p0 =	slt.u32 s26, $0x2  }
0xce: {  	s26 =	simm.s32 @!p0 $0xF  }
0xcf: {  	_ =	swait.ge @!p0 [sflag:s26], $0x4000  }
0xd0: {  	p1 =	sge.u32 s20, s6;
	[sflag:s26] =	ssyncset.done @!p0 $0x0  }
0xd1: {  	s29 =	simm.s32 @!p1 $0x8000;
	[sflag:s26] =	ssyncadd.s32 @!p0 $0xFFFFC000;
	s26 =	simm.s32 @!p1 $0x0  }
0xd2: {  	[tilespmem:s29], [sflag:$0x3] =	stream.linear.gather @!p1 [hbm4b:s4+s26], $0x4000, $0x38;
	[tilespmem:$0x1C600] =	vst v63  }
0xd3: {  	s29 =	simm.s32 @!p1 $0x10100  }
0xd4: {  	[tilespmem:s29], [sflag:$0x7] =	stream.linear.gather @!p1 [hbm4b:s17+s26], $0x80, $0x38;
	[tilespmem:$0x1C600] =	vst v63  }
0xd5: {  	s29 =	simm.s32 @!p1 $0x10400  }
0xd6: {  	[tilespmem:s29], [sflag:$0xB] =	stream.linear.gather @!p1 [hbm4b:s23+s26], $0x90, $0x38;
	[tilespmem:$0x1C600] =	vst v63  }
0xd7: {  	_ =	swait.ge [sflag:s0], $0x4000  }
0xd8: {  	[sflag:s0] =	ssyncset.done $0x0  }
0xd9: {  	[sflag:s0] =	ssyncadd.s32 $0xFFFFC000  }
0xda: {  	_ =	swait.ge [sflag:s28], $0x80  }
0xdb: {  	[sflag:s28] =	ssyncset.done $0x0  }
0xdc: {  	[sflag:s28] =	ssyncadd.s32 $0xFFFFFF80  }
0xdd: {  	_ =	swait.ge [sflag:s31], $0x90  }
0xde: {  	[sflag:s31] =	ssyncset.done $0x0  }
0xdf: {  	s29 =	simm.s32 $0x10000;
	[sflag:s31] =	ssyncadd.s32 $0xFFFFFF70  }
0xe0: {  	[spmem:s2] =	stream.indirect.scatter.add.f32 [tilespmem:s3], [sflag:$0xD], $0x80, s29, s1, $0xb8;
	[tilespmem:$0x1C600] =	vst v63  }
0xe1: {  	v2 =	vld [tilespmem:$0x10208]  }
0xe2: {  	v3 =	vld [tilespmem:$0x10207]  }
0xe3: {  	v4 =	vld [tilespmem:$0x10209];
	_ =	sdelay $0x3  }
0xe4: {  	vm0 =	vne.s32 v2, v3  }
0xe5: {  	s26 =	sadd.s32 s18, s19;
	vm1 =	vne.s32 v2, v4  }
0xe6: {  	v3 =	vor.u32 s26, v1  }
0xe7: {  	v3 =	vcvt.s32.f32 v3;
	_ =	sdelay $0x1  }
0xe8: {  	v56 =	vadd.f32 $1.000000000e+00, v3  }
0xe9: {  	[tilespmem:v2+s5+$0x0] =	vst.idx.msk vm0, v3  }
0xea: {  	[tilespmem:v2+s7+$0x0] =	vst.idx.msk vm1, v56  }
0xeb: {  	v2 =	vld [tilespmem:$0x10218]  }
0xec: {  	v3 =	vld [tilespmem:$0x10217]  }
0xed: {  	v4 =	vld [tilespmem:$0x10219];
	_ =	sdelay $0x3  }
0xee: {  	vm14 =	vne.s32 v2, v3  }
0xef: {  	s29 =	sadd.s32 $0x10, s26;
	vm15 =	vne.s32 v2, v4  }
0xf0: {  	v3 =	vor.u32 s29, v1  }
0xf1: {  	v3 =	vcvt.s32.f32 v3;
	_ =	sdelay $0x1  }
0xf2: {  	v57 =	vadd.f32 $1.000000000e+00, v3  }
0xf3: {  	[tilespmem:v2+s5+$0x0] =	vst.idx.msk vm14, v3  }
0xf4: {  	[tilespmem:v2+s7+$0x0] =	vst.idx.msk vm15, v57  }
0xf5: {  	v2 =	vld [tilespmem:$0x10228]  }
0xf6: {  	v3 =	vld [tilespmem:$0x10227]  }
0xf7: {  	v4 =	vld [tilespmem:$0x10229];
	_ =	sdelay $0x3  }
0xf8: {  	vm4 =	vne.s32 v2, v3  }
0xf9: {  	s29 =	sadd.s32 $0x20, s26;
	vm5 =	vne.s32 v2, v4  }
0xfa: {  	v3 =	vor.u32 s29, v1  }
0xfb: {  	v3 =	vcvt.s32.f32 v3;
	_ =	sdelay $0x1  }
0xfc: {  	v58 =	vadd.f32 $1.000000000e+00, v3  }
0xfd: {  	[tilespmem:v2+s5+$0x0] =	vst.idx.msk vm4, v3  }
0xfe: {  	[tilespmem:v2+s7+$0x0] =	vst.idx.msk vm5, v58  }
0xff: {  	v2 =	vld [tilespmem:$0x10238]  }
0x100: {  	v3 =	vld [tilespmem:$0x10237]  }
0x101: {  	v4 =	vld [tilespmem:$0x10239];
	_ =	sdelay $0x3  }
0x102: {  	vm6 =	vne.s32 v2, v3  }
0x103: {  	s29 =	sadd.s32 $0x30, s26;
	vm7 =	vne.s32 v2, v4  }
0x104: {  	v3 =	vor.u32 s29, v1  }
0x105: {  	v3 =	vcvt.s32.f32 v3;
	_ =	sdelay $0x1  }
0x106: {  	v59 =	vadd.f32 $1.000000000e+00, v3  }
0x107: {  	[tilespmem:v2+s5+$0x0] =	vst.idx.msk vm6, v3  }
0x108: {  	[tilespmem:v2+s7+$0x0] =	vst.idx.msk vm7, v59  }
0x109: {  	v2 =	vld [tilespmem:$0x10248]  }
0x10a: {  	v3 =	vld [tilespmem:$0x10247]  }
0x10b: {  	v4 =	vld [tilespmem:$0x10249];
	_ =	sdelay $0x3  }
0x10c: {  	vm8 =	vne.s32 v2, v3  }
0x10d: {  	s29 =	sadd.s32 $0x40, s26;
	vm9 =	vne.s32 v2, v4  }
0x10e: {  	v3 =	vor.u32 s29, v1  }
0x10f: {  	v3 =	vcvt.s32.f32 v3;
	_ =	sdelay $0x1  }
0x110: {  	v60 =	vadd.f32 $1.000000000e+00, v3  }
0x111: {  	[tilespmem:v2+s5+$0x0] =	vst.idx.msk vm8, v3  }
0x112: {  	[tilespmem:v2+s7+$0x0] =	vst.idx.msk vm9, v60  }
0x113: {  	v2 =	vld [tilespmem:$0x10258]  }
0x114: {  	v3 =	vld [tilespmem:$0x10257]  }
0x115: {  	v4 =	vld [tilespmem:$0x10259];
	_ =	sdelay $0x3  }
0x116: {  	vm10 =	vne.s32 v2, v3  }
0x117: {  	s29 =	sadd.s32 $0x50, s26;
	vm11 =	vne.s32 v2, v4  }
0x118: {  	v3 =	vor.u32 s29, v1  }
0x119: {  	v3 =	vcvt.s32.f32 v3;
	_ =	sdelay $0x1  }
0x11a: {  	v61 =	vadd.f32 $1.000000000e+00, v3  }
0x11b: {  	[tilespmem:v2+s5+$0x0] =	vst.idx.msk vm10, v3  }
0x11c: {  	[tilespmem:v2+s7+$0x0] =	vst.idx.msk vm11, v61  }
0x11d: {  	v2 =	vld [tilespmem:$0x10268]  }
0x11e: {  	v3 =	vld [tilespmem:$0x10267]  }
0x11f: {  	v4 =	vld [tilespmem:$0x10269];
	_ =	sdelay $0x3  }
0x120: {  	vm12 =	vne.s32 v2, v3  }
0x121: {  	s29 =	sadd.s32 $0x60, s26;
	vm13 =	vne.s32 v2, v4  }
0x122: {  	v3 =	vor.u32 s29, v1  }
0x123: {  	v3 =	vcvt.s32.f32 v3;
	_ =	sdelay $0x1  }
0x124: {  	v62 =	vadd.f32 $1.000000000e+00, v3  }
0x125: {  	[tilespmem:v2+s5+$0x0] =	vst.idx.msk vm12, v3  }
0x126: {  	[tilespmem:v2+s7+$0x0] =	vst.idx.msk vm13, v62  }
0x127: {  	v2 =	vld [tilespmem:$0x10278]  }
0x128: {  	v3 =	vld [tilespmem:$0x10277]  }
0x129: {  	v4 =	vld [tilespmem:$0x10279];
	_ =	sdelay $0x3  }
0x12a: {  	vm14 =	vne.s32 v2, v3  }
0x12b: {  	s26 =	sadd.s32 $0x70, s26;
	vm15 =	vne.s32 v2, v4  }
0x12c: {  	v3 =	vor.u32 s26, v1  }
.Ltmp6:
0x12d: {  	v3 =	vcvt.s32.f32 v3;
	(pc) =	sbr.rel .LBB2_13-.Ltmp6, $4  }
0x12e: {  	_ = 	snop  }
0x12f: {  	v63 =	vadd.f32 $1.000000000e+00, v3  }
0x130: {  	[tilespmem:v2+s5+$0x0] =	vst.idx.msk vm14, v3  }
0x131: {  	[tilespmem:v2+s7+$0x0] =	vst.idx.msk vm15, v63  }
.LBB2_11:
0x132: {  	p1 =	seq.s32 s29, $0x2  }
.Ltmp7:
0x133: {  	_ = 	snop;
	(pc) =	sbr.rel @!p1 .LBB2_12-.Ltmp7, $2  }
0x134: {  	_ =	sdelay $0x2  }
0x135: {  	p0 =	slt.u32 s26, $0x2  }
0x136: {  	s26 =	simm.s32 @!p0 $0xD  }
0x137: {  	_ =	swait.ge @!p0 [sflag:s26], $0x4000  }
0x138: {  	p1 =	sge.u32 s20, s6;
	[sflag:s26] =	ssyncset.done @!p0 $0x0  }
0x139: {  	[sflag:s26] =	ssyncadd.s32 @!p0 $0xFFFFC000;
	s26 =	simm.s32 @!p1 $0x0  }
0x13a: {  	[tilespmem:s26], [sflag:$0x1] =	stream.linear.gather @!p1 [hbm4b:s4+s26], $0x4000, $0x38;
	[tilespmem:$0x1C600] =	vst v63  }
0x13b: {  	s29 =	simm.s32 @!p1 $0x10000  }
0x13c: {  	[tilespmem:s29], [sflag:$0x5] =	stream.linear.gather @!p1 [hbm4b:s17+s26], $0x80, $0x38;
	[tilespmem:$0x1C600] =	vst v63  }
0x13d: {  	s29 =	simm.s32 @!p1 $0x10200  }
0x13e: {  	[tilespmem:s29], [sflag:$0x9] =	stream.linear.gather @!p1 [hbm4b:s23+s26], $0x90, $0x38;
	[tilespmem:$0x1C600] =	vst v63  }
0x13f: {  	_ =	swait.ge [sflag:s13], $0x4000  }
0x140: {  	[sflag:s13] =	ssyncset.done $0x0  }
0x141: {  	[sflag:s13] =	ssyncadd.s32 $0xFFFFC000  }
0x142: {  	_ =	swait.ge [sflag:s14], $0x80  }
0x143: {  	[sflag:s14] =	ssyncset.done $0x0  }
0x144: {  	[sflag:s14] =	ssyncadd.s32 $0xFFFFFF80  }
0x145: {  	_ =	swait.ge [sflag:s15], $0x90  }
0x146: {  	[sflag:s15] =	ssyncset.done $0x0  }
0x147: {  	s29 =	simm.s32 $0x10100;
	[sflag:s15] =	ssyncadd.s32 $0xFFFFFF70  }
0x148: {  	[spmem:s2] =	stream.indirect.scatter.add.f32 [tilespmem:s11], [sflag:$0xF], $0x80, s29, s1, $0xb8;
	[tilespmem:$0x1C600] =	vst v63  }
0x149: {  	v2 =	vld [tilespmem:$0x10408]  }
0x14a: {  	v3 =	vld [tilespmem:$0x10407]  }
0x14b: {  	v4 =	vld [tilespmem:$0x10409];
	_ =	sdelay $0x3  }
0x14c: {  	vm0 =	vne.s32 v2, v3  }
0x14d: {  	s26 =	sadd.s32 s18, s19;
	vm1 =	vne.s32 v2, v4  }
0x14e: {  	v3 =	vor.u32 s26, v1  }
0x14f: {  	v3 =	vcvt.s32.f32 v3;
	_ =	sdelay $0x1  }
0x150: {  	v56 =	vadd.f32 $1.000000000e+00, v3  }
0x151: {  	[tilespmem:v2+s5+$0x0] =	vst.idx.msk vm0, v3  }
0x152: {  	[tilespmem:v2+s7+$0x0] =	vst.idx.msk vm1, v56  }
0x153: {  	v2 =	vld [tilespmem:$0x10418]  }
0x154: {  	v3 =	vld [tilespmem:$0x10417]  }
0x155: {  	v4 =	vld [tilespmem:$0x10419];
	_ =	sdelay $0x3  }
0x156: {  	vm14 =	vne.s32 v2, v3  }
0x157: {  	s29 =	sadd.s32 $0x10, s26;
	vm15 =	vne.s32 v2, v4  }
0x158: {  	v3 =	vor.u32 s29, v1  }
0x159: {  	v3 =	vcvt.s32.f32 v3;
	_ =	sdelay $0x1  }
0x15a: {  	v57 =	vadd.f32 $1.000000000e+00, v3  }
0x15b: {  	[tilespmem:v2+s5+$0x0] =	vst.idx.msk vm14, v3  }
0x15c: {  	[tilespmem:v2+s7+$0x0] =	vst.idx.msk vm15, v57  }
0x15d: {  	v2 =	vld [tilespmem:$0x10428]  }
0x15e: {  	v3 =	vld [tilespmem:$0x10427]  }
0x15f: {  	v4 =	vld [tilespmem:$0x10429];
	_ =	sdelay $0x3  }
0x160: {  	vm4 =	vne.s32 v2, v3  }
0x161: {  	s29 =	sadd.s32 $0x20, s26;
	vm5 =	vne.s32 v2, v4  }
0x162: {  	v3 =	vor.u32 s29, v1  }
0x163: {  	v3 =	vcvt.s32.f32 v3;
	_ =	sdelay $0x1  }
0x164: {  	v58 =	vadd.f32 $1.000000000e+00, v3  }
0x165: {  	[tilespmem:v2+s5+$0x0] =	vst.idx.msk vm4, v3  }
0x166: {  	[tilespmem:v2+s7+$0x0] =	vst.idx.msk vm5, v58  }
0x167: {  	v2 =	vld [tilespmem:$0x10438]  }
0x168: {  	v3 =	vld [tilespmem:$0x10437]  }
0x169: {  	v4 =	vld [tilespmem:$0x10439];
	_ =	sdelay $0x3  }
0x16a: {  	vm6 =	vne.s32 v2, v3  }
0x16b: {  	s29 =	sadd.s32 $0x30, s26;
	vm7 =	vne.s32 v2, v4  }
0x16c: {  	v3 =	vor.u32 s29, v1  }
0x16d: {  	v3 =	vcvt.s32.f32 v3;
	_ =	sdelay $0x1  }
0x16e: {  	v59 =	vadd.f32 $1.000000000e+00, v3  }
0x16f: {  	[tilespmem:v2+s5+$0x0] =	vst.idx.msk vm6, v3  }
0x170: {  	[tilespmem:v2+s7+$0x0] =	vst.idx.msk vm7, v59  }
0x171: {  	v2 =	vld [tilespmem:$0x10448]  }
0x172: {  	v3 =	vld [tilespmem:$0x10447]  }
0x173: {  	v4 =	vld [tilespmem:$0x10449];
	_ =	sdelay $0x3  }
0x174: {  	vm8 =	vne.s32 v2, v3  }
0x175: {  	s29 =	sadd.s32 $0x40, s26;
	vm9 =	vne.s32 v2, v4  }
0x176: {  	v3 =	vor.u32 s29, v1  }
0x177: {  	v3 =	vcvt.s32.f32 v3;
	_ =	sdelay $0x1  }
0x178: {  	v60 =	vadd.f32 $1.000000000e+00, v3  }
0x179: {  	[tilespmem:v2+s5+$0x0] =	vst.idx.msk vm8, v3  }
0x17a: {  	[tilespmem:v2+s7+$0x0] =	vst.idx.msk vm9, v60  }
0x17b: {  	v2 =	vld [tilespmem:$0x10458]  }
0x17c: {  	v3 =	vld [tilespmem:$0x10457]  }
0x17d: {  	v4 =	vld [tilespmem:$0x10459];
	_ =	sdelay $0x3  }
0x17e: {  	vm10 =	vne.s32 v2, v3  }
0x17f: {  	s29 =	sadd.s32 $0x50, s26;
	vm11 =	vne.s32 v2, v4  }
0x180: {  	v3 =	vor.u32 s29, v1  }
0x181: {  	v3 =	vcvt.s32.f32 v3;
	_ =	sdelay $0x1  }
0x182: {  	v61 =	vadd.f32 $1.000000000e+00, v3  }
0x183: {  	[tilespmem:v2+s5+$0x0] =	vst.idx.msk vm10, v3  }
0x184: {  	[tilespmem:v2+s7+$0x0] =	vst.idx.msk vm11, v61  }
0x185: {  	v2 =	vld [tilespmem:$0x10468]  }
0x186: {  	v3 =	vld [tilespmem:$0x10467]  }
0x187: {  	v4 =	vld [tilespmem:$0x10469];
	_ =	sdelay $0x3  }
0x188: {  	vm12 =	vne.s32 v2, v3  }
0x189: {  	s29 =	sadd.s32 $0x60, s26;
	vm13 =	vne.s32 v2, v4  }
0x18a: {  	v3 =	vor.u32 s29, v1  }
0x18b: {  	v3 =	vcvt.s32.f32 v3;
	_ =	sdelay $0x1  }
0x18c: {  	v62 =	vadd.f32 $1.000000000e+00, v3  }
0x18d: {  	[tilespmem:v2+s5+$0x0] =	vst.idx.msk vm12, v3  }
0x18e: {  	[tilespmem:v2+s7+$0x0] =	vst.idx.msk vm13, v62  }
0x18f: {  	v2 =	vld [tilespmem:$0x10478]  }
0x190: {  	v3 =	vld [tilespmem:$0x10477]  }
0x191: {  	v4 =	vld [tilespmem:$0x10479];
	_ =	sdelay $0x3  }
0x192: {  	vm14 =	vne.s32 v2, v3  }
0x193: {  	s26 =	sadd.s32 $0x70, s26;
	vm15 =	vne.s32 v2, v4  }
0x194: {  	v3 =	vor.u32 s26, v1  }
.Ltmp8:
0x195: {  	v3 =	vcvt.s32.f32 v3;
	(pc) =	sbr.rel .LBB2_13-.Ltmp8, $4  }
0x196: {  	_ = 	snop  }
0x197: {  	v63 =	vadd.f32 $1.000000000e+00, v3  }
0x198: {  	[tilespmem:v2+s5+$0x0] =	vst.idx.msk vm14, v3  }
0x199: {  	[tilespmem:v2+s7+$0x0] =	vst.idx.msk vm15, v63  }
.LBB2_9:
0x19a: {  	p0 =	slt.u32 s26, $0x2  }
0x19b: {  	s26 =	simm.s32 @!p0 $0x10  }
0x19c: {  	_ =	swait.ge @!p0 [sflag:s26], $0x4000  }
0x19d: {  	p1 =	sge.u32 s20, s6;
	[sflag:s26] =	ssyncset.done @!p0 $0x0  }
0x19e: {  	s29 =	simm.s32 @!p1 $0xC000;
	[sflag:s26] =	ssyncadd.s32 @!p0 $0xFFFFC000;
	s26 =	simm.s32 @!p1 $0x0  }
0x19f: {  	[tilespmem:s29], [sflag:$0x4] =	stream.linear.gather @!p1 [hbm4b:s4+s26], $0x4000, $0x38;
	[tilespmem:$0x1C600] =	vst v63  }
0x1a0: {  	s29 =	simm.s32 @!p1 $0x10180  }
0x1a1: {  	[tilespmem:s29], [sflag:$0x8] =	stream.linear.gather @!p1 [hbm4b:s17+s26], $0x80, $0x38;
	[tilespmem:$0x1C600] =	vst v63  }
0x1a2: {  	s29 =	simm.s32 @!p1 $0x10500  }
0x1a3: {  	[tilespmem:s29], [sflag:$0xC] =	stream.linear.gather @!p1 [hbm4b:s23+s26], $0x90, $0x38;
	[tilespmem:$0x1C600] =	vst v63  }
0x1a4: {  	_ =	swait.ge [sflag:s8], $0x4000  }
0x1a5: {  	[sflag:s8] =	ssyncset.done $0x0  }
0x1a6: {  	[sflag:s8] =	ssyncadd.s32 $0xFFFFC000  }
0x1a7: {  	_ =	swait.ge [sflag:s9], $0x80  }
0x1a8: {  	[sflag:s9] =	ssyncset.done $0x0  }
0x1a9: {  	[sflag:s9] =	ssyncadd.s32 $0xFFFFFF80  }
0x1aa: {  	_ =	swait.ge [sflag:s10], $0x90  }
0x1ab: {  	[sflag:s10] =	ssyncset.done $0x0  }
0x1ac: {  	s29 =	simm.s32 $0x4000;
	[sflag:s10] =	ssyncadd.s32 $0xFFFFFF70  }
0x1ad: {  	[spmem:s2] =	stream.indirect.scatter.add.f32 [tilespmem:s29], [sflag:$0xE], $0x80, s30, s1, $0xb8;
	[tilespmem:$0x1C600] =	vst v63  }
0x1ae: {  	v2 =	vld [tilespmem:$0x10308]  }
0x1af: {  	v3 =	vld [tilespmem:$0x10307]  }
0x1b0: {  	v4 =	vld [tilespmem:$0x10309];
	_ =	sdelay $0x3  }
0x1b1: {  	vm0 =	vne.s32 v2, v3  }
0x1b2: {  	s26 =	sadd.s32 s18, s19;
	vm1 =	vne.s32 v2, v4  }
0x1b3: {  	v3 =	vor.u32 s26, v1  }
0x1b4: {  	v3 =	vcvt.s32.f32 v3;
	_ =	sdelay $0x1  }
0x1b5: {  	v56 =	vadd.f32 $1.000000000e+00, v3  }
0x1b6: {  	[tilespmem:v2+s5+$0x0] =	vst.idx.msk vm0, v3  }
0x1b7: {  	[tilespmem:v2+s7+$0x0] =	vst.idx.msk vm1, v56  }
0x1b8: {  	v2 =	vld [tilespmem:$0x10318]  }
0x1b9: {  	v3 =	vld [tilespmem:$0x10317]  }
0x1ba: {  	v4 =	vld [tilespmem:$0x10319];
	_ =	sdelay $0x3  }
0x1bb: {  	vm14 =	vne.s32 v2, v3  }
0x1bc: {  	s29 =	sadd.s32 $0x10, s26;
	vm15 =	vne.s32 v2, v4  }
0x1bd: {  	v3 =	vor.u32 s29, v1  }
0x1be: {  	v3 =	vcvt.s32.f32 v3;
	_ =	sdelay $0x1  }
0x1bf: {  	v57 =	vadd.f32 $1.000000000e+00, v3  }
0x1c0: {  	[tilespmem:v2+s5+$0x0] =	vst.idx.msk vm14, v3  }
0x1c1: {  	[tilespmem:v2+s7+$0x0] =	vst.idx.msk vm15, v57  }
0x1c2: {  	v2 =	vld [tilespmem:$0x10328]  }
0x1c3: {  	v3 =	vld [tilespmem:$0x10327]  }
0x1c4: {  	v4 =	vld [tilespmem:$0x10329];
	_ =	sdelay $0x3  }
0x1c5: {  	vm4 =	vne.s32 v2, v3  }
0x1c6: {  	s29 =	sadd.s32 $0x20, s26;
	vm5 =	vne.s32 v2, v4  }
0x1c7: {  	v3 =	vor.u32 s29, v1  }
0x1c8: {  	v3 =	vcvt.s32.f32 v3;
	_ =	sdelay $0x1  }
0x1c9: {  	v58 =	vadd.f32 $1.000000000e+00, v3  }
0x1ca: {  	[tilespmem:v2+s5+$0x0] =	vst.idx.msk vm4, v3  }
0x1cb: {  	[tilespmem:v2+s7+$0x0] =	vst.idx.msk vm5, v58  }
0x1cc: {  	v2 =	vld [tilespmem:$0x10338]  }
0x1cd: {  	v3 =	vld [tilespmem:$0x10337]  }
0x1ce: {  	v4 =	vld [tilespmem:$0x10339];
	_ =	sdelay $0x3  }
0x1cf: {  	vm6 =	vne.s32 v2, v3  }
0x1d0: {  	s29 =	sadd.s32 $0x30, s26;
	vm7 =	vne.s32 v2, v4  }
0x1d1: {  	v3 =	vor.u32 s29, v1  }
0x1d2: {  	v3 =	vcvt.s32.f32 v3;
	_ =	sdelay $0x1  }
0x1d3: {  	v59 =	vadd.f32 $1.000000000e+00, v3  }
0x1d4: {  	[tilespmem:v2+s5+$0x0] =	vst.idx.msk vm6, v3  }
0x1d5: {  	[tilespmem:v2+s7+$0x0] =	vst.idx.msk vm7, v59  }
0x1d6: {  	v2 =	vld [tilespmem:$0x10348]  }
0x1d7: {  	v3 =	vld [tilespmem:$0x10347]  }
0x1d8: {  	v4 =	vld [tilespmem:$0x10349];
	_ =	sdelay $0x3  }
0x1d9: {  	vm8 =	vne.s32 v2, v3  }
0x1da: {  	s29 =	sadd.s32 $0x40, s26;
	vm9 =	vne.s32 v2, v4  }
0x1db: {  	v3 =	vor.u32 s29, v1  }
0x1dc: {  	v3 =	vcvt.s32.f32 v3;
	_ =	sdelay $0x1  }
0x1dd: {  	v60 =	vadd.f32 $1.000000000e+00, v3  }
0x1de: {  	[tilespmem:v2+s5+$0x0] =	vst.idx.msk vm8, v3  }
0x1df: {  	[tilespmem:v2+s7+$0x0] =	vst.idx.msk vm9, v60  }
0x1e0: {  	v2 =	vld [tilespmem:$0x10358]  }
0x1e1: {  	v3 =	vld [tilespmem:$0x10357]  }
0x1e2: {  	v4 =	vld [tilespmem:$0x10359];
	_ =	sdelay $0x3  }
0x1e3: {  	vm10 =	vne.s32 v2, v3  }
0x1e4: {  	s29 =	sadd.s32 $0x50, s26;
	vm11 =	vne.s32 v2, v4  }
0x1e5: {  	v3 =	vor.u32 s29, v1  }
0x1e6: {  	v3 =	vcvt.s32.f32 v3;
	_ =	sdelay $0x1  }
0x1e7: {  	v61 =	vadd.f32 $1.000000000e+00, v3  }
0x1e8: {  	[tilespmem:v2+s5+$0x0] =	vst.idx.msk vm10, v3  }
0x1e9: {  	[tilespmem:v2+s7+$0x0] =	vst.idx.msk vm11, v61  }
0x1ea: {  	v2 =	vld [tilespmem:$0x10368]  }
0x1eb: {  	v3 =	vld [tilespmem:$0x10367]  }
0x1ec: {  	v4 =	vld [tilespmem:$0x10369];
	_ =	sdelay $0x3  }
0x1ed: {  	vm12 =	vne.s32 v2, v3  }
0x1ee: {  	s29 =	sadd.s32 $0x60, s26;
	vm13 =	vne.s32 v2, v4  }
0x1ef: {  	v3 =	vor.u32 s29, v1  }
0x1f0: {  	v3 =	vcvt.s32.f32 v3;
	_ =	sdelay $0x1  }
0x1f1: {  	v62 =	vadd.f32 $1.000000000e+00, v3  }
0x1f2: {  	[tilespmem:v2+s5+$0x0] =	vst.idx.msk vm12, v3  }
0x1f3: {  	[tilespmem:v2+s7+$0x0] =	vst.idx.msk vm13, v62  }
0x1f4: {  	v2 =	vld [tilespmem:$0x10378]  }
0x1f5: {  	v3 =	vld [tilespmem:$0x10377]  }
0x1f6: {  	v4 =	vld [tilespmem:$0x10379];
	_ =	sdelay $0x3  }
0x1f7: {  	vm14 =	vne.s32 v2, v3  }
0x1f8: {  	s26 =	sadd.s32 $0x70, s26;
	vm15 =	vne.s32 v2, v4  }
0x1f9: {  	v3 =	vor.u32 s26, v1  }
.Ltmp9:
0x1fa: {  	v3 =	vcvt.s32.f32 v3;
	(pc) =	sbr.rel .LBB2_13-.Ltmp9, $4  }
0x1fb: {  	_ = 	snop  }
0x1fc: {  	v63 =	vadd.f32 $1.000000000e+00, v3  }
0x1fd: {  	[tilespmem:v2+s5+$0x0] =	vst.idx.msk vm14, v3  }
0x1fe: {  	[tilespmem:v2+s7+$0x0] =	vst.idx.msk vm15, v63  }
.LBB2_14:
0x1ff: {  	s4 =	rddreg [dreg:$0x14]  }
0x200: {  	_ =	swait.ge [sflag:s4], $0x4000  }
0x201: {  	[sflag:s4] =	ssyncset.done $0x0  }
0x202: {  	s29 =	rddreg [dreg:$0x15];
	[sflag:s4] =	ssyncadd.s32 $0xFFFFC000  }
0x203: {  	_ =	swait.ge [sflag:s29], $0x4000  }
0x204: {  	[sflag:s29] =	ssyncset.done $0x0  }
0x205: {  	s4 =	simm.s32 $0x0;
	[sflag:s29] =	ssyncadd.s32 $0xFFFFC000  }
0x206: {  	s17 =	simm.s32 $0x40;
	v2 =	vld [tilespmem:s4+$0x10600]  }
.LBB2_15:
0x207: {  	p0 =	sne.s32 s17, $0x3FC0;
	v3 =	vld [tilespmem:s4+$0x11600];
	_ =	sdelay $0x2  }
.Ltmp10:
0x208: {  	(pc) =	sbr.rel @p0 .LBB2_15-.Ltmp10, $4  }
0x209: {  	_ = 	snop  }
0x20a: {  	v3 =	vsub.f32 v3, v2  }
0x20b: {  	s18 =	sshra.s32 s17, $0x2  }
0x20c: {  	s17 =	sadd.s32 $0x40, s17;
	v2 =	vld [tilespmem:s18+$0x10600];
	[tilespmem:s4+$0x11600] =	vst v3;
	s4 =	smov.u32 s18  }
0x20d: {  	v3 =	vld [tilespmem:s4+$0x11600];
	_ =	sdelay $0x4  }
0x20e: {  	v2 =	vsub.f32 v3, v2;
	_ =	sdelay $0x1  }
0x20f: {  	s20 =	rddreg [dreg:$0xe];
	s17 =	simm.s32 $0x400;
	[tilespmem:s4+$0x11600] =	vst v2  }
0x210: {  	[spmem:s20] =	stream.strided.scatter [tilespmem:s7], [sflag:$0x11], $0x1000, s17, s1, $0x38;
	[tilespmem:$0x1C600] =	vst v63  }
0x211: {  	_ =	swait.ge [sflag:s25], $0x1000  }
0x212: {  	[sflag:s25] =	ssyncset.done $0x0  }
0x213: {  	[sflag:s25] =	ssyncadd.s32 $0xFFFFF000  }
0x214: {  	s23 =	stileid.u32;
	[bflag:$0x0] =	sbarrier.arrive $0xFFFF  }
0x215: {  	s4 =	sshll.u32 s23, $0x6;
	s29 =	rddreg [dreg:$0x7]  }
0x216: {  	s4 =	sor.u32 $0x1C11, s4;
	s18 =	rddreg [dreg:$0x11];
	s26 =	sshrl.u32 s29, $0x3  }
0x217: {  	[hbm:s18], [sflag:s4] =	dma.local [spmem:s26], $0x1000  }
0x218: {  	_ =	swait.ge [sflag:s25], $0x1000  }
0x219: {  	s23 =	simm.s32 $0x800;
	[sflag:s25] =	ssyncset.done $0x0  }
0x21a: {  	s26 =	simm.s32 $0x12600;
	s20 =	rddreg [dreg:$0xf];
	[sflag:s25] =	ssyncadd.s32 $0xFFFFF000  }
0x21b: {  	[tilespmem:s26], [sflag:$0x11] =	stream.strided.gather [spmem:s20], $0x1000, s11, s23, $0x38;
	[tilespmem:$0x1C600] =	vst v63  }
0x21c: {  	s20 =	simm.s32 $0x0  }
0x21d: {  	_ =	swait.ge [sflag:s25], $0x1000;
	s23 =	sand.u32 $0x70, s20;
	s26 =	sand.u32 $0x400, s20  }
0x21e: {  	[sflag:s25] =	ssyncset.done $0x0;
	s4 =	sor.u32 s23, s26  }
0x21f: {  	[sflag:s25] =	ssyncadd.s32 $0xFFFFF000;
	s18 =	sadd.s32 $0x12600, s4  }
0x220: {  	v2 =	vld [tilespmem:s18+$0x80]  }
0x221: {  	v3 =	vld [tilespmem:s4+$0x12600];
	_ =	sdelay $0x1  }
0x222: {  	v4 =	vld [tilespmem:s18+$0x100];
	_ =	sdelay $0x1  }
0x223: {  	v5 =	vld [tilespmem:s18+$0x180]  }
0x224: {  	v2 =	vadd.f32 v2, v3  }
0x225: {  	v3 =	vld [tilespmem:s18+$0x200]  }
0x226: {  	v2 =	vadd.f32 v4, v2  }
0x227: {  	v56 =	vld [tilespmem:s18+$0x280]  }
0x228: {  	v2 =	vadd.f32 v5, v2  }
0x229: {  	s17 =	sor.u32 s20, s20;
	v57 =	vld [tilespmem:s18+$0x300]  }
0x22a: {  	s17 =	sor.u32 $0x380, s17;
	v2 =	vadd.f32 v3, v2  }
0x22b: {  	v3 =	vld [tilespmem:s17+$0x12600]  }
0x22c: {  	v2 =	vadd.f32 v56, v2  }
0x22d: {  	v58 =	vld [tilespmem:s4+$0x12E00]  }
0x22e: {  	v2 =	vadd.f32 v57, v2  }
0x22f: {  	v59 =	vld [tilespmem:s4+$0x12E80]  }
0x230: {  	v2 =	vadd.f32 v3, v2  }
0x231: {  	v3 =	vld [tilespmem:s4+$0x12F00]  }
0x232: {  	v2 =	vadd.f32 v58, v2  }
0x233: {  	v60 =	vld [tilespmem:s4+$0x12F80]  }
0x234: {  	v2 =	vadd.f32 v59, v2  }
0x235: {  	v61 =	vld [tilespmem:s4+$0x13000]  }
0x236: {  	v2 =	vadd.f32 v3, v2  }
0x237: {  	v3 =	vld [tilespmem:s4+$0x13080]  }
0x238: {  	v2 =	vadd.f32 v60, v2  }
0x239: {  	v62 =	vld [tilespmem:s4+$0x13100]  }
0x23a: {  	v2 =	vadd.f32 v61, v2  }
0x23b: {  	v63 =	vld [tilespmem:s4+$0x13180]  }
0x23c: {  	v2 =	vadd.f32 v3, v2;
	_ =	sdelay $0x1  }
0x23d: {  	s18 =	simm.s32 $0x80;
	s17 =	simm.s32 $0x10;
	v2 =	vadd.f32 v62, v2  }
0x23e: {  	s23 =	sand.u32 $0x400, s18;
	s20 =	sand.u32 $0x70, s17  }
0x23f: {  	s23 =	sor.u32 s20, s23;
	s20 =	simm.s32 $0x20;
	v2 =	vadd.f32 v63, v2  }
.LBB2_17:
0x240: {  	p0 =	sne.s32 s20, $0xF0;
	s26 =	sadd.s32 $0x12600, s23  }
0x241: {  	v3 =	vld [tilespmem:s26+$0x80];
	[tilespmem:s4+$0x12600] =	vst v2;
	s4 =	smov.u32 s23  }
0x242: {  	v2 =	vld [tilespmem:s4+$0x12600];
	_ =	sdelay $0x1  }
0x243: {  	v4 =	vld [tilespmem:s26+$0x100];
	_ =	sdelay $0x1  }
0x244: {  	v5 =	vld [tilespmem:s26+$0x180]  }
0x245: {  	v2 =	vadd.f32 v3, v2  }
0x246: {  	v3 =	vld [tilespmem:s26+$0x200]  }
0x247: {  	v2 =	vadd.f32 v4, v2  }
0x248: {  	v4 =	vld [tilespmem:s26+$0x280]  }
0x249: {  	v2 =	vadd.f32 v5, v2  }
0x24a: {  	s23 =	sor.u32 s18, s17;
	s17 =	smov.u32 s20;
	v5 =	vld [tilespmem:s26+$0x300]  }
0x24b: {  	s23 =	sor.u32 $0x380, s23;
	v2 =	vadd.f32 v3, v2  }
0x24c: {  	v3 =	vld [tilespmem:s23+$0x12600]  }
0x24d: {  	v2 =	vadd.f32 v4, v2  }
0x24e: {  	v4 =	vld [tilespmem:s4+$0x12E00]  }
0x24f: {  	v2 =	vadd.f32 v5, v2  }
0x250: {  	v5 =	vld [tilespmem:s4+$0x12E80]  }
0x251: {  	v2 =	vadd.f32 v3, v2  }
0x252: {  	v3 =	vld [tilespmem:s4+$0x12F00]  }
0x253: {  	v2 =	vadd.f32 v4, v2  }
0x254: {  	v4 =	vld [tilespmem:s4+$0x12F80]  }
0x255: {  	v2 =	vadd.f32 v5, v2  }
0x256: {  	v5 =	vld [tilespmem:s4+$0x13000]  }
0x257: {  	v2 =	vadd.f32 v3, v2  }
0x258: {  	v3 =	vld [tilespmem:s4+$0x13080]  }
0x259: {  	v2 =	vadd.f32 v4, v2  }
0x25a: {  	v4 =	vld [tilespmem:s4+$0x13100]  }
0x25b: {  	v2 =	vadd.f32 v5, v2  }
0x25c: {  	v5 =	vld [tilespmem:s4+$0x13180]  }
.Ltmp11:
0x25d: {  	v2 =	vadd.f32 v3, v2;
	(pc) =	sbr.rel @p0 .LBB2_17-.Ltmp11, $4  }
0x25e: {  	_ = 	snop  }
0x25f: {  	s18 =	sadd.s32 $0x80, s18;
	v2 =	vadd.f32 v4, v2  }
0x260: {  	s26 =	sand.u32 $0x400, s18;
	s23 =	sand.u32 $0x70, s20  }
0x261: {  	s20 =	sadd.s32 $0x10, s20;
	s23 =	sor.u32 s23, s26;
	v2 =	vadd.f32 v5, v2  }
0x262: {  	s20 =	sadd.s32 $0x12600, s23  }
0x263: {  	v3 =	vld [tilespmem:s20+$0x80];
	[tilespmem:s4+$0x12600] =	vst v2  }
0x264: {  	v2 =	vld [tilespmem:s23+$0x12600];
	_ =	sdelay $0x1  }
0x265: {  	v4 =	vld [tilespmem:s20+$0x100];
	_ =	sdelay $0x1  }
0x266: {  	v5 =	vld [tilespmem:s20+$0x180]  }
0x267: {  	v2 =	vadd.f32 v3, v2  }
0x268: {  	v3 =	vld [tilespmem:s20+$0x200]  }
0x269: {  	v2 =	vadd.f32 v4, v2  }
0x26a: {  	v56 =	vld [tilespmem:s20+$0x280]  }
0x26b: {  	v2 =	vadd.f32 v5, v2  }
0x26c: {  	s17 =	sor.u32 s18, s17;
	v57 =	vld [tilespmem:s20+$0x300]  }
0x26d: {  	s4 =	sor.u32 $0x380, s17;
	v2 =	vadd.f32 v3, v2  }
0x26e: {  	v3 =	vld [tilespmem:s4+$0x12600]  }
0x26f: {  	v2 =	vadd.f32 v56, v2  }
0x270: {  	v58 =	vld [tilespmem:s23+$0x12E00]  }
0x271: {  	v2 =	vadd.f32 v57, v2  }
0x272: {  	v59 =	vld [tilespmem:s23+$0x12E80]  }
0x273: {  	v2 =	vadd.f32 v3, v2  }
0x274: {  	v3 =	vld [tilespmem:s23+$0x12F00]  }
0x275: {  	v2 =	vadd.f32 v58, v2  }
0x276: {  	v60 =	vld [tilespmem:s23+$0x12F80]  }
0x277: {  	v2 =	vadd.f32 v59, v2  }
0x278: {  	v61 =	vld [tilespmem:s23+$0x13000]  }
0x279: {  	v2 =	vadd.f32 v3, v2  }
0x27a: {  	v3 =	vld [tilespmem:s23+$0x13080]  }
0x27b: {  	v2 =	vadd.f32 v60, v2  }
0x27c: {  	v62 =	vld [tilespmem:s23+$0x13100]  }
0x27d: {  	v2 =	vadd.f32 v61, v2  }
0x27e: {  	v63 =	vld [tilespmem:s23+$0x13180]  }
0x27f: {  	v2 =	vadd.f32 v3, v2;
	_ =	sdelay $0x1  }
0x280: {  	v2 =	vadd.f32 v62, v2;
	_ =	sdelay $0x1  }
0x281: {  	v2 =	vadd.f32 v63, v2;
	_ =	sdelay $0x1  }
0x282: {  	s18 =	rddreg [dreg:$0x12];
	s20 =	simm.s32 $0x12600;
	[tilespmem:s23+$0x12600] =	vst v2  }
0x283: {  	[hbm4b:s18+s3] =	stream.linear.scatter [tilespmem:s20], [sflag:$0x11], $0x80, $0x38;
	[tilespmem:$0x1C600] =	vst v63  }
0x284: {  	s4 =	sadd.s32 $0x80, s18;
	s23 =	simm.s32 $0x12A00  }
0x285: {  	[hbm4b:s4+s3] =	stream.linear.scatter [tilespmem:s23], [sflag:$0x11], $0x80, $0x38;
	[tilespmem:$0x1C600] =	vst v63  }
0x286: {  	_ =	swait.ge [sflag:s25], $0x100  }
0x287: {  	s16 =	sadd.s32 $0x1, s16;
	s26 =	rddreg [dreg:$0x13]  }
0x288: {  	p0 =	sne.s32 s16, s26  }
.Ltmp12:
0x289: {  	_ = 	snop;
	(pc) =	sbr.rel @p0 .LBB2_1-.Ltmp12, $3  }
0x28a: {  	_ =	sdelay $0x1  }
0x28b: {  	[sflag:s25] =	ssyncset.done $0x0  }
0x28c: {  	[sflag:s25] =	ssyncadd.s32 $0xFFFFFF00  }
0x28d: {  	_ =	sfence.sel $0x180000  }
0x28e: {  	[bflag:$0x0] =	sbarrier.arrive $0xFFFF  }
0x28f: {  	_ =	strace $0x90000047  }
0x290: {  	s0 =	stileid.u32;
	[bflag:$0x2] =	sbarrier.arrive $0xFFFF  }
0x291: {  	p0 =	sne.s32 s0, $0x0;
	s0 =	rddreg [dreg:$0x6]  }
0x292: {  	s0 =	sadd.s32 @!p0 $0x100000, s0  }
0x293: {  	[sflag:s0] =	ssyncadd.tile.s32 @!p0 $0x1;
	_ =	shalt  }
.Lfunc_end2:
_tile_overlayer_lowered:
.L_overlay_start_2:
0x294: {  	(tag) =	ssettag $0x2  }
0x295: {  	s0 =	rddreg [dreg:$0x0];
	s2 =	stileid.u32  }
0x296: {  	s1 =	rddreg [dreg:$0x1];
	p0 =	sne.s32 s2, $0x0  }
0x297: {  	s3 =	rddreg [dreg:$0x2];
	[bflag:$0x3] =	sbarrier.arrive $0xFFFF;
	s2 =	simm.s32 @!p0 $0x1C11  }
0x298: {  	[timem:s3], [sflag:s2] =	dma.local @!p0 [hbm:s0], s1  }
0x299: {  	s0 =	simm.s32 @!p0 $0x11  }
0x29a: {  	_ =	swait.ge @!p0 [sflag:s0], s1  }
0x29b: {  	s1 =	ssub.s32 @!p0 $0x0, s1;
	[sflag:s0] =	ssyncset.done @!p0 $0x0  }
0x29c: {  	[sflag:s0] =	ssyncadd.s32 @!p0 s1  }
0x29d: {  	[bflag:$0x3] =	sbarrier.arrive $0xFFFF  }
0x29e: {  	_ =	shalt  }

// kernel: kernel.7.cloned.1.call-start
scs
__scs_entry_jumppad:
0x0: {  	(pc) =	sbr.rel $0x88, $3  }
0x1: {  	(tag) =	ssettag $0x0;
	lr =	simm.s32 $0x1  }
0x2: {  	[smem:$0x3F9F] =	sst lr;
	_ =	strace $0xD0000000  }
0x3: {  	_ = 	snop  }
0x4: {  	_ = 	snop  }
0x5: {  	_ = 	snop  }
0x6: {  	_ = 	snop  }
0x7: {  	_ = 	snop  }
__scs_overlays_trampoline_lowered:
0x8: {  	[smem:$0x3FAE] =	sst s0  }
0x9: {  	[smem:$0x3FAF] =	sst s1  }
0xa: {  	[smem:$0x3FB0] =	sst s2  }
0xb: {  	[smem:$0x3FB1] =	sst s3  }
0xc: {  	[smem:$0x3FB2] =	sst s4  }
0xd: {  	[smem:$0x3FB3] =	sst s5  }
0xe: {  	[smem:$0x3FB4] =	sst s6  }
0xf: {  	[smem:$0x3FB5] =	sst s7  }
0x10: {  	[smem:$0x3FB6] =	sst s8  }
0x11: {  	[smem:$0x3FB7] =	sst s9;
	s0 =	simm.s32 @!p0 $0x0  }
0x12: {  	s1 =	sld [smem:$0x3F9D];
	s0 =	simm.s32 @p0 $0x1  }
0x13: {  	[smem:$0x3FB8] =	sst s0;
	s0 =	simm.s32 @!p1 $0x0  }
0x14: {  	s2 =	sld [smem:$0x3F9C];
	s0 =	simm.s32 @p1 $0x1  }
0x15: {  	[smem:$0x3FB9] =	sst s0;
	s0 =	simm.s32 @!p2 $0x0  }
0x16: {  	s3 =	sld [smem:$0x3FDB];
	s0 =	simm.s32 @p2 $0x1  }
0x17: {  	s4 =	simm.s32 $0x1BF5;
	[smem:$0x3FBB] =	sst s0  }
0x18: {  	s0 =	sld [smem:$0x3F9E];
	_ =	swait.ge [sflag:s4], $0x0  }
0x19: {  	s7 =	sld [smem:$0x3F9F]  }
0x1a: {  	s8 =	sadd.s32 $0xFFFFE003, lr  }
0x1b: {  	s9 =	sadd.s32 $0xFFFFFEF7, lr;
	s5 =	simm.s32 $0xFFFFFFFF;
	p2 =	slt.u32 s8, $0xFFFFF086  }
0x1c: {  	p1 =	slt.u32 s9, $0xF7A;
	s5 =	simm.s32 @!p2 $0x0  }
0x1d: {  	s5 =	simm.s32 @p1 $0x1;
	p0 =	seq.s32 s7, s2  }
0x1e: {  	s7 =	smul.u32 @!p0 $0xF7A, s2;
	p2 =	seq.s32 @!p0 s5, $0x0  }
0x1f: {  	s9 =	smul.u32 $0xF7A, s1;
	s8 =	simm.s32 @!p0 $0x1BF5;
	p2 =	por !p2, p0  }
0x20: {  	[sflag:s8] =	ssyncset.s32 @!p0 $0xFFFFF086;
	s6 =	sadd.s32 @!p0 s3, s7;
	s7 =	simm.s32 @!p0 $0x108  }
0x21: {  	s3 =	sadd.s32 s3, s9;
	s6 =	sadd.s32 @!p0 $0x88, s6;
	s7 =	simm.s32 @p2 $0x1082  }
0x22: {  	[simem:s7], [sflag:s8] =	dma.local @!p0 [hbm:s6], $0xF7A  }
0x23: {  	s9 =	sor.u32 $0xD0000000, s2;
	s6 =	simm.s32 $0x108;
	_ =	swait.ge @!p0 [sflag:s8], $0x0  }
0x24: {  	s3 =	sadd.s32 $0x88, s3;
	s6 =	simm.s32 @!p1 $0x1082;
	[sflag:s4] =	ssyncset.s32 $0xFFFFF086  }
0x25: {  	[simem:s6], [sflag:s4] =	dma.local [hbm:s3], $0xF7A  }
0x26: {  	[smem:$0x3F9F] =	sst s1;
	(tag) =	ssettag s2;
	_ =	strace s9  }
0x27: {  	s1 =	sld [smem:$0x3FAF]  }
0x28: {  	s2 =	sld [smem:$0x3FB0]  }
0x29: {  	s4 =	sld [smem:$0x3FB2]  }
0x2a: {  	p0 =	seq.s32 s5, $0x0;
	s5 =	sld [smem:$0x3FB3]  }
0x2b: {  	s6 =	sld [smem:$0x3FB4]  }
0x2c: {  	s7 =	sld [smem:$0x3FB5]  }
0x2d: {  	s3 =	simm.s32 $0x108;
	s8 =	sld [smem:$0x3FB6]  }
0x2e: {  	s3 =	simm.s32 @!p0 $0x1082;
	s9 =	sld [smem:$0x3FB7]  }
0x2f: {  	lr =	sadd.s32 s0, s3;
	s0 =	sld [smem:$0x3FAE]  }
0x30: {  	s3 =	sld [smem:$0x3FB1]  }
0x31: {  	[smem:$0x3FBA] =	sst s10  }
0x32: {  	s10 =	sld [smem:$0x3FB8];
	_ =	sdelay $0x3  }
0x33: {  	p0 =	seq.s32 s10, $0x1;
	s10 =	sld [smem:$0x3FBA];
	_ =	sdelay $0x3  }
0x34: {  	[smem:$0x3FBA] =	sst s10  }
0x35: {  	s10 =	sld [smem:$0x3FB9];
	_ =	sdelay $0x3  }
0x36: {  	p1 =	seq.s32 s10, $0x1;
	s10 =	sld [smem:$0x3FBA];
	_ =	sdelay $0x3  }
0x37: {  	[smem:$0x3FBA] =	sst s10  }
0x38: {  	s10 =	sld [smem:$0x3FBB]  }
0x39: {  	_ = 	snop;
	(pc) =	sbr.ind lr, $3  }
0x3a: {  	_ = 	snop  }
0x3b: {  	_ = 	snop  }
0x3c: {  	p2 =	seq.s32 s10, $0x1;
	s10 =	sld [smem:$0x3FBA]  }
0x3d: {  	_ =	shalt  }
0x3e: {  	_ =	shalt  }
0x3f: {  	_ =	shalt  }
0x40: {  	_ =	shalt  }
0x41: {  	_ =	shalt  }
0x42: {  	_ =	shalt  }
0x43: {  	_ =	shalt  }
0x44: {  	_ =	shalt  }
0x45: {  	_ =	shalt  }
0x46: {  	_ =	shalt  }
0x47: {  	_ =	shalt  }
0x48: {  	_ =	shalt  }
0x49: {  	_ =	shalt  }
0x4a: {  	_ =	shalt  }
0x4b: {  	_ =	shalt  }
0x4c: {  	_ =	shalt  }
0x4d: {  	_ =	shalt  }
0x4e: {  	_ =	shalt  }
0x4f: {  	_ =	shalt  }
0x50: {  	_ =	shalt  }
0x51: {  	_ =	shalt  }
0x52: {  	_ =	shalt  }
0x53: {  	_ =	shalt  }
0x54: {  	_ =	shalt  }
0x55: {  	_ =	shalt  }
0x56: {  	_ =	shalt  }
0x57: {  	_ =	shalt  }
0x58: {  	_ =	shalt  }
0x59: {  	_ =	shalt  }
0x5a: {  	_ =	shalt  }
0x5b: {  	_ =	shalt  }
0x5c: {  	_ =	shalt  }
0x5d: {  	_ =	shalt  }
0x5e: {  	_ =	shalt  }
0x5f: {  	_ =	shalt  }
0x60: {  	_ =	shalt  }
0x61: {  	_ =	shalt  }
0x62: {  	_ =	shalt  }
0x63: {  	_ =	shalt  }
0x64: {  	_ =	shalt  }
0x65: {  	_ =	shalt  }
0x66: {  	_ =	shalt  }
0x67: {  	_ =	shalt  }
0x68: {  	_ =	shalt  }
0x69: {  	_ =	shalt  }
0x6a: {  	_ =	shalt  }
0x6b: {  	_ =	shalt  }
0x6c: {  	_ =	shalt  }
0x6d: {  	_ =	shalt  }
0x6e: {  	_ =	shalt  }
0x6f: {  	_ =	shalt  }
0x70: {  	_ =	shalt  }
0x71: {  	_ =	shalt  }
0x72: {  	_ =	shalt  }
0x73: {  	_ =	shalt  }
0x74: {  	_ =	shalt  }
0x75: {  	_ =	shalt  }
0x76: {  	_ =	shalt  }
0x77: {  	_ =	shalt  }
0x78: {  	_ =	shalt  }
0x79: {  	_ =	shalt  }
0x7a: {  	_ =	shalt  }
0x7b: {  	_ =	shalt  }
0x7c: {  	_ =	shalt  }
0x7d: {  	_ =	shalt  }
0x7e: {  	_ =	shalt  }
0x7f: {  	_ =	shalt  }
0x80: {  	_ =	shalt  }
0x81: {  	_ =	shalt  }
0x82: {  	_ =	shalt  }
0x83: {  	_ =	shalt  }
0x84: {  	_ =	shalt  }
0x85: {  	_ =	shalt  }
0x86: {  	_ =	shalt  }
0x87: {  	_ =	shalt  }
.Lfunc_end0:
.L_simem_size_0:
called_computation.1_lowered:
.L_overlay_start_0:
0x88: {  	s2 =	sld [smem:$0x3FD9]  }
0x89: {  	s3 =	sld [smem:$0x3FFE];
	_ =	sdelay $0x1  }
0x8a: {  	s1 =	srdreg.scid  }
0x8b: {  	s0 =	sand.u32 $0x1, s1  }
0x8c: {  	s17 =	sshll.u32 s0, $0xA;
	s2 =	sadd.s32 s3, s2  }
0x8d: {  	s2 =	sadd.s32 s2, s17  }
0x8e: {  	[smem:$0x3FC6] =	sst s2  }
0x8f: {  	_ = 	snop  }
0x90: {  	s2 =	sld [smem:$0x3FD0];
	(tm) =	ssettm $0x1  }
0x91: {  	s18 =	sld [smem:$0x3FFB];
	_ =	sdelay $0x3  }
0x92: {  	_ =	strace s18  }
0x93: {  	s3 =	sld [smem:$0x3FFC];
	_ =	sdelay $0x3  }
0x94: {  	_ =	strace s3  }
0x95: {  	s3 =	sld [smem:$0x3FFD];
	_ =	sdelay $0x3  }
0x96: {  	_ =	strace s3  }
0x97: {  	_ =	strace $0x8FFFFFFF  }
0x98: {  	s19 =	sld [smem:$0x3FDB];
	_ =	sdelay $0x1  }
0x99: {  	s4 =	simm.s32 $_scs_section_size  }
0x9a: {  	s5 =	simm.s32 $_size__tile_overlayer_lowered;
	s6 =	simm.s32 $_tile_overlayer_lowered  }
0x9b: {  	s22 =	simm.s32 $0x1BFF;
	s21 =	sshll.u32 s6, $0x1;
	s3 =	sadd.s32 s4, s19  }
0x9c: {  	s7 =	simm.s32 $0x0;
	s20 =	sshll.u32 s5, $0x1;
	s5 =	sadd.s32 s21, s3  }
0x9d: {  	[timem:s7], [sflag:s22] =	dma.local [hbm:s5], s20  }
0x9e: {  	_ =	swait.ge [sflag:s22], s20  }
0x9f: {  	s4 =	ssub.s32 $0x0, s20;
	[sflag:s22] =	ssyncset.done $0x0  }
0xa0: {  	[sflag:s22] =	ssyncadd.s32 s4;
	_ =	sdelay $0x1  }
0xa1: {  	s23 =	simm.s32 $0x1B8B  }
0xa2: {  	_ =	swait.ge [sflag:s23], $0x1  }
0xa3: {  	[sflag:s23] =	ssyncset.done $0x0  }
0xa4: {  	s25 =	simm.s32 $0x1B8E;
	s24 =	sld [smem:$0x3FFE];
	[sflag:s23] =	ssyncadd.s32 $0xFFFFFFFF  }
0xa5: {  	s26 =	simm.s32 $execute0_lowered;
	[smem:$0x3FD2] =	sst s25  }
0xa6: {  	s5 =	sshll.u32 s26, $0x1;
	_ =	strace $0x80000049;
	[dreg:$0x1] =	wrdreg $0xFFFFFFFF  }
0xa7: {  	s28 =	simm.s32 $_size_execute0_lowered;
	s3 =	sadd.s32 s3, s5;
	[dreg:$0x0] =	wrdreg $0x0  }
0xa8: {  	s5 =	sshll.u32 s28, $0x1;
	[dreg:$0x2] =	wrdreg s3  }
0xa9: {  	[dreg:$0x3] =	wrdreg s5  }
0xaa: {  	[dreg:$0x4] =	wrdreg $0xC0  }
0xab: {  	_ =	task [dreg:s7], $0x5FFFF  }
0xac: {  	[dreg:$0x1] =	wrdreg $0xFFFFFFFF  }
0xad: {  	[dreg:$0x0] =	wrdreg $0x60  }
0xae: {  	[dreg:$0x2] =	wrdreg s24  }
0xaf: {  	[dreg:$0x3] =	wrdreg s2  }
0xb0: {  	[dreg:$0x4] =	wrdreg $0x9  }
0xb1: {  	_ =	task.clear_ibuf [dreg:s7], $0x5FFFF;
	_ =	strace $0x90000049  }
0xb2: {  	s29 =	simm.s32 $0x9;
	_ =	strace $0x8000004B  }
0xb3: {  	_ =	swait.ge [sflag:s29], $0x1  }
0xb4: {  	[sflag:s29] =	ssyncadd.s32 $0xFFFFFFFF  }
0xb5: {  	_ =	strace $0x9000004B  }
0xb6: {  	_ =	sfence  }
0xb7: {  	s30 =	sld [smem:$0x0];
	_ =	sdelay $0x2  }
0xb8: {  	s31 =	sshll.u32 s1, $0xD;
	s1 =	sshrl.u32 s1, $0x2  }
0xb9: {  	s3 =	sand.u32 $0x4000, s31;
	s1 =	sadd.s32 s1, s30  }
0xba: {  	s0 =	sor.u32 s3, s0;
	s1 =	sshll.u32 s1, $0x11  }
0xbb: {  	s0 =	sor.u32 s1, s0  }
0xbc: {  	s0 =	sadd.s32 $0x8F2B, s0  }
0xbd: {  	[sflag:s0] =	ssyncadd.remote.s32 $0x1  }
0xbe: {  	_ =	sfence.sel $0xFFFF  }
0xbf: {  	[dreg:$0x0] =	wrdreg $0xFFFFFFFF;
	(pc) =	sbr.abs _section_cstart, $3  }
0xc0: {  	[dreg:$0x1] =	wrdreg $0xFFFFFFFF  }
0xc1: {  	_ =	task.clear_ibuf [dreg:s7], $0x2FFFF;
	_ =	strace $0x9FFFFFFF  }
0xc2: {  	(tm) =	ssettm $0x7FFFFFFF  }
0xc3: {  	_ =	shalt  }
tec
execute0_lowered:
.L_overlay_start_1:
0x0: {  	(tag) =	ssettag $0x1  }
0x1: {  	v0 =	vlaneseq.u32  }
0x2: {  	v0 =	vmul.u32 $0x10, v0;
	_ =	sdelay $0x1  }
0x3: {  	v1 =	vor.u32 $0x1, v0  }
0x4: {  	v16 =	vor.u32 $0x100, v0;
	v17 =	vor.u32 $0x101, v0;
	v18 =	vor.u32 $0x102, v0  }
0x5: {  	v19 =	vor.u32 $0x103, v0;
	v20 =	vor.u32 $0x104, v0;
	v21 =	vor.u32 $0x105, v0  }
0x6: {  	v22 =	vor.u32 $0x106, v0;
	v23 =	vor.u32 $0x107, v0;
	v24 =	vor.u32 $0x108, v0  }
0x7: {  	v25 =	vor.u32 $0x109, v0;
	v26 =	vor.u32 $0x10A, v0;
	v27 =	vor.u32 $0x10B, v0  }
0x8: {  	v28 =	vor.u32 $0x10C, v0;
	v29 =	vor.u32 $0x10D, v0;
	v30 =	vor.u32 $0x10E, v0  }
0x9: {  	v31 =	vor.u32 $0x10F, v0;
	v32 =	vor.u32 $0x200, v0;
	[tilespmem:$0x1FF10] =	vst v1;
	v1 =	vor.u32 $0x2, v0  }
0xa: {  	v33 =	vor.u32 $0x201, v0;
	v34 =	vor.u32 $0x202, v0;
	[tilespmem:$0x1FF20] =	vst v1;
	v1 =	vor.u32 $0x3, v0  }
0xb: {  	v35 =	vor.u32 $0x203, v0;
	v36 =	vor.u32 $0x204, v0;
	[tilespmem:$0x1FF30] =	vst v1;
	v1 =	vor.u32 $0x4, v0  }
0xc: {  	v37 =	vor.u32 $0x205, v0;
	v38 =	vor.u32 $0x206, v0;
	[tilespmem:$0x1FF40] =	vst v1;
	v1 =	vor.u32 $0x5, v0  }
0xd: {  	s3 =	rddreg [dreg:$0x0];
	v39 =	vor.u32 $0x207, v0;
	v40 =	vor.u32 $0x208, v0;
	[tilespmem:$0x1FF50] =	vst v1;
	v1 =	vor.u32 $0x6, v0  }
0xe: {  	s7 =	rddreg [dreg:$0x1];
	v41 =	vor.u32 $0x209, v0;
	v42 =	vor.u32 $0x20A, v0;
	[tilespmem:$0x1FF60] =	vst v1;
	v1 =	vor.u32 $0x7, v0  }
0xf: {  	s0 =	rddreg [dreg:$0x2];
	v43 =	vor.u32 $0x20B, v0;
	v44 =	vor.u32 $0x20C, v0;
	[tilespmem:$0x1FF70] =	vst v1;
	v1 =	vor.u32 $0x8, v0  }
0x10: {  	s4 =	srdreg.scid;
	s2 =	simm.s32 $0x0;
	s1 =	stileid.u32;
	v45 =	vor.u32 $0x20D, v0;
	v46 =	vor.u32 $0x20E, v0;
	[tilespmem:$0x1FF80] =	vst v1;
	v1 =	vor.u32 $0x9, v0  }
0x11: {  	s11 =	simm.s32 $0x8000;
	s12 =	simm.s32 $0x8080;
	s4 =	sand.u32 $0x1, s4;
	v47 =	vor.u32 $0x20F, v0;
	v48 =	vor.u32 $0x300, v0;
	[tilespmem:$0x1FF90] =	vst v1;
	v1 =	vor.u32 $0xA, v0  }
0x12: {  	s13 =	simm.s32 $0x0;
	s6 =	sshll.u32 s1, $0x7;
	s5 =	sshll.u32 s4, $0xB;
	v49 =	vor.u32 $0x301, v0;
	v50 =	vor.u32 $0x302, v0;
	[tilespmem:$0x1FFA0] =	vst v1;
	v1 =	vor.u32 $0xB, v0  }
0x13: {  	[smem:$0x7FF] =	sst s2;
	s4 =	ssub.s32 $0x2, s4;
	s5 =	sor.u32 s6, s5;
	v51 =	vor.u32 $0x303, v0;
	v52 =	vor.u32 $0x304, v0;
	[tilespmem:$0x1FFB0] =	vst v1;
	v1 =	vor.u32 $0xC, v0  }
0x14: {  	s31 =	sshrl.u32 s4, $0x1;
	v53 =	vor.u32 $0x305, v0;
	v54 =	vor.u32 $0x306, v0;
	s8 =	sshll.u32 s5, $0x4;
	s5 =	sshrl.u32 s5, $0x2;
	[tilespmem:$0x1FFC0] =	vst v1;
	v1 =	vor.u32 $0xD, v0  }
0x15: {  	v55 =	vor.u32 $0x307, v0;
	v56 =	vor.u32 $0x308, v0;
	s10 =	ssub.s32 s4, s31;
	s30 =	sadd.s32 s8, s3;
	s9 =	sadd.s32 s5, s3;
	[tilespmem:$0x1FFD0] =	vst v1;
	v1 =	vor.u32 $0xE, v0  }
0x16: {  	v57 =	vor.u32 $0x309, v0;
	v58 =	vor.u32 $0x30A, v0;
	s7 =	sadd.s32 s7, s8;
	s8 =	smax.u32 s10, $0x1;
	s10 =	simm.s32 $0x4000;
	[tilespmem:$0x1FFE0] =	vst v1;
	v1 =	vor.u32 $0xF, v0  }
0x17: {  	v59 =	vor.u32 $0x30B, v0;
	v60 =	vor.u32 $0x30C, v0;
	s3 =	sadd.s32 $0x1000, s30;
	s4 =	sadd.s32 $0x11000, s30;
	s5 =	sadd.s32 $0x21000, s9;
	[tilespmem:$0x1FFF0] =	vst v1  }
0x18: {  	v61 =	vor.u32 $0x30D, v0;
	v62 =	vor.u32 $0x30E, v0;
	v63 =	vor.u32 $0x30F, v0;
	s6 =	sadd.s32 $0x21010, s9;
	s9 =	simm.s32 $0x1;
	_ =	strace $0x8000004A  }
.LBB2_1:
0x19: {  	[tilespmem:s2], [sflag:$0x1] =	stream.linear.gather [hbm4b:s3+s2], $0x4000, $0x38;
	[tilespmem:$0x8900] =	vst v63  }
0x1a: {  	_ =	swait.ge [sflag:s9], $0x4000  }
0x1b: {  	[sflag:s9] =	ssyncset.done $0x0  }
0x1c: {  	[sflag:s9] =	ssyncadd.s32 $0xFFFFC000  }
0x1d: {  	[tilespmem:s10], [sflag:$0x1] =	stream.linear.gather [hbm4b:s4+s2], $0x4000, $0x38;
	[tilespmem:$0x8900] =	vst v63  }
0x1e: {  	_ =	swait.ge [sflag:s9], $0x4000  }
0x1f: {  	[sflag:s9] =	ssyncset.done $0x0  }
0x20: {  	[sflag:s9] =	ssyncadd.s32 $0xFFFFC000  }
0x21: {  	[tilespmem:s11], [sflag:$0x1] =	stream.linear.gather [hbm4b:s5+s2], $0x80, $0x38;
	[tilespmem:$0x8900] =	vst v63  }
0x22: {  	_ =	swait.ge [sflag:s9], $0x80  }
0x23: {  	[sflag:s9] =	ssyncset.done $0x0  }
0x24: {  	[sflag:s9] =	ssyncadd.s32 $0xFFFFFF80  }
0x25: {  	[tilespmem:s12], [sflag:$0x1] =	stream.linear.gather [hbm4b:s6+s2], $0x80, $0x38;
	[tilespmem:$0x8900] =	vst v63  }
0x26: {  	_ =	swait.ge [sflag:s9], $0x80  }
0x27: {  	[sflag:s9] =	ssyncset.done $0x0  }
0x28: {  	[sflag:s9] =	ssyncadd.s32 $0xFFFFFF80  }
0x29: {  	v1 =	vld [tilespmem:$0x8000]  }
0x2a: {  	v2 =	vld [tilespmem:$0x8080];
	_ =	sdelay $0x4  }
0x2b: {  	v1 =	vadd.f32 v2, v1;
	_ =	sdelay $0x1  }
0x2c: {  	v1 =	vmax.f32 v1, $1.000000000e+00  }
0x2d: {  	(erf) = vrcp.f32 v1;
	_ =	sdelay $0x2  }
0x2e: {  	v2 =	vld [tilespmem:$0x1FF10];
	_ =	sdelay $0x5  }
0x2f: {  	s14 =	simm.s32 $0x8100;
	v1 =	vpop (erf)  }
0x30: {  	[tilespmem:v0+s14+$0x0] =	vst.idx.msk $0xffff, v1  }
0x31: {  	[tilespmem:v2+s14+$0x0] =	vst.idx.msk $0xffff, v1;
	v2 =	vld [tilespmem:$0x1FF20];
	_ =	sdelay $0x7  }
0x32: {  	[tilespmem:v2+s14+$0x0] =	vst.idx.msk $0xffff, v1;
	v2 =	vld [tilespmem:$0x1FF30];
	_ =	sdelay $0x7  }
0x33: {  	[tilespmem:v2+s14+$0x0] =	vst.idx.msk $0xffff, v1;
	v2 =	vld [tilespmem:$0x1FF40];
	_ =	sdelay $0x7  }
0x34: {  	[tilespmem:v2+s14+$0x0] =	vst.idx.msk $0xffff, v1;
	v2 =	vld [tilespmem:$0x1FF50];
	_ =	sdelay $0x7  }
0x35: {  	[tilespmem:v2+s14+$0x0] =	vst.idx.msk $0xffff, v1;
	v2 =	vld [tilespmem:$0x1FF60];
	_ =	sdelay $0x7  }
0x36: {  	[tilespmem:v2+s14+$0x0] =	vst.idx.msk $0xffff, v1;
	v2 =	vld [tilespmem:$0x1FF70];
	_ =	sdelay $0x7  }
0x37: {  	[tilespmem:v2+s14+$0x0] =	vst.idx.msk $0xffff, v1;
	v2 =	vld [tilespmem:$0x1FF80];
	_ =	sdelay $0x7  }
0x38: {  	[tilespmem:v2+s14+$0x0] =	vst.idx.msk $0xffff, v1;
	v2 =	vld [tilespmem:$0x1FF90];
	_ =	sdelay $0x7  }
0x39: {  	[tilespmem:v2+s14+$0x0] =	vst.idx.msk $0xffff, v1;
	v2 =	vld [tilespmem:$0x1FFA0];
	_ =	sdelay $0x7  }
0x3a: {  	[tilespmem:v2+s14+$0x0] =	vst.idx.msk $0xffff, v1;
	v2 =	vld [tilespmem:$0x1FFB0];
	_ =	sdelay $0x7  }
0x3b: {  	[tilespmem:v2+s14+$0x0] =	vst.idx.msk $0xffff, v1;
	v2 =	vld [tilespmem:$0x1FFC0];
	_ =	sdelay $0x7  }
0x3c: {  	[tilespmem:v2+s14+$0x0] =	vst.idx.msk $0xffff, v1;
	v2 =	vld [tilespmem:$0x1FFD0];
	_ =	sdelay $0x7  }
0x3d: {  	[tilespmem:v2+s14+$0x0] =	vst.idx.msk $0xffff, v1;
	v2 =	vld [tilespmem:$0x1FFE0];
	_ =	sdelay $0x7  }
0x3e: {  	[tilespmem:v2+s14+$0x0] =	vst.idx.msk $0xffff, v1;
	v2 =	vld [tilespmem:$0x1FFF0];
	_ =	sdelay $0x7  }
0x3f: {  	[tilespmem:v2+s14+$0x0] =	vst.idx.msk $0xffff, v1  }
0x40: {  	v1 =	vld [tilespmem:$0x8010]  }
0x41: {  	v2 =	vld [tilespmem:$0x8090];
	_ =	sdelay $0x4  }
0x42: {  	v1 =	vadd.f32 v2, v1;
	_ =	sdelay $0x1  }
0x43: {  	v1 =	vmax.f32 v1, $1.000000000e+00  }
0x44: {  	(erf) = vrcp.f32 v1;
	_ =	sdelay $0x8  }
0x45: {  	v1 =	vpop (erf)  }
0x46: {  	[tilespmem:v16+s14+$0x0] =	vst.idx.msk $0xffff, v1  }
0x47: {  	[tilespmem:v17+s14+$0x0] =	vst.idx.msk $0xffff, v1  }
0x48: {  	[tilespmem:v18+s14+$0x0] =	vst.idx.msk $0xffff, v1  }
0x49: {  	[tilespmem:v19+s14+$0x0] =	vst.idx.msk $0xffff, v1  }
0x4a: {  	[tilespmem:v20+s14+$0x0] =	vst.idx.msk $0xffff, v1  }
0x4b: {  	[tilespmem:v21+s14+$0x0] =	vst.idx.msk $0xffff, v1  }
0x4c: {  	[tilespmem:v22+s14+$0x0] =	vst.idx.msk $0xffff, v1  }
0x4d: {  	[tilespmem:v23+s14+$0x0] =	vst.idx.msk $0xffff, v1  }
0x4e: {  	[tilespmem:v24+s14+$0x0] =	vst.idx.msk $0xffff, v1  }
0x4f: {  	[tilespmem:v25+s14+$0x0] =	vst.idx.msk $0xffff, v1  }
0x50: {  	[tilespmem:v26+s14+$0x0] =	vst.idx.msk $0xffff, v1  }
0x51: {  	[tilespmem:v27+s14+$0x0] =	vst.idx.msk $0xffff, v1  }
0x52: {  	[tilespmem:v28+s14+$0x0] =	vst.idx.msk $0xffff, v1  }
0x53: {  	[tilespmem:v29+s14+$0x0] =	vst.idx.msk $0xffff, v1  }
0x54: {  	[tilespmem:v30+s14+$0x0] =	vst.idx.msk $0xffff, v1  }
0x55: {  	[tilespmem:v31+s14+$0x0] =	vst.idx.msk $0xffff, v1  }
0x56: {  	v1 =	vld [tilespmem:$0x8020]  }
0x57: {  	v2 =	vld [tilespmem:$0x80A0];
	_ =	sdelay $0x4  }
0x58: {  	v1 =	vadd.f32 v2, v1;
	_ =	sdelay $0x1  }
0x59: {  	v1 =	vmax.f32 v1, $1.000000000e+00  }
0x5a: {  	(erf) = vrcp.f32 v1;
	_ =	sdelay $0x8  }
0x5b: {  	v1 =	vpop (erf)  }
0x5c: {  	[tilespmem:v32+s14+$0x0] =	vst.idx.msk $0xffff, v1  }
0x5d: {  	[tilespmem:v33+s14+$0x0] =	vst.idx.msk $0xffff, v1  }
0x5e: {  	[tilespmem:v34+s14+$0x0] =	vst.idx.msk $0xffff, v1  }
0x5f: {  	[tilespmem:v35+s14+$0x0] =	vst.idx.msk $0xffff, v1  }
0x60: {  	[tilespmem:v36+s14+$0x0] =	vst.idx.msk $0xffff, v1  }
0x61: {  	[tilespmem:v37+s14+$0x0] =	vst.idx.msk $0xffff, v1  }
0x62: {  	[tilespmem:v38+s14+$0x0] =	vst.idx.msk $0xffff, v1  }
0x63: {  	[tilespmem:v39+s14+$0x0] =	vst.idx.msk $0xffff, v1  }
0x64: {  	[tilespmem:v40+s14+$0x0] =	vst.idx.msk $0xffff, v1  }
0x65: {  	[tilespmem:v41+s14+$0x0] =	vst.idx.msk $0xffff, v1  }
0x66: {  	[tilespmem:v42+s14+$0x0] =	vst.idx.msk $0xffff, v1  }
0x67: {  	[tilespmem:v43+s14+$0x0] =	vst.idx.msk $0xffff, v1  }
0x68: {  	[tilespmem:v44+s14+$0x0] =	vst.idx.msk $0xffff, v1  }
0x69: {  	[tilespmem:v45+s14+$0x0] =	vst.idx.msk $0xffff, v1  }
0x6a: {  	[tilespmem:v46+s14+$0x0] =	vst.idx.msk $0xffff, v1  }
0x6b: {  	[tilespmem:v47+s14+$0x0] =	vst.idx.msk $0xffff, v1  }
0x6c: {  	v1 =	vld [tilespmem:$0x8030]  }
0x6d: {  	v2 =	vld [tilespmem:$0x80B0];
	_ =	sdelay $0x4  }
0x6e: {  	v1 =	vadd.f32 v2, v1;
	_ =	sdelay $0x1  }
0x6f: {  	v1 =	vmax.f32 v1, $1.000000000e+00  }
0x70: {  	(erf) = vrcp.f32 v1;
	_ =	sdelay $0x8  }
0x71: {  	v1 =	vpop (erf)  }
0x72: {  	[tilespmem:v48+s14+$0x0] =	vst.idx.msk $0xffff, v1  }
0x73: {  	[tilespmem:v49+s14+$0x0] =	vst.idx.msk $0xffff, v1  }
0x74: {  	[tilespmem:v50+s14+$0x0] =	vst.idx.msk $0xffff, v1  }
0x75: {  	[tilespmem:v51+s14+$0x0] =	vst.idx.msk $0xffff, v1  }
0x76: {  	[tilespmem:v52+s14+$0x0] =	vst.idx.msk $0xffff, v1  }
0x77: {  	[tilespmem:v53+s14+$0x0] =	vst.idx.msk $0xffff, v1  }
0x78: {  	[tilespmem:v54+s14+$0x0] =	vst.idx.msk $0xffff, v1  }
0x79: {  	[tilespmem:v55+s14+$0x0] =	vst.idx.msk $0xffff, v1  }
0x7a: {  	[tilespmem:v56+s14+$0x0] =	vst.idx.msk $0xffff, v1  }
0x7b: {  	[tilespmem:v57+s14+$0x0] =	vst.idx.msk $0xffff, v1  }
0x7c: {  	[tilespmem:v58+s14+$0x0] =	vst.idx.msk $0xffff, v1  }
0x7d: {  	[tilespmem:v59+s14+$0x0] =	vst.idx.msk $0xffff, v1  }
0x7e: {  	[tilespmem:v60+s14+$0x0] =	vst.idx.msk $0xffff, v1  }
0x7f: {  	[tilespmem:v61+s14+$0x0] =	vst.idx.msk $0xffff, v1  }
0x80: {  	[tilespmem:v62+s14+$0x0] =	vst.idx.msk $0xffff, v1  }
0x81: {  	[tilespmem:v63+s14+$0x0] =	vst.idx.msk $0xffff, v1  }
0x82: {  	v1 =	vld [tilespmem:$0x8040]  }
0x83: {  	v2 =	vld [tilespmem:$0x80C0];
	_ =	sdelay $0x4  }
0x84: {  	v1 =	vadd.f32 v2, v1;
	_ =	sdelay $0x1  }
0x85: {  	v1 =	vmax.f32 v1, $1.000000000e+00  }
0x86: {  	(erf) = vrcp.f32 v1;
	_ =	sdelay $0x4  }
0x87: {  	v1 =	vor.u32 $0x400, v0  }
0x88: {  	v2 =	vor.u32 $0x401, v0  }
0x89: {  	v3 =	vor.u32 $0x402, v0  }
0x8a: {  	v4 =	vor.u32 $0x403, v0  }
0x8b: {  	v6 =	vor.u32 $0x404, v0;
	v5 =	vpop (erf)  }
0x8c: {  	[tilespmem:v1+s14+$0x0] =	vst.idx.msk $0xffff, v5;
	v1 =	vor.u32 $0x405, v0  }
0x8d: {  	[tilespmem:v2+s14+$0x0] =	vst.idx.msk $0xffff, v5;
	v2 =	vor.u32 $0x406, v0  }
0x8e: {  	[tilespmem:v3+s14+$0x0] =	vst.idx.msk $0xffff, v5;
	v3 =	vor.u32 $0x407, v0  }
0x8f: {  	[tilespmem:v4+s14+$0x0] =	vst.idx.msk $0xffff, v5;
	v4 =	vor.u32 $0x408, v0  }
0x90: {  	[tilespmem:v6+s14+$0x0] =	vst.idx.msk $0xffff, v5;
	v6 =	vor.u32 $0x409, v0  }
0x91: {  	[tilespmem:v1+s14+$0x0] =	vst.idx.msk $0xffff, v5;
	v1 =	vor.u32 $0x40A, v0  }
0x92: {  	[tilespmem:v2+s14+$0x0] =	vst.idx.msk $0xffff, v5;
	v2 =	vor.u32 $0x40B, v0  }
0x93: {  	[tilespmem:v3+s14+$0x0] =	vst.idx.msk $0xffff, v5;
	v3 =	vor.u32 $0x40C, v0  }
0x94: {  	[tilespmem:v4+s14+$0x0] =	vst.idx.msk $0xffff, v5;
	v4 =	vor.u32 $0x40D, v0  }
0x95: {  	[tilespmem:v6+s14+$0x0] =	vst.idx.msk $0xffff, v5;
	v6 =	vor.u32 $0x40E, v0  }
0x96: {  	[tilespmem:v1+s14+$0x0] =	vst.idx.msk $0xffff, v5;
	v1 =	vor.u32 $0x40F, v0  }
0x97: {  	[tilespmem:v2+s14+$0x0] =	vst.idx.msk $0xffff, v5  }
0x98: {  	[tilespmem:v3+s14+$0x0] =	vst.idx.msk $0xffff, v5  }
0x99: {  	[tilespmem:v4+s14+$0x0] =	vst.idx.msk $0xffff, v5  }
0x9a: {  	[tilespmem:v6+s14+$0x0] =	vst.idx.msk $0xffff, v5  }
0x9b: {  	[tilespmem:v1+s14+$0x0] =	vst.idx.msk $0xffff, v5  }
0x9c: {  	v1 =	vld [tilespmem:$0x8050]  }
0x9d: {  	v2 =	vld [tilespmem:$0x80D0];
	_ =	sdelay $0x4  }
0x9e: {  	v1 =	vadd.f32 v2, v1;
	_ =	sdelay $0x1  }
0x9f: {  	v1 =	vmax.f32 v1, $1.000000000e+00  }
0xa0: {  	(erf) = vrcp.f32 v1;
	_ =	sdelay $0x4  }
0xa1: {  	v1 =	vor.u32 $0x500, v0  }
0xa2: {  	v2 =	vor.u32 $0x501, v0  }
0xa3: {  	v3 =	vor.u32 $0x502, v0  }
0xa4: {  	v4 =	vor.u32 $0x503, v0  }
0xa5: {  	v6 =	vor.u32 $0x504, v0;
	v5 =	vpop (erf)  }
0xa6: {  	[tilespmem:v1+s14+$0x0] =	vst.idx.msk $0xffff, v5;
	v1 =	vor.u32 $0x505, v0  }
0xa7: {  	[tilespmem:v2+s14+$0x0] =	vst.idx.msk $0xffff, v5;
	v2 =	vor.u32 $0x506, v0  }
0xa8: {  	[tilespmem:v3+s14+$0x0] =	vst.idx.msk $0xffff, v5;
	v3 =	vor.u32 $0x507, v0  }
0xa9: {  	[tilespmem:v4+s14+$0x0] =	vst.idx.msk $0xffff, v5;
	v4 =	vor.u32 $0x508, v0  }
0xaa: {  	[tilespmem:v6+s14+$0x0] =	vst.idx.msk $0xffff, v5;
	v6 =	vor.u32 $0x509, v0  }
0xab: {  	[tilespmem:v1+s14+$0x0] =	vst.idx.msk $0xffff, v5;
	v1 =	vor.u32 $0x50A, v0  }
0xac: {  	[tilespmem:v2+s14+$0x0] =	vst.idx.msk $0xffff, v5;
	v2 =	vor.u32 $0x50B, v0  }
0xad: {  	[tilespmem:v3+s14+$0x0] =	vst.idx.msk $0xffff, v5;
	v3 =	vor.u32 $0x50C, v0  }
0xae: {  	[tilespmem:v4+s14+$0x0] =	vst.idx.msk $0xffff, v5;
	v4 =	vor.u32 $0x50D, v0  }
0xaf: {  	[tilespmem:v6+s14+$0x0] =	vst.idx.msk $0xffff, v5;
	v6 =	vor.u32 $0x50E, v0  }
0xb0: {  	[tilespmem:v1+s14+$0x0] =	vst.idx.msk $0xffff, v5;
	v1 =	vor.u32 $0x50F, v0  }
0xb1: {  	[tilespmem:v2+s14+$0x0] =	vst.idx.msk $0xffff, v5  }
0xb2: {  	[tilespmem:v3+s14+$0x0] =	vst.idx.msk $0xffff, v5  }
0xb3: {  	[tilespmem:v4+s14+$0x0] =	vst.idx.msk $0xffff, v5  }
0xb4: {  	[tilespmem:v6+s14+$0x0] =	vst.idx.msk $0xffff, v5  }
0xb5: {  	[tilespmem:v1+s14+$0x0] =	vst.idx.msk $0xffff, v5  }
0xb6: {  	v1 =	vld [tilespmem:$0x8060]  }
0xb7: {  	v2 =	vld [tilespmem:$0x80E0];
	_ =	sdelay $0x4  }
0xb8: {  	v1 =	vadd.f32 v2, v1;
	_ =	sdelay $0x1  }
0xb9: {  	v1 =	vmax.f32 v1, $1.000000000e+00  }
0xba: {  	(erf) = vrcp.f32 v1;
	_ =	sdelay $0x4  }
0xbb: {  	v1 =	vor.u32 $0x600, v0  }
0xbc: {  	v2 =	vor.u32 $0x601, v0  }
0xbd: {  	v3 =	vor.u32 $0x602, v0  }
0xbe: {  	v4 =	vor.u32 $0x603, v0  }
0xbf: {  	v6 =	vor.u32 $0x604, v0;
	v5 =	vpop (erf)  }
0xc0: {  	[tilespmem:v1+s14+$0x0] =	vst.idx.msk $0xffff, v5;
	v1 =	vor.u32 $0x605, v0  }
0xc1: {  	[tilespmem:v2+s14+$0x0] =	vst.idx.msk $0xffff, v5;
	v2 =	vor.u32 $0x606, v0  }
0xc2: {  	[tilespmem:v3+s14+$0x0] =	vst.idx.msk $0xffff, v5;
	v3 =	vor.u32 $0x607, v0  }
0xc3: {  	[tilespmem:v4+s14+$0x0] =	vst.idx.msk $0xffff, v5;
	v4 =	vor.u32 $0x608, v0  }
0xc4: {  	[tilespmem:v6+s14+$0x0] =	vst.idx.msk $0xffff, v5;
	v6 =	vor.u32 $0x609, v0  }
0xc5: {  	[tilespmem:v1+s14+$0x0] =	vst.idx.msk $0xffff, v5;
	v1 =	vor.u32 $0x60A, v0  }
0xc6: {  	[tilespmem:v2+s14+$0x0] =	vst.idx.msk $0xffff, v5;
	v2 =	vor.u32 $0x60B, v0  }
0xc7: {  	[tilespmem:v3+s14+$0x0] =	vst.idx.msk $0xffff, v5;
	v3 =	vor.u32 $0x60C, v0  }
0xc8: {  	[tilespmem:v4+s14+$0x0] =	vst.idx.msk $0xffff, v5;
	v4 =	vor.u32 $0x60D, v0  }
0xc9: {  	[tilespmem:v6+s14+$0x0] =	vst.idx.msk $0xffff, v5;
	v6 =	vor.u32 $0x60E, v0  }
0xca: {  	[tilespmem:v1+s14+$0x0] =	vst.idx.msk $0xffff, v5;
	v1 =	vor.u32 $0x60F, v0  }
0xcb: {  	[tilespmem:v2+s14+$0x0] =	vst.idx.msk $0xffff, v5  }
0xcc: {  	[tilespmem:v3+s14+$0x0] =	vst.idx.msk $0xffff, v5  }
0xcd: {  	[tilespmem:v4+s14+$0x0] =	vst.idx.msk $0xffff, v5  }
0xce: {  	[tilespmem:v6+s14+$0x0] =	vst.idx.msk $0xffff, v5  }
0xcf: {  	[tilespmem:v1+s14+$0x0] =	vst.idx.msk $0xffff, v5  }
0xd0: {  	v1 =	vld [tilespmem:$0x8070]  }
0xd1: {  	v2 =	vld [tilespmem:$0x80F0];
	_ =	sdelay $0x4  }
0xd2: {  	v1 =	vadd.f32 v2, v1;
	_ =	sdelay $0x1  }
0xd3: {  	v1 =	vmax.f32 v1, $1.000000000e+00  }
0xd4: {  	(erf) = vrcp.f32 v1;
	_ =	sdelay $0x4  }
0xd5: {  	v1 =	vor.u32 $0x700, v0  }
0xd6: {  	v2 =	vor.u32 $0x701, v0  }
0xd7: {  	v3 =	vor.u32 $0x702, v0  }
0xd8: {  	v4 =	vor.u32 $0x703, v0  }
0xd9: {  	v6 =	vor.u32 $0x704, v0;
	v5 =	vpop (erf)  }
0xda: {  	[tilespmem:v1+s14+$0x0] =	vst.idx.msk $0xffff, v5;
	v1 =	vor.u32 $0x705, v0  }
0xdb: {  	[tilespmem:v2+s14+$0x0] =	vst.idx.msk $0xffff, v5;
	v2 =	vor.u32 $0x706, v0  }
0xdc: {  	[tilespmem:v3+s14+$0x0] =	vst.idx.msk $0xffff, v5;
	v3 =	vor.u32 $0x707, v0  }
0xdd: {  	[tilespmem:v4+s14+$0x0] =	vst.idx.msk $0xffff, v5;
	v4 =	vor.u32 $0x708, v0  }
0xde: {  	[tilespmem:v6+s14+$0x0] =	vst.idx.msk $0xffff, v5;
	v6 =	vor.u32 $0x709, v0  }
0xdf: {  	[tilespmem:v1+s14+$0x0] =	vst.idx.msk $0xffff, v5;
	v1 =	vor.u32 $0x70A, v0  }
0xe0: {  	[tilespmem:v2+s14+$0x0] =	vst.idx.msk $0xffff, v5;
	v2 =	vor.u32 $0x70B, v0  }
0xe1: {  	[tilespmem:v3+s14+$0x0] =	vst.idx.msk $0xffff, v5;
	v3 =	vor.u32 $0x70C, v0  }
0xe2: {  	[tilespmem:v4+s14+$0x0] =	vst.idx.msk $0xffff, v5;
	v4 =	vor.u32 $0x70D, v0  }
0xe3: {  	[tilespmem:v6+s14+$0x0] =	vst.idx.msk $0xffff, v5;
	v6 =	vor.u32 $0x70E, v0  }
0xe4: {  	[tilespmem:v1+s14+$0x0] =	vst.idx.msk $0xffff, v5;
	v1 =	vor.u32 $0x70F, v0  }
0xe5: {  	[tilespmem:v2+s14+$0x0] =	vst.idx.msk $0xffff, v5  }
0xe6: {  	[tilespmem:v3+s14+$0x0] =	vst.idx.msk $0xffff, v5  }
0xe7: {  	[tilespmem:v4+s14+$0x0] =	vst.idx.msk $0xffff, v5  }
0xe8: {  	[tilespmem:v6+s14+$0x0] =	vst.idx.msk $0xffff, v5  }
0xe9: {  	s15 =	simm.s32 $0x0;
	[tilespmem:v1+s14+$0x0] =	vst.idx.msk $0xffff, v5  }
0xea: {  	v2 =	vld [tilespmem:s15+$0x4070]  }
0xeb: {  	v7 =	vld [tilespmem:s15+$0x4060]  }
0xec: {  	v6 =	vld [tilespmem:s15+$0x4030]  }
0xed: {  	v1 =	vld [tilespmem:s15+$0x4040]  }
0xee: {  	v4 =	vld [tilespmem:s15+$0x70]  }
0xef: {  	v8 =	vld [tilespmem:s15+$0x50]  }
0xf0: {  	v11 =	vld [tilespmem:s15+$0x4010]  }
0xf1: {  	v9 =	vld [tilespmem:s15+$0x4050]  }
0xf2: {  	v12 =	vld [tilespmem:s15+$0x30]  }
0xf3: {  	v13 =	vld [tilespmem:s15+$0x10]  }
0xf4: {  	v14 =	vld [tilespmem:s15+$0x60]  }
0xf5: {  	v3 =	vld [tilespmem:s15+$0x4020]  }
0xf6: {  	v5 =	vld [tilespmem:s15+$0x4000]  }
0xf7: {  	v4 =	vadd.f32 v2, v4;
	v2 =	vld [tilespmem:s14+$0x0]  }
0xf8: {  	v10 =	vadd.f32 v9, v8;
	v8 =	vadd.f32 v6, v12;
	v9 =	vld [tilespmem:s15+$0x0]  }
0xf9: {  	s16 =	simm.s32 $0x200;
	v6 =	vadd.f32 v11, v13;
	v7 =	vadd.f32 v7, v14;
	v11 =	vld [tilespmem:s15+$0x40]  }
.LBB2_2:
0xfa: {  	s18 =	smov.u32 s16  }
0xfb: {  	s17 =	sshra.s32 s16, $0x2;
	v12 =	vld [tilespmem:s15+$0x20];
	s14 =	sadd.s32 $0x10, s14;
	s18 =	sadd.s32 $0x200, s16  }
0xfc: {  	p0 =	sne.s32 s16, $0xFE00;
	v13 =	vld [tilespmem:s17+$0x4070]  }
0xfd: {  	v10 =	vmul.f32 v10, v2;
	v4 =	vmul.f32 v4, v2;
	v14 =	vld [tilespmem:s17+$0x4060]  }
0xfe: {  	v8 =	vmul.f32 v8, v2;
	v7 =	vmul.f32 v7, v2;
	v5 =	vadd.f32 v5, v9;
	v15 =	vld [tilespmem:s17+$0x4030]  }
0xff: {  	v6 =	vmul.f32 v6, v2;
	v9 =	vadd.f32 v1, v11;
	v1 =	vld [tilespmem:s17+$0x4040];
	[tilespmem:s15+$0x70] =	vst v4  }
0x100: {  	v5 =	vmul.f32 v5, v2;
	v3 =	vadd.f32 v3, v12;
	v4 =	vld [tilespmem:s17+$0x70];
	[tilespmem:s15+$0x50] =	vst v10  }
0x101: {  	v10 =	vld [tilespmem:s17+$0x50];
	[tilespmem:s15+$0x30] =	vst v8;
	v8 =	vmul.f32 v9, v2  }
0x102: {  	v2 =	vmul.f32 v3, v2;
	v11 =	vld [tilespmem:s17+$0x4010];
	[tilespmem:s15+$0x0] =	vst v5  }
0x103: {  	v9 =	vld [tilespmem:s17+$0x4050];
	[tilespmem:s15+$0x40] =	vst v8  }
0x104: {  	v8 =	vld [tilespmem:s17+$0x30];
	[tilespmem:s15+$0x10] =	vst v6  }
0x105: {  	v6 =	vld [tilespmem:s17+$0x10];
	v4 =	vadd.f32 v13, v4;
	[tilespmem:s15+$0x60] =	vst v7  }
0x106: {  	v7 =	vld [tilespmem:s17+$0x60];
	[tilespmem:s15+$0x20] =	vst v2;
	s15 =	smov.u32 s17  }
.Ltmp0:
0x107: {  	v3 =	vld [tilespmem:s15+$0x4020];
	(pc) =	sbr.rel @p0 .LBB2_2-.Ltmp0, $4  }
0x108: {  	v5 =	vld [tilespmem:s15+$0x4000]  }
0x109: {  	v10 =	vadd.f32 v9, v10;
	v2 =	vld [tilespmem:s14+$0x0]  }
0x10a: {  	v8 =	vadd.f32 v15, v8;
	v9 =	vld [tilespmem:s15+$0x0]  }
0x10b: {  	s16 =	smov.u32 s18;
	v6 =	vadd.f32 v11, v6;
	v11 =	vld [tilespmem:s15+$0x40];
	v7 =	vadd.f32 v14, v7  }
0x10c: {  	_ =	sdelay $0x1  }
0x10d: {  	v12 =	vld [tilespmem:s15+$0x20];
	v4 =	vmul.f32 v4, v2  }
0x10e: {  	v10 =	vmul.f32 v10, v2  }
0x10f: {  	v8 =	vmul.f32 v8, v2;
	[tilespmem:s15+$0x70] =	vst v4  }
0x110: {  	v13 =	vmul.f32 v6, v2;
	v1 =	vadd.f32 v1, v11;
	[tilespmem:s15+$0x50] =	vst v10  }
0x111: {  	v14 =	vmul.f32 v7, v2;
	v5 =	vadd.f32 v5, v9;
	[tilespmem:s15+$0x30] =	vst v8  }
0x112: {  	[tilespmem:s15+$0x10] =	vst v13;
	v3 =	vadd.f32 v3, v12;
	v1 =	vmul.f32 v1, v2  }
0x113: {  	[tilespmem:s15+$0x60] =	vst v14;
	v11 =	vmul.f32 v5, v2  }
0x114: {  	s13 =	sadd.s32 $0x1, s13;
	[tilespmem:s15+$0x40] =	vst v1;
	v1 =	vmul.f32 v3, v2  }
0x115: {  	p0 =	sne.s32 s13, s8;
	[tilespmem:s15+$0x0] =	vst v11  }
.Ltmp1:
0x116: {  	[tilespmem:s15+$0x20] =	vst v1;
	(pc) =	sbr.rel @p0 .LBB2_1-.Ltmp1, $4  }
0x117: {  	[hbm4b:s7+s2] =	stream.linear.scatter [tilespmem:s2], [sflag:$0x1], $0x4000, $0x38;
	[tilespmem:$0x8900] =	vst v63  }
0x118: {  	_ =	swait.ge [sflag:s9], $0x4000  }
0x119: {  	[sflag:s9] =	ssyncset.done $0x0  }
0x11a: {  	[sflag:s9] =	ssyncadd.s32 $0xFFFFC000  }
0x11b: {  	_ =	sfence.sel $0x180000  }
0x11c: {  	[bflag:$0x0] =	sbarrier.arrive $0xFFFF  }
0x11d: {  	p0 =	sne.s32 s1, $0x0;
	_ =	strace $0x9000004A  }
0x11e: {  	s0 =	sadd.s32 @!p0 $0x100000, s0;
	[bflag:$0x2] =	sbarrier.arrive $0xFFFF  }
0x11f: {  	[sflag:s0] =	ssyncadd.tile.s32 @!p0 $0x1;
	_ =	shalt  }
.Lfunc_end2:
_tile_overlayer_lowered:
.L_overlay_start_2:
0x120: {  	(tag) =	ssettag $0x2  }
0x121: {  	s0 =	rddreg [dreg:$0x0];
	s2 =	stileid.u32  }
0x122: {  	s1 =	rddreg [dreg:$0x1];
	p0 =	sne.s32 s2, $0x0  }
0x123: {  	s3 =	rddreg [dreg:$0x2];
	[bflag:$0x3] =	sbarrier.arrive $0xFFFF;
	s2 =	simm.s32 @!p0 $0x1C01  }
0x124: {  	[timem:s3], [sflag:s2] =	dma.local @!p0 [hbm:s0], s1  }
0x125: {  	s0 =	simm.s32 @!p0 $0x1  }
0x126: {  	_ =	swait.ge @!p0 [sflag:s0], s1  }
0x127: {  	s1 =	ssub.s32 @!p0 $0x0, s1;
	[sflag:s0] =	ssyncset.done @!p0 $0x0  }
0x128: {  	[sflag:s0] =	ssyncadd.s32 @!p0 s1  }
0x129: {  	[bflag:$0x3] =	sbarrier.arrive $0xFFFF  }
0x12a: {  	_ =	shalt  }

</sc_bundles>
